<compile_context>
chip_gen: v7x
topology: tpu7x:2x2x1
jax: 0.10.2.dev20260603
libtpu: 0.0.44.dev20260713+nightly
codegen_flags: <defaults>
</compile_context>

<pallas_src>
import functools

import jax
import jax.numpy as jnp
import numpy as np
from jax import lax
from jax.experimental import pallas as pl
from jax.experimental.pallas import tpu as pltpu
from jax.experimental.pallas import tpu_sc as plsc

_FIELD_DIMS = [100000] * 26
_F = len(_FIELD_DIMS)
_E = 16
_B = 16384
_N = _B * _F
_NUM_EMB = sum(_FIELD_DIMS)
_OFFSETS_NP = np.concatenate(([0], np.cumsum(_FIELD_DIMS[:-1]))).astype(np.int32)

_NC, _NS, _L = 2, 16, 16
_NW = _NC * _NS

_PER_W = _N // _NW
_CHUNK = 3328
_NCHUNK = _PER_W // _CHUNK
_OFFS_TILED_NP = np.tile(_OFFSETS_NP, _CHUNK // _F)

_SLAB_COLS = 1024
_TILES_FULL = _NUM_EMB // 128
_NSLAB_FULL = _TILES_FULL // 8
_SLABS_PER_W = (_NSLAB_FULL + _NW - 1) // _NW
_TAIL_COLS = _NUM_EMB - _TILES_FULL * 128
_STAGE = _SLAB_COLS * _E


def _make_sc_transpose():
    mesh = plsc.VectorSubcoreMesh(core_axis_name="c", subcore_axis_name="s")

    @functools.partial(
        pl.kernel,
        mesh=mesh,
        out_type=jax.ShapeDtypeStruct((_NUM_EMB * _E,), jnp.float32),
        compiler_params=pltpu.CompilerParams(
            use_tc_tiling_on_sc=True, needs_layout_passes=False),
        scratch_types=[
            pltpu.VMEM((8, _SLAB_COLS), jnp.float32),
            pltpu.VMEM((8, _SLAB_COLS), jnp.float32),
            pltpu.VMEM((8, _SLAB_COLS), jnp.float32),
            pltpu.VMEM((8, _SLAB_COLS), jnp.float32),
            pltpu.VMEM((_STAGE,), jnp.float32),
            pltpu.VMEM((_STAGE,), jnp.float32),
            pltpu.SemaphoreType.DMA,
            pltpu.SemaphoreType.DMA,
            pltpu.SemaphoreType.DMA,
            pltpu.SemaphoreType.DMA,
        ],
    )
    def tr_kernel(t4_hbm, tail_hbm, out_hbm, a0, b0, a1, b1, st0, st1,
                  gs0, gs1, ss0, ss1):
        wid = lax.axis_index("s") * _NC + lax.axis_index("c")
        iota16 = lax.iota(jnp.int32, 16)
        lane16 = iota16 * _E
        bufs = [(a0, b0), (a1, b1)]
        stages = [st0, st1]
        gsems = [gs0, gs1]
        ssems = [ss0, ss1]

        def slab_id(k):
            return k * _NW + wid

        def issue_in(k, par):
            s = slab_id(k)

            @pl.when(s < _NSLAB_FULL)
            def _():
                c0 = s * _SLAB_COLS
                pltpu.async_copy(
                    t4_hbm.at[0, :, pl.ds(c0, _SLAB_COLS)], bufs[par][0],
                    gsems[par])
                pltpu.async_copy(
                    t4_hbm.at[1, :, pl.ds(c0, _SLAB_COLS)], bufs[par][1],
                    gsems[par])

        def wait_in(k, par):
            s = slab_id(k)

            @pl.when(s < _NSLAB_FULL)
            def _():
                c0 = s * _SLAB_COLS
                pltpu.make_async_copy(
                    t4_hbm.at[0, :, pl.ds(c0, _SLAB_COLS)], bufs[par][0],
                    gsems[par]).wait()
                pltpu.make_async_copy(
                    t4_hbm.at[1, :, pl.ds(c0, _SLAB_COLS)], bufs[par][1],
                    gsems[par]).wait()

        def wait_out(k, par):
            s = slab_id(k)

            @pl.when(s < _NSLAB_FULL)
            def _():
                pltpu.make_async_copy(
                    stages[par],
                    out_hbm.at[pl.ds(s * _STAGE, _STAGE)],
                    ssems[par]).wait()

        def process(k, par):
            s = slab_id(k)

            @pl.when(s < _NSLAB_FULL)
            def _():
                ba, bb = bufs[par]
                stage = stages[par]

                def pair_body(p, carry):
                    base = p * 128
                    sbase = p * 2048
                    for c in range(8):
                        src = base + c * 16
                        dst = sbase + c * 256 + lane16
                        for e in range(8):
                            plsc.store_scatter(
                                stage, [dst + e],
                                ba[e, pl.ds(src, 16)])
                            plsc.store_scatter(
                                stage, [dst + (e + 8)],
                                bb[e, pl.ds(src, 16)])
                    return carry

                lax.fori_loop(0, _SLAB_COLS // 128, pair_body, 0)
                pltpu.async_copy(
                    stage, out_hbm.at[pl.ds(s * _STAGE, _STAGE)], ssems[par])

        issue_in(0, 0)

        def step(k, par):
            wait_in(k, par)

            @pl.when(k >= 2)
            def _():
                wait_out(k - 2, par)

            process(k, par)

        def pipe_body(i, carry):
            k0 = i * 2
            issue_in(k0 + 1, 1)
            step(k0, 0)
            issue_in(k0 + 2, 0)
            step(k0 + 1, 1)
            return carry

        lax.fori_loop(0, _SLABS_PER_W // 2, pipe_body, 0)
        wait_out(_SLABS_PER_W - 2, 0)
        wait_out(_SLABS_PER_W - 1, 1)

        @pl.when(wid == 0)
        def _():
            n_tail = _TAIL_COLS * _E
            pltpu.sync_copy(tail_hbm, st1.at[pl.ds(0, n_tail)])
            pltpu.sync_copy(
                st1.at[pl.ds(0, n_tail)],
                out_hbm.at[pl.ds(_TILES_FULL * 128 * _E, n_tail)])

    return tr_kernel


def _make_outfmt():
    mesh = plsc.VectorSubcoreMesh(core_axis_name="c", subcore_axis_name="s")
    blocks_per_w = (_B // 128) // _NW

    @functools.partial(
        pl.kernel,
        mesh=mesh,
        out_type=jax.ShapeDtypeStruct((_F, _E, _B), jnp.float32),
        compiler_params=pltpu.CompilerParams(
            use_tc_tiling_on_sc=True, needs_layout_passes=False),
        scratch_types=[
            pltpu.VMEM((_CHUNK * _E,), jnp.float32),
            pltpu.VMEM((_CHUNK * _E,), jnp.float32),
            pltpu.VMEM((_E, 128), jnp.float32),
            pltpu.VMEM((_E, 128), jnp.float32),
            pltpu.SemaphoreType.DMA,
            pltpu.SemaphoreType.DMA,
            pltpu.SemaphoreType.DMA,
            pltpu.SemaphoreType.DMA,
        ],
    )
    def outfmt_kernel(rows_hbm, out_hbm, sl0, sl1, st0, st1,
                      gs0, gs1, ss0, ss1):
        wid = lax.axis_index("s") * _NC + lax.axis_index("c")
        iota16 = lax.iota(jnp.int32, 16)
        slabs = [sl0, sl1]
        stages = [st0, st1]
        gsems = [gs0, gs1]
        ssems = [ss0, ss1]

        def blk_base(k):
            return (wid * blocks_per_w + k) * 128

        def issue_slab(k, par):
            if k >= blocks_per_w:
                return
            b0 = blk_base(k)
            pltpu.async_copy(
                rows_hbm.at[pl.ds(b0 * _F * _E, _CHUNK * _E)],
                slabs[par], gsems[par])

        def wait_slab(k, par):
            b0 = blk_base(k)
            pltpu.make_async_copy(
                rows_hbm.at[pl.ds(b0 * _F * _E, _CHUNK * _E)],
                slabs[par], gsems[par]).wait()

        issue_slab(0, 0)
        for k in range(blocks_per_w):
            par = k % 2
            issue_slab(k + 1, 1 - par)
            wait_slab(k, par)
            slab = slabs[par]
            b0 = blk_base(k)

            def f_body(fi, carry, _slab=slab, _b0=b0):
                for sp in range(2):
                    f = fi * 2 + sp
                    stage = stages[sp]

                    @pl.when(fi >= 1)
                    def _(stage=stage, f=f):
                        pltpu.make_async_copy(
                            stage, out_hbm.at[f - 2, :, pl.ds(_b0, 128)],
                            ssems[sp]).wait()

                    def row_body(blk, carry2, stage=stage, f=f):
                        for j in range(8):
                            bl = blk * 8 + j
                            v = _slab[pl.ds((bl * _F + f) * _E, _E)]
                            bl_vec = jnp.full((16,), bl, jnp.int32)
                            plsc.store_scatter(stage, [iota16, bl_vec], v)
                        return carry2

                    lax.fori_loop(0, 128 // 8, row_body, 0)
                    pltpu.async_copy(
                        stage, out_hbm.at[f, :, pl.ds(_b0, 128)], ssems[sp])
                return carry

            lax.fori_loop(0, _F // 2, f_body, 0)
            for sp in range(2):
                pltpu.make_async_copy(
                    stages[sp], out_hbm.at[_F - 2 + sp, :, pl.ds(b0, 128)],
                    ssems[sp]).wait()

    return outfmt_kernel


def _make_gather():
    mesh = plsc.VectorSubcoreMesh(core_axis_name="c", subcore_axis_name="s")

    @functools.partial(
        pl.kernel,
        mesh=mesh,
        out_type=jax.ShapeDtypeStruct((_N, _E), jnp.float32),
        compiler_params=pltpu.CompilerParams(use_tc_tiling_on_sc=False),
        scratch_types=[
            pltpu.VMEM((_CHUNK,), jnp.int32),
            pltpu.VMEM((_CHUNK,), jnp.int32),
            pltpu.VMEM((_CHUNK,), jnp.int32),
            pltpu.VMEM((_CHUNK, _E), jnp.float32),
            pltpu.VMEM((_CHUNK, _E), jnp.float32),
            pltpu.SemaphoreType.DMA,
            pltpu.SemaphoreType.DMA,
            pltpu.SemaphoreType.DMA,
            pltpu.SemaphoreType.DMA,
        ],
    )
    def gather_kernel(x_hbm, offs_hbm, table_hbm, out_hbm,
                      off_v, idx_a, idx_b, rows_a, rows_b,
                      gsem_a, gsem_b, ssem_a, ssem_b):
        wid = lax.axis_index("s") * _NC + lax.axis_index("c")
        base = wid * _PER_W
        pltpu.sync_copy(offs_hbm, off_v)
        idx = [idx_a, idx_b]
        rows = [rows_a, rows_b]
        gsem = [gsem_a, gsem_b]
        ssem = [ssem_a, ssem_b]
        gh = [None, None]
        sh = [None, None]
        for c in range(_NCHUNK):
            b = c % 2
            if c >= 2:
                sh[b].wait()
            start = base + c * _CHUNK
            pltpu.sync_copy(x_hbm.at[pl.ds(start, _CHUNK)], idx[b])

            def add_body(j, carry, _ib=idx[b]):
                sl = pl.ds(j * _L, _L)
                _ib[sl] = _ib[sl] + off_v[sl]
                return carry

            lax.fori_loop(0, _CHUNK // _L, add_body, 0)
            gh[b] = pltpu.async_copy(table_hbm.at[idx[b]], rows[b], gsem[b])
            if c >= 1:
                pb = 1 - b
                gh[pb].wait()
                sh[pb] = pltpu.async_copy(
                    rows[pb],
                    out_hbm.at[pl.ds(base + (c - 1) * _CHUNK, _CHUNK)],
                    ssem[pb],
                )
        last = (_NCHUNK - 1) % 2
        gh[last].wait()
        sh[last] = pltpu.async_copy(
            rows[last],
            out_hbm.at[pl.ds(base + (_NCHUNK - 1) * _CHUNK, _CHUNK)],
            ssem[last],
        )
        sh[0].wait()
        sh[1].wait()

    return gather_kernel


_SC_TRANSPOSE = _make_sc_transpose()
_GATHER = _make_gather()
_OUTFMT = _make_outfmt()


def kernel(x, table):
    x_flat = x.reshape(_N)
    offs = jnp.asarray(_OFFS_TILED_NP)
    t4 = table.T.reshape(2, 8, _NUM_EMB)
    tail_flat = table[_TILES_FULL * 128:, :].reshape(_TAIL_COLS * _E)
    table_lin = _SC_TRANSPOSE(t4, tail_flat).reshape(_NUM_EMB, _E)
    rows = _GATHER(x_flat, offs, table_lin)
    out3 = _OUTFMT(rows.reshape(_N * _E))
    return out3.transpose(2, 0, 1)

# --- scband reference (transcript-rebuilt; emitter-appended) ---
"""Pipeline reference for scband-fe-84765474554576 (READ-ONLY COPY).

The authoritative reference and input builder live on the scoring server;
editing this copy changes nothing except your own understanding.
"""

import jax, jax.numpy as jnp
import numpy as np

FIELD_DIMS = [100000] * 26
EMBED_DIM = 16
BATCH = 16384
NUM_EMB = sum(FIELD_DIMS)
OFFSETS = jnp.asarray(np.concatenate(([0], np.cumsum(FIELD_DIMS[:-1]))).astype(np.int32))


def setup_inputs(seed: int = 0) -> dict:
    key = jax.random.key(seed)
    k1, k2 = jax.random.split(key)
    x = jax.random.randint(k1, (BATCH, len(FIELD_DIMS)), 0, FIELD_DIMS[0], dtype=jnp.int32)
    # xavier_uniform init for embedding table of shape [NUM_EMB, EMBED_DIM]
    bound = float(np.sqrt(6.0 / (NUM_EMB + EMBED_DIM)))
    table = jax.random.uniform(k2, (NUM_EMB, EMBED_DIM), minval=-bound, maxval=bound, dtype=jnp.float32)
    return {"x": x, "table": table}


def reference(x, table):
    # x: int[B, F] raw per-field indices; add per-field offsets then gather rows
    idx = x + OFFSETS[None, :]
    out = jnp.take(table, idx, axis=0)  # [B, F, EMBED_DIM]
    return out

if __name__ == "__main__":
    import jax
    _d = setup_inputs()
    print(jax.jit(kernel)(*tuple(_d.values())))

</pallas_src>

<mosaic_0001>
#map = affine_map<(d0, d1) -> (0, 0, 0)>
#map1 = affine_map<(d0, d1) -> (0)>
module attributes {stable_mosaic.version = 14 : i64} {
  func.func @tr_kernel(%arg0: i32, %arg1: i32, %arg2: memref<2x8x2600000xf32, #tpu.memory_space<hbm>>, %arg3: memref<1024xf32, #tpu.memory_space<hbm>>, %arg4: memref<41600000xf32, #tpu.memory_space<hbm>>, %arg5: memref<8x1024xf32, #tpu.memory_space<vmem>>, %arg6: memref<8x1024xf32, #tpu.memory_space<vmem>>, %arg7: memref<8x1024xf32, #tpu.memory_space<vmem>>, %arg8: memref<8x1024xf32, #tpu.memory_space<vmem>>, %arg9: memref<16384xf32, #tpu.memory_space<vmem>>, %arg10: memref<16384xf32, #tpu.memory_space<vmem>>, %arg11: memref<!tpu.dma_semaphore, #tpu.memory_space<semaphore_mem>>, %arg12: memref<!tpu.dma_semaphore, #tpu.memory_space<semaphore_mem>>, %arg13: memref<!tpu.dma_semaphore, #tpu.memory_space<semaphore_mem>>, %arg14: memref<!tpu.dma_semaphore, #tpu.memory_space<semaphore_mem>>) attributes {dimension_semantics = [#tpu.dimension_semantics<core_parallel>, #tpu.dimension_semantics<subcore_parallel>], iteration_bounds = array<i64: 2, 16>, scalar_prefetch = 0 : i64, scratch_operands = 10 : i64, tpu.core_type = #tpu.core_type<sc_vector_subcore>, window_params = [{transform_indices = #map}, {transform_indices = #map1}, {transform_indices = #map1}]} {
    %mul3A = arith.constant 2 : i32
    %mul3A_0 = arith.muli %arg1, %mul3A : i32
    %add3A = arith.addi %mul3A_0, %arg0 : i32
    %iota3A = tpu.iota {dimensions = array<i32: 0>} : vector<16xi32>
    %mul3A_1 = arith.constant 16 : i32
    %mul3A_2 = vector.broadcast %mul3A_1 : i32 to vector<16xi32>
    %mul3A_3 = arith.muli %iota3A, %mul3A_2 : vector<16xi32>
    %add3A_4 = arith.constant 0 : i32
    %add3A_5 = arith.addi %add3A_4, %add3A : i32
    %lt3A = arith.constant 2539 : i32
    %lt3A_6 = arith.cmpi slt, %add3A_5, %lt3A : i32
    %convert_element_type3A = arith.extui %lt3A_6 : i1 to i32
    %cond3A = arith.constant 0 : i32
    %cond3A_7 = arith.cmpi ne, %convert_element_type3A, %cond3A : i32
    scf.if %cond3A_7 {
      %mul3A_31 = arith.constant 1024 : i32
      %mul3A_32 = arith.muli %add3A_5, %mul3A_31 : i32
      %dma_start3A = arith.constant 0 : i32
      %dma_start3A_33 = arith.constant 0 : i32
      %dma_start3A_34 = tpu.memref_slice %arg2[%dma_start3A, %dma_start3A_33, %mul3A_32] : memref<2x8x2600000xf32, #tpu.memory_space<hbm>> -> memref<1x8x1024xf32, #tpu.memory_space<hbm>>
      %dma_start3A_35 = tpu.memref_squeeze %dma_start3A_34 : memref<1x8x1024xf32, #tpu.memory_space<hbm>> -> memref<8x1024xf32, #tpu.memory_space<hbm>>
      %dma_start3A_36 = arith.constant 0 : i32
      %dma_start3A_37 = tpu.memref_slice %arg2[%dma_start3A, %dma_start3A_36, %mul3A_32] : memref<2x8x2600000xf32, #tpu.memory_space<hbm>> -> memref<1x8x1024xf32, #tpu.memory_space<hbm>>
      %dma_start3A_38 = tpu.memref_squeeze %dma_start3A_37 : memref<1x8x1024xf32, #tpu.memory_space<hbm>> -> memref<8x1024xf32, #tpu.memory_space<hbm>>
      tpu.enqueue_dma source(%dma_start3A_38 : memref<8x1024xf32, #tpu.memory_space<hbm>>) target(%arg5 : memref<8x1024xf32, #tpu.memory_space<vmem>>) target_semaphore(%arg11 : memref<!tpu.dma_semaphore, #tpu.memory_space<semaphore_mem>>)
      %dma_start3A_39 = arith.constant 1 : i32
      %dma_start3A_40 = arith.constant 0 : i32
      %dma_start3A_41 = tpu.memref_slice %arg2[%dma_start3A_39, %dma_start3A_40, %mul3A_32] : memref<2x8x2600000xf32, #tpu.memory_space<hbm>> -> memref<1x8x1024xf32, #tpu.memory_space<hbm>>
      %dma_start3A_42 = tpu.memref_squeeze %dma_start3A_41 : memref<1x8x1024xf32, #tpu.memory_space<hbm>> -> memref<8x1024xf32, #tpu.memory_space<hbm>>
      %dma_start3A_43 = arith.constant 0 : i32
      %dma_start3A_44 = tpu.memref_slice %arg2[%dma_start3A_39, %dma_start3A_43, %mul3A_32] : memref<2x8x2600000xf32, #tpu.memory_space<hbm>> -> memref<1x8x1024xf32, #tpu.memory_space<hbm>>
      %dma_start3A_45 = tpu.memref_squeeze %dma_start3A_44 : memref<1x8x1024xf32, #tpu.memory_space<hbm>> -> memref<8x1024xf32, #tpu.memory_space<hbm>>
      tpu.enqueue_dma source(%dma_start3A_45 : memref<8x1024xf32, #tpu.memory_space<hbm>>) target(%arg6 : memref<8x1024xf32, #tpu.memory_space<vmem>>) target_semaphore(%arg11 : memref<!tpu.dma_semaphore, #tpu.memory_space<semaphore_mem>>)
    } else {
    }
    %scan3A = arith.constant 0 : i32
    %scan3A_8 = arith.constant 0 : i32
    %scan3A_9 = arith.constant 40 : i32
    %scan3A_10 = arith.addi %scan3A_8, %scan3A_9 : i32
    %scan3A_11 = arith.constant 1 : i32
    scf.for %scan3A_31 = %scan3A_8 to %scan3A_10 step %scan3A_11  : i32 {
      %mul3A_32 = arith.constant 2 : i32
      %mul3A_33 = arith.muli %scan3A_31, %mul3A_32 : i32
      %add3A_34 = arith.constant 1 : i32
      %add3A_35 = arith.addi %mul3A_33, %add3A_34 : i32
      %mul3A_36 = arith.constant 32 : i32
      %mul3A_37 = arith.muli %add3A_35, %mul3A_36 : i32
      %add3A_38 = arith.addi %mul3A_37, %add3A : i32
      %lt3A_39 = arith.constant 2539 : i32
      %lt3A_40 = arith.cmpi slt, %add3A_38, %lt3A_39 : i32
      %convert_element_type3A_41 = arith.extui %lt3A_40 : i1 to i32
      %cond3A_42 = arith.constant 0 : i32
      %cond3A_43 = arith.cmpi ne, %convert_element_type3A_41, %cond3A_42 : i32
      scf.if %cond3A_43 {
        %mul3A_97 = arith.constant 1024 : i32
        %mul3A_98 = arith.muli %add3A_38, %mul3A_97 : i32
        %dma_start3A = arith.constant 0 : i32
        %dma_start3A_99 = arith.constant 0 : i32
        %dma_start3A_100 = tpu.memref_slice %arg2[%dma_start3A, %dma_start3A_99, %mul3A_98] : memref<2x8x2600000xf32, #tpu.memory_space<hbm>> -> memref<1x8x1024xf32, #tpu.memory_space<hbm>>
        %dma_start3A_101 = tpu.memref_squeeze %dma_start3A_100 : memref<1x8x1024xf32, #tpu.memory_space<hbm>> -> memref<8x1024xf32, #tpu.memory_space<hbm>>
        %dma_start3A_102 = arith.constant 0 : i32
        %dma_start3A_103 = tpu.memref_slice %arg2[%dma_start3A, %dma_start3A_102, %mul3A_98] : memref<2x8x2600000xf32, #tpu.memory_space<hbm>> -> memref<1x8x1024xf32, #tpu.memory_space<hbm>>
        %dma_start3A_104 = tpu.memref_squeeze %dma_start3A_103 : memref<1x8x1024xf32, #tpu.memory_space<hbm>> -> memref<8x1024xf32, #tpu.memory_space<hbm>>
        tpu.enqueue_dma source(%dma_start3A_104 : memref<8x1024xf32, #tpu.memory_space<hbm>>) target(%arg7 : memref<8x1024xf32, #tpu.memory_space<vmem>>) target_semaphore(%arg12 : memref<!tpu.dma_semaphore, #tpu.memory_space<semaphore_mem>>)
        %dma_start3A_105 = arith.constant 1 : i32
        %dma_start3A_106 = arith.constant 0 : i32
        %dma_start3A_107 = tpu.memref_slice %arg2[%dma_start3A_105, %dma_start3A_106, %mul3A_98] : memref<2x8x2600000xf32, #tpu.memory_space<hbm>> -> memref<1x8x1024xf32, #tpu.memory_space<hbm>>
        %dma_start3A_108 = tpu.memref_squeeze %dma_start3A_107 : memref<1x8x1024xf32, #tpu.memory_space<hbm>> -> memref<8x1024xf32, #tpu.memory_space<hbm>>
        %dma_start3A_109 = arith.constant 0 : i32
        %dma_start3A_110 = tpu.memref_slice %arg2[%dma_start3A_105, %dma_start3A_109, %mul3A_98] : memref<2x8x2600000xf32, #tpu.memory_space<hbm>> -> memref<1x8x1024xf32, #tpu.memory_space<hbm>>
        %dma_start3A_111 = tpu.memref_squeeze %dma_start3A_110 : memref<1x8x1024xf32, #tpu.memory_space<hbm>> -> memref<8x1024xf32, #tpu.memory_space<hbm>>
        tpu.enqueue_dma source(%dma_start3A_111 : memref<8x1024xf32, #tpu.memory_space<hbm>>) target(%arg8 : memref<8x1024xf32, #tpu.memory_space<vmem>>) target_semaphore(%arg12 : memref<!tpu.dma_semaphore, #tpu.memory_space<semaphore_mem>>)
      } else {
      }
      %mul3A_44 = arith.constant 32 : i32
      %mul3A_45 = arith.muli %mul3A_33, %mul3A_44 : i32
      %add3A_46 = arith.addi %mul3A_45, %add3A : i32
      %lt3A_47 = arith.constant 2539 : i32
      %lt3A_48 = arith.cmpi slt, %add3A_46, %lt3A_47 : i32
      %convert_element_type3A_49 = arith.extui %lt3A_48 : i1 to i32
      %cond3A_50 = arith.constant 0 : i32
      %cond3A_51 = arith.cmpi ne, %convert_element_type3A_49, %cond3A_50 : i32
      scf.if %cond3A_51 {
        %mul3A_97 = arith.constant 1024 : i32
        %mul3A_98 = arith.muli %add3A_46, %mul3A_97 : i32
        %dma_wait3A = arith.constant 0 : i32
        %dma_wait3A_99 = arith.constant 0 : i32
        %dma_wait3A_100 = tpu.memref_slice %arg2[%dma_wait3A, %dma_wait3A_99, %mul3A_98] : memref<2x8x2600000xf32, #tpu.memory_space<hbm>> -> memref<1x8x1024xf32, #tpu.memory_space<hbm>>
        %dma_wait3A_101 = tpu.memref_squeeze %dma_wait3A_100 : memref<1x8x1024xf32, #tpu.memory_space<hbm>> -> memref<8x1024xf32, #tpu.memory_space<hbm>>
        %dma_wait3A_102 = arith.constant 0 : i32
        %dma_wait3A_103 = tpu.memref_slice %arg2[%dma_wait3A, %dma_wait3A_102, %mul3A_98] : memref<2x8x2600000xf32, #tpu.memory_space<hbm>> -> memref<1x8x1024xf32, #tpu.memory_space<hbm>>
        %dma_wait3A_104 = tpu.memref_squeeze %dma_wait3A_103 : memref<1x8x1024xf32, #tpu.memory_space<hbm>> -> memref<8x1024xf32, #tpu.memory_space<hbm>>
        tpu.wait_dma2 semaphore(%arg11 : memref<!tpu.dma_semaphore, #tpu.memory_space<semaphore_mem>>) src(%dma_wait3A_104 : memref<8x1024xf32, #tpu.memory_space<hbm>>) dst(%arg5 : memref<8x1024xf32, #tpu.memory_space<vmem>>)
        %dma_wait3A_105 = arith.constant 1 : i32
        %dma_wait3A_106 = arith.constant 0 : i32
        %dma_wait3A_107 = tpu.memref_slice %arg2[%dma_wait3A_105, %dma_wait3A_106, %mul3A_98] : memref<2x8x2600000xf32, #tpu.memory_space<hbm>> -> memref<1x8x1024xf32, #tpu.memory_space<hbm>>
        %dma_wait3A_108 = tpu.memref_squeeze %dma_wait3A_107 : memref<1x8x1024xf32, #tpu.memory_space<hbm>> -> memref<8x1024xf32, #tpu.memory_space<hbm>>
        %dma_wait3A_109 = arith.constant 0 : i32
        %dma_wait3A_110 = tpu.memref_slice %arg2[%dma_wait3A_105, %dma_wait3A_109, %mul3A_98] : memref<2x8x2600000xf32, #tpu.memory_space<hbm>> -> memref<1x8x1024xf32, #tpu.memory_space<hbm>>
        %dma_wait3A_111 = tpu.memref_squeeze %dma_wait3A_110 : memref<1x8x1024xf32, #tpu.memory_space<hbm>> -> memref<8x1024xf32, #tpu.memory_space<hbm>>
        tpu.wait_dma2 semaphore(%arg11 : memref<!tpu.dma_semaphore, #tpu.memory_space<semaphore_mem>>) src(%dma_wait3A_111 : memref<8x1024xf32, #tpu.memory_space<hbm>>) dst(%arg6 : memref<8x1024xf32, #tpu.memory_space<vmem>>)
      } else {
      }
      %ge3A = arith.constant 2 : i32
      %ge3A_52 = arith.cmpi sge, %mul3A_33, %ge3A : i32
      %convert_element_type3A_53 = arith.extui %ge3A_52 : i1 to i32
      %cond3A_54 = arith.constant 0 : i32
      %cond3A_55 = arith.cmpi ne, %convert_element_type3A_53, %cond3A_54 : i32
      scf.if %cond3A_55 {
        %sub3A = arith.constant 2 : i32
        %sub3A_97 = arith.subi %mul3A_33, %sub3A : i32
        %mul3A_98 = arith.constant 32 : i32
        %mul3A_99 = arith.muli %sub3A_97, %mul3A_98 : i32
        %add3A_100 = arith.addi %mul3A_99, %add3A : i32
        %lt3A_101 = arith.constant 2539 : i32
        %lt3A_102 = arith.cmpi slt, %add3A_100, %lt3A_101 : i32
        %convert_element_type3A_103 = arith.extui %lt3A_102 : i1 to i32
        %cond3A_104 = arith.constant 0 : i32
        %cond3A_105 = arith.cmpi ne, %convert_element_type3A_103, %cond3A_104 : i32
        scf.if %cond3A_105 {
          %mul3A_106 = arith.constant 16384 : i32
          %mul3A_107 = arith.muli %add3A_100, %mul3A_106 : i32
          %dma_wait3A = tpu.memref_slice %arg4[%mul3A_107] : memref<41600000xf32, #tpu.memory_space<hbm>> -> memref<16384xf32, #tpu.memory_space<hbm>>
          %dma_wait3A_108 = tpu.memref_slice %arg4[%mul3A_107] : memref<41600000xf32, #tpu.memory_space<hbm>> -> memref<16384xf32, #tpu.memory_space<hbm>>
          tpu.wait_dma2 semaphore(%arg13 : memref<!tpu.dma_semaphore, #tpu.memory_space<semaphore_mem>>) src(%arg9 : memref<16384xf32, #tpu.memory_space<vmem>>) dst(%dma_wait3A_108 : memref<16384xf32, #tpu.memory_space<hbm>>)
        } else {
        }
      } else {
      }
      %mul3A_56 = arith.constant 32 : i32
      %mul3A_57 = arith.muli %mul3A_33, %mul3A_56 : i32
      %add3A_58 = arith.addi %mul3A_57, %add3A : i32
      %lt3A_59 = arith.constant 2539 : i32
      %lt3A_60 = arith.cmpi slt, %add3A_58, %lt3A_59 : i32
      %convert_element_type3A_61 = arith.extui %lt3A_60 : i1 to i32
      %cond3A_62 = arith.constant 0 : i32
      %cond3A_63 = arith.cmpi ne, %convert_element_type3A_61, %cond3A_62 : i32
      scf.if %cond3A_63 {
        %scan3A_97 = arith.constant 0 : i32
        %scan3A_98 = arith.constant 0 : i32
        %scan3A_99 = arith.constant 8 : i32
        %scan3A_100 = arith.addi %scan3A_98, %scan3A_99 : i32
        %scan3A_101 = arith.constant 1 : i32
        scf.for %scan3A_106 = %scan3A_98 to %scan3A_100 step %scan3A_101  : i32 {
          %mul3A_107 = arith.constant 128 : i32
          %mul3A_108 = arith.muli %scan3A_106, %mul3A_107 : i32
          %mul3A_109 = arith.constant 2048 : i32
          %mul3A_110 = arith.muli %scan3A_106, %mul3A_109 : i32
          %add3A_111 = arith.constant 0 : i32
          %add3A_112 = arith.addi %mul3A_108, %add3A_111 : i32
          %add3A_113 = arith.constant 0 : i32
          %add3A_114 = arith.addi %mul3A_110, %add3A_113 : i32
          %add3A_115 = vector.broadcast %add3A_114 : i32 to vector<16xi32>
          %add3A_116 = arith.addi %add3A_115, %mul3A_3 : vector<16xi32>
          %add3A_117 = arith.constant 0 : i32
          %add3A_118 = vector.broadcast %add3A_117 : i32 to vector<16xi32>
          %add3A_119 = arith.addi %add3A_116, %add3A_118 : vector<16xi32>
          %get3A = arith.constant 0 : i32
          %get3A_120 = arith.index_cast %get3A : i32 to index
          %get3A_121 = arith.index_cast %add3A_112 : i32 to index
          %get3A_122 = tpu.vector_load %arg5[%get3A_120, %get3A_121] {strides = array<i32>} : memref<8x1024xf32, #tpu.memory_space<vmem>>, vector<16xf32>,
          tpu.vector_store_idx %arg9[%add3A_119], %get3A_122 : memref<16384xf32, #tpu.memory_space<vmem>>[vector<16xi32>], vector<16xf32>,
          %add3A_123 = arith.constant 8 : i32
          %add3A_124 = vector.broadcast %add3A_123 : i32 to vector<16xi32>
          %add3A_125 = arith.addi %add3A_116, %add3A_124 : vector<16xi32>
          %get3A_126 = arith.constant 0 : i32
          %get3A_127 = arith.index_cast %get3A_126 : i32 to index
          %get3A_128 = arith.index_cast %add3A_112 : i32 to index
          %get3A_129 = tpu.vector_load %arg6[%get3A_127, %get3A_128] {strides = array<i32>} : memref<8x1024xf32, #tpu.memory_space<vmem>>, vector<16xf32>,
          tpu.vector_store_idx %arg9[%add3A_125], %get3A_129 : memref<16384xf32, #tpu.memory_space<vmem>>[vector<16xi32>], vector<16xf32>,
          %add3A_130 = arith.constant 1 : i32
          %add3A_131 = vector.broadcast %add3A_130 : i32 to vector<16xi32>
          %add3A_132 = arith.addi %add3A_116, %add3A_131 : vector<16xi32>
          %get3A_133 = arith.constant 1 : i32
          %get3A_134 = arith.index_cast %get3A_133 : i32 to index
          %get3A_135 = arith.index_cast %add3A_112 : i32 to index
          %get3A_136 = tpu.vector_load %arg5[%get3A_134, %get3A_135] {strides = array<i32>} : memref<8x1024xf32, #tpu.memory_space<vmem>>, vector<16xf32>,
          tpu.vector_store_idx %arg9[%add3A_132], %get3A_136 : memref<16384xf32, #tpu.memory_space<vmem>>[vector<16xi32>], vector<16xf32>,
          %add3A_137 = arith.constant 9 : i32
          %add3A_138 = vector.broadcast %add3A_137 : i32 to vector<16xi32>
          %add3A_139 = arith.addi %add3A_116, %add3A_138 : vector<16xi32>
          %get3A_140 = arith.constant 1 : i32
          %get3A_141 = arith.index_cast %get3A_140 : i32 to index
          %get3A_142 = arith.index_cast %add3A_112 : i32 to index
          %get3A_143 = tpu.vector_load %arg6[%get3A_141, %get3A_142] {strides = array<i32>} : memref<8x1024xf32, #tpu.memory_space<vmem>>, vector<16xf32>,
          tpu.vector_store_idx %arg9[%add3A_139], %get3A_143 : memref<16384xf32, #tpu.memory_space<vmem>>[vector<16xi32>], vector<16xf32>,
          %add3A_144 = arith.constant 2 : i32
          %add3A_145 = vector.broadcast %add3A_144 : i32 to vector<16xi32>
          %add3A_146 = arith.addi %add3A_116, %add3A_145 : vector<16xi32>
          %get3A_147 = arith.constant 2 : i32
          %get3A_148 = arith.index_cast %get3A_147 : i32 to index
          %get3A_149 = arith.index_cast %add3A_112 : i32 to index
          %get3A_150 = tpu.vector_load %arg5[%get3A_148, %get3A_149] {strides = array<i32>} : memref<8x1024xf32, #tpu.memory_space<vmem>>, vector<16xf32>,
          tpu.vector_store_idx %arg9[%add3A_146], %get3A_150 : memref<16384xf32, #tpu.memory_space<vmem>>[vector<16xi32>], vector<16xf32>,
          %add3A_151 = arith.constant 10 : i32
          %add3A_152 = vector.broadcast %add3A_151 : i32 to vector<16xi32>
          %add3A_153 = arith.addi %add3A_116, %add3A_152 : vector<16xi32>
          %get3A_154 = arith.constant 2 : i32
          %get3A_155 = arith.index_cast %get3A_154 : i32 to index
          %get3A_156 = arith.index_cast %add3A_112 : i32 to index
          %get3A_157 = tpu.vector_load %arg6[%get3A_155, %get3A_156] {strides = array<i32>} : memref<8x1024xf32, #tpu.memory_space<vmem>>, vector<16xf32>,
          tpu.vector_store_idx %arg9[%add3A_153], %get3A_157 : memref<16384xf32, #tpu.memory_space<vmem>>[vector<16xi32>], vector<16xf32>,
          %add3A_158 = arith.constant 3 : i32
          %add3A_159 = vector.broadcast %add3A_158 : i32 to vector<16xi32>
          %add3A_160 = arith.addi %add3A_116, %add3A_159 : vector<16xi32>
          %get3A_161 = arith.constant 3 : i32
          %get3A_162 = arith.index_cast %get3A_161 : i32 to index
          %get3A_163 = arith.index_cast %add3A_112 : i32 to index
          %get3A_164 = tpu.vector_load %arg5[%get3A_162, %get3A_163] {strides = array<i32>} : memref<8x1024xf32, #tpu.memory_space<vmem>>, vector<16xf32>,
          tpu.vector_store_idx %arg9[%add3A_160], %get3A_164 : memref<16384xf32, #tpu.memory_space<vmem>>[vector<16xi32>], vector<16xf32>,
          %add3A_165 = arith.constant 11 : i32
          %add3A_166 = vector.broadcast %add3A_165 : i32 to vector<16xi32>
          %add3A_167 = arith.addi %add3A_116, %add3A_166 : vector<16xi32>
          %get3A_168 = arith.constant 3 : i32
          %get3A_169 = arith.index_cast %get3A_168 : i32 to index
          %get3A_170 = arith.index_cast %add3A_112 : i32 to index
          %get3A_171 = tpu.vector_load %arg6[%get3A_169, %get3A_170] {strides = array<i32>} : memref<8x1024xf32, #tpu.memory_space<vmem>>, vector<16xf32>,
          tpu.vector_store_idx %arg9[%add3A_167], %get3A_171 : memref<16384xf32, #tpu.memory_space<vmem>>[vector<16xi32>], vector<16xf32>,
          %add3A_172 = arith.constant 4 : i32
          %add3A_173 = vector.broadcast %add3A_172 : i32 to vector<16xi32>
          %add3A_174 = arith.addi %add3A_116, %add3A_173 : vector<16xi32>
          %get3A_175 = arith.constant 4 : i32
          %get3A_176 = arith.index_cast %get3A_175 : i32 to index
          %get3A_177 = arith.index_cast %add3A_112 : i32 to index
          %get3A_178 = tpu.vector_load %arg5[%get3A_176, %get3A_177] {strides = array<i32>} : memref<8x1024xf32, #tpu.memory_space<vmem>>, vector<16xf32>,
          tpu.vector_store_idx %arg9[%add3A_174], %get3A_178 : memref<16384xf32, #tpu.memory_space<vmem>>[vector<16xi32>], vector<16xf32>,
          %add3A_179 = arith.constant 12 : i32
          %add3A_180 = vector.broadcast %add3A_179 : i32 to vector<16xi32>
          %add3A_181 = arith.addi %add3A_116, %add3A_180 : vector<16xi32>
          %get3A_182 = arith.constant 4 : i32
          %get3A_183 = arith.index_cast %get3A_182 : i32 to index
          %get3A_184 = arith.index_cast %add3A_112 : i32 to index
          %get3A_185 = tpu.vector_load %arg6[%get3A_183, %get3A_184] {strides = array<i32>} : memref<8x1024xf32, #tpu.memory_space<vmem>>, vector<16xf32>,
          tpu.vector_store_idx %arg9[%add3A_181], %get3A_185 : memref<16384xf32, #tpu.memory_space<vmem>>[vector<16xi32>], vector<16xf32>,
          %add3A_186 = arith.constant 5 : i32
          %add3A_187 = vector.broadcast %add3A_186 : i32 to vector<16xi32>
          %add3A_188 = arith.addi %add3A_116, %add3A_187 : vector<16xi32>
          %get3A_189 = arith.constant 5 : i32
          %get3A_190 = arith.index_cast %get3A_189 : i32 to index
          %get3A_191 = arith.index_cast %add3A_112 : i32 to index
          %get3A_192 = tpu.vector_load %arg5[%get3A_190, %get3A_191] {strides = array<i32>} : memref<8x1024xf32, #tpu.memory_space<vmem>>, vector<16xf32>,
          tpu.vector_store_idx %arg9[%add3A_188], %get3A_192 : memref<16384xf32, #tpu.memory_space<vmem>>[vector<16xi32>], vector<16xf32>,
          %add3A_193 = arith.constant 13 : i32
          %add3A_194 = vector.broadcast %add3A_193 : i32 to vector<16xi32>
          %add3A_195 = arith.addi %add3A_116, %add3A_194 : vector<16xi32>
          %get3A_196 = arith.constant 5 : i32
          %get3A_197 = arith.index_cast %get3A_196 : i32 to index
          %get3A_198 = arith.index_cast %add3A_112 : i32 to index
          %get3A_199 = tpu.vector_load %arg6[%get3A_197, %get3A_198] {strides = array<i32>} : memref<8x1024xf32, #tpu.memory_space<vmem>>, vector<16xf32>,
          tpu.vector_store_idx %arg9[%add3A_195], %get3A_199 : memref<16384xf32, #tpu.memory_space<vmem>>[vector<16xi32>], vector<16xf32>,
          %add3A_200 = arith.constant 6 : i32
          %add3A_201 = vector.broadcast %add3A_200 : i32 to vector<16xi32>
          %add3A_202 = arith.addi %add3A_116, %add3A_201 : vector<16xi32>
          %get3A_203 = arith.constant 6 : i32
          %get3A_204 = arith.index_cast %get3A_203 : i32 to index
          %get3A_205 = arith.index_cast %add3A_112 : i32 to index
          %get3A_206 = tpu.vector_load %arg5[%get3A_204, %get3A_205] {strides = array<i32>} : memref<8x1024xf32, #tpu.memory_space<vmem>>, vector<16xf32>,
          tpu.vector_store_idx %arg9[%add3A_202], %get3A_206 : memref<16384xf32, #tpu.memory_space<vmem>>[vector<16xi32>], vector<16xf32>,
          %add3A_207 = arith.constant 14 : i32
          %add3A_208 = vector.broadcast %add3A_207 : i32 to vector<16xi32>
          %add3A_209 = arith.addi %add3A_116, %add3A_208 : vector<16xi32>
          %get3A_210 = arith.constant 6 : i32
          %get3A_211 = arith.index_cast %get3A_210 : i32 to index
          %get3A_212 = arith.index_cast %add3A_112 : i32 to index
          %get3A_213 = tpu.vector_load %arg6[%get3A_211, %get3A_212] {strides = array<i32>} : memref<8x1024xf32, #tpu.memory_space<vmem>>, vector<16xf32>,
          tpu.vector_store_idx %arg9[%add3A_209], %get3A_213 : memref<16384xf32, #tpu.memory_space<vmem>>[vector<16xi32>], vector<16xf32>,
          %add3A_214 = arith.constant 7 : i32
          %add3A_215 = vector.broadcast %add3A_214 : i32 to vector<16xi32>
          %add3A_216 = arith.addi %add3A_116, %add3A_215 : vector<16xi32>
          %get3A_217 = arith.constant 7 : i32
          %get3A_218 = arith.index_cast %get3A_217 : i32 to index
          %get3A_219 = arith.index_cast %add3A_112 : i32 to index
          %get3A_220 = tpu.vector_load %arg5[%get3A_218, %get3A_219] {strides = array<i32>} : memref<8x1024xf32, #tpu.memory_space<vmem>>, vector<16xf32>,
          tpu.vector_store_idx %arg9[%add3A_216], %get3A_220 : memref<16384xf32, #tpu.memory_space<vmem>>[vector<16xi32>], vector<16xf32>,
          %add3A_221 = arith.constant 15 : i32
          %add3A_222 = vector.broadcast %add3A_221 : i32 to vector<16xi32>
          %add3A_223 = arith.addi %add3A_116, %add3A_222 : vector<16xi32>
          %get3A_224 = arith.constant 7 : i32
          %get3A_225 = arith.index_cast %get3A_224 : i32 to index
          %get3A_226 = arith.index_cast %add3A_112 : i32 to index
          %get3A_227 = tpu.vector_load %arg6[%get3A_225, %get3A_226] {strides = array<i32>} : memref<8x1024xf32, #tpu.memory_space<vmem>>, vector<16xf32>,
          tpu.vector_store_idx %arg9[%add3A_223], %get3A_227 : memref<16384xf32, #tpu.memory_space<vmem>>[vector<16xi32>], vector<16xf32>,
          %add3A_228 = arith.constant 16 : i32
          %add3A_229 = arith.addi %mul3A_108, %add3A_228 : i32
          %add3A_230 = arith.constant 256 : i32
          %add3A_231 = arith.addi %mul3A_110, %add3A_230 : i32
          %add3A_232 = vector.broadcast %add3A_231 : i32 to vector<16xi32>
          %add3A_233 = arith.addi %add3A_232, %mul3A_3 : vector<16xi32>
          %add3A_234 = arith.constant 0 : i32
          %add3A_235 = vector.broadcast %add3A_234 : i32 to vector<16xi32>
          %add3A_236 = arith.addi %add3A_233, %add3A_235 : vector<16xi32>
          %get3A_237 = arith.constant 0 : i32
          %get3A_238 = arith.index_cast %get3A_237 : i32 to index
          %get3A_239 = arith.index_cast %add3A_229 : i32 to index
          %get3A_240 = tpu.vector_load %arg5[%get3A_238, %get3A_239] {strides = array<i32>} : memref<8x1024xf32, #tpu.memory_space<vmem>>, vector<16xf32>,
          tpu.vector_store_idx %arg9[%add3A_236], %get3A_240 : memref<16384xf32, #tpu.memory_space<vmem>>[vector<16xi32>], vector<16xf32>,
          %add3A_241 = arith.constant 8 : i32
          %add3A_242 = vector.broadcast %add3A_241 : i32 to vector<16xi32>
          %add3A_243 = arith.addi %add3A_233, %add3A_242 : vector<16xi32>
          %get3A_244 = arith.constant 0 : i32
          %get3A_245 = arith.index_cast %get3A_244 : i32 to index
          %get3A_246 = arith.index_cast %add3A_229 : i32 to index
          %get3A_247 = tpu.vector_load %arg6[%get3A_245, %get3A_246] {strides = array<i32>} : memref<8x1024xf32, #tpu.memory_space<vmem>>, vector<16xf32>,
          tpu.vector_store_idx %arg9[%add3A_243], %get3A_247 : memref<16384xf32, #tpu.memory_space<vmem>>[vector<16xi32>], vector<16xf32>,
          %add3A_248 = arith.constant 1 : i32
          %add3A_249 = vector.broadcast %add3A_248 : i32 to vector<16xi32>
          %add3A_250 = arith.addi %add3A_233, %add3A_249 : vector<16xi32>
          %get3A_251 = arith.constant 1 : i32
          %get3A_252 = arith.index_cast %get3A_251 : i32 to index
          %get3A_253 = arith.index_cast %add3A_229 : i32 to index
          %get3A_254 = tpu.vector_load %arg5[%get3A_252, %get3A_253] {strides = array<i32>} : memref<8x1024xf32, #tpu.memory_space<vmem>>, vector<16xf32>,
          tpu.vector_store_idx %arg9[%add3A_250], %get3A_254 : memref<16384xf32, #tpu.memory_space<vmem>>[vector<16xi32>], vector<16xf32>,
          %add3A_255 = arith.constant 9 : i32
          %add3A_256 = vector.broadcast %add3A_255 : i32 to vector<16xi32>
          %add3A_257 = arith.addi %add3A_233, %add3A_256 : vector<16xi32>
          %get3A_258 = arith.constant 1 : i32
          %get3A_259 = arith.index_cast %get3A_258 : i32 to index
          %get3A_260 = arith.index_cast %add3A_229 : i32 to index
          %get3A_261 = tpu.vector_load %arg6[%get3A_259, %get3A_260] {strides = array<i32>} : memref<8x1024xf32, #tpu.memory_space<vmem>>, vector<16xf32>,
          tpu.vector_store_idx %arg9[%add3A_257], %get3A_261 : memref<16384xf32, #tpu.memory_space<vmem>>[vector<16xi32>], vector<16xf32>,
          %add3A_262 = arith.constant 2 : i32
          %add3A_263 = vector.broadcast %add3A_262 : i32 to vector<16xi32>
          %add3A_264 = arith.addi %add3A_233, %add3A_263 : vector<16xi32>
          %get3A_265 = arith.constant 2 : i32
          %get3A_266 = arith.index_cast %get3A_265 : i32 to index
          %get3A_267 = arith.index_cast %add3A_229 : i32 to index
          %get3A_268 = tpu.vector_load %arg5[%get3A_266, %get3A_267] {strides = array<i32>} : memref<8x1024xf32, #tpu.memory_space<vmem>>, vector<16xf32>,
          tpu.vector_store_idx %arg9[%add3A_264], %get3A_268 : memref<16384xf32, #tpu.memory_space<vmem>>[vector<16xi32>], vector<16xf32>,
          %add3A_269 = arith.constant 10 : i32
          %add3A_270 = vector.broadcast %add3A_269 : i32 to vector<16xi32>
          %add3A_271 = arith.addi %add3A_233, %add3A_270 : vector<16xi32>
          %get3A_272 = arith.constant 2 : i32
          %get3A_273 = arith.index_cast %get3A_272 : i32 to index
          %get3A_274 = arith.index_cast %add3A_229 : i32 to index
          %get3A_275 = tpu.vector_load %arg6[%get3A_273, %get3A_274] {strides = array<i32>} : memref<8x1024xf32, #tpu.memory_space<vmem>>, vector<16xf32>,
          tpu.vector_store_idx %arg9[%add3A_271], %get3A_275 : memref<16384xf32, #tpu.memory_space<vmem>>[vector<16xi32>], vector<16xf32>,
          %add3A_276 = arith.constant 3 : i32
          %add3A_277 = vector.broadcast %add3A_276 : i32 to vector<16xi32>
          %add3A_278 = arith.addi %add3A_233, %add3A_277 : vector<16xi32>
          %get3A_279 = arith.constant 3 : i32
          %get3A_280 = arith.index_cast %get3A_279 : i32 to index
          %get3A_281 = arith.index_cast %add3A_229 : i32 to index
          %get3A_282 = tpu.vector_load %arg5[%get3A_280, %get3A_281] {strides = array<i32>} : memref<8x1024xf32, #tpu.memory_space<vmem>>, vector<16xf32>,
          tpu.vector_store_idx %arg9[%add3A_278], %get3A_282 : memref<16384xf32, #tpu.memory_space<vmem>>[vector<16xi32>], vector<16xf32>,
          %add3A_283 = arith.constant 11 : i32
          %add3A_284 = vector.broadcast %add3A_283 : i32 to vector<16xi32>
          %add3A_285 = arith.addi %add3A_233, %add3A_284 : vector<16xi32>
          %get3A_286 = arith.constant 3 : i32
          %get3A_287 = arith.index_cast %get3A_286 : i32 to index
          %get3A_288 = arith.index_cast %add3A_229 : i32 to index
          %get3A_289 = tpu.vector_load %arg6[%get3A_287, %get3A_288] {strides = array<i32>} : memref<8x1024xf32, #tpu.memory_space<vmem>>, vector<16xf32>,
          tpu.vector_store_idx %arg9[%add3A_285], %get3A_289 : memref<16384xf32, #tpu.memory_space<vmem>>[vector<16xi32>], vector<16xf32>,
          %add3A_290 = arith.constant 4 : i32
          %add3A_291 = vector.broadcast %add3A_290 : i32 to vector<16xi32>
          %add3A_292 = arith.addi %add3A_233, %add3A_291 : vector<16xi32>
          %get3A_293 = arith.constant 4 : i32
          %get3A_294 = arith.index_cast %get3A_293 : i32 to index
          %get3A_295 = arith.index_cast %add3A_229 : i32 to index
          %get3A_296 = tpu.vector_load %arg5[%get3A_294, %get3A_295] {strides = array<i32>} : memref<8x1024xf32, #tpu.memory_space<vmem>>, vector<16xf32>,
          tpu.vector_store_idx %arg9[%add3A_292], %get3A_296 : memref<16384xf32, #tpu.memory_space<vmem>>[vector<16xi32>], vector<16xf32>,
          %add3A_297 = arith.constant 12 : i32
          %add3A_298 = vector.broadcast %add3A_297 : i32 to vector<16xi32>
          %add3A_299 = arith.addi %add3A_233, %add3A_298 : vector<16xi32>
          %get3A_300 = arith.constant 4 : i32
          %get3A_301 = arith.index_cast %get3A_300 : i32 to index
          %get3A_302 = arith.index_cast %add3A_229 : i32 to index
          %get3A_303 = tpu.vector_load %arg6[%get3A_301, %get3A_302] {strides = array<i32>} : memref<8x1024xf32, #tpu.memory_space<vmem>>, vector<16xf32>,
          tpu.vector_store_idx %arg9[%add3A_299], %get3A_303 : memref<16384xf32, #tpu.memory_space<vmem>>[vector<16xi32>], vector<16xf32>,
          %add3A_304 = arith.constant 5 : i32
          %add3A_305 = vector.broadcast %add3A_304 : i32 to vector<16xi32>
          %add3A_306 = arith.addi %add3A_233, %add3A_305 : vector<16xi32>
          %get3A_307 = arith.constant 5 : i32
          %get3A_308 = arith.index_cast %get3A_307 : i32 to index
          %get3A_309 = arith.index_cast %add3A_229 : i32 to index
          %get3A_310 = tpu.vector_load %arg5[%get3A_308, %get3A_309] {strides = array<i32>} : memref<8x1024xf32, #tpu.memory_space<vmem>>, vector<16xf32>,
          tpu.vector_store_idx %arg9[%add3A_306], %get3A_310 : memref<16384xf32, #tpu.memory_space<vmem>>[vector<16xi32>], vector<16xf32>,
          %add3A_311 = arith.constant 13 : i32
          %add3A_312 = vector.broadcast %add3A_311 : i32 to vector<16xi32>
          %add3A_313 = arith.addi %add3A_233, %add3A_312 : vector<16xi32>
          %get3A_314 = arith.constant 5 : i32
          %get3A_315 = arith.index_cast %get3A_314 : i32 to index
          %get3A_316 = arith.index_cast %add3A_229 : i32 to index
          %get3A_317 = tpu.vector_load %arg6[%get3A_315, %get3A_316] {strides = array<i32>} : memref<8x1024xf32, #tpu.memory_space<vmem>>, vector<16xf32>,
          tpu.vector_store_idx %arg9[%add3A_313], %get3A_317 : memref<16384xf32, #tpu.memory_space<vmem>>[vector<16xi32>], vector<16xf32>,
          %add3A_318 = arith.constant 6 : i32
          %add3A_319 = vector.broadcast %add3A_318 : i32 to vector<16xi32>
          %add3A_320 = arith.addi %add3A_233, %add3A_319 : vector<16xi32>
          %get3A_321 = arith.constant 6 : i32
          %get3A_322 = arith.index_cast %get3A_321 : i32 to index
          %get3A_323 = arith.index_cast %add3A_229 : i32 to index
          %get3A_324 = tpu.vector_load %arg5[%get3A_322, %get3A_323] {strides = array<i32>} : memref<8x1024xf32, #tpu.memory_space<vmem>>, vector<16xf32>,
          tpu.vector_store_idx %arg9[%add3A_320], %get3A_324 : memref<16384xf32, #tpu.memory_space<vmem>>[vector<16xi32>], vector<16xf32>,
          %add3A_325 = arith.constant 14 : i32
          %add3A_326 = vector.broadcast %add3A_325 : i32 to vector<16xi32>
          %add3A_327 = arith.addi %add3A_233, %add3A_326 : vector<16xi32>
          %get3A_328 = arith.constant 6 : i32
          %get3A_329 = arith.index_cast %get3A_328 : i32 to index
          %get3A_330 = arith.index_cast %add3A_229 : i32 to index
          %get3A_331 = tpu.vector_load %arg6[%get3A_329, %get3A_330] {strides = array<i32>} : memref<8x1024xf32, #tpu.memory_space<vmem>>, vector<16xf32>,
          tpu.vector_store_idx %arg9[%add3A_327], %get3A_331 : memref<16384xf32, #tpu.memory_space<vmem>>[vector<16xi32>], vector<16xf32>,
          %add3A_332 = arith.constant 7 : i32
          %add3A_333 = vector.broadcast %add3A_332 : i32 to vector<16xi32>
          %add3A_334 = arith.addi %add3A_233, %add3A_333 : vector<16xi32>
          %get3A_335 = arith.constant 7 : i32
          %get3A_336 = arith.index_cast %get3A_335 : i32 to index
          %get3A_337 = arith.index_cast %add3A_229 : i32 to index
          %get3A_338 = tpu.vector_load %arg5[%get3A_336, %get3A_337] {strides = array<i32>} : memref<8x1024xf32, #tpu.memory_space<vmem>>, vector<16xf32>,
          tpu.vector_store_idx %arg9[%add3A_334], %get3A_338 : memref<16384xf32, #tpu.memory_space<vmem>>[vector<16xi32>], vector<16xf32>,
          %add3A_339 = arith.constant 15 : i32
          %add3A_340 = vector.broadcast %add3A_339 : i32 to vector<16xi32>
          %add3A_341 = arith.addi %add3A_233, %add3A_340 : vector<16xi32>
          %get3A_342 = arith.constant 7 : i32
          %get3A_343 = arith.index_cast %get3A_342 : i32 to index
          %get3A_344 = arith.index_cast %add3A_229 : i32 to index
          %get3A_345 = tpu.vector_load %arg6[%get3A_343, %get3A_344] {strides = array<i32>} : memref<8x1024xf32, #tpu.memory_space<vmem>>, vector<16xf32>,
          tpu.vector_store_idx %arg9[%add3A_341], %get3A_345 : memref<16384xf32, #tpu.memory_space<vmem>>[vector<16xi32>], vector<16xf32>,
          %add3A_346 = arith.constant 32 : i32
          %add3A_347 = arith.addi %mul3A_108, %add3A_346 : i32
          %add3A_348 = arith.constant 512 : i32
          %add3A_349 = arith.addi %mul3A_110, %add3A_348 : i32
          %add3A_350 = vector.broadcast %add3A_349 : i32 to vector<16xi32>
          %add3A_351 = arith.addi %add3A_350, %mul3A_3 : vector<16xi32>
          %add3A_352 = arith.constant 0 : i32
          %add3A_353 = vector.broadcast %add3A_352 : i32 to vector<16xi32>
          %add3A_354 = arith.addi %add3A_351, %add3A_353 : vector<16xi32>
          %get3A_355 = arith.constant 0 : i32
          %get3A_356 = arith.index_cast %get3A_355 : i32 to index
          %get3A_357 = arith.index_cast %add3A_347 : i32 to index
          %get3A_358 = tpu.vector_load %arg5[%get3A_356, %get3A_357] {strides = array<i32>} : memref<8x1024xf32, #tpu.memory_space<vmem>>, vector<16xf32>,
          tpu.vector_store_idx %arg9[%add3A_354], %get3A_358 : memref<16384xf32, #tpu.memory_space<vmem>>[vector<16xi32>], vector<16xf32>,
          %add3A_359 = arith.constant 8 : i32
          %add3A_360 = vector.broadcast %add3A_359 : i32 to vector<16xi32>
          %add3A_361 = arith.addi %add3A_351, %add3A_360 : vector<16xi32>
          %get3A_362 = arith.constant 0 : i32
          %get3A_363 = arith.index_cast %get3A_362 : i32 to index
          %get3A_364 = arith.index_cast %add3A_347 : i32 to index
          %get3A_365 = tpu.vector_load %arg6[%get3A_363, %get3A_364] {strides = array<i32>} : memref<8x1024xf32, #tpu.memory_space<vmem>>, vector<16xf32>,
          tpu.vector_store_idx %arg9[%add3A_361], %get3A_365 : memref<16384xf32, #tpu.memory_space<vmem>>[vector<16xi32>], vector<16xf32>,
          %add3A_366 = arith.constant 1 : i32
          %add3A_367 = vector.broadcast %add3A_366 : i32 to vector<16xi32>
          %add3A_368 = arith.addi %add3A_351, %add3A_367 : vector<16xi32>
          %get3A_369 = arith.constant 1 : i32
          %get3A_370 = arith.index_cast %get3A_369 : i32 to index
          %get3A_371 = arith.index_cast %add3A_347 : i32 to index
          %get3A_372 = tpu.vector_load %arg5[%get3A_370, %get3A_371] {strides = array<i32>} : memref<8x1024xf32, #tpu.memory_space<vmem>>, vector<16xf32>,
          tpu.vector_store_idx %arg9[%add3A_368], %get3A_372 : memref<16384xf32, #tpu.memory_space<vmem>>[vector<16xi32>], vector<16xf32>,
          %add3A_373 = arith.constant 9 : i32
          %add3A_374 = vector.broadcast %add3A_373 : i32 to vector<16xi32>
          %add3A_375 = arith.addi %add3A_351, %add3A_374 : vector<16xi32>
          %get3A_376 = arith.constant 1 : i32
          %get3A_377 = arith.index_cast %get3A_376 : i32 to index
          %get3A_378 = arith.index_cast %add3A_347 : i32 to index
          %get3A_379 = tpu.vector_load %arg6[%get3A_377, %get3A_378] {strides = array<i32>} : memref<8x1024xf32, #tpu.memory_space<vmem>>, vector<16xf32>,
          tpu.vector_store_idx %arg9[%add3A_375], %get3A_379 : memref<16384xf32, #tpu.memory_space<vmem>>[vector<16xi32>], vector<16xf32>,
          %add3A_380 = arith.constant 2 : i32
          %add3A_381 = vector.broadcast %add3A_380 : i32 to vector<16xi32>
          %add3A_382 = arith.addi %add3A_351, %add3A_381 : vector<16xi32>
          %get3A_383 = arith.constant 2 : i32
          %get3A_384 = arith.index_cast %get3A_383 : i32 to index
          %get3A_385 = arith.index_cast %add3A_347 : i32 to index
          %get3A_386 = tpu.vector_load %arg5[%get3A_384, %get3A_385] {strides = array<i32>} : memref<8x1024xf32, #tpu.memory_space<vmem>>, vector<16xf32>,
          tpu.vector_store_idx %arg9[%add3A_382], %get3A_386 : memref<16384xf32, #tpu.memory_space<vmem>>[vector<16xi32>], vector<16xf32>,
          %add3A_387 = arith.constant 10 : i32
          %add3A_388 = vector.broadcast %add3A_387 : i32 to vector<16xi32>
          %add3A_389 = arith.addi %add3A_351, %add3A_388 : vector<16xi32>
          %get3A_390 = arith.constant 2 : i32
          %get3A_391 = arith.index_cast %get3A_390 : i32 to index
          %get3A_392 = arith.index_cast %add3A_347 : i32 to index
          %get3A_393 = tpu.vector_load %arg6[%get3A_391, %get3A_392] {strides = array<i32>} : memref<8x1024xf32, #tpu.memory_space<vmem>>, vector<16xf32>,
          tpu.vector_store_idx %arg9[%add3A_389], %get3A_393 : memref<16384xf32, #tpu.memory_space<vmem>>[vector<16xi32>], vector<16xf32>,
          %add3A_394 = arith.constant 3 : i32
          %add3A_395 = vector.broadcast %add3A_394 : i32 to vector<16xi32>
          %add3A_396 = arith.addi %add3A_351, %add3A_395 : vector<16xi32>
          %get3A_397 = arith.constant 3 : i32
          %get3A_398 = arith.index_cast %get3A_397 : i32 to index
          %get3A_399 = arith.index_cast %add3A_347 : i32 to index
          %get3A_400 = tpu.vector_load %arg5[%get3A_398, %get3A_399] {strides = array<i32>} : memref<8x1024xf32, #tpu.memory_space<vmem>>, vector<16xf32>,
          tpu.vector_store_idx %arg9[%add3A_396], %get3A_400 : memref<16384xf32, #tpu.memory_space<vmem>>[vector<16xi32>], vector<16xf32>,
          %add3A_401 = arith.constant 11 : i32
          %add3A_402 = vector.broadcast %add3A_401 : i32 to vector<16xi32>
          %add3A_403 = arith.addi %add3A_351, %add3A_402 : vector<16xi32>
          %get3A_404 = arith.constant 3 : i32
          %get3A_405 = arith.index_cast %get3A_404 : i32 to index
          %get3A_406 = arith.index_cast %add3A_347 : i32 to index
          %get3A_407 = tpu.vector_load %arg6[%get3A_405, %get3A_406] {strides = array<i32>} : memref<8x1024xf32, #tpu.memory_space<vmem>>, vector<16xf32>,
          tpu.vector_store_idx %arg9[%add3A_403], %get3A_407 : memref<16384xf32, #tpu.memory_space<vmem>>[vector<16xi32>], vector<16xf32>,
          %add3A_408 = arith.constant 4 : i32
          %add3A_409 = vector.broadcast %add3A_408 : i32 to vector<16xi32>
          %add3A_410 = arith.addi %add3A_351, %add3A_409 : vector<16xi32>
          %get3A_411 = arith.constant 4 : i32
          %get3A_412 = arith.index_cast %get3A_411 : i32 to index
          %get3A_413 = arith.index_cast %add3A_347 : i32 to index
          %get3A_414 = tpu.vector_load %arg5[%get3A_412, %get3A_413] {strides = array<i32>} : memref<8x1024xf32, #tpu.memory_space<vmem>>, vector<16xf32>,
          tpu.vector_store_idx %arg9[%add3A_410], %get3A_414 : memref<16384xf32, #tpu.memory_space<vmem>>[vector<16xi32>], vector<16xf32>,
          %add3A_415 = arith.constant 12 : i32
          %add3A_416 = vector.broadcast %add3A_415 : i32 to vector<16xi32>
          %add3A_417 = arith.addi %add3A_351, %add3A_416 : vector<16xi32>
          %get3A_418 = arith.constant 4 : i32
          %get3A_419 = arith.index_cast %get3A_418 : i32 to index
          %get3A_420 = arith.index_cast %add3A_347 : i32 to index
          %get3A_421 = tpu.vector_load %arg6[%get3A_419, %get3A_420] {strides = array<i32>} : memref<8x1024xf32, #tpu.memory_space<vmem>>, vector<16xf32>,
          tpu.vector_store_idx %arg9[%add3A_417], %get3A_421 : memref<16384xf32, #tpu.memory_space<vmem>>[vector<16xi32>], vector<16xf32>,
          %add3A_422 = arith.constant 5 : i32
          %add3A_423 = vector.broadcast %add3A_422 : i32 to vector<16xi32>
          %add3A_424 = arith.addi %add3A_351, %add3A_423 : vector<16xi32>
          %get3A_425 = arith.constant 5 : i32
          %get3A_426 = arith.index_cast %get3A_425 : i32 to index
          %get3A_427 = arith.index_cast %add3A_347 : i32 to index
          %get3A_428 = tpu.vector_load %arg5[%get3A_426, %get3A_427] {strides = array<i32>} : memref<8x1024xf32, #tpu.memory_space<vmem>>, vector<16xf32>,
          tpu.vector_store_idx %arg9[%add3A_424], %get3A_428 : memref<16384xf32, #tpu.memory_space<vmem>>[vector<16xi32>], vector<16xf32>,
          %add3A_429 = arith.constant 13 : i32
          %add3A_430 = vector.broadcast %add3A_429 : i32 to vector<16xi32>
          %add3A_431 = arith.addi %add3A_351, %add3A_430 : vector<16xi32>
          %get3A_432 = arith.constant 5 : i32
          %get3A_433 = arith.index_cast %get3A_432 : i32 to index
          %get3A_434 = arith.index_cast %add3A_347 : i32 to index
          %get3A_435 = tpu.vector_load %arg6[%get3A_433, %get3A_434] {strides = array<i32>} : memref<8x1024xf32, #tpu.memory_space<vmem>>, vector<16xf32>,
          tpu.vector_store_idx %arg9[%add3A_431], %get3A_435 : memref<16384xf32, #tpu.memory_space<vmem>>[vector<16xi32>], vector<16xf32>,
          %add3A_436 = arith.constant 6 : i32
          %add3A_437 = vector.broadcast %add3A_436 : i32 to vector<16xi32>
          %add3A_438 = arith.addi %add3A_351, %add3A_437 : vector<16xi32>
          %get3A_439 = arith.constant 6 : i32
          %get3A_440 = arith.index_cast %get3A_439 : i32 to index
          %get3A_441 = arith.index_cast %add3A_347 : i32 to index
          %get3A_442 = tpu.vector_load %arg5[%get3A_440, %get3A_441] {strides = array<i32>} : memref<8x1024xf32, #tpu.memory_space<vmem>>, vector<16xf32>,
          tpu.vector_store_idx %arg9[%add3A_438], %get3A_442 : memref<16384xf32, #tpu.memory_space<vmem>>[vector<16xi32>], vector<16xf32>,
          %add3A_443 = arith.constant 14 : i32
          %add3A_444 = vector.broadcast %add3A_443 : i32 to vector<16xi32>
          %add3A_445 = arith.addi %add3A_351, %add3A_444 : vector<16xi32>
          %get3A_446 = arith.constant 6 : i32
          %get3A_447 = arith.index_cast %get3A_446 : i32 to index
          %get3A_448 = arith.index_cast %add3A_347 : i32 to index
          %get3A_449 = tpu.vector_load %arg6[%get3A_447, %get3A_448] {strides = array<i32>} : memref<8x1024xf32, #tpu.memory_space<vmem>>, vector<16xf32>,
          tpu.vector_store_idx %arg9[%add3A_445], %get3A_449 : memref<16384xf32, #tpu.memory_space<vmem>>[vector<16xi32>], vector<16xf32>,
          %add3A_450 = arith.constant 7 : i32
          %add3A_451 = vector.broadcast %add3A_450 : i32 to vector<16xi32>
          %add3A_452 = arith.addi %add3A_351, %add3A_451 : vector<16xi32>
          %get3A_453 = arith.constant 7 : i32
          %get3A_454 = arith.index_cast %get3A_453 : i32 to index
          %get3A_455 = arith.index_cast %add3A_347 : i32 to index
          %get3A_456 = tpu.vector_load %arg5[%get3A_454, %get3A_455] {strides = array<i32>} : memref<8x1024xf32, #tpu.memory_space<vmem>>, vector<16xf32>,
          tpu.vector_store_idx %arg9[%add3A_452], %get3A_456 : memref<16384xf32, #tpu.memory_space<vmem>>[vector<16xi32>], vector<16xf32>,
          %add3A_457 = arith.constant 15 : i32
          %add3A_458 = vector.broadcast %add3A_457 : i32 to vector<16xi32>
          %add3A_459 = arith.addi %add3A_351, %add3A_458 : vector<16xi32>
          %get3A_460 = arith.constant 7 : i32
          %get3A_461 = arith.index_cast %get3A_460 : i32 to index
          %get3A_462 = arith.index_cast %add3A_347 : i32 to index
          %get3A_463 = tpu.vector_load %arg6[%get3A_461, %get3A_462] {strides = array<i32>} : memref<8x1024xf32, #tpu.memory_space<vmem>>, vector<16xf32>,
          tpu.vector_store_idx %arg9[%add3A_459], %get3A_463 : memref<16384xf32, #tpu.memory_space<vmem>>[vector<16xi32>], vector<16xf32>,
          %add3A_464 = arith.constant 48 : i32
          %add3A_465 = arith.addi %mul3A_108, %add3A_464 : i32
          %add3A_466 = arith.constant 768 : i32
          %add3A_467 = arith.addi %mul3A_110, %add3A_466 : i32
          %add3A_468 = vector.broadcast %add3A_467 : i32 to vector<16xi32>
          %add3A_469 = arith.addi %add3A_468, %mul3A_3 : vector<16xi32>
          %add3A_470 = arith.constant 0 : i32
          %add3A_471 = vector.broadcast %add3A_470 : i32 to vector<16xi32>
          %add3A_472 = arith.addi %add3A_469, %add3A_471 : vector<16xi32>
          %get3A_473 = arith.constant 0 : i32
          %get3A_474 = arith.index_cast %get3A_473 : i32 to index
          %get3A_475 = arith.index_cast %add3A_465 : i32 to index
          %get3A_476 = tpu.vector_load %arg5[%get3A_474, %get3A_475] {strides = array<i32>} : memref<8x1024xf32, #tpu.memory_space<vmem>>, vector<16xf32>,
          tpu.vector_store_idx %arg9[%add3A_472], %get3A_476 : memref<16384xf32, #tpu.memory_space<vmem>>[vector<16xi32>], vector<16xf32>,
          %add3A_477 = arith.constant 8 : i32
          %add3A_478 = vector.broadcast %add3A_477 : i32 to vector<16xi32>
          %add3A_479 = arith.addi %add3A_469, %add3A_478 : vector<16xi32>
          %get3A_480 = arith.constant 0 : i32
          %get3A_481 = arith.index_cast %get3A_480 : i32 to index
          %get3A_482 = arith.index_cast %add3A_465 : i32 to index
          %get3A_483 = tpu.vector_load %arg6[%get3A_481, %get3A_482] {strides = array<i32>} : memref<8x1024xf32, #tpu.memory_space<vmem>>, vector<16xf32>,
          tpu.vector_store_idx %arg9[%add3A_479], %get3A_483 : memref<16384xf32, #tpu.memory_space<vmem>>[vector<16xi32>], vector<16xf32>,
          %add3A_484 = arith.constant 1 : i32
          %add3A_485 = vector.broadcast %add3A_484 : i32 to vector<16xi32>
          %add3A_486 = arith.addi %add3A_469, %add3A_485 : vector<16xi32>
          %get3A_487 = arith.constant 1 : i32
          %get3A_488 = arith.index_cast %get3A_487 : i32 to index
          %get3A_489 = arith.index_cast %add3A_465 : i32 to index
          %get3A_490 = tpu.vector_load %arg5[%get3A_488, %get3A_489] {strides = array<i32>} : memref<8x1024xf32, #tpu.memory_space<vmem>>, vector<16xf32>,
          tpu.vector_store_idx %arg9[%add3A_486], %get3A_490 : memref<16384xf32, #tpu.memory_space<vmem>>[vector<16xi32>], vector<16xf32>,
          %add3A_491 = arith.constant 9 : i32
          %add3A_492 = vector.broadcast %add3A_491 : i32 to vector<16xi32>
          %add3A_493 = arith.addi %add3A_469, %add3A_492 : vector<16xi32>
          %get3A_494 = arith.constant 1 : i32
          %get3A_495 = arith.index_cast %get3A_494 : i32 to index
          %get3A_496 = arith.index_cast %add3A_465 : i32 to index
          %get3A_497 = tpu.vector_load %arg6[%get3A_495, %get3A_496] {strides = array<i32>} : memref<8x1024xf32, #tpu.memory_space<vmem>>, vector<16xf32>,
          tpu.vector_store_idx %arg9[%add3A_493], %get3A_497 : memref<16384xf32, #tpu.memory_space<vmem>>[vector<16xi32>], vector<16xf32>,
          %add3A_498 = arith.constant 2 : i32
          %add3A_499 = vector.broadcast %add3A_498 : i32 to vector<16xi32>
          %add3A_500 = arith.addi %add3A_469, %add3A_499 : vector<16xi32>
          %get3A_501 = arith.constant 2 : i32
          %get3A_502 = arith.index_cast %get3A_501 : i32 to index
          %get3A_503 = arith.index_cast %add3A_465 : i32 to index
          %get3A_504 = tpu.vector_load %arg5[%get3A_502, %get3A_503] {strides = array<i32>} : memref<8x1024xf32, #tpu.memory_space<vmem>>, vector<16xf32>,
          tpu.vector_store_idx %arg9[%add3A_500], %get3A_504 : memref<16384xf32, #tpu.memory_space<vmem>>[vector<16xi32>], vector<16xf32>,
          %add3A_505 = arith.constant 10 : i32
          %add3A_506 = vector.broadcast %add3A_505 : i32 to vector<16xi32>
          %add3A_507 = arith.addi %add3A_469, %add3A_506 : vector<16xi32>
          %get3A_508 = arith.constant 2 : i32
          %get3A_509 = arith.index_cast %get3A_508 : i32 to index
          %get3A_510 = arith.index_cast %add3A_465 : i32 to index
          %get3A_511 = tpu.vector_load %arg6[%get3A_509, %get3A_510] {strides = array<i32>} : memref<8x1024xf32, #tpu.memory_space<vmem>>, vector<16xf32>,
          tpu.vector_store_idx %arg9[%add3A_507], %get3A_511 : memref<16384xf32, #tpu.memory_space<vmem>>[vector<16xi32>], vector<16xf32>,
          %add3A_512 = arith.constant 3 : i32
          %add3A_513 = vector.broadcast %add3A_512 : i32 to vector<16xi32>
          %add3A_514 = arith.addi %add3A_469, %add3A_513 : vector<16xi32>
          %get3A_515 = arith.constant 3 : i32
          %get3A_516 = arith.index_cast %get3A_515 : i32 to index
          %get3A_517 = arith.index_cast %add3A_465 : i32 to index
          %get3A_518 = tpu.vector_load %arg5[%get3A_516, %get3A_517] {strides = array<i32>} : memref<8x1024xf32, #tpu.memory_space<vmem>>, vector<16xf32>,
          tpu.vector_store_idx %arg9[%add3A_514], %get3A_518 : memref<16384xf32, #tpu.memory_space<vmem>>[vector<16xi32>], vector<16xf32>,
          %add3A_519 = arith.constant 11 : i32
          %add3A_520 = vector.broadcast %add3A_519 : i32 to vector<16xi32>
          %add3A_521 = arith.addi %add3A_469, %add3A_520 : vector<16xi32>
          %get3A_522 = arith.constant 3 : i32
          %get3A_523 = arith.index_cast %get3A_522 : i32 to index
          %get3A_524 = arith.index_cast %add3A_465 : i32 to index
          %get3A_525 = tpu.vector_load %arg6[%get3A_523, %get3A_524] {strides = array<i32>} : memref<8x1024xf32, #tpu.memory_space<vmem>>, vector<16xf32>,
          tpu.vector_store_idx %arg9[%add3A_521], %get3A_525 : memref<16384xf32, #tpu.memory_space<vmem>>[vector<16xi32>], vector<16xf32>,
          %add3A_526 = arith.constant 4 : i32
          %add3A_527 = vector.broadcast %add3A_526 : i32 to vector<16xi32>
          %add3A_528 = arith.addi %add3A_469, %add3A_527 : vector<16xi32>
          %get3A_529 = arith.constant 4 : i32
          %get3A_530 = arith.index_cast %get3A_529 : i32 to index
          %get3A_531 = arith.index_cast %add3A_465 : i32 to index
          %get3A_532 = tpu.vector_load %arg5[%get3A_530, %get3A_531] {strides = array<i32>} : memref<8x1024xf32, #tpu.memory_space<vmem>>, vector<16xf32>,
          tpu.vector_store_idx %arg9[%add3A_528], %get3A_532 : memref<16384xf32, #tpu.memory_space<vmem>>[vector<16xi32>], vector<16xf32>,
          %add3A_533 = arith.constant 12 : i32
          %add3A_534 = vector.broadcast %add3A_533 : i32 to vector<16xi32>
          %add3A_535 = arith.addi %add3A_469, %add3A_534 : vector<16xi32>
          %get3A_536 = arith.constant 4 : i32
          %get3A_537 = arith.index_cast %get3A_536 : i32 to index
          %get3A_538 = arith.index_cast %add3A_465 : i32 to index
          %get3A_539 = tpu.vector_load %arg6[%get3A_537, %get3A_538] {strides = array<i32>} : memref<8x1024xf32, #tpu.memory_space<vmem>>, vector<16xf32>,
          tpu.vector_store_idx %arg9[%add3A_535], %get3A_539 : memref<16384xf32, #tpu.memory_space<vmem>>[vector<16xi32>], vector<16xf32>,
          %add3A_540 = arith.constant 5 : i32
          %add3A_541 = vector.broadcast %add3A_540 : i32 to vector<16xi32>
          %add3A_542 = arith.addi %add3A_469, %add3A_541 : vector<16xi32>
          %get3A_543 = arith.constant 5 : i32
          %get3A_544 = arith.index_cast %get3A_543 : i32 to index
          %get3A_545 = arith.index_cast %add3A_465 : i32 to index
          %get3A_546 = tpu.vector_load %arg5[%get3A_544, %get3A_545] {strides = array<i32>} : memref<8x1024xf32, #tpu.memory_space<vmem>>, vector<16xf32>,
          tpu.vector_store_idx %arg9[%add3A_542], %get3A_546 : memref<16384xf32, #tpu.memory_space<vmem>>[vector<16xi32>], vector<16xf32>,
          %add3A_547 = arith.constant 13 : i32
          %add3A_548 = vector.broadcast %add3A_547 : i32 to vector<16xi32>
          %add3A_549 = arith.addi %add3A_469, %add3A_548 : vector<16xi32>
          %get3A_550 = arith.constant 5 : i32
          %get3A_551 = arith.index_cast %get3A_550 : i32 to index
          %get3A_552 = arith.index_cast %add3A_465 : i32 to index
          %get3A_553 = tpu.vector_load %arg6[%get3A_551, %get3A_552] {strides = array<i32>} : memref<8x1024xf32, #tpu.memory_space<vmem>>, vector<16xf32>,
          tpu.vector_store_idx %arg9[%add3A_549], %get3A_553 : memref<16384xf32, #tpu.memory_space<vmem>>[vector<16xi32>], vector<16xf32>,
          %add3A_554 = arith.constant 6 : i32
          %add3A_555 = vector.broadcast %add3A_554 : i32 to vector<16xi32>
          %add3A_556 = arith.addi %add3A_469, %add3A_555 : vector<16xi32>
          %get3A_557 = arith.constant 6 : i32
          %get3A_558 = arith.index_cast %get3A_557 : i32 to index
          %get3A_559 = arith.index_cast %add3A_465 : i32 to index
          %get3A_560 = tpu.vector_load %arg5[%get3A_558, %get3A_559] {strides = array<i32>} : memref<8x1024xf32, #tpu.memory_space<vmem>>, vector<16xf32>,
          tpu.vector_store_idx %arg9[%add3A_556], %get3A_560 : memref<16384xf32, #tpu.memory_space<vmem>>[vector<16xi32>], vector<16xf32>,
          %add3A_561 = arith.constant 14 : i32
          %add3A_562 = vector.broadcast %add3A_561 : i32 to vector<16xi32>
          %add3A_563 = arith.addi %add3A_469, %add3A_562 : vector<16xi32>
          %get3A_564 = arith.constant 6 : i32
          %get3A_565 = arith.index_cast %get3A_564 : i32 to index
          %get3A_566 = arith.index_cast %add3A_465 : i32 to index
          %get3A_567 = tpu.vector_load %arg6[%get3A_565, %get3A_566] {strides = array<i32>} : memref<8x1024xf32, #tpu.memory_space<vmem>>, vector<16xf32>,
          tpu.vector_store_idx %arg9[%add3A_563], %get3A_567 : memref<16384xf32, #tpu.memory_space<vmem>>[vector<16xi32>], vector<16xf32>,
          %add3A_568 = arith.constant 7 : i32
          %add3A_569 = vector.broadcast %add3A_568 : i32 to vector<16xi32>
          %add3A_570 = arith.addi %add3A_469, %add3A_569 : vector<16xi32>
          %get3A_571 = arith.constant 7 : i32
          %get3A_572 = arith.index_cast %get3A_571 : i32 to index
          %get3A_573 = arith.index_cast %add3A_465 : i32 to index
          %get3A_574 = tpu.vector_load %arg5[%get3A_572, %get3A_573] {strides = array<i32>} : memref<8x1024xf32, #tpu.memory_space<vmem>>, vector<16xf32>,
          tpu.vector_store_idx %arg9[%add3A_570], %get3A_574 : memref<16384xf32, #tpu.memory_space<vmem>>[vector<16xi32>], vector<16xf32>,
          %add3A_575 = arith.constant 15 : i32
          %add3A_576 = vector.broadcast %add3A_575 : i32 to vector<16xi32>
          %add3A_577 = arith.addi %add3A_469, %add3A_576 : vector<16xi32>
          %get3A_578 = arith.constant 7 : i32
          %get3A_579 = arith.index_cast %get3A_578 : i32 to index
          %get3A_580 = arith.index_cast %add3A_465 : i32 to index
          %get3A_581 = tpu.vector_load %arg6[%get3A_579, %get3A_580] {strides = array<i32>} : memref<8x1024xf32, #tpu.memory_space<vmem>>, vector<16xf32>,
          tpu.vector_store_idx %arg9[%add3A_577], %get3A_581 : memref<16384xf32, #tpu.memory_space<vmem>>[vector<16xi32>], vector<16xf32>,
          %add3A_582 = arith.constant 64 : i32
          %add3A_583 = arith.addi %mul3A_108, %add3A_582 : i32
          %add3A_584 = arith.constant 1024 : i32
          %add3A_585 = arith.addi %mul3A_110, %add3A_584 : i32
          %add3A_586 = vector.broadcast %add3A_585 : i32 to vector<16xi32>
          %add3A_587 = arith.addi %add3A_586, %mul3A_3 : vector<16xi32>
          %add3A_588 = arith.constant 0 : i32
          %add3A_589 = vector.broadcast %add3A_588 : i32 to vector<16xi32>
          %add3A_590 = arith.addi %add3A_587, %add3A_589 : vector<16xi32>
          %get3A_591 = arith.constant 0 : i32
          %get3A_592 = arith.index_cast %get3A_591 : i32 to index
          %get3A_593 = arith.index_cast %add3A_583 : i32 to index
          %get3A_594 = tpu.vector_load %arg5[%get3A_592, %get3A_593] {strides = array<i32>} : memref<8x1024xf32, #tpu.memory_space<vmem>>, vector<16xf32>,
          tpu.vector_store_idx %arg9[%add3A_590], %get3A_594 : memref<16384xf32, #tpu.memory_space<vmem>>[vector<16xi32>], vector<16xf32>,
          %add3A_595 = arith.constant 8 : i32
          %add3A_596 = vector.broadcast %add3A_595 : i32 to vector<16xi32>
          %add3A_597 = arith.addi %add3A_587, %add3A_596 : vector<16xi32>
          %get3A_598 = arith.constant 0 : i32
          %get3A_599 = arith.index_cast %get3A_598 : i32 to index
          %get3A_600 = arith.index_cast %add3A_583 : i32 to index
          %get3A_601 = tpu.vector_load %arg6[%get3A_599, %get3A_600] {strides = array<i32>} : memref<8x1024xf32, #tpu.memory_space<vmem>>, vector<16xf32>,
          tpu.vector_store_idx %arg9[%add3A_597], %get3A_601 : memref<16384xf32, #tpu.memory_space<vmem>>[vector<16xi32>], vector<16xf32>,
          %add3A_602 = arith.constant 1 : i32
          %add3A_603 = vector.broadcast %add3A_602 : i32 to vector<16xi32>
          %add3A_604 = arith.addi %add3A_587, %add3A_603 : vector<16xi32>
          %get3A_605 = arith.constant 1 : i32
          %get3A_606 = arith.index_cast %get3A_605 : i32 to index
          %get3A_607 = arith.index_cast %add3A_583 : i32 to index
          %get3A_608 = tpu.vector_load %arg5[%get3A_606, %get3A_607] {strides = array<i32>} : memref<8x1024xf32, #tpu.memory_space<vmem>>, vector<16xf32>,
          tpu.vector_store_idx %arg9[%add3A_604], %get3A_608 : memref<16384xf32, #tpu.memory_space<vmem>>[vector<16xi32>], vector<16xf32>,
          %add3A_609 = arith.constant 9 : i32
          %add3A_610 = vector.broadcast %add3A_609 : i32 to vector<16xi32>
          %add3A_611 = arith.addi %add3A_587, %add3A_610 : vector<16xi32>
          %get3A_612 = arith.constant 1 : i32
          %get3A_613 = arith.index_cast %get3A_612 : i32 to index
          %get3A_614 = arith.index_cast %add3A_583 : i32 to index
          %get3A_615 = tpu.vector_load %arg6[%get3A_613, %get3A_614] {strides = array<i32>} : memref<8x1024xf32, #tpu.memory_space<vmem>>, vector<16xf32>,
          tpu.vector_store_idx %arg9[%add3A_611], %get3A_615 : memref<16384xf32, #tpu.memory_space<vmem>>[vector<16xi32>], vector<16xf32>,
          %add3A_616 = arith.constant 2 : i32
          %add3A_617 = vector.broadcast %add3A_616 : i32 to vector<16xi32>
          %add3A_618 = arith.addi %add3A_587, %add3A_617 : vector<16xi32>
          %get3A_619 = arith.constant 2 : i32
          %get3A_620 = arith.index_cast %get3A_619 : i32 to index
          %get3A_621 = arith.index_cast %add3A_583 : i32 to index
          %get3A_622 = tpu.vector_load %arg5[%get3A_620, %get3A_621] {strides = array<i32>} : memref<8x1024xf32, #tpu.memory_space<vmem>>, vector<16xf32>,
          tpu.vector_store_idx %arg9[%add3A_618], %get3A_622 : memref<16384xf32, #tpu.memory_space<vmem>>[vector<16xi32>], vector<16xf32>,
          %add3A_623 = arith.constant 10 : i32
          %add3A_624 = vector.broadcast %add3A_623 : i32 to vector<16xi32>
          %add3A_625 = arith.addi %add3A_587, %add3A_624 : vector<16xi32>
          %get3A_626 = arith.constant 2 : i32
          %get3A_627 = arith.index_cast %get3A_626 : i32 to index
          %get3A_628 = arith.index_cast %add3A_583 : i32 to index
          %get3A_629 = tpu.vector_load %arg6[%get3A_627, %get3A_628] {strides = array<i32>} : memref<8x1024xf32, #tpu.memory_space<vmem>>, vector<16xf32>,
          tpu.vector_store_idx %arg9[%add3A_625], %get3A_629 : memref<16384xf32, #tpu.memory_space<vmem>>[vector<16xi32>], vector<16xf32>,
          %add3A_630 = arith.constant 3 : i32
          %add3A_631 = vector.broadcast %add3A_630 : i32 to vector<16xi32>
          %add3A_632 = arith.addi %add3A_587, %add3A_631 : vector<16xi32>
          %get3A_633 = arith.constant 3 : i32
          %get3A_634 = arith.index_cast %get3A_633 : i32 to index
          %get3A_635 = arith.index_cast %add3A_583 : i32 to index
          %get3A_636 = tpu.vector_load %arg5[%get3A_634, %get3A_635] {strides = array<i32>} : memref<8x1024xf32, #tpu.memory_space<vmem>>, vector<16xf32>,
          tpu.vector_store_idx %arg9[%add3A_632], %get3A_636 : memref<16384xf32, #tpu.memory_space<vmem>>[vector<16xi32>], vector<16xf32>,
          %add3A_637 = arith.constant 11 : i32
          %add3A_638 = vector.broadcast %add3A_637 : i32 to vector<16xi32>
          %add3A_639 = arith.addi %add3A_587, %add3A_638 : vector<16xi32>
          %get3A_640 = arith.constant 3 : i32
          %get3A_641 = arith.index_cast %get3A_640 : i32 to index
          %get3A_642 = arith.index_cast %add3A_583 : i32 to index
          %get3A_643 = tpu.vector_load %arg6[%get3A_641, %get3A_642] {strides = array<i32>} : memref<8x1024xf32, #tpu.memory_space<vmem>>, vector<16xf32>,
          tpu.vector_store_idx %arg9[%add3A_639], %get3A_643 : memref<16384xf32, #tpu.memory_space<vmem>>[vector<16xi32>], vector<16xf32>,
          %add3A_644 = arith.constant 4 : i32
          %add3A_645 = vector.broadcast %add3A_644 : i32 to vector<16xi32>
          %add3A_646 = arith.addi %add3A_587, %add3A_645 : vector<16xi32>
          %get3A_647 = arith.constant 4 : i32
          %get3A_648 = arith.index_cast %get3A_647 : i32 to index
          %get3A_649 = arith.index_cast %add3A_583 : i32 to index
          %get3A_650 = tpu.vector_load %arg5[%get3A_648, %get3A_649] {strides = array<i32>} : memref<8x1024xf32, #tpu.memory_space<vmem>>, vector<16xf32>,
          tpu.vector_store_idx %arg9[%add3A_646], %get3A_650 : memref<16384xf32, #tpu.memory_space<vmem>>[vector<16xi32>], vector<16xf32>,
          %add3A_651 = arith.constant 12 : i32
          %add3A_652 = vector.broadcast %add3A_651 : i32 to vector<16xi32>
          %add3A_653 = arith.addi %add3A_587, %add3A_652 : vector<16xi32>
          %get3A_654 = arith.constant 4 : i32
          %get3A_655 = arith.index_cast %get3A_654 : i32 to index
          %get3A_656 = arith.index_cast %add3A_583 : i32 to index
          %get3A_657 = tpu.vector_load %arg6[%get3A_655, %get3A_656] {strides = array<i32>} : memref<8x1024xf32, #tpu.memory_space<vmem>>, vector<16xf32>,
          tpu.vector_store_idx %arg9[%add3A_653], %get3A_657 : memref<16384xf32, #tpu.memory_space<vmem>>[vector<16xi32>], vector<16xf32>,
          %add3A_658 = arith.constant 5 : i32
          %add3A_659 = vector.broadcast %add3A_658 : i32 to vector<16xi32>
          %add3A_660 = arith.addi %add3A_587, %add3A_659 : vector<16xi32>
          %get3A_661 = arith.constant 5 : i32
          %get3A_662 = arith.index_cast %get3A_661 : i32 to index
          %get3A_663 = arith.index_cast %add3A_583 : i32 to index
          %get3A_664 = tpu.vector_load %arg5[%get3A_662, %get3A_663] {strides = array<i32>} : memref<8x1024xf32, #tpu.memory_space<vmem>>, vector<16xf32>,
          tpu.vector_store_idx %arg9[%add3A_660], %get3A_664 : memref<16384xf32, #tpu.memory_space<vmem>>[vector<16xi32>], vector<16xf32>,
          %add3A_665 = arith.constant 13 : i32
          %add3A_666 = vector.broadcast %add3A_665 : i32 to vector<16xi32>
          %add3A_667 = arith.addi %add3A_587, %add3A_666 : vector<16xi32>
          %get3A_668 = arith.constant 5 : i32
          %get3A_669 = arith.index_cast %get3A_668 : i32 to index
          %get3A_670 = arith.index_cast %add3A_583 : i32 to index
          %get3A_671 = tpu.vector_load %arg6[%get3A_669, %get3A_670] {strides = array<i32>} : memref<8x1024xf32, #tpu.memory_space<vmem>>, vector<16xf32>,
          tpu.vector_store_idx %arg9[%add3A_667], %get3A_671 : memref<16384xf32, #tpu.memory_space<vmem>>[vector<16xi32>], vector<16xf32>,
          %add3A_672 = arith.constant 6 : i32
          %add3A_673 = vector.broadcast %add3A_672 : i32 to vector<16xi32>
          %add3A_674 = arith.addi %add3A_587, %add3A_673 : vector<16xi32>
          %get3A_675 = arith.constant 6 : i32
          %get3A_676 = arith.index_cast %get3A_675 : i32 to index
          %get3A_677 = arith.index_cast %add3A_583 : i32 to index
          %get3A_678 = tpu.vector_load %arg5[%get3A_676, %get3A_677] {strides = array<i32>} : memref<8x1024xf32, #tpu.memory_space<vmem>>, vector<16xf32>,
          tpu.vector_store_idx %arg9[%add3A_674], %get3A_678 : memref<16384xf32, #tpu.memory_space<vmem>>[vector<16xi32>], vector<16xf32>,
          %add3A_679 = arith.constant 14 : i32
          %add3A_680 = vector.broadcast %add3A_679 : i32 to vector<16xi32>
          %add3A_681 = arith.addi %add3A_587, %add3A_680 : vector<16xi32>
          %get3A_682 = arith.constant 6 : i32
          %get3A_683 = arith.index_cast %get3A_682 : i32 to index
          %get3A_684 = arith.index_cast %add3A_583 : i32 to index
          %get3A_685 = tpu.vector_load %arg6[%get3A_683, %get3A_684] {strides = array<i32>} : memref<8x1024xf32, #tpu.memory_space<vmem>>, vector<16xf32>,
          tpu.vector_store_idx %arg9[%add3A_681], %get3A_685 : memref<16384xf32, #tpu.memory_space<vmem>>[vector<16xi32>], vector<16xf32>,
          %add3A_686 = arith.constant 7 : i32
          %add3A_687 = vector.broadcast %add3A_686 : i32 to vector<16xi32>
          %add3A_688 = arith.addi %add3A_587, %add3A_687 : vector<16xi32>
          %get3A_689 = arith.constant 7 : i32
          %get3A_690 = arith.index_cast %get3A_689 : i32 to index
          %get3A_691 = arith.index_cast %add3A_583 : i32 to index
          %get3A_692 = tpu.vector_load %arg5[%get3A_690, %get3A_691] {strides = array<i32>} : memref<8x1024xf32, #tpu.memory_space<vmem>>, vector<16xf32>,
          tpu.vector_store_idx %arg9[%add3A_688], %get3A_692 : memref<16384xf32, #tpu.memory_space<vmem>>[vector<16xi32>], vector<16xf32>,
          %add3A_693 = arith.constant 15 : i32
          %add3A_694 = vector.broadcast %add3A_693 : i32 to vector<16xi32>
          %add3A_695 = arith.addi %add3A_587, %add3A_694 : vector<16xi32>
          %get3A_696 = arith.constant 7 : i32
          %get3A_697 = arith.index_cast %get3A_696 : i32 to index
          %get3A_698 = arith.index_cast %add3A_583 : i32 to index
          %get3A_699 = tpu.vector_load %arg6[%get3A_697, %get3A_698] {strides = array<i32>} : memref<8x1024xf32, #tpu.memory_space<vmem>>, vector<16xf32>,
          tpu.vector_store_idx %arg9[%add3A_695], %get3A_699 : memref<16384xf32, #tpu.memory_space<vmem>>[vector<16xi32>], vector<16xf32>,
          %add3A_700 = arith.constant 80 : i32
          %add3A_701 = arith.addi %mul3A_108, %add3A_700 : i32
          %add3A_702 = arith.constant 1280 : i32
          %add3A_703 = arith.addi %mul3A_110, %add3A_702 : i32
          %add3A_704 = vector.broadcast %add3A_703 : i32 to vector<16xi32>
          %add3A_705 = arith.addi %add3A_704, %mul3A_3 : vector<16xi32>
          %add3A_706 = arith.constant 0 : i32
          %add3A_707 = vector.broadcast %add3A_706 : i32 to vector<16xi32>
          %add3A_708 = arith.addi %add3A_705, %add3A_707 : vector<16xi32>
          %get3A_709 = arith.constant 0 : i32
          %get3A_710 = arith.index_cast %get3A_709 : i32 to index
          %get3A_711 = arith.index_cast %add3A_701 : i32 to index
          %get3A_712 = tpu.vector_load %arg5[%get3A_710, %get3A_711] {strides = array<i32>} : memref<8x1024xf32, #tpu.memory_space<vmem>>, vector<16xf32>,
          tpu.vector_store_idx %arg9[%add3A_708], %get3A_712 : memref<16384xf32, #tpu.memory_space<vmem>>[vector<16xi32>], vector<16xf32>,
          %add3A_713 = arith.constant 8 : i32
          %add3A_714 = vector.broadcast %add3A_713 : i32 to vector<16xi32>
          %add3A_715 = arith.addi %add3A_705, %add3A_714 : vector<16xi32>
          %get3A_716 = arith.constant 0 : i32
          %get3A_717 = arith.index_cast %get3A_716 : i32 to index
          %get3A_718 = arith.index_cast %add3A_701 : i32 to index
          %get3A_719 = tpu.vector_load %arg6[%get3A_717, %get3A_718] {strides = array<i32>} : memref<8x1024xf32, #tpu.memory_space<vmem>>, vector<16xf32>,
          tpu.vector_store_idx %arg9[%add3A_715], %get3A_719 : memref<16384xf32, #tpu.memory_space<vmem>>[vector<16xi32>], vector<16xf32>,
          %add3A_720 = arith.constant 1 : i32
          %add3A_721 = vector.broadcast %add3A_720 : i32 to vector<16xi32>
          %add3A_722 = arith.addi %add3A_705, %add3A_721 : vector<16xi32>
          %get3A_723 = arith.constant 1 : i32
          %get3A_724 = arith.index_cast %get3A_723 : i32 to index
          %get3A_725 = arith.index_cast %add3A_701 : i32 to index
          %get3A_726 = tpu.vector_load %arg5[%get3A_724, %get3A_725] {strides = array<i32>} : memref<8x1024xf32, #tpu.memory_space<vmem>>, vector<16xf32>,
          tpu.vector_store_idx %arg9[%add3A_722], %get3A_726 : memref<16384xf32, #tpu.memory_space<vmem>>[vector<16xi32>], vector<16xf32>,
          %add3A_727 = arith.constant 9 : i32
          %add3A_728 = vector.broadcast %add3A_727 : i32 to vector<16xi32>
          %add3A_729 = arith.addi %add3A_705, %add3A_728 : vector<16xi32>
          %get3A_730 = arith.constant 1 : i32
          %get3A_731 = arith.index_cast %get3A_730 : i32 to index
          %get3A_732 = arith.index_cast %add3A_701 : i32 to index
          %get3A_733 = tpu.vector_load %arg6[%get3A_731, %get3A_732] {strides = array<i32>} : memref<8x1024xf32, #tpu.memory_space<vmem>>, vector<16xf32>,
          tpu.vector_store_idx %arg9[%add3A_729], %get3A_733 : memref<16384xf32, #tpu.memory_space<vmem>>[vector<16xi32>], vector<16xf32>,
          %add3A_734 = arith.constant 2 : i32
          %add3A_735 = vector.broadcast %add3A_734 : i32 to vector<16xi32>
          %add3A_736 = arith.addi %add3A_705, %add3A_735 : vector<16xi32>
          %get3A_737 = arith.constant 2 : i32
          %get3A_738 = arith.index_cast %get3A_737 : i32 to index
          %get3A_739 = arith.index_cast %add3A_701 : i32 to index
          %get3A_740 = tpu.vector_load %arg5[%get3A_738, %get3A_739] {strides = array<i32>} : memref<8x1024xf32, #tpu.memory_space<vmem>>, vector<16xf32>,
          tpu.vector_store_idx %arg9[%add3A_736], %get3A_740 : memref<16384xf32, #tpu.memory_space<vmem>>[vector<16xi32>], vector<16xf32>,
          %add3A_741 = arith.constant 10 : i32
          %add3A_742 = vector.broadcast %add3A_741 : i32 to vector<16xi32>
          %add3A_743 = arith.addi %add3A_705, %add3A_742 : vector<16xi32>
          %get3A_744 = arith.constant 2 : i32
          %get3A_745 = arith.index_cast %get3A_744 : i32 to index
          %get3A_746 = arith.index_cast %add3A_701 : i32 to index
          %get3A_747 = tpu.vector_load %arg6[%get3A_745, %get3A_746] {strides = array<i32>} : memref<8x1024xf32, #tpu.memory_space<vmem>>, vector<16xf32>,
          tpu.vector_store_idx %arg9[%add3A_743], %get3A_747 : memref<16384xf32, #tpu.memory_space<vmem>>[vector<16xi32>], vector<16xf32>,
          %add3A_748 = arith.constant 3 : i32
          %add3A_749 = vector.broadcast %add3A_748 : i32 to vector<16xi32>
          %add3A_750 = arith.addi %add3A_705, %add3A_749 : vector<16xi32>
          %get3A_751 = arith.constant 3 : i32
          %get3A_752 = arith.index_cast %get3A_751 : i32 to index
          %get3A_753 = arith.index_cast %add3A_701 : i32 to index
          %get3A_754 = tpu.vector_load %arg5[%get3A_752, %get3A_753] {strides = array<i32>} : memref<8x1024xf32, #tpu.memory_space<vmem>>, vector<16xf32>,
          tpu.vector_store_idx %arg9[%add3A_750], %get3A_754 : memref<16384xf32, #tpu.memory_space<vmem>>[vector<16xi32>], vector<16xf32>,
          %add3A_755 = arith.constant 11 : i32
          %add3A_756 = vector.broadcast %add3A_755 : i32 to vector<16xi32>
          %add3A_757 = arith.addi %add3A_705, %add3A_756 : vector<16xi32>
          %get3A_758 = arith.constant 3 : i32
          %get3A_759 = arith.index_cast %get3A_758 : i32 to index
          %get3A_760 = arith.index_cast %add3A_701 : i32 to index
          %get3A_761 = tpu.vector_load %arg6[%get3A_759, %get3A_760] {strides = array<i32>} : memref<8x1024xf32, #tpu.memory_space<vmem>>, vector<16xf32>,
          tpu.vector_store_idx %arg9[%add3A_757], %get3A_761 : memref<16384xf32, #tpu.memory_space<vmem>>[vector<16xi32>], vector<16xf32>,
          %add3A_762 = arith.constant 4 : i32
          %add3A_763 = vector.broadcast %add3A_762 : i32 to vector<16xi32>
          %add3A_764 = arith.addi %add3A_705, %add3A_763 : vector<16xi32>
          %get3A_765 = arith.constant 4 : i32
          %get3A_766 = arith.index_cast %get3A_765 : i32 to index
          %get3A_767 = arith.index_cast %add3A_701 : i32 to index
          %get3A_768 = tpu.vector_load %arg5[%get3A_766, %get3A_767] {strides = array<i32>} : memref<8x1024xf32, #tpu.memory_space<vmem>>, vector<16xf32>,
          tpu.vector_store_idx %arg9[%add3A_764], %get3A_768 : memref<16384xf32, #tpu.memory_space<vmem>>[vector<16xi32>], vector<16xf32>,
          %add3A_769 = arith.constant 12 : i32
          %add3A_770 = vector.broadcast %add3A_769 : i32 to vector<16xi32>
          %add3A_771 = arith.addi %add3A_705, %add3A_770 : vector<16xi32>
          %get3A_772 = arith.constant 4 : i32
          %get3A_773 = arith.index_cast %get3A_772 : i32 to index
          %get3A_774 = arith.index_cast %add3A_701 : i32 to index
          %get3A_775 = tpu.vector_load %arg6[%get3A_773, %get3A_774] {strides = array<i32>} : memref<8x1024xf32, #tpu.memory_space<vmem>>, vector<16xf32>,
          tpu.vector_store_idx %arg9[%add3A_771], %get3A_775 : memref<16384xf32, #tpu.memory_space<vmem>>[vector<16xi32>], vector<16xf32>,
          %add3A_776 = arith.constant 5 : i32
          %add3A_777 = vector.broadcast %add3A_776 : i32 to vector<16xi32>
          %add3A_778 = arith.addi %add3A_705, %add3A_777 : vector<16xi32>
          %get3A_779 = arith.constant 5 : i32
          %get3A_780 = arith.index_cast %get3A_779 : i32 to index
          %get3A_781 = arith.index_cast %add3A_701 : i32 to index
          %get3A_782 = tpu.vector_load %arg5[%get3A_780, %get3A_781] {strides = array<i32>} : memref<8x1024xf32, #tpu.memory_space<vmem>>, vector<16xf32>,
          tpu.vector_store_idx %arg9[%add3A_778], %get3A_782 : memref<16384xf32, #tpu.memory_space<vmem>>[vector<16xi32>], vector<16xf32>,
          %add3A_783 = arith.constant 13 : i32
          %add3A_784 = vector.broadcast %add3A_783 : i32 to vector<16xi32>
          %add3A_785 = arith.addi %add3A_705, %add3A_784 : vector<16xi32>
          %get3A_786 = arith.constant 5 : i32
          %get3A_787 = arith.index_cast %get3A_786 : i32 to index
          %get3A_788 = arith.index_cast %add3A_701 : i32 to index
          %get3A_789 = tpu.vector_load %arg6[%get3A_787, %get3A_788] {strides = array<i32>} : memref<8x1024xf32, #tpu.memory_space<vmem>>, vector<16xf32>,
          tpu.vector_store_idx %arg9[%add3A_785], %get3A_789 : memref<16384xf32, #tpu.memory_space<vmem>>[vector<16xi32>], vector<16xf32>,
          %add3A_790 = arith.constant 6 : i32
          %add3A_791 = vector.broadcast %add3A_790 : i32 to vector<16xi32>
          %add3A_792 = arith.addi %add3A_705, %add3A_791 : vector<16xi32>
          %get3A_793 = arith.constant 6 : i32
          %get3A_794 = arith.index_cast %get3A_793 : i32 to index
          %get3A_795 = arith.index_cast %add3A_701 : i32 to index
          %get3A_796 = tpu.vector_load %arg5[%get3A_794, %get3A_795] {strides = array<i32>} : memref<8x1024xf32, #tpu.memory_space<vmem>>, vector<16xf32>,
          tpu.vector_store_idx %arg9[%add3A_792], %get3A_796 : memref<16384xf32, #tpu.memory_space<vmem>>[vector<16xi32>], vector<16xf32>,
          %add3A_797 = arith.constant 14 : i32
          %add3A_798 = vector.broadcast %add3A_797 : i32 to vector<16xi32>
          %add3A_799 = arith.addi %add3A_705, %add3A_798 : vector<16xi32>
          %get3A_800 = arith.constant 6 : i32
          %get3A_801 = arith.index_cast %get3A_800 : i32 to index
          %get3A_802 = arith.index_cast %add3A_701 : i32 to index
          %get3A_803 = tpu.vector_load %arg6[%get3A_801, %get3A_802] {strides = array<i32>} : memref<8x1024xf32, #tpu.memory_space<vmem>>, vector<16xf32>,
          tpu.vector_store_idx %arg9[%add3A_799], %get3A_803 : memref<16384xf32, #tpu.memory_space<vmem>>[vector<16xi32>], vector<16xf32>,
          %add3A_804 = arith.constant 7 : i32
          %add3A_805 = vector.broadcast %add3A_804 : i32 to vector<16xi32>
          %add3A_806 = arith.addi %add3A_705, %add3A_805 : vector<16xi32>
          %get3A_807 = arith.constant 7 : i32
          %get3A_808 = arith.index_cast %get3A_807 : i32 to index
          %get3A_809 = arith.index_cast %add3A_701 : i32 to index
          %get3A_810 = tpu.vector_load %arg5[%get3A_808, %get3A_809] {strides = array<i32>} : memref<8x1024xf32, #tpu.memory_space<vmem>>, vector<16xf32>,
          tpu.vector_store_idx %arg9[%add3A_806], %get3A_810 : memref<16384xf32, #tpu.memory_space<vmem>>[vector<16xi32>], vector<16xf32>,
          %add3A_811 = arith.constant 15 : i32
          %add3A_812 = vector.broadcast %add3A_811 : i32 to vector<16xi32>
          %add3A_813 = arith.addi %add3A_705, %add3A_812 : vector<16xi32>
          %get3A_814 = arith.constant 7 : i32
          %get3A_815 = arith.index_cast %get3A_814 : i32 to index
          %get3A_816 = arith.index_cast %add3A_701 : i32 to index
          %get3A_817 = tpu.vector_load %arg6[%get3A_815, %get3A_816] {strides = array<i32>} : memref<8x1024xf32, #tpu.memory_space<vmem>>, vector<16xf32>,
          tpu.vector_store_idx %arg9[%add3A_813], %get3A_817 : memref<16384xf32, #tpu.memory_space<vmem>>[vector<16xi32>], vector<16xf32>,
          %add3A_818 = arith.constant 96 : i32
          %add3A_819 = arith.addi %mul3A_108, %add3A_818 : i32
          %add3A_820 = arith.constant 1536 : i32
          %add3A_821 = arith.addi %mul3A_110, %add3A_820 : i32
          %add3A_822 = vector.broadcast %add3A_821 : i32 to vector<16xi32>
          %add3A_823 = arith.addi %add3A_822, %mul3A_3 : vector<16xi32>
          %add3A_824 = arith.constant 0 : i32
          %add3A_825 = vector.broadcast %add3A_824 : i32 to vector<16xi32>
          %add3A_826 = arith.addi %add3A_823, %add3A_825 : vector<16xi32>
          %get3A_827 = arith.constant 0 : i32
          %get3A_828 = arith.index_cast %get3A_827 : i32 to index
          %get3A_829 = arith.index_cast %add3A_819 : i32 to index
          %get3A_830 = tpu.vector_load %arg5[%get3A_828, %get3A_829] {strides = array<i32>} : memref<8x1024xf32, #tpu.memory_space<vmem>>, vector<16xf32>,
          tpu.vector_store_idx %arg9[%add3A_826], %get3A_830 : memref<16384xf32, #tpu.memory_space<vmem>>[vector<16xi32>], vector<16xf32>,
          %add3A_831 = arith.constant 8 : i32
          %add3A_832 = vector.broadcast %add3A_831 : i32 to vector<16xi32>
          %add3A_833 = arith.addi %add3A_823, %add3A_832 : vector<16xi32>
          %get3A_834 = arith.constant 0 : i32
          %get3A_835 = arith.index_cast %get3A_834 : i32 to index
          %get3A_836 = arith.index_cast %add3A_819 : i32 to index
          %get3A_837 = tpu.vector_load %arg6[%get3A_835, %get3A_836] {strides = array<i32>} : memref<8x1024xf32, #tpu.memory_space<vmem>>, vector<16xf32>,
          tpu.vector_store_idx %arg9[%add3A_833], %get3A_837 : memref<16384xf32, #tpu.memory_space<vmem>>[vector<16xi32>], vector<16xf32>,
          %add3A_838 = arith.constant 1 : i32
          %add3A_839 = vector.broadcast %add3A_838 : i32 to vector<16xi32>
          %add3A_840 = arith.addi %add3A_823, %add3A_839 : vector<16xi32>
          %get3A_841 = arith.constant 1 : i32
          %get3A_842 = arith.index_cast %get3A_841 : i32 to index
          %get3A_843 = arith.index_cast %add3A_819 : i32 to index
          %get3A_844 = tpu.vector_load %arg5[%get3A_842, %get3A_843] {strides = array<i32>} : memref<8x1024xf32, #tpu.memory_space<vmem>>, vector<16xf32>,
          tpu.vector_store_idx %arg9[%add3A_840], %get3A_844 : memref<16384xf32, #tpu.memory_space<vmem>>[vector<16xi32>], vector<16xf32>,
          %add3A_845 = arith.constant 9 : i32
          %add3A_846 = vector.broadcast %add3A_845 : i32 to vector<16xi32>
          %add3A_847 = arith.addi %add3A_823, %add3A_846 : vector<16xi32>
          %get3A_848 = arith.constant 1 : i32
          %get3A_849 = arith.index_cast %get3A_848 : i32 to index
          %get3A_850 = arith.index_cast %add3A_819 : i32 to index
          %get3A_851 = tpu.vector_load %arg6[%get3A_849, %get3A_850] {strides = array<i32>} : memref<8x1024xf32, #tpu.memory_space<vmem>>, vector<16xf32>,
          tpu.vector_store_idx %arg9[%add3A_847], %get3A_851 : memref<16384xf32, #tpu.memory_space<vmem>>[vector<16xi32>], vector<16xf32>,
          %add3A_852 = arith.constant 2 : i32
          %add3A_853 = vector.broadcast %add3A_852 : i32 to vector<16xi32>
          %add3A_854 = arith.addi %add3A_823, %add3A_853 : vector<16xi32>
          %get3A_855 = arith.constant 2 : i32
          %get3A_856 = arith.index_cast %get3A_855 : i32 to index
          %get3A_857 = arith.index_cast %add3A_819 : i32 to index
          %get3A_858 = tpu.vector_load %arg5[%get3A_856, %get3A_857] {strides = array<i32>} : memref<8x1024xf32, #tpu.memory_space<vmem>>, vector<16xf32>,
          tpu.vector_store_idx %arg9[%add3A_854], %get3A_858 : memref<16384xf32, #tpu.memory_space<vmem>>[vector<16xi32>], vector<16xf32>,
          %add3A_859 = arith.constant 10 : i32
          %add3A_860 = vector.broadcast %add3A_859 : i32 to vector<16xi32>
          %add3A_861 = arith.addi %add3A_823, %add3A_860 : vector<16xi32>
          %get3A_862 = arith.constant 2 : i32
          %get3A_863 = arith.index_cast %get3A_862 : i32 to index
          %get3A_864 = arith.index_cast %add3A_819 : i32 to index
          %get3A_865 = tpu.vector_load %arg6[%get3A_863, %get3A_864] {strides = array<i32>} : memref<8x1024xf32, #tpu.memory_space<vmem>>, vector<16xf32>,
          tpu.vector_store_idx %arg9[%add3A_861], %get3A_865 : memref<16384xf32, #tpu.memory_space<vmem>>[vector<16xi32>], vector<16xf32>,
          %add3A_866 = arith.constant 3 : i32
          %add3A_867 = vector.broadcast %add3A_866 : i32 to vector<16xi32>
          %add3A_868 = arith.addi %add3A_823, %add3A_867 : vector<16xi32>
          %get3A_869 = arith.constant 3 : i32
          %get3A_870 = arith.index_cast %get3A_869 : i32 to index
          %get3A_871 = arith.index_cast %add3A_819 : i32 to index
          %get3A_872 = tpu.vector_load %arg5[%get3A_870, %get3A_871] {strides = array<i32>} : memref<8x1024xf32, #tpu.memory_space<vmem>>, vector<16xf32>,
          tpu.vector_store_idx %arg9[%add3A_868], %get3A_872 : memref<16384xf32, #tpu.memory_space<vmem>>[vector<16xi32>], vector<16xf32>,
          %add3A_873 = arith.constant 11 : i32
          %add3A_874 = vector.broadcast %add3A_873 : i32 to vector<16xi32>
          %add3A_875 = arith.addi %add3A_823, %add3A_874 : vector<16xi32>
          %get3A_876 = arith.constant 3 : i32
          %get3A_877 = arith.index_cast %get3A_876 : i32 to index
          %get3A_878 = arith.index_cast %add3A_819 : i32 to index
          %get3A_879 = tpu.vector_load %arg6[%get3A_877, %get3A_878] {strides = array<i32>} : memref<8x1024xf32, #tpu.memory_space<vmem>>, vector<16xf32>,
          tpu.vector_store_idx %arg9[%add3A_875], %get3A_879 : memref<16384xf32, #tpu.memory_space<vmem>>[vector<16xi32>], vector<16xf32>,
          %add3A_880 = arith.constant 4 : i32
          %add3A_881 = vector.broadcast %add3A_880 : i32 to vector<16xi32>
          %add3A_882 = arith.addi %add3A_823, %add3A_881 : vector<16xi32>
          %get3A_883 = arith.constant 4 : i32
          %get3A_884 = arith.index_cast %get3A_883 : i32 to index
          %get3A_885 = arith.index_cast %add3A_819 : i32 to index
          %get3A_886 = tpu.vector_load %arg5[%get3A_884, %get3A_885] {strides = array<i32>} : memref<8x1024xf32, #tpu.memory_space<vmem>>, vector<16xf32>,
          tpu.vector_store_idx %arg9[%add3A_882], %get3A_886 : memref<16384xf32, #tpu.memory_space<vmem>>[vector<16xi32>], vector<16xf32>,
          %add3A_887 = arith.constant 12 : i32
          %add3A_888 = vector.broadcast %add3A_887 : i32 to vector<16xi32>
          %add3A_889 = arith.addi %add3A_823, %add3A_888 : vector<16xi32>
          %get3A_890 = arith.constant 4 : i32
          %get3A_891 = arith.index_cast %get3A_890 : i32 to index
          %get3A_892 = arith.index_cast %add3A_819 : i32 to index
          %get3A_893 = tpu.vector_load %arg6[%get3A_891, %get3A_892] {strides = array<i32>} : memref<8x1024xf32, #tpu.memory_space<vmem>>, vector<16xf32>,
          tpu.vector_store_idx %arg9[%add3A_889], %get3A_893 : memref<16384xf32, #tpu.memory_space<vmem>>[vector<16xi32>], vector<16xf32>,
          %add3A_894 = arith.constant 5 : i32
          %add3A_895 = vector.broadcast %add3A_894 : i32 to vector<16xi32>
          %add3A_896 = arith.addi %add3A_823, %add3A_895 : vector<16xi32>
          %get3A_897 = arith.constant 5 : i32
          %get3A_898 = arith.index_cast %get3A_897 : i32 to index
          %get3A_899 = arith.index_cast %add3A_819 : i32 to index
          %get3A_900 = tpu.vector_load %arg5[%get3A_898, %get3A_899] {strides = array<i32>} : memref<8x1024xf32, #tpu.memory_space<vmem>>, vector<16xf32>,
          tpu.vector_store_idx %arg9[%add3A_896], %get3A_900 : memref<16384xf32, #tpu.memory_space<vmem>>[vector<16xi32>], vector<16xf32>,
          %add3A_901 = arith.constant 13 : i32
          %add3A_902 = vector.broadcast %add3A_901 : i32 to vector<16xi32>
          %add3A_903 = arith.addi %add3A_823, %add3A_902 : vector<16xi32>
          %get3A_904 = arith.constant 5 : i32
          %get3A_905 = arith.index_cast %get3A_904 : i32 to index
          %get3A_906 = arith.index_cast %add3A_819 : i32 to index
          %get3A_907 = tpu.vector_load %arg6[%get3A_905, %get3A_906] {strides = array<i32>} : memref<8x1024xf32, #tpu.memory_space<vmem>>, vector<16xf32>,
          tpu.vector_store_idx %arg9[%add3A_903], %get3A_907 : memref<16384xf32, #tpu.memory_space<vmem>>[vector<16xi32>], vector<16xf32>,
          %add3A_908 = arith.constant 6 : i32
          %add3A_909 = vector.broadcast %add3A_908 : i32 to vector<16xi32>
          %add3A_910 = arith.addi %add3A_823, %add3A_909 : vector<16xi32>
          %get3A_911 = arith.constant 6 : i32
          %get3A_912 = arith.index_cast %get3A_911 : i32 to index
          %get3A_913 = arith.index_cast %add3A_819 : i32 to index
          %get3A_914 = tpu.vector_load %arg5[%get3A_912, %get3A_913] {strides = array<i32>} : memref<8x1024xf32, #tpu.memory_space<vmem>>, vector<16xf32>,
          tpu.vector_store_idx %arg9[%add3A_910], %get3A_914 : memref<16384xf32, #tpu.memory_space<vmem>>[vector<16xi32>], vector<16xf32>,
          %add3A_915 = arith.constant 14 : i32
          %add3A_916 = vector.broadcast %add3A_915 : i32 to vector<16xi32>
          %add3A_917 = arith.addi %add3A_823, %add3A_916 : vector<16xi32>
          %get3A_918 = arith.constant 6 : i32
          %get3A_919 = arith.index_cast %get3A_918 : i32 to index
          %get3A_920 = arith.index_cast %add3A_819 : i32 to index
          %get3A_921 = tpu.vector_load %arg6[%get3A_919, %get3A_920] {strides = array<i32>} : memref<8x1024xf32, #tpu.memory_space<vmem>>, vector<16xf32>,
          tpu.vector_store_idx %arg9[%add3A_917], %get3A_921 : memref<16384xf32, #tpu.memory_space<vmem>>[vector<16xi32>], vector<16xf32>,
          %add3A_922 = arith.constant 7 : i32
          %add3A_923 = vector.broadcast %add3A_922 : i32 to vector<16xi32>
          %add3A_924 = arith.addi %add3A_823, %add3A_923 : vector<16xi32>
          %get3A_925 = arith.constant 7 : i32
          %get3A_926 = arith.index_cast %get3A_925 : i32 to index
          %get3A_927 = arith.index_cast %add3A_819 : i32 to index
          %get3A_928 = tpu.vector_load %arg5[%get3A_926, %get3A_927] {strides = array<i32>} : memref<8x1024xf32, #tpu.memory_space<vmem>>, vector<16xf32>,
          tpu.vector_store_idx %arg9[%add3A_924], %get3A_928 : memref<16384xf32, #tpu.memory_space<vmem>>[vector<16xi32>], vector<16xf32>,
          %add3A_929 = arith.constant 15 : i32
          %add3A_930 = vector.broadcast %add3A_929 : i32 to vector<16xi32>
          %add3A_931 = arith.addi %add3A_823, %add3A_930 : vector<16xi32>
          %get3A_932 = arith.constant 7 : i32
          %get3A_933 = arith.index_cast %get3A_932 : i32 to index
          %get3A_934 = arith.index_cast %add3A_819 : i32 to index
          %get3A_935 = tpu.vector_load %arg6[%get3A_933, %get3A_934] {strides = array<i32>} : memref<8x1024xf32, #tpu.memory_space<vmem>>, vector<16xf32>,
          tpu.vector_store_idx %arg9[%add3A_931], %get3A_935 : memref<16384xf32, #tpu.memory_space<vmem>>[vector<16xi32>], vector<16xf32>,
          %add3A_936 = arith.constant 112 : i32
          %add3A_937 = arith.addi %mul3A_108, %add3A_936 : i32
          %add3A_938 = arith.constant 1792 : i32
          %add3A_939 = arith.addi %mul3A_110, %add3A_938 : i32
          %add3A_940 = vector.broadcast %add3A_939 : i32 to vector<16xi32>
          %add3A_941 = arith.addi %add3A_940, %mul3A_3 : vector<16xi32>
          %add3A_942 = arith.constant 0 : i32
          %add3A_943 = vector.broadcast %add3A_942 : i32 to vector<16xi32>
          %add3A_944 = arith.addi %add3A_941, %add3A_943 : vector<16xi32>
          %get3A_945 = arith.constant 0 : i32
          %get3A_946 = arith.index_cast %get3A_945 : i32 to index
          %get3A_947 = arith.index_cast %add3A_937 : i32 to index
          %get3A_948 = tpu.vector_load %arg5[%get3A_946, %get3A_947] {strides = array<i32>} : memref<8x1024xf32, #tpu.memory_space<vmem>>, vector<16xf32>,
          tpu.vector_store_idx %arg9[%add3A_944], %get3A_948 : memref<16384xf32, #tpu.memory_space<vmem>>[vector<16xi32>], vector<16xf32>,
          %add3A_949 = arith.constant 8 : i32
          %add3A_950 = vector.broadcast %add3A_949 : i32 to vector<16xi32>
          %add3A_951 = arith.addi %add3A_941, %add3A_950 : vector<16xi32>
          %get3A_952 = arith.constant 0 : i32
          %get3A_953 = arith.index_cast %get3A_952 : i32 to index
          %get3A_954 = arith.index_cast %add3A_937 : i32 to index
          %get3A_955 = tpu.vector_load %arg6[%get3A_953, %get3A_954] {strides = array<i32>} : memref<8x1024xf32, #tpu.memory_space<vmem>>, vector<16xf32>,
          tpu.vector_store_idx %arg9[%add3A_951], %get3A_955 : memref<16384xf32, #tpu.memory_space<vmem>>[vector<16xi32>], vector<16xf32>,
          %add3A_956 = arith.constant 1 : i32
          %add3A_957 = vector.broadcast %add3A_956 : i32 to vector<16xi32>
          %add3A_958 = arith.addi %add3A_941, %add3A_957 : vector<16xi32>
          %get3A_959 = arith.constant 1 : i32
          %get3A_960 = arith.index_cast %get3A_959 : i32 to index
          %get3A_961 = arith.index_cast %add3A_937 : i32 to index
          %get3A_962 = tpu.vector_load %arg5[%get3A_960, %get3A_961] {strides = array<i32>} : memref<8x1024xf32, #tpu.memory_space<vmem>>, vector<16xf32>,
          tpu.vector_store_idx %arg9[%add3A_958], %get3A_962 : memref<16384xf32, #tpu.memory_space<vmem>>[vector<16xi32>], vector<16xf32>,
          %add3A_963 = arith.constant 9 : i32
          %add3A_964 = vector.broadcast %add3A_963 : i32 to vector<16xi32>
          %add3A_965 = arith.addi %add3A_941, %add3A_964 : vector<16xi32>
          %get3A_966 = arith.constant 1 : i32
          %get3A_967 = arith.index_cast %get3A_966 : i32 to index
          %get3A_968 = arith.index_cast %add3A_937 : i32 to index
          %get3A_969 = tpu.vector_load %arg6[%get3A_967, %get3A_968] {strides = array<i32>} : memref<8x1024xf32, #tpu.memory_space<vmem>>, vector<16xf32>,
          tpu.vector_store_idx %arg9[%add3A_965], %get3A_969 : memref<16384xf32, #tpu.memory_space<vmem>>[vector<16xi32>], vector<16xf32>,
          %add3A_970 = arith.constant 2 : i32
          %add3A_971 = vector.broadcast %add3A_970 : i32 to vector<16xi32>
          %add3A_972 = arith.addi %add3A_941, %add3A_971 : vector<16xi32>
          %get3A_973 = arith.constant 2 : i32
          %get3A_974 = arith.index_cast %get3A_973 : i32 to index
          %get3A_975 = arith.index_cast %add3A_937 : i32 to index
          %get3A_976 = tpu.vector_load %arg5[%get3A_974, %get3A_975] {strides = array<i32>} : memref<8x1024xf32, #tpu.memory_space<vmem>>, vector<16xf32>,
          tpu.vector_store_idx %arg9[%add3A_972], %get3A_976 : memref<16384xf32, #tpu.memory_space<vmem>>[vector<16xi32>], vector<16xf32>,
          %add3A_977 = arith.constant 10 : i32
          %add3A_978 = vector.broadcast %add3A_977 : i32 to vector<16xi32>
          %add3A_979 = arith.addi %add3A_941, %add3A_978 : vector<16xi32>
          %get3A_980 = arith.constant 2 : i32
          %get3A_981 = arith.index_cast %get3A_980 : i32 to index
          %get3A_982 = arith.index_cast %add3A_937 : i32 to index
          %get3A_983 = tpu.vector_load %arg6[%get3A_981, %get3A_982] {strides = array<i32>} : memref<8x1024xf32, #tpu.memory_space<vmem>>, vector<16xf32>,
          tpu.vector_store_idx %arg9[%add3A_979], %get3A_983 : memref<16384xf32, #tpu.memory_space<vmem>>[vector<16xi32>], vector<16xf32>,
          %add3A_984 = arith.constant 3 : i32
          %add3A_985 = vector.broadcast %add3A_984 : i32 to vector<16xi32>
          %add3A_986 = arith.addi %add3A_941, %add3A_985 : vector<16xi32>
          %get3A_987 = arith.constant 3 : i32
          %get3A_988 = arith.index_cast %get3A_987 : i32 to index
          %get3A_989 = arith.index_cast %add3A_937 : i32 to index
          %get3A_990 = tpu.vector_load %arg5[%get3A_988, %get3A_989] {strides = array<i32>} : memref<8x1024xf32, #tpu.memory_space<vmem>>, vector<16xf32>,
          tpu.vector_store_idx %arg9[%add3A_986], %get3A_990 : memref<16384xf32, #tpu.memory_space<vmem>>[vector<16xi32>], vector<16xf32>,
          %add3A_991 = arith.constant 11 : i32
          %add3A_992 = vector.broadcast %add3A_991 : i32 to vector<16xi32>
          %add3A_993 = arith.addi %add3A_941, %add3A_992 : vector<16xi32>
          %get3A_994 = arith.constant 3 : i32
          %get3A_995 = arith.index_cast %get3A_994 : i32 to index
          %get3A_996 = arith.index_cast %add3A_937 : i32 to index
          %get3A_997 = tpu.vector_load %arg6[%get3A_995, %get3A_996] {strides = array<i32>} : memref<8x1024xf32, #tpu.memory_space<vmem>>, vector<16xf32>,
          tpu.vector_store_idx %arg9[%add3A_993], %get3A_997 : memref<16384xf32, #tpu.memory_space<vmem>>[vector<16xi32>], vector<16xf32>,
          %add3A_998 = arith.constant 4 : i32
          %add3A_999 = vector.broadcast %add3A_998 : i32 to vector<16xi32>
          %add3A_1000 = arith.addi %add3A_941, %add3A_999 : vector<16xi32>
          %get3A_1001 = arith.constant 4 : i32
          %get3A_1002 = arith.index_cast %get3A_1001 : i32 to index
          %get3A_1003 = arith.index_cast %add3A_937 : i32 to index
          %get3A_1004 = tpu.vector_load %arg5[%get3A_1002, %get3A_1003] {strides = array<i32>} : memref<8x1024xf32, #tpu.memory_space<vmem>>, vector<16xf32>,
          tpu.vector_store_idx %arg9[%add3A_1000], %get3A_1004 : memref<16384xf32, #tpu.memory_space<vmem>>[vector<16xi32>], vector<16xf32>,
          %add3A_1005 = arith.constant 12 : i32
          %add3A_1006 = vector.broadcast %add3A_1005 : i32 to vector<16xi32>
          %add3A_1007 = arith.addi %add3A_941, %add3A_1006 : vector<16xi32>
          %get3A_1008 = arith.constant 4 : i32
          %get3A_1009 = arith.index_cast %get3A_1008 : i32 to index
          %get3A_1010 = arith.index_cast %add3A_937 : i32 to index
          %get3A_1011 = tpu.vector_load %arg6[%get3A_1009, %get3A_1010] {strides = array<i32>} : memref<8x1024xf32, #tpu.memory_space<vmem>>, vector<16xf32>,
          tpu.vector_store_idx %arg9[%add3A_1007], %get3A_1011 : memref<16384xf32, #tpu.memory_space<vmem>>[vector<16xi32>], vector<16xf32>,
          %add3A_1012 = arith.constant 5 : i32
          %add3A_1013 = vector.broadcast %add3A_1012 : i32 to vector<16xi32>
          %add3A_1014 = arith.addi %add3A_941, %add3A_1013 : vector<16xi32>
          %get3A_1015 = arith.constant 5 : i32
          %get3A_1016 = arith.index_cast %get3A_1015 : i32 to index
          %get3A_1017 = arith.index_cast %add3A_937 : i32 to index
          %get3A_1018 = tpu.vector_load %arg5[%get3A_1016, %get3A_1017] {strides = array<i32>} : memref<8x1024xf32, #tpu.memory_space<vmem>>, vector<16xf32>,
          tpu.vector_store_idx %arg9[%add3A_1014], %get3A_1018 : memref<16384xf32, #tpu.memory_space<vmem>>[vector<16xi32>], vector<16xf32>,
          %add3A_1019 = arith.constant 13 : i32
          %add3A_1020 = vector.broadcast %add3A_1019 : i32 to vector<16xi32>
          %add3A_1021 = arith.addi %add3A_941, %add3A_1020 : vector<16xi32>
          %get3A_1022 = arith.constant 5 : i32
          %get3A_1023 = arith.index_cast %get3A_1022 : i32 to index
          %get3A_1024 = arith.index_cast %add3A_937 : i32 to index
          %get3A_1025 = tpu.vector_load %arg6[%get3A_1023, %get3A_1024] {strides = array<i32>} : memref<8x1024xf32, #tpu.memory_space<vmem>>, vector<16xf32>,
          tpu.vector_store_idx %arg9[%add3A_1021], %get3A_1025 : memref<16384xf32, #tpu.memory_space<vmem>>[vector<16xi32>], vector<16xf32>,
          %add3A_1026 = arith.constant 6 : i32
          %add3A_1027 = vector.broadcast %add3A_1026 : i32 to vector<16xi32>
          %add3A_1028 = arith.addi %add3A_941, %add3A_1027 : vector<16xi32>
          %get3A_1029 = arith.constant 6 : i32
          %get3A_1030 = arith.index_cast %get3A_1029 : i32 to index
          %get3A_1031 = arith.index_cast %add3A_937 : i32 to index
          %get3A_1032 = tpu.vector_load %arg5[%get3A_1030, %get3A_1031] {strides = array<i32>} : memref<8x1024xf32, #tpu.memory_space<vmem>>, vector<16xf32>,
          tpu.vector_store_idx %arg9[%add3A_1028], %get3A_1032 : memref<16384xf32, #tpu.memory_space<vmem>>[vector<16xi32>], vector<16xf32>,
          %add3A_1033 = arith.constant 14 : i32
          %add3A_1034 = vector.broadcast %add3A_1033 : i32 to vector<16xi32>
          %add3A_1035 = arith.addi %add3A_941, %add3A_1034 : vector<16xi32>
          %get3A_1036 = arith.constant 6 : i32
          %get3A_1037 = arith.index_cast %get3A_1036 : i32 to index
          %get3A_1038 = arith.index_cast %add3A_937 : i32 to index
          %get3A_1039 = tpu.vector_load %arg6[%get3A_1037, %get3A_1038] {strides = array<i32>} : memref<8x1024xf32, #tpu.memory_space<vmem>>, vector<16xf32>,
          tpu.vector_store_idx %arg9[%add3A_1035], %get3A_1039 : memref<16384xf32, #tpu.memory_space<vmem>>[vector<16xi32>], vector<16xf32>,
          %add3A_1040 = arith.constant 7 : i32
          %add3A_1041 = vector.broadcast %add3A_1040 : i32 to vector<16xi32>
          %add3A_1042 = arith.addi %add3A_941, %add3A_1041 : vector<16xi32>
          %get3A_1043 = arith.constant 7 : i32
          %get3A_1044 = arith.index_cast %get3A_1043 : i32 to index
          %get3A_1045 = arith.index_cast %add3A_937 : i32 to index
          %get3A_1046 = tpu.vector_load %arg5[%get3A_1044, %get3A_1045] {strides = array<i32>} : memref<8x1024xf32, #tpu.memory_space<vmem>>, vector<16xf32>,
          tpu.vector_store_idx %arg9[%add3A_1042], %get3A_1046 : memref<16384xf32, #tpu.memory_space<vmem>>[vector<16xi32>], vector<16xf32>,
          %add3A_1047 = arith.constant 15 : i32
          %add3A_1048 = vector.broadcast %add3A_1047 : i32 to vector<16xi32>
          %add3A_1049 = arith.addi %add3A_941, %add3A_1048 : vector<16xi32>
          %get3A_1050 = arith.constant 7 : i32
          %get3A_1051 = arith.index_cast %get3A_1050 : i32 to index
          %get3A_1052 = arith.index_cast %add3A_937 : i32 to index
          %get3A_1053 = tpu.vector_load %arg6[%get3A_1051, %get3A_1052] {strides = array<i32>} : memref<8x1024xf32, #tpu.memory_space<vmem>>, vector<16xf32>,
          tpu.vector_store_idx %arg9[%add3A_1049], %get3A_1053 : memref<16384xf32, #tpu.memory_space<vmem>>[vector<16xi32>], vector<16xf32>,
        }
        %scan3A_102 = arith.constant 8 : i32
        %mul3A_103 = arith.constant 16384 : i32
        %mul3A_104 = arith.muli %add3A_58, %mul3A_103 : i32
        %dma_start3A = tpu.memref_slice %arg4[%mul3A_104] : memref<41600000xf32, #tpu.memory_space<hbm>> -> memref<16384xf32, #tpu.memory_space<hbm>>
        %dma_start3A_105 = tpu.memref_slice %arg4[%mul3A_104] : memref<41600000xf32, #tpu.memory_space<hbm>> -> memref<16384xf32, #tpu.memory_space<hbm>>
        tpu.enqueue_dma source(%arg9 : memref<16384xf32, #tpu.memory_space<vmem>>) target(%dma_start3A_105 : memref<16384xf32, #tpu.memory_space<hbm>>) target_semaphore(%arg13 : memref<!tpu.dma_semaphore, #tpu.memory_space<semaphore_mem>>)
      } else {
      }
      %add3A_64 = arith.constant 2 : i32
      %add3A_65 = arith.addi %mul3A_33, %add3A_64 : i32
      %mul3A_66 = arith.constant 32 : i32
      %mul3A_67 = arith.muli %add3A_65, %mul3A_66 : i32
      %add3A_68 = arith.addi %mul3A_67, %add3A : i32
      %lt3A_69 = arith.constant 2539 : i32
      %lt3A_70 = arith.cmpi slt, %add3A_68, %lt3A_69 : i32
      %convert_element_type3A_71 = arith.extui %lt3A_70 : i1 to i32
      %cond3A_72 = arith.constant 0 : i32
      %cond3A_73 = arith.cmpi ne, %convert_element_type3A_71, %cond3A_72 : i32
      scf.if %cond3A_73 {
        %mul3A_97 = arith.constant 1024 : i32
        %mul3A_98 = arith.muli %add3A_68, %mul3A_97 : i32
        %dma_start3A = arith.constant 0 : i32
        %dma_start3A_99 = arith.constant 0 : i32
        %dma_start3A_100 = tpu.memref_slice %arg2[%dma_start3A, %dma_start3A_99, %mul3A_98] : memref<2x8x2600000xf32, #tpu.memory_space<hbm>> -> memref<1x8x1024xf32, #tpu.memory_space<hbm>>
        %dma_start3A_101 = tpu.memref_squeeze %dma_start3A_100 : memref<1x8x1024xf32, #tpu.memory_space<hbm>> -> memref<8x1024xf32, #tpu.memory_space<hbm>>
        %dma_start3A_102 = arith.constant 0 : i32
        %dma_start3A_103 = tpu.memref_slice %arg2[%dma_start3A, %dma_start3A_102, %mul3A_98] : memref<2x8x2600000xf32, #tpu.memory_space<hbm>> -> memref<1x8x1024xf32, #tpu.memory_space<hbm>>
        %dma_start3A_104 = tpu.memref_squeeze %dma_start3A_103 : memref<1x8x1024xf32, #tpu.memory_space<hbm>> -> memref<8x1024xf32, #tpu.memory_space<hbm>>
        tpu.enqueue_dma source(%dma_start3A_104 : memref<8x1024xf32, #tpu.memory_space<hbm>>) target(%arg5 : memref<8x1024xf32, #tpu.memory_space<vmem>>) target_semaphore(%arg11 : memref<!tpu.dma_semaphore, #tpu.memory_space<semaphore_mem>>)
        %dma_start3A_105 = arith.constant 1 : i32
        %dma_start3A_106 = arith.constant 0 : i32
        %dma_start3A_107 = tpu.memref_slice %arg2[%dma_start3A_105, %dma_start3A_106, %mul3A_98] : memref<2x8x2600000xf32, #tpu.memory_space<hbm>> -> memref<1x8x1024xf32, #tpu.memory_space<hbm>>
        %dma_start3A_108 = tpu.memref_squeeze %dma_start3A_107 : memref<1x8x1024xf32, #tpu.memory_space<hbm>> -> memref<8x1024xf32, #tpu.memory_space<hbm>>
        %dma_start3A_109 = arith.constant 0 : i32
        %dma_start3A_110 = tpu.memref_slice %arg2[%dma_start3A_105, %dma_start3A_109, %mul3A_98] : memref<2x8x2600000xf32, #tpu.memory_space<hbm>> -> memref<1x8x1024xf32, #tpu.memory_space<hbm>>
        %dma_start3A_111 = tpu.memref_squeeze %dma_start3A_110 : memref<1x8x1024xf32, #tpu.memory_space<hbm>> -> memref<8x1024xf32, #tpu.memory_space<hbm>>
        tpu.enqueue_dma source(%dma_start3A_111 : memref<8x1024xf32, #tpu.memory_space<hbm>>) target(%arg6 : memref<8x1024xf32, #tpu.memory_space<vmem>>) target_semaphore(%arg11 : memref<!tpu.dma_semaphore, #tpu.memory_space<semaphore_mem>>)
      } else {
      }
      %add3A_74 = arith.constant 1 : i32
      %add3A_75 = arith.addi %mul3A_33, %add3A_74 : i32
      %mul3A_76 = arith.constant 32 : i32
      %mul3A_77 = arith.muli %add3A_75, %mul3A_76 : i32
      %add3A_78 = arith.addi %mul3A_77, %add3A : i32
      %lt3A_79 = arith.constant 2539 : i32
      %lt3A_80 = arith.cmpi slt, %add3A_78, %lt3A_79 : i32
      %convert_element_type3A_81 = arith.extui %lt3A_80 : i1 to i32
      %cond3A_82 = arith.constant 0 : i32
      %cond3A_83 = arith.cmpi ne, %convert_element_type3A_81, %cond3A_82 : i32
      scf.if %cond3A_83 {
        %mul3A_97 = arith.constant 1024 : i32
        %mul3A_98 = arith.muli %add3A_78, %mul3A_97 : i32
        %dma_wait3A = arith.constant 0 : i32
        %dma_wait3A_99 = arith.constant 0 : i32
        %dma_wait3A_100 = tpu.memref_slice %arg2[%dma_wait3A, %dma_wait3A_99, %mul3A_98] : memref<2x8x2600000xf32, #tpu.memory_space<hbm>> -> memref<1x8x1024xf32, #tpu.memory_space<hbm>>
        %dma_wait3A_101 = tpu.memref_squeeze %dma_wait3A_100 : memref<1x8x1024xf32, #tpu.memory_space<hbm>> -> memref<8x1024xf32, #tpu.memory_space<hbm>>
        %dma_wait3A_102 = arith.constant 0 : i32
        %dma_wait3A_103 = tpu.memref_slice %arg2[%dma_wait3A, %dma_wait3A_102, %mul3A_98] : memref<2x8x2600000xf32, #tpu.memory_space<hbm>> -> memref<1x8x1024xf32, #tpu.memory_space<hbm>>
        %dma_wait3A_104 = tpu.memref_squeeze %dma_wait3A_103 : memref<1x8x1024xf32, #tpu.memory_space<hbm>> -> memref<8x1024xf32, #tpu.memory_space<hbm>>
        tpu.wait_dma2 semaphore(%arg12 : memref<!tpu.dma_semaphore, #tpu.memory_space<semaphore_mem>>) src(%dma_wait3A_104 : memref<8x1024xf32, #tpu.memory_space<hbm>>) dst(%arg7 : memref<8x1024xf32, #tpu.memory_space<vmem>>)
        %dma_wait3A_105 = arith.constant 1 : i32
        %dma_wait3A_106 = arith.constant 0 : i32
        %dma_wait3A_107 = tpu.memref_slice %arg2[%dma_wait3A_105, %dma_wait3A_106, %mul3A_98] : memref<2x8x2600000xf32, #tpu.memory_space<hbm>> -> memref<1x8x1024xf32, #tpu.memory_space<hbm>>
        %dma_wait3A_108 = tpu.memref_squeeze %dma_wait3A_107 : memref<1x8x1024xf32, #tpu.memory_space<hbm>> -> memref<8x1024xf32, #tpu.memory_space<hbm>>
        %dma_wait3A_109 = arith.constant 0 : i32
        %dma_wait3A_110 = tpu.memref_slice %arg2[%dma_wait3A_105, %dma_wait3A_109, %mul3A_98] : memref<2x8x2600000xf32, #tpu.memory_space<hbm>> -> memref<1x8x1024xf32, #tpu.memory_space<hbm>>
        %dma_wait3A_111 = tpu.memref_squeeze %dma_wait3A_110 : memref<1x8x1024xf32, #tpu.memory_space<hbm>> -> memref<8x1024xf32, #tpu.memory_space<hbm>>
        tpu.wait_dma2 semaphore(%arg12 : memref<!tpu.dma_semaphore, #tpu.memory_space<semaphore_mem>>) src(%dma_wait3A_111 : memref<8x1024xf32, #tpu.memory_space<hbm>>) dst(%arg8 : memref<8x1024xf32, #tpu.memory_space<vmem>>)
      } else {
      }
      %ge3A_84 = arith.constant 2 : i32
      %ge3A_85 = arith.cmpi sge, %add3A_75, %ge3A_84 : i32
      %convert_element_type3A_86 = arith.extui %ge3A_85 : i1 to i32
      %cond3A_87 = arith.constant 0 : i32
      %cond3A_88 = arith.cmpi ne, %convert_element_type3A_86, %cond3A_87 : i32
      scf.if %cond3A_88 {
        %sub3A = arith.constant 2 : i32
        %sub3A_97 = arith.subi %add3A_75, %sub3A : i32
        %mul3A_98 = arith.constant 32 : i32
        %mul3A_99 = arith.muli %sub3A_97, %mul3A_98 : i32
        %add3A_100 = arith.addi %mul3A_99, %add3A : i32
        %lt3A_101 = arith.constant 2539 : i32
        %lt3A_102 = arith.cmpi slt, %add3A_100, %lt3A_101 : i32
        %convert_element_type3A_103 = arith.extui %lt3A_102 : i1 to i32
        %cond3A_104 = arith.constant 0 : i32
        %cond3A_105 = arith.cmpi ne, %convert_element_type3A_103, %cond3A_104 : i32
        scf.if %cond3A_105 {
          %mul3A_106 = arith.constant 16384 : i32
          %mul3A_107 = arith.muli %add3A_100, %mul3A_106 : i32
          %dma_wait3A = tpu.memref_slice %arg4[%mul3A_107] : memref<41600000xf32, #tpu.memory_space<hbm>> -> memref<16384xf32, #tpu.memory_space<hbm>>
          %dma_wait3A_108 = tpu.memref_slice %arg4[%mul3A_107] : memref<41600000xf32, #tpu.memory_space<hbm>> -> memref<16384xf32, #tpu.memory_space<hbm>>
          tpu.wait_dma2 semaphore(%arg14 : memref<!tpu.dma_semaphore, #tpu.memory_space<semaphore_mem>>) src(%arg10 : memref<16384xf32, #tpu.memory_space<vmem>>) dst(%dma_wait3A_108 : memref<16384xf32, #tpu.memory_space<hbm>>)
        } else {
        }
      } else {
      }
      %mul3A_89 = arith.constant 32 : i32
      %mul3A_90 = arith.muli %add3A_75, %mul3A_89 : i32
      %add3A_91 = arith.addi %mul3A_90, %add3A : i32
      %lt3A_92 = arith.constant 2539 : i32
      %lt3A_93 = arith.cmpi slt, %add3A_91, %lt3A_92 : i32
      %convert_element_type3A_94 = arith.extui %lt3A_93 : i1 to i32
      %cond3A_95 = arith.constant 0 : i32
      %cond3A_96 = arith.cmpi ne, %convert_element_type3A_94, %cond3A_95 : i32
      scf.if %cond3A_96 {
        %scan3A_97 = arith.constant 0 : i32
        %scan3A_98 = arith.constant 0 : i32
        %scan3A_99 = arith.constant 8 : i32
        %scan3A_100 = arith.addi %scan3A_98, %scan3A_99 : i32
        %scan3A_101 = arith.constant 1 : i32
        scf.for %scan3A_106 = %scan3A_98 to %scan3A_100 step %scan3A_101  : i32 {
          %mul3A_107 = arith.constant 128 : i32
          %mul3A_108 = arith.muli %scan3A_106, %mul3A_107 : i32
          %mul3A_109 = arith.constant 2048 : i32
          %mul3A_110 = arith.muli %scan3A_106, %mul3A_109 : i32
          %add3A_111 = arith.constant 0 : i32
          %add3A_112 = arith.addi %mul3A_108, %add3A_111 : i32
          %add3A_113 = arith.constant 0 : i32
          %add3A_114 = arith.addi %mul3A_110, %add3A_113 : i32
          %add3A_115 = vector.broadcast %add3A_114 : i32 to vector<16xi32>
          %add3A_116 = arith.addi %add3A_115, %mul3A_3 : vector<16xi32>
          %add3A_117 = arith.constant 0 : i32
          %add3A_118 = vector.broadcast %add3A_117 : i32 to vector<16xi32>
          %add3A_119 = arith.addi %add3A_116, %add3A_118 : vector<16xi32>
          %get3A = arith.constant 0 : i32
          %get3A_120 = arith.index_cast %get3A : i32 to index
          %get3A_121 = arith.index_cast %add3A_112 : i32 to index
          %get3A_122 = tpu.vector_load %arg7[%get3A_120, %get3A_121] {strides = array<i32>} : memref<8x1024xf32, #tpu.memory_space<vmem>>, vector<16xf32>,
          tpu.vector_store_idx %arg10[%add3A_119], %get3A_122 : memref<16384xf32, #tpu.memory_space<vmem>>[vector<16xi32>], vector<16xf32>,
          %add3A_123 = arith.constant 8 : i32
          %add3A_124 = vector.broadcast %add3A_123 : i32 to vector<16xi32>
          %add3A_125 = arith.addi %add3A_116, %add3A_124 : vector<16xi32>
          %get3A_126 = arith.constant 0 : i32
          %get3A_127 = arith.index_cast %get3A_126 : i32 to index
          %get3A_128 = arith.index_cast %add3A_112 : i32 to index
          %get3A_129 = tpu.vector_load %arg8[%get3A_127, %get3A_128] {strides = array<i32>} : memref<8x1024xf32, #tpu.memory_space<vmem>>, vector<16xf32>,
          tpu.vector_store_idx %arg10[%add3A_125], %get3A_129 : memref<16384xf32, #tpu.memory_space<vmem>>[vector<16xi32>], vector<16xf32>,
          %add3A_130 = arith.constant 1 : i32
          %add3A_131 = vector.broadcast %add3A_130 : i32 to vector<16xi32>
          %add3A_132 = arith.addi %add3A_116, %add3A_131 : vector<16xi32>
          %get3A_133 = arith.constant 1 : i32
          %get3A_134 = arith.index_cast %get3A_133 : i32 to index
          %get3A_135 = arith.index_cast %add3A_112 : i32 to index
          %get3A_136 = tpu.vector_load %arg7[%get3A_134, %get3A_135] {strides = array<i32>} : memref<8x1024xf32, #tpu.memory_space<vmem>>, vector<16xf32>,
          tpu.vector_store_idx %arg10[%add3A_132], %get3A_136 : memref<16384xf32, #tpu.memory_space<vmem>>[vector<16xi32>], vector<16xf32>,
          %add3A_137 = arith.constant 9 : i32
          %add3A_138 = vector.broadcast %add3A_137 : i32 to vector<16xi32>
          %add3A_139 = arith.addi %add3A_116, %add3A_138 : vector<16xi32>
          %get3A_140 = arith.constant 1 : i32
          %get3A_141 = arith.index_cast %get3A_140 : i32 to index
          %get3A_142 = arith.index_cast %add3A_112 : i32 to index
          %get3A_143 = tpu.vector_load %arg8[%get3A_141, %get3A_142] {strides = array<i32>} : memref<8x1024xf32, #tpu.memory_space<vmem>>, vector<16xf32>,
          tpu.vector_store_idx %arg10[%add3A_139], %get3A_143 : memref<16384xf32, #tpu.memory_space<vmem>>[vector<16xi32>], vector<16xf32>,
          %add3A_144 = arith.constant 2 : i32
          %add3A_145 = vector.broadcast %add3A_144 : i32 to vector<16xi32>
          %add3A_146 = arith.addi %add3A_116, %add3A_145 : vector<16xi32>
          %get3A_147 = arith.constant 2 : i32
          %get3A_148 = arith.index_cast %get3A_147 : i32 to index
          %get3A_149 = arith.index_cast %add3A_112 : i32 to index
          %get3A_150 = tpu.vector_load %arg7[%get3A_148, %get3A_149] {strides = array<i32>} : memref<8x1024xf32, #tpu.memory_space<vmem>>, vector<16xf32>,
          tpu.vector_store_idx %arg10[%add3A_146], %get3A_150 : memref<16384xf32, #tpu.memory_space<vmem>>[vector<16xi32>], vector<16xf32>,
          %add3A_151 = arith.constant 10 : i32
          %add3A_152 = vector.broadcast %add3A_151 : i32 to vector<16xi32>
          %add3A_153 = arith.addi %add3A_116, %add3A_152 : vector<16xi32>
          %get3A_154 = arith.constant 2 : i32
          %get3A_155 = arith.index_cast %get3A_154 : i32 to index
          %get3A_156 = arith.index_cast %add3A_112 : i32 to index
          %get3A_157 = tpu.vector_load %arg8[%get3A_155, %get3A_156] {strides = array<i32>} : memref<8x1024xf32, #tpu.memory_space<vmem>>, vector<16xf32>,
          tpu.vector_store_idx %arg10[%add3A_153], %get3A_157 : memref<16384xf32, #tpu.memory_space<vmem>>[vector<16xi32>], vector<16xf32>,
          %add3A_158 = arith.constant 3 : i32
          %add3A_159 = vector.broadcast %add3A_158 : i32 to vector<16xi32>
          %add3A_160 = arith.addi %add3A_116, %add3A_159 : vector<16xi32>
          %get3A_161 = arith.constant 3 : i32
          %get3A_162 = arith.index_cast %get3A_161 : i32 to index
          %get3A_163 = arith.index_cast %add3A_112 : i32 to index
          %get3A_164 = tpu.vector_load %arg7[%get3A_162, %get3A_163] {strides = array<i32>} : memref<8x1024xf32, #tpu.memory_space<vmem>>, vector<16xf32>,
          tpu.vector_store_idx %arg10[%add3A_160], %get3A_164 : memref<16384xf32, #tpu.memory_space<vmem>>[vector<16xi32>], vector<16xf32>,
          %add3A_165 = arith.constant 11 : i32
          %add3A_166 = vector.broadcast %add3A_165 : i32 to vector<16xi32>
          %add3A_167 = arith.addi %add3A_116, %add3A_166 : vector<16xi32>
          %get3A_168 = arith.constant 3 : i32
          %get3A_169 = arith.index_cast %get3A_168 : i32 to index
          %get3A_170 = arith.index_cast %add3A_112 : i32 to index
          %get3A_171 = tpu.vector_load %arg8[%get3A_169, %get3A_170] {strides = array<i32>} : memref<8x1024xf32, #tpu.memory_space<vmem>>, vector<16xf32>,
          tpu.vector_store_idx %arg10[%add3A_167], %get3A_171 : memref<16384xf32, #tpu.memory_space<vmem>>[vector<16xi32>], vector<16xf32>,
          %add3A_172 = arith.constant 4 : i32
          %add3A_173 = vector.broadcast %add3A_172 : i32 to vector<16xi32>
          %add3A_174 = arith.addi %add3A_116, %add3A_173 : vector<16xi32>
          %get3A_175 = arith.constant 4 : i32
          %get3A_176 = arith.index_cast %get3A_175 : i32 to index
          %get3A_177 = arith.index_cast %add3A_112 : i32 to index
          %get3A_178 = tpu.vector_load %arg7[%get3A_176, %get3A_177] {strides = array<i32>} : memref<8x1024xf32, #tpu.memory_space<vmem>>, vector<16xf32>,
          tpu.vector_store_idx %arg10[%add3A_174], %get3A_178 : memref<16384xf32, #tpu.memory_space<vmem>>[vector<16xi32>], vector<16xf32>,
          %add3A_179 = arith.constant 12 : i32
          %add3A_180 = vector.broadcast %add3A_179 : i32 to vector<16xi32>
          %add3A_181 = arith.addi %add3A_116, %add3A_180 : vector<16xi32>
          %get3A_182 = arith.constant 4 : i32
          %get3A_183 = arith.index_cast %get3A_182 : i32 to index
          %get3A_184 = arith.index_cast %add3A_112 : i32 to index
          %get3A_185 = tpu.vector_load %arg8[%get3A_183, %get3A_184] {strides = array<i32>} : memref<8x1024xf32, #tpu.memory_space<vmem>>, vector<16xf32>,
          tpu.vector_store_idx %arg10[%add3A_181], %get3A_185 : memref<16384xf32, #tpu.memory_space<vmem>>[vector<16xi32>], vector<16xf32>,
          %add3A_186 = arith.constant 5 : i32
          %add3A_187 = vector.broadcast %add3A_186 : i32 to vector<16xi32>
          %add3A_188 = arith.addi %add3A_116, %add3A_187 : vector<16xi32>
          %get3A_189 = arith.constant 5 : i32
          %get3A_190 = arith.index_cast %get3A_189 : i32 to index
          %get3A_191 = arith.index_cast %add3A_112 : i32 to index
          %get3A_192 = tpu.vector_load %arg7[%get3A_190, %get3A_191] {strides = array<i32>} : memref<8x1024xf32, #tpu.memory_space<vmem>>, vector<16xf32>,
          tpu.vector_store_idx %arg10[%add3A_188], %get3A_192 : memref<16384xf32, #tpu.memory_space<vmem>>[vector<16xi32>], vector<16xf32>,
          %add3A_193 = arith.constant 13 : i32
          %add3A_194 = vector.broadcast %add3A_193 : i32 to vector<16xi32>
          %add3A_195 = arith.addi %add3A_116, %add3A_194 : vector<16xi32>
          %get3A_196 = arith.constant 5 : i32
          %get3A_197 = arith.index_cast %get3A_196 : i32 to index
          %get3A_198 = arith.index_cast %add3A_112 : i32 to index
          %get3A_199 = tpu.vector_load %arg8[%get3A_197, %get3A_198] {strides = array<i32>} : memref<8x1024xf32, #tpu.memory_space<vmem>>, vector<16xf32>,
          tpu.vector_store_idx %arg10[%add3A_195], %get3A_199 : memref<16384xf32, #tpu.memory_space<vmem>>[vector<16xi32>], vector<16xf32>,
          %add3A_200 = arith.constant 6 : i32
          %add3A_201 = vector.broadcast %add3A_200 : i32 to vector<16xi32>
          %add3A_202 = arith.addi %add3A_116, %add3A_201 : vector<16xi32>
          %get3A_203 = arith.constant 6 : i32
          %get3A_204 = arith.index_cast %get3A_203 : i32 to index
          %get3A_205 = arith.index_cast %add3A_112 : i32 to index
          %get3A_206 = tpu.vector_load %arg7[%get3A_204, %get3A_205] {strides = array<i32>} : memref<8x1024xf32, #tpu.memory_space<vmem>>, vector<16xf32>,
          tpu.vector_store_idx %arg10[%add3A_202], %get3A_206 : memref<16384xf32, #tpu.memory_space<vmem>>[vector<16xi32>], vector<16xf32>,
          %add3A_207 = arith.constant 14 : i32
          %add3A_208 = vector.broadcast %add3A_207 : i32 to vector<16xi32>
          %add3A_209 = arith.addi %add3A_116, %add3A_208 : vector<16xi32>
          %get3A_210 = arith.constant 6 : i32
          %get3A_211 = arith.index_cast %get3A_210 : i32 to index
          %get3A_212 = arith.index_cast %add3A_112 : i32 to index
          %get3A_213 = tpu.vector_load %arg8[%get3A_211, %get3A_212] {strides = array<i32>} : memref<8x1024xf32, #tpu.memory_space<vmem>>, vector<16xf32>,
          tpu.vector_store_idx %arg10[%add3A_209], %get3A_213 : memref<16384xf32, #tpu.memory_space<vmem>>[vector<16xi32>], vector<16xf32>,
          %add3A_214 = arith.constant 7 : i32
          %add3A_215 = vector.broadcast %add3A_214 : i32 to vector<16xi32>
          %add3A_216 = arith.addi %add3A_116, %add3A_215 : vector<16xi32>
          %get3A_217 = arith.constant 7 : i32
          %get3A_218 = arith.index_cast %get3A_217 : i32 to index
          %get3A_219 = arith.index_cast %add3A_112 : i32 to index
          %get3A_220 = tpu.vector_load %arg7[%get3A_218, %get3A_219] {strides = array<i32>} : memref<8x1024xf32, #tpu.memory_space<vmem>>, vector<16xf32>,
          tpu.vector_store_idx %arg10[%add3A_216], %get3A_220 : memref<16384xf32, #tpu.memory_space<vmem>>[vector<16xi32>], vector<16xf32>,
          %add3A_221 = arith.constant 15 : i32
          %add3A_222 = vector.broadcast %add3A_221 : i32 to vector<16xi32>
          %add3A_223 = arith.addi %add3A_116, %add3A_222 : vector<16xi32>
          %get3A_224 = arith.constant 7 : i32
          %get3A_225 = arith.index_cast %get3A_224 : i32 to index
          %get3A_226 = arith.index_cast %add3A_112 : i32 to index
          %get3A_227 = tpu.vector_load %arg8[%get3A_225, %get3A_226] {strides = array<i32>} : memref<8x1024xf32, #tpu.memory_space<vmem>>, vector<16xf32>,
          tpu.vector_store_idx %arg10[%add3A_223], %get3A_227 : memref<16384xf32, #tpu.memory_space<vmem>>[vector<16xi32>], vector<16xf32>,
          %add3A_228 = arith.constant 16 : i32
          %add3A_229 = arith.addi %mul3A_108, %add3A_228 : i32
          %add3A_230 = arith.constant 256 : i32
          %add3A_231 = arith.addi %mul3A_110, %add3A_230 : i32
          %add3A_232 = vector.broadcast %add3A_231 : i32 to vector<16xi32>
          %add3A_233 = arith.addi %add3A_232, %mul3A_3 : vector<16xi32>
          %add3A_234 = arith.constant 0 : i32
          %add3A_235 = vector.broadcast %add3A_234 : i32 to vector<16xi32>
          %add3A_236 = arith.addi %add3A_233, %add3A_235 : vector<16xi32>
          %get3A_237 = arith.constant 0 : i32
          %get3A_238 = arith.index_cast %get3A_237 : i32 to index
          %get3A_239 = arith.index_cast %add3A_229 : i32 to index
          %get3A_240 = tpu.vector_load %arg7[%get3A_238, %get3A_239] {strides = array<i32>} : memref<8x1024xf32, #tpu.memory_space<vmem>>, vector<16xf32>,
          tpu.vector_store_idx %arg10[%add3A_236], %get3A_240 : memref<16384xf32, #tpu.memory_space<vmem>>[vector<16xi32>], vector<16xf32>,
          %add3A_241 = arith.constant 8 : i32
          %add3A_242 = vector.broadcast %add3A_241 : i32 to vector<16xi32>
          %add3A_243 = arith.addi %add3A_233, %add3A_242 : vector<16xi32>
          %get3A_244 = arith.constant 0 : i32
          %get3A_245 = arith.index_cast %get3A_244 : i32 to index
          %get3A_246 = arith.index_cast %add3A_229 : i32 to index
          %get3A_247 = tpu.vector_load %arg8[%get3A_245, %get3A_246] {strides = array<i32>} : memref<8x1024xf32, #tpu.memory_space<vmem>>, vector<16xf32>,
          tpu.vector_store_idx %arg10[%add3A_243], %get3A_247 : memref<16384xf32, #tpu.memory_space<vmem>>[vector<16xi32>], vector<16xf32>,
          %add3A_248 = arith.constant 1 : i32
          %add3A_249 = vector.broadcast %add3A_248 : i32 to vector<16xi32>
          %add3A_250 = arith.addi %add3A_233, %add3A_249 : vector<16xi32>
          %get3A_251 = arith.constant 1 : i32
          %get3A_252 = arith.index_cast %get3A_251 : i32 to index
          %get3A_253 = arith.index_cast %add3A_229 : i32 to index
          %get3A_254 = tpu.vector_load %arg7[%get3A_252, %get3A_253] {strides = array<i32>} : memref<8x1024xf32, #tpu.memory_space<vmem>>, vector<16xf32>,
          tpu.vector_store_idx %arg10[%add3A_250], %get3A_254 : memref<16384xf32, #tpu.memory_space<vmem>>[vector<16xi32>], vector<16xf32>,
          %add3A_255 = arith.constant 9 : i32
          %add3A_256 = vector.broadcast %add3A_255 : i32 to vector<16xi32>
          %add3A_257 = arith.addi %add3A_233, %add3A_256 : vector<16xi32>
          %get3A_258 = arith.constant 1 : i32
          %get3A_259 = arith.index_cast %get3A_258 : i32 to index
          %get3A_260 = arith.index_cast %add3A_229 : i32 to index
          %get3A_261 = tpu.vector_load %arg8[%get3A_259, %get3A_260] {strides = array<i32>} : memref<8x1024xf32, #tpu.memory_space<vmem>>, vector<16xf32>,
          tpu.vector_store_idx %arg10[%add3A_257], %get3A_261 : memref<16384xf32, #tpu.memory_space<vmem>>[vector<16xi32>], vector<16xf32>,
          %add3A_262 = arith.constant 2 : i32
          %add3A_263 = vector.broadcast %add3A_262 : i32 to vector<16xi32>
          %add3A_264 = arith.addi %add3A_233, %add3A_263 : vector<16xi32>
          %get3A_265 = arith.constant 2 : i32
          %get3A_266 = arith.index_cast %get3A_265 : i32 to index
          %get3A_267 = arith.index_cast %add3A_229 : i32 to index
          %get3A_268 = tpu.vector_load %arg7[%get3A_266, %get3A_267] {strides = array<i32>} : memref<8x1024xf32, #tpu.memory_space<vmem>>, vector<16xf32>,
          tpu.vector_store_idx %arg10[%add3A_264], %get3A_268 : memref<16384xf32, #tpu.memory_space<vmem>>[vector<16xi32>], vector<16xf32>,
          %add3A_269 = arith.constant 10 : i32
          %add3A_270 = vector.broadcast %add3A_269 : i32 to vector<16xi32>
          %add3A_271 = arith.addi %add3A_233, %add3A_270 : vector<16xi32>
          %get3A_272 = arith.constant 2 : i32
          %get3A_273 = arith.index_cast %get3A_272 : i32 to index
          %get3A_274 = arith.index_cast %add3A_229 : i32 to index
          %get3A_275 = tpu.vector_load %arg8[%get3A_273, %get3A_274] {strides = array<i32>} : memref<8x1024xf32, #tpu.memory_space<vmem>>, vector<16xf32>,
          tpu.vector_store_idx %arg10[%add3A_271], %get3A_275 : memref<16384xf32, #tpu.memory_space<vmem>>[vector<16xi32>], vector<16xf32>,
          %add3A_276 = arith.constant 3 : i32
          %add3A_277 = vector.broadcast %add3A_276 : i32 to vector<16xi32>
          %add3A_278 = arith.addi %add3A_233, %add3A_277 : vector<16xi32>
          %get3A_279 = arith.constant 3 : i32
          %get3A_280 = arith.index_cast %get3A_279 : i32 to index
          %get3A_281 = arith.index_cast %add3A_229 : i32 to index
          %get3A_282 = tpu.vector_load %arg7[%get3A_280, %get3A_281] {strides = array<i32>} : memref<8x1024xf32, #tpu.memory_space<vmem>>, vector<16xf32>,
          tpu.vector_store_idx %arg10[%add3A_278], %get3A_282 : memref<16384xf32, #tpu.memory_space<vmem>>[vector<16xi32>], vector<16xf32>,
          %add3A_283 = arith.constant 11 : i32
          %add3A_284 = vector.broadcast %add3A_283 : i32 to vector<16xi32>
          %add3A_285 = arith.addi %add3A_233, %add3A_284 : vector<16xi32>
          %get3A_286 = arith.constant 3 : i32
          %get3A_287 = arith.index_cast %get3A_286 : i32 to index
          %get3A_288 = arith.index_cast %add3A_229 : i32 to index
          %get3A_289 = tpu.vector_load %arg8[%get3A_287, %get3A_288] {strides = array<i32>} : memref<8x1024xf32, #tpu.memory_space<vmem>>, vector<16xf32>,
          tpu.vector_store_idx %arg10[%add3A_285], %get3A_289 : memref<16384xf32, #tpu.memory_space<vmem>>[vector<16xi32>], vector<16xf32>,
          %add3A_290 = arith.constant 4 : i32
          %add3A_291 = vector.broadcast %add3A_290 : i32 to vector<16xi32>
          %add3A_292 = arith.addi %add3A_233, %add3A_291 : vector<16xi32>
          %get3A_293 = arith.constant 4 : i32
          %get3A_294 = arith.index_cast %get3A_293 : i32 to index
          %get3A_295 = arith.index_cast %add3A_229 : i32 to index
          %get3A_296 = tpu.vector_load %arg7[%get3A_294, %get3A_295] {strides = array<i32>} : memref<8x1024xf32, #tpu.memory_space<vmem>>, vector<16xf32>,
          tpu.vector_store_idx %arg10[%add3A_292], %get3A_296 : memref<16384xf32, #tpu.memory_space<vmem>>[vector<16xi32>], vector<16xf32>,
          %add3A_297 = arith.constant 12 : i32
          %add3A_298 = vector.broadcast %add3A_297 : i32 to vector<16xi32>
          %add3A_299 = arith.addi %add3A_233, %add3A_298 : vector<16xi32>
          %get3A_300 = arith.constant 4 : i32
          %get3A_301 = arith.index_cast %get3A_300 : i32 to index
          %get3A_302 = arith.index_cast %add3A_229 : i32 to index
          %get3A_303 = tpu.vector_load %arg8[%get3A_301, %get3A_302] {strides = array<i32>} : memref<8x1024xf32, #tpu.memory_space<vmem>>, vector<16xf32>,
          tpu.vector_store_idx %arg10[%add3A_299], %get3A_303 : memref<16384xf32, #tpu.memory_space<vmem>>[vector<16xi32>], vector<16xf32>,
          %add3A_304 = arith.constant 5 : i32
          %add3A_305 = vector.broadcast %add3A_304 : i32 to vector<16xi32>
          %add3A_306 = arith.addi %add3A_233, %add3A_305 : vector<16xi32>
          %get3A_307 = arith.constant 5 : i32
          %get3A_308 = arith.index_cast %get3A_307 : i32 to index
          %get3A_309 = arith.index_cast %add3A_229 : i32 to index
          %get3A_310 = tpu.vector_load %arg7[%get3A_308, %get3A_309] {strides = array<i32>} : memref<8x1024xf32, #tpu.memory_space<vmem>>, vector<16xf32>,
          tpu.vector_store_idx %arg10[%add3A_306], %get3A_310 : memref<16384xf32, #tpu.memory_space<vmem>>[vector<16xi32>], vector<16xf32>,
          %add3A_311 = arith.constant 13 : i32
          %add3A_312 = vector.broadcast %add3A_311 : i32 to vector<16xi32>
          %add3A_313 = arith.addi %add3A_233, %add3A_312 : vector<16xi32>
          %get3A_314 = arith.constant 5 : i32
          %get3A_315 = arith.index_cast %get3A_314 : i32 to index
          %get3A_316 = arith.index_cast %add3A_229 : i32 to index
          %get3A_317 = tpu.vector_load %arg8[%get3A_315, %get3A_316] {strides = array<i32>} : memref<8x1024xf32, #tpu.memory_space<vmem>>, vector<16xf32>,
          tpu.vector_store_idx %arg10[%add3A_313], %get3A_317 : memref<16384xf32, #tpu.memory_space<vmem>>[vector<16xi32>], vector<16xf32>,
          %add3A_318 = arith.constant 6 : i32
          %add3A_319 = vector.broadcast %add3A_318 : i32 to vector<16xi32>
          %add3A_320 = arith.addi %add3A_233, %add3A_319 : vector<16xi32>
          %get3A_321 = arith.constant 6 : i32
          %get3A_322 = arith.index_cast %get3A_321 : i32 to index
          %get3A_323 = arith.index_cast %add3A_229 : i32 to index
          %get3A_324 = tpu.vector_load %arg7[%get3A_322, %get3A_323] {strides = array<i32>} : memref<8x1024xf32, #tpu.memory_space<vmem>>, vector<16xf32>,
          tpu.vector_store_idx %arg10[%add3A_320], %get3A_324 : memref<16384xf32, #tpu.memory_space<vmem>>[vector<16xi32>], vector<16xf32>,
          %add3A_325 = arith.constant 14 : i32
          %add3A_326 = vector.broadcast %add3A_325 : i32 to vector<16xi32>
          %add3A_327 = arith.addi %add3A_233, %add3A_326 : vector<16xi32>
          %get3A_328 = arith.constant 6 : i32
          %get3A_329 = arith.index_cast %get3A_328 : i32 to index
          %get3A_330 = arith.index_cast %add3A_229 : i32 to index
          %get3A_331 = tpu.vector_load %arg8[%get3A_329, %get3A_330] {strides = array<i32>} : memref<8x1024xf32, #tpu.memory_space<vmem>>, vector<16xf32>,
          tpu.vector_store_idx %arg10[%add3A_327], %get3A_331 : memref<16384xf32, #tpu.memory_space<vmem>>[vector<16xi32>], vector<16xf32>,
          %add3A_332 = arith.constant 7 : i32
          %add3A_333 = vector.broadcast %add3A_332 : i32 to vector<16xi32>
          %add3A_334 = arith.addi %add3A_233, %add3A_333 : vector<16xi32>
          %get3A_335 = arith.constant 7 : i32
          %get3A_336 = arith.index_cast %get3A_335 : i32 to index
          %get3A_337 = arith.index_cast %add3A_229 : i32 to index
          %get3A_338 = tpu.vector_load %arg7[%get3A_336, %get3A_337] {strides = array<i32>} : memref<8x1024xf32, #tpu.memory_space<vmem>>, vector<16xf32>,
          tpu.vector_store_idx %arg10[%add3A_334], %get3A_338 : memref<16384xf32, #tpu.memory_space<vmem>>[vector<16xi32>], vector<16xf32>,
          %add3A_339 = arith.constant 15 : i32
          %add3A_340 = vector.broadcast %add3A_339 : i32 to vector<16xi32>
          %add3A_341 = arith.addi %add3A_233, %add3A_340 : vector<16xi32>
          %get3A_342 = arith.constant 7 : i32
          %get3A_343 = arith.index_cast %get3A_342 : i32 to index
          %get3A_344 = arith.index_cast %add3A_229 : i32 to index
          %get3A_345 = tpu.vector_load %arg8[%get3A_343, %get3A_344] {strides = array<i32>} : memref<8x1024xf32, #tpu.memory_space<vmem>>, vector<16xf32>,
          tpu.vector_store_idx %arg10[%add3A_341], %get3A_345 : memref<16384xf32, #tpu.memory_space<vmem>>[vector<16xi32>], vector<16xf32>,
          %add3A_346 = arith.constant 32 : i32
          %add3A_347 = arith.addi %mul3A_108, %add3A_346 : i32
          %add3A_348 = arith.constant 512 : i32
          %add3A_349 = arith.addi %mul3A_110, %add3A_348 : i32
          %add3A_350 = vector.broadcast %add3A_349 : i32 to vector<16xi32>
          %add3A_351 = arith.addi %add3A_350, %mul3A_3 : vector<16xi32>
          %add3A_352 = arith.constant 0 : i32
          %add3A_353 = vector.broadcast %add3A_352 : i32 to vector<16xi32>
          %add3A_354 = arith.addi %add3A_351, %add3A_353 : vector<16xi32>
          %get3A_355 = arith.constant 0 : i32
          %get3A_356 = arith.index_cast %get3A_355 : i32 to index
          %get3A_357 = arith.index_cast %add3A_347 : i32 to index
          %get3A_358 = tpu.vector_load %arg7[%get3A_356, %get3A_357] {strides = array<i32>} : memref<8x1024xf32, #tpu.memory_space<vmem>>, vector<16xf32>,
          tpu.vector_store_idx %arg10[%add3A_354], %get3A_358 : memref<16384xf32, #tpu.memory_space<vmem>>[vector<16xi32>], vector<16xf32>,
          %add3A_359 = arith.constant 8 : i32
          %add3A_360 = vector.broadcast %add3A_359 : i32 to vector<16xi32>
          %add3A_361 = arith.addi %add3A_351, %add3A_360 : vector<16xi32>
          %get3A_362 = arith.constant 0 : i32
          %get3A_363 = arith.index_cast %get3A_362 : i32 to index
          %get3A_364 = arith.index_cast %add3A_347 : i32 to index
          %get3A_365 = tpu.vector_load %arg8[%get3A_363, %get3A_364] {strides = array<i32>} : memref<8x1024xf32, #tpu.memory_space<vmem>>, vector<16xf32>,
          tpu.vector_store_idx %arg10[%add3A_361], %get3A_365 : memref<16384xf32, #tpu.memory_space<vmem>>[vector<16xi32>], vector<16xf32>,
          %add3A_366 = arith.constant 1 : i32
          %add3A_367 = vector.broadcast %add3A_366 : i32 to vector<16xi32>
          %add3A_368 = arith.addi %add3A_351, %add3A_367 : vector<16xi32>
          %get3A_369 = arith.constant 1 : i32
          %get3A_370 = arith.index_cast %get3A_369 : i32 to index
          %get3A_371 = arith.index_cast %add3A_347 : i32 to index
          %get3A_372 = tpu.vector_load %arg7[%get3A_370, %get3A_371] {strides = array<i32>} : memref<8x1024xf32, #tpu.memory_space<vmem>>, vector<16xf32>,
          tpu.vector_store_idx %arg10[%add3A_368], %get3A_372 : memref<16384xf32, #tpu.memory_space<vmem>>[vector<16xi32>], vector<16xf32>,
          %add3A_373 = arith.constant 9 : i32
          %add3A_374 = vector.broadcast %add3A_373 : i32 to vector<16xi32>
          %add3A_375 = arith.addi %add3A_351, %add3A_374 : vector<16xi32>
          %get3A_376 = arith.constant 1 : i32
          %get3A_377 = arith.index_cast %get3A_376 : i32 to index
          %get3A_378 = arith.index_cast %add3A_347 : i32 to index
          %get3A_379 = tpu.vector_load %arg8[%get3A_377, %get3A_378] {strides = array<i32>} : memref<8x1024xf32, #tpu.memory_space<vmem>>, vector<16xf32>,
          tpu.vector_store_idx %arg10[%add3A_375], %get3A_379 : memref<16384xf32, #tpu.memory_space<vmem>>[vector<16xi32>], vector<16xf32>,
          %add3A_380 = arith.constant 2 : i32
          %add3A_381 = vector.broadcast %add3A_380 : i32 to vector<16xi32>
          %add3A_382 = arith.addi %add3A_351, %add3A_381 : vector<16xi32>
          %get3A_383 = arith.constant 2 : i32
          %get3A_384 = arith.index_cast %get3A_383 : i32 to index
          %get3A_385 = arith.index_cast %add3A_347 : i32 to index
          %get3A_386 = tpu.vector_load %arg7[%get3A_384, %get3A_385] {strides = array<i32>} : memref<8x1024xf32, #tpu.memory_space<vmem>>, vector<16xf32>,
          tpu.vector_store_idx %arg10[%add3A_382], %get3A_386 : memref<16384xf32, #tpu.memory_space<vmem>>[vector<16xi32>], vector<16xf32>,
          %add3A_387 = arith.constant 10 : i32
          %add3A_388 = vector.broadcast %add3A_387 : i32 to vector<16xi32>
          %add3A_389 = arith.addi %add3A_351, %add3A_388 : vector<16xi32>
          %get3A_390 = arith.constant 2 : i32
          %get3A_391 = arith.index_cast %get3A_390 : i32 to index
          %get3A_392 = arith.index_cast %add3A_347 : i32 to index
          %get3A_393 = tpu.vector_load %arg8[%get3A_391, %get3A_392] {strides = array<i32>} : memref<8x1024xf32, #tpu.memory_space<vmem>>, vector<16xf32>,
          tpu.vector_store_idx %arg10[%add3A_389], %get3A_393 : memref<16384xf32, #tpu.memory_space<vmem>>[vector<16xi32>], vector<16xf32>,
          %add3A_394 = arith.constant 3 : i32
          %add3A_395 = vector.broadcast %add3A_394 : i32 to vector<16xi32>
          %add3A_396 = arith.addi %add3A_351, %add3A_395 : vector<16xi32>
          %get3A_397 = arith.constant 3 : i32
          %get3A_398 = arith.index_cast %get3A_397 : i32 to index
          %get3A_399 = arith.index_cast %add3A_347 : i32 to index
          %get3A_400 = tpu.vector_load %arg7[%get3A_398, %get3A_399] {strides = array<i32>} : memref<8x1024xf32, #tpu.memory_space<vmem>>, vector<16xf32>,
          tpu.vector_store_idx %arg10[%add3A_396], %get3A_400 : memref<16384xf32, #tpu.memory_space<vmem>>[vector<16xi32>], vector<16xf32>,
          %add3A_401 = arith.constant 11 : i32
          %add3A_402 = vector.broadcast %add3A_401 : i32 to vector<16xi32>
          %add3A_403 = arith.addi %add3A_351, %add3A_402 : vector<16xi32>
          %get3A_404 = arith.constant 3 : i32
          %get3A_405 = arith.index_cast %get3A_404 : i32 to index
          %get3A_406 = arith.index_cast %add3A_347 : i32 to index
          %get3A_407 = tpu.vector_load %arg8[%get3A_405, %get3A_406] {strides = array<i32>} : memref<8x1024xf32, #tpu.memory_space<vmem>>, vector<16xf32>,
          tpu.vector_store_idx %arg10[%add3A_403], %get3A_407 : memref<16384xf32, #tpu.memory_space<vmem>>[vector<16xi32>], vector<16xf32>,
          %add3A_408 = arith.constant 4 : i32
          %add3A_409 = vector.broadcast %add3A_408 : i32 to vector<16xi32>
          %add3A_410 = arith.addi %add3A_351, %add3A_409 : vector<16xi32>
          %get3A_411 = arith.constant 4 : i32
          %get3A_412 = arith.index_cast %get3A_411 : i32 to index
          %get3A_413 = arith.index_cast %add3A_347 : i32 to index
          %get3A_414 = tpu.vector_load %arg7[%get3A_412, %get3A_413] {strides = array<i32>} : memref<8x1024xf32, #tpu.memory_space<vmem>>, vector<16xf32>,
          tpu.vector_store_idx %arg10[%add3A_410], %get3A_414 : memref<16384xf32, #tpu.memory_space<vmem>>[vector<16xi32>], vector<16xf32>,
          %add3A_415 = arith.constant 12 : i32
          %add3A_416 = vector.broadcast %add3A_415 : i32 to vector<16xi32>
          %add3A_417 = arith.addi %add3A_351, %add3A_416 : vector<16xi32>
          %get3A_418 = arith.constant 4 : i32
          %get3A_419 = arith.index_cast %get3A_418 : i32 to index
          %get3A_420 = arith.index_cast %add3A_347 : i32 to index
          %get3A_421 = tpu.vector_load %arg8[%get3A_419, %get3A_420] {strides = array<i32>} : memref<8x1024xf32, #tpu.memory_space<vmem>>, vector<16xf32>,
          tpu.vector_store_idx %arg10[%add3A_417], %get3A_421 : memref<16384xf32, #tpu.memory_space<vmem>>[vector<16xi32>], vector<16xf32>,
          %add3A_422 = arith.constant 5 : i32
          %add3A_423 = vector.broadcast %add3A_422 : i32 to vector<16xi32>
          %add3A_424 = arith.addi %add3A_351, %add3A_423 : vector<16xi32>
          %get3A_425 = arith.constant 5 : i32
          %get3A_426 = arith.index_cast %get3A_425 : i32 to index
          %get3A_427 = arith.index_cast %add3A_347 : i32 to index
          %get3A_428 = tpu.vector_load %arg7[%get3A_426, %get3A_427] {strides = array<i32>} : memref<8x1024xf32, #tpu.memory_space<vmem>>, vector<16xf32>,
          tpu.vector_store_idx %arg10[%add3A_424], %get3A_428 : memref<16384xf32, #tpu.memory_space<vmem>>[vector<16xi32>], vector<16xf32>,
          %add3A_429 = arith.constant 13 : i32
          %add3A_430 = vector.broadcast %add3A_429 : i32 to vector<16xi32>
          %add3A_431 = arith.addi %add3A_351, %add3A_430 : vector<16xi32>
          %get3A_432 = arith.constant 5 : i32
          %get3A_433 = arith.index_cast %get3A_432 : i32 to index
          %get3A_434 = arith.index_cast %add3A_347 : i32 to index
          %get3A_435 = tpu.vector_load %arg8[%get3A_433, %get3A_434] {strides = array<i32>} : memref<8x1024xf32, #tpu.memory_space<vmem>>, vector<16xf32>,
          tpu.vector_store_idx %arg10[%add3A_431], %get3A_435 : memref<16384xf32, #tpu.memory_space<vmem>>[vector<16xi32>], vector<16xf32>,
          %add3A_436 = arith.constant 6 : i32
          %add3A_437 = vector.broadcast %add3A_436 : i32 to vector<16xi32>
          %add3A_438 = arith.addi %add3A_351, %add3A_437 : vector<16xi32>
          %get3A_439 = arith.constant 6 : i32
          %get3A_440 = arith.index_cast %get3A_439 : i32 to index
          %get3A_441 = arith.index_cast %add3A_347 : i32 to index
          %get3A_442 = tpu.vector_load %arg7[%get3A_440, %get3A_441] {strides = array<i32>} : memref<8x1024xf32, #tpu.memory_space<vmem>>, vector<16xf32>,
          tpu.vector_store_idx %arg10[%add3A_438], %get3A_442 : memref<16384xf32, #tpu.memory_space<vmem>>[vector<16xi32>], vector<16xf32>,
          %add3A_443 = arith.constant 14 : i32
          %add3A_444 = vector.broadcast %add3A_443 : i32 to vector<16xi32>
          %add3A_445 = arith.addi %add3A_351, %add3A_444 : vector<16xi32>
          %get3A_446 = arith.constant 6 : i32
          %get3A_447 = arith.index_cast %get3A_446 : i32 to index
          %get3A_448 = arith.index_cast %add3A_347 : i32 to index
          %get3A_449 = tpu.vector_load %arg8[%get3A_447, %get3A_448] {strides = array<i32>} : memref<8x1024xf32, #tpu.memory_space<vmem>>, vector<16xf32>,
          tpu.vector_store_idx %arg10[%add3A_445], %get3A_449 : memref<16384xf32, #tpu.memory_space<vmem>>[vector<16xi32>], vector<16xf32>,
          %add3A_450 = arith.constant 7 : i32
          %add3A_451 = vector.broadcast %add3A_450 : i32 to vector<16xi32>
          %add3A_452 = arith.addi %add3A_351, %add3A_451 : vector<16xi32>
          %get3A_453 = arith.constant 7 : i32
          %get3A_454 = arith.index_cast %get3A_453 : i32 to index
          %get3A_455 = arith.index_cast %add3A_347 : i32 to index
          %get3A_456 = tpu.vector_load %arg7[%get3A_454, %get3A_455] {strides = array<i32>} : memref<8x1024xf32, #tpu.memory_space<vmem>>, vector<16xf32>,
          tpu.vector_store_idx %arg10[%add3A_452], %get3A_456 : memref<16384xf32, #tpu.memory_space<vmem>>[vector<16xi32>], vector<16xf32>,
          %add3A_457 = arith.constant 15 : i32
          %add3A_458 = vector.broadcast %add3A_457 : i32 to vector<16xi32>
          %add3A_459 = arith.addi %add3A_351, %add3A_458 : vector<16xi32>
          %get3A_460 = arith.constant 7 : i32
          %get3A_461 = arith.index_cast %get3A_460 : i32 to index
          %get3A_462 = arith.index_cast %add3A_347 : i32 to index
          %get3A_463 = tpu.vector_load %arg8[%get3A_461, %get3A_462] {strides = array<i32>} : memref<8x1024xf32, #tpu.memory_space<vmem>>, vector<16xf32>,
          tpu.vector_store_idx %arg10[%add3A_459], %get3A_463 : memref<16384xf32, #tpu.memory_space<vmem>>[vector<16xi32>], vector<16xf32>,
          %add3A_464 = arith.constant 48 : i32
          %add3A_465 = arith.addi %mul3A_108, %add3A_464 : i32
          %add3A_466 = arith.constant 768 : i32
          %add3A_467 = arith.addi %mul3A_110, %add3A_466 : i32
          %add3A_468 = vector.broadcast %add3A_467 : i32 to vector<16xi32>
          %add3A_469 = arith.addi %add3A_468, %mul3A_3 : vector<16xi32>
          %add3A_470 = arith.constant 0 : i32
          %add3A_471 = vector.broadcast %add3A_470 : i32 to vector<16xi32>
          %add3A_472 = arith.addi %add3A_469, %add3A_471 : vector<16xi32>
          %get3A_473 = arith.constant 0 : i32
          %get3A_474 = arith.index_cast %get3A_473 : i32 to index
          %get3A_475 = arith.index_cast %add3A_465 : i32 to index
          %get3A_476 = tpu.vector_load %arg7[%get3A_474, %get3A_475] {strides = array<i32>} : memref<8x1024xf32, #tpu.memory_space<vmem>>, vector<16xf32>,
          tpu.vector_store_idx %arg10[%add3A_472], %get3A_476 : memref<16384xf32, #tpu.memory_space<vmem>>[vector<16xi32>], vector<16xf32>,
          %add3A_477 = arith.constant 8 : i32
          %add3A_478 = vector.broadcast %add3A_477 : i32 to vector<16xi32>
          %add3A_479 = arith.addi %add3A_469, %add3A_478 : vector<16xi32>
          %get3A_480 = arith.constant 0 : i32
          %get3A_481 = arith.index_cast %get3A_480 : i32 to index
          %get3A_482 = arith.index_cast %add3A_465 : i32 to index
          %get3A_483 = tpu.vector_load %arg8[%get3A_481, %get3A_482] {strides = array<i32>} : memref<8x1024xf32, #tpu.memory_space<vmem>>, vector<16xf32>,
          tpu.vector_store_idx %arg10[%add3A_479], %get3A_483 : memref<16384xf32, #tpu.memory_space<vmem>>[vector<16xi32>], vector<16xf32>,
          %add3A_484 = arith.constant 1 : i32
          %add3A_485 = vector.broadcast %add3A_484 : i32 to vector<16xi32>
          %add3A_486 = arith.addi %add3A_469, %add3A_485 : vector<16xi32>
          %get3A_487 = arith.constant 1 : i32
          %get3A_488 = arith.index_cast %get3A_487 : i32 to index
          %get3A_489 = arith.index_cast %add3A_465 : i32 to index
          %get3A_490 = tpu.vector_load %arg7[%get3A_488, %get3A_489] {strides = array<i32>} : memref<8x1024xf32, #tpu.memory_space<vmem>>, vector<16xf32>,
          tpu.vector_store_idx %arg10[%add3A_486], %get3A_490 : memref<16384xf32, #tpu.memory_space<vmem>>[vector<16xi32>], vector<16xf32>,
          %add3A_491 = arith.constant 9 : i32
          %add3A_492 = vector.broadcast %add3A_491 : i32 to vector<16xi32>
          %add3A_493 = arith.addi %add3A_469, %add3A_492 : vector<16xi32>
          %get3A_494 = arith.constant 1 : i32
          %get3A_495 = arith.index_cast %get3A_494 : i32 to index
          %get3A_496 = arith.index_cast %add3A_465 : i32 to index
          %get3A_497 = tpu.vector_load %arg8[%get3A_495, %get3A_496] {strides = array<i32>} : memref<8x1024xf32, #tpu.memory_space<vmem>>, vector<16xf32>,
          tpu.vector_store_idx %arg10[%add3A_493], %get3A_497 : memref<16384xf32, #tpu.memory_space<vmem>>[vector<16xi32>], vector<16xf32>,
          %add3A_498 = arith.constant 2 : i32
          %add3A_499 = vector.broadcast %add3A_498 : i32 to vector<16xi32>
          %add3A_500 = arith.addi %add3A_469, %add3A_499 : vector<16xi32>
          %get3A_501 = arith.constant 2 : i32
          %get3A_502 = arith.index_cast %get3A_501 : i32 to index
          %get3A_503 = arith.index_cast %add3A_465 : i32 to index
          %get3A_504 = tpu.vector_load %arg7[%get3A_502, %get3A_503] {strides = array<i32>} : memref<8x1024xf32, #tpu.memory_space<vmem>>, vector<16xf32>,
          tpu.vector_store_idx %arg10[%add3A_500], %get3A_504 : memref<16384xf32, #tpu.memory_space<vmem>>[vector<16xi32>], vector<16xf32>,
          %add3A_505 = arith.constant 10 : i32
          %add3A_506 = vector.broadcast %add3A_505 : i32 to vector<16xi32>
          %add3A_507 = arith.addi %add3A_469, %add3A_506 : vector<16xi32>
          %get3A_508 = arith.constant 2 : i32
          %get3A_509 = arith.index_cast %get3A_508 : i32 to index
          %get3A_510 = arith.index_cast %add3A_465 : i32 to index
          %get3A_511 = tpu.vector_load %arg8[%get3A_509, %get3A_510] {strides = array<i32>} : memref<8x1024xf32, #tpu.memory_space<vmem>>, vector<16xf32>,
          tpu.vector_store_idx %arg10[%add3A_507], %get3A_511 : memref<16384xf32, #tpu.memory_space<vmem>>[vector<16xi32>], vector<16xf32>,
          %add3A_512 = arith.constant 3 : i32
          %add3A_513 = vector.broadcast %add3A_512 : i32 to vector<16xi32>
          %add3A_514 = arith.addi %add3A_469, %add3A_513 : vector<16xi32>
          %get3A_515 = arith.constant 3 : i32
          %get3A_516 = arith.index_cast %get3A_515 : i32 to index
          %get3A_517 = arith.index_cast %add3A_465 : i32 to index
          %get3A_518 = tpu.vector_load %arg7[%get3A_516, %get3A_517] {strides = array<i32>} : memref<8x1024xf32, #tpu.memory_space<vmem>>, vector<16xf32>,
          tpu.vector_store_idx %arg10[%add3A_514], %get3A_518 : memref<16384xf32, #tpu.memory_space<vmem>>[vector<16xi32>], vector<16xf32>,
          %add3A_519 = arith.constant 11 : i32
          %add3A_520 = vector.broadcast %add3A_519 : i32 to vector<16xi32>
          %add3A_521 = arith.addi %add3A_469, %add3A_520 : vector<16xi32>
          %get3A_522 = arith.constant 3 : i32
          %get3A_523 = arith.index_cast %get3A_522 : i32 to index
          %get3A_524 = arith.index_cast %add3A_465 : i32 to index
          %get3A_525 = tpu.vector_load %arg8[%get3A_523, %get3A_524] {strides = array<i32>} : memref<8x1024xf32, #tpu.memory_space<vmem>>, vector<16xf32>,
          tpu.vector_store_idx %arg10[%add3A_521], %get3A_525 : memref<16384xf32, #tpu.memory_space<vmem>>[vector<16xi32>], vector<16xf32>,
          %add3A_526 = arith.constant 4 : i32
          %add3A_527 = vector.broadcast %add3A_526 : i32 to vector<16xi32>
          %add3A_528 = arith.addi %add3A_469, %add3A_527 : vector<16xi32>
          %get3A_529 = arith.constant 4 : i32
          %get3A_530 = arith.index_cast %get3A_529 : i32 to index
          %get3A_531 = arith.index_cast %add3A_465 : i32 to index
          %get3A_532 = tpu.vector_load %arg7[%get3A_530, %get3A_531] {strides = array<i32>} : memref<8x1024xf32, #tpu.memory_space<vmem>>, vector<16xf32>,
          tpu.vector_store_idx %arg10[%add3A_528], %get3A_532 : memref<16384xf32, #tpu.memory_space<vmem>>[vector<16xi32>], vector<16xf32>,
          %add3A_533 = arith.constant 12 : i32
          %add3A_534 = vector.broadcast %add3A_533 : i32 to vector<16xi32>
          %add3A_535 = arith.addi %add3A_469, %add3A_534 : vector<16xi32>
          %get3A_536 = arith.constant 4 : i32
          %get3A_537 = arith.index_cast %get3A_536 : i32 to index
          %get3A_538 = arith.index_cast %add3A_465 : i32 to index
          %get3A_539 = tpu.vector_load %arg8[%get3A_537, %get3A_538] {strides = array<i32>} : memref<8x1024xf32, #tpu.memory_space<vmem>>, vector<16xf32>,
          tpu.vector_store_idx %arg10[%add3A_535], %get3A_539 : memref<16384xf32, #tpu.memory_space<vmem>>[vector<16xi32>], vector<16xf32>,
          %add3A_540 = arith.constant 5 : i32
          %add3A_541 = vector.broadcast %add3A_540 : i32 to vector<16xi32>
          %add3A_542 = arith.addi %add3A_469, %add3A_541 : vector<16xi32>
          %get3A_543 = arith.constant 5 : i32
          %get3A_544 = arith.index_cast %get3A_543 : i32 to index
          %get3A_545 = arith.index_cast %add3A_465 : i32 to index
          %get3A_546 = tpu.vector_load %arg7[%get3A_544, %get3A_545] {strides = array<i32>} : memref<8x1024xf32, #tpu.memory_space<vmem>>, vector<16xf32>,
          tpu.vector_store_idx %arg10[%add3A_542], %get3A_546 : memref<16384xf32, #tpu.memory_space<vmem>>[vector<16xi32>], vector<16xf32>,
          %add3A_547 = arith.constant 13 : i32
          %add3A_548 = vector.broadcast %add3A_547 : i32 to vector<16xi32>
          %add3A_549 = arith.addi %add3A_469, %add3A_548 : vector<16xi32>
          %get3A_550 = arith.constant 5 : i32
          %get3A_551 = arith.index_cast %get3A_550 : i32 to index
          %get3A_552 = arith.index_cast %add3A_465 : i32 to index
          %get3A_553 = tpu.vector_load %arg8[%get3A_551, %get3A_552] {strides = array<i32>} : memref<8x1024xf32, #tpu.memory_space<vmem>>, vector<16xf32>,
          tpu.vector_store_idx %arg10[%add3A_549], %get3A_553 : memref<16384xf32, #tpu.memory_space<vmem>>[vector<16xi32>], vector<16xf32>,
          %add3A_554 = arith.constant 6 : i32
          %add3A_555 = vector.broadcast %add3A_554 : i32 to vector<16xi32>
          %add3A_556 = arith.addi %add3A_469, %add3A_555 : vector<16xi32>
          %get3A_557 = arith.constant 6 : i32
          %get3A_558 = arith.index_cast %get3A_557 : i32 to index
          %get3A_559 = arith.index_cast %add3A_465 : i32 to index
          %get3A_560 = tpu.vector_load %arg7[%get3A_558, %get3A_559] {strides = array<i32>} : memref<8x1024xf32, #tpu.memory_space<vmem>>, vector<16xf32>,
          tpu.vector_store_idx %arg10[%add3A_556], %get3A_560 : memref<16384xf32, #tpu.memory_space<vmem>>[vector<16xi32>], vector<16xf32>,
          %add3A_561 = arith.constant 14 : i32
          %add3A_562 = vector.broadcast %add3A_561 : i32 to vector<16xi32>
          %add3A_563 = arith.addi %add3A_469, %add3A_562 : vector<16xi32>
          %get3A_564 = arith.constant 6 : i32
          %get3A_565 = arith.index_cast %get3A_564 : i32 to index
          %get3A_566 = arith.index_cast %add3A_465 : i32 to index
          %get3A_567 = tpu.vector_load %arg8[%get3A_565, %get3A_566] {strides = array<i32>} : memref<8x1024xf32, #tpu.memory_space<vmem>>, vector<16xf32>,
          tpu.vector_store_idx %arg10[%add3A_563], %get3A_567 : memref<16384xf32, #tpu.memory_space<vmem>>[vector<16xi32>], vector<16xf32>,
          %add3A_568 = arith.constant 7 : i32
          %add3A_569 = vector.broadcast %add3A_568 : i32 to vector<16xi32>
          %add3A_570 = arith.addi %add3A_469, %add3A_569 : vector<16xi32>
          %get3A_571 = arith.constant 7 : i32
          %get3A_572 = arith.index_cast %get3A_571 : i32 to index
          %get3A_573 = arith.index_cast %add3A_465 : i32 to index
          %get3A_574 = tpu.vector_load %arg7[%get3A_572, %get3A_573] {strides = array<i32>} : memref<8x1024xf32, #tpu.memory_space<vmem>>, vector<16xf32>,
          tpu.vector_store_idx %arg10[%add3A_570], %get3A_574 : memref<16384xf32, #tpu.memory_space<vmem>>[vector<16xi32>], vector<16xf32>,
          %add3A_575 = arith.constant 15 : i32
          %add3A_576 = vector.broadcast %add3A_575 : i32 to vector<16xi32>
          %add3A_577 = arith.addi %add3A_469, %add3A_576 : vector<16xi32>
          %get3A_578 = arith.constant 7 : i32
          %get3A_579 = arith.index_cast %get3A_578 : i32 to index
          %get3A_580 = arith.index_cast %add3A_465 : i32 to index
          %get3A_581 = tpu.vector_load %arg8[%get3A_579, %get3A_580] {strides = array<i32>} : memref<8x1024xf32, #tpu.memory_space<vmem>>, vector<16xf32>,
          tpu.vector_store_idx %arg10[%add3A_577], %get3A_581 : memref<16384xf32, #tpu.memory_space<vmem>>[vector<16xi32>], vector<16xf32>,
          %add3A_582 = arith.constant 64 : i32
          %add3A_583 = arith.addi %mul3A_108, %add3A_582 : i32
          %add3A_584 = arith.constant 1024 : i32
          %add3A_585 = arith.addi %mul3A_110, %add3A_584 : i32
          %add3A_586 = vector.broadcast %add3A_585 : i32 to vector<16xi32>
          %add3A_587 = arith.addi %add3A_586, %mul3A_3 : vector<16xi32>
          %add3A_588 = arith.constant 0 : i32
          %add3A_589 = vector.broadcast %add3A_588 : i32 to vector<16xi32>
          %add3A_590 = arith.addi %add3A_587, %add3A_589 : vector<16xi32>
          %get3A_591 = arith.constant 0 : i32
          %get3A_592 = arith.index_cast %get3A_591 : i32 to index
          %get3A_593 = arith.index_cast %add3A_583 : i32 to index
          %get3A_594 = tpu.vector_load %arg7[%get3A_592, %get3A_593] {strides = array<i32>} : memref<8x1024xf32, #tpu.memory_space<vmem>>, vector<16xf32>,
          tpu.vector_store_idx %arg10[%add3A_590], %get3A_594 : memref<16384xf32, #tpu.memory_space<vmem>>[vector<16xi32>], vector<16xf32>,
          %add3A_595 = arith.constant 8 : i32
          %add3A_596 = vector.broadcast %add3A_595 : i32 to vector<16xi32>
          %add3A_597 = arith.addi %add3A_587, %add3A_596 : vector<16xi32>
          %get3A_598 = arith.constant 0 : i32
          %get3A_599 = arith.index_cast %get3A_598 : i32 to index
          %get3A_600 = arith.index_cast %add3A_583 : i32 to index
          %get3A_601 = tpu.vector_load %arg8[%get3A_599, %get3A_600] {strides = array<i32>} : memref<8x1024xf32, #tpu.memory_space<vmem>>, vector<16xf32>,
          tpu.vector_store_idx %arg10[%add3A_597], %get3A_601 : memref<16384xf32, #tpu.memory_space<vmem>>[vector<16xi32>], vector<16xf32>,
          %add3A_602 = arith.constant 1 : i32
          %add3A_603 = vector.broadcast %add3A_602 : i32 to vector<16xi32>
          %add3A_604 = arith.addi %add3A_587, %add3A_603 : vector<16xi32>
          %get3A_605 = arith.constant 1 : i32
          %get3A_606 = arith.index_cast %get3A_605 : i32 to index
          %get3A_607 = arith.index_cast %add3A_583 : i32 to index
          %get3A_608 = tpu.vector_load %arg7[%get3A_606, %get3A_607] {strides = array<i32>} : memref<8x1024xf32, #tpu.memory_space<vmem>>, vector<16xf32>,
          tpu.vector_store_idx %arg10[%add3A_604], %get3A_608 : memref<16384xf32, #tpu.memory_space<vmem>>[vector<16xi32>], vector<16xf32>,
          %add3A_609 = arith.constant 9 : i32
          %add3A_610 = vector.broadcast %add3A_609 : i32 to vector<16xi32>
          %add3A_611 = arith.addi %add3A_587, %add3A_610 : vector<16xi32>
          %get3A_612 = arith.constant 1 : i32
          %get3A_613 = arith.index_cast %get3A_612 : i32 to index
          %get3A_614 = arith.index_cast %add3A_583 : i32 to index
          %get3A_615 = tpu.vector_load %arg8[%get3A_613, %get3A_614] {strides = array<i32>} : memref<8x1024xf32, #tpu.memory_space<vmem>>, vector<16xf32>,
          tpu.vector_store_idx %arg10[%add3A_611], %get3A_615 : memref<16384xf32, #tpu.memory_space<vmem>>[vector<16xi32>], vector<16xf32>,
          %add3A_616 = arith.constant 2 : i32
          %add3A_617 = vector.broadcast %add3A_616 : i32 to vector<16xi32>
          %add3A_618 = arith.addi %add3A_587, %add3A_617 : vector<16xi32>
          %get3A_619 = arith.constant 2 : i32
          %get3A_620 = arith.index_cast %get3A_619 : i32 to index
          %get3A_621 = arith.index_cast %add3A_583 : i32 to index
          %get3A_622 = tpu.vector_load %arg7[%get3A_620, %get3A_621] {strides = array<i32>} : memref<8x1024xf32, #tpu.memory_space<vmem>>, vector<16xf32>,
          tpu.vector_store_idx %arg10[%add3A_618], %get3A_622 : memref<16384xf32, #tpu.memory_space<vmem>>[vector<16xi32>], vector<16xf32>,
          %add3A_623 = arith.constant 10 : i32
          %add3A_624 = vector.broadcast %add3A_623 : i32 to vector<16xi32>
          %add3A_625 = arith.addi %add3A_587, %add3A_624 : vector<16xi32>
          %get3A_626 = arith.constant 2 : i32
          %get3A_627 = arith.index_cast %get3A_626 : i32 to index
          %get3A_628 = arith.index_cast %add3A_583 : i32 to index
          %get3A_629 = tpu.vector_load %arg8[%get3A_627, %get3A_628] {strides = array<i32>} : memref<8x1024xf32, #tpu.memory_space<vmem>>, vector<16xf32>,
          tpu.vector_store_idx %arg10[%add3A_625], %get3A_629 : memref<16384xf32, #tpu.memory_space<vmem>>[vector<16xi32>], vector<16xf32>,
          %add3A_630 = arith.constant 3 : i32
          %add3A_631 = vector.broadcast %add3A_630 : i32 to vector<16xi32>
          %add3A_632 = arith.addi %add3A_587, %add3A_631 : vector<16xi32>
          %get3A_633 = arith.constant 3 : i32
          %get3A_634 = arith.index_cast %get3A_633 : i32 to index
          %get3A_635 = arith.index_cast %add3A_583 : i32 to index
          %get3A_636 = tpu.vector_load %arg7[%get3A_634, %get3A_635] {strides = array<i32>} : memref<8x1024xf32, #tpu.memory_space<vmem>>, vector<16xf32>,
          tpu.vector_store_idx %arg10[%add3A_632], %get3A_636 : memref<16384xf32, #tpu.memory_space<vmem>>[vector<16xi32>], vector<16xf32>,
          %add3A_637 = arith.constant 11 : i32
          %add3A_638 = vector.broadcast %add3A_637 : i32 to vector<16xi32>
          %add3A_639 = arith.addi %add3A_587, %add3A_638 : vector<16xi32>
          %get3A_640 = arith.constant 3 : i32
          %get3A_641 = arith.index_cast %get3A_640 : i32 to index
          %get3A_642 = arith.index_cast %add3A_583 : i32 to index
          %get3A_643 = tpu.vector_load %arg8[%get3A_641, %get3A_642] {strides = array<i32>} : memref<8x1024xf32, #tpu.memory_space<vmem>>, vector<16xf32>,
          tpu.vector_store_idx %arg10[%add3A_639], %get3A_643 : memref<16384xf32, #tpu.memory_space<vmem>>[vector<16xi32>], vector<16xf32>,
          %add3A_644 = arith.constant 4 : i32
          %add3A_645 = vector.broadcast %add3A_644 : i32 to vector<16xi32>
          %add3A_646 = arith.addi %add3A_587, %add3A_645 : vector<16xi32>
          %get3A_647 = arith.constant 4 : i32
          %get3A_648 = arith.index_cast %get3A_647 : i32 to index
          %get3A_649 = arith.index_cast %add3A_583 : i32 to index
          %get3A_650 = tpu.vector_load %arg7[%get3A_648, %get3A_649] {strides = array<i32>} : memref<8x1024xf32, #tpu.memory_space<vmem>>, vector<16xf32>,
          tpu.vector_store_idx %arg10[%add3A_646], %get3A_650 : memref<16384xf32, #tpu.memory_space<vmem>>[vector<16xi32>], vector<16xf32>,
          %add3A_651 = arith.constant 12 : i32
          %add3A_652 = vector.broadcast %add3A_651 : i32 to vector<16xi32>
          %add3A_653 = arith.addi %add3A_587, %add3A_652 : vector<16xi32>
          %get3A_654 = arith.constant 4 : i32
          %get3A_655 = arith.index_cast %get3A_654 : i32 to index
          %get3A_656 = arith.index_cast %add3A_583 : i32 to index
          %get3A_657 = tpu.vector_load %arg8[%get3A_655, %get3A_656] {strides = array<i32>} : memref<8x1024xf32, #tpu.memory_space<vmem>>, vector<16xf32>,
          tpu.vector_store_idx %arg10[%add3A_653], %get3A_657 : memref<16384xf32, #tpu.memory_space<vmem>>[vector<16xi32>], vector<16xf32>,
          %add3A_658 = arith.constant 5 : i32
          %add3A_659 = vector.broadcast %add3A_658 : i32 to vector<16xi32>
          %add3A_660 = arith.addi %add3A_587, %add3A_659 : vector<16xi32>
          %get3A_661 = arith.constant 5 : i32
          %get3A_662 = arith.index_cast %get3A_661 : i32 to index
          %get3A_663 = arith.index_cast %add3A_583 : i32 to index
          %get3A_664 = tpu.vector_load %arg7[%get3A_662, %get3A_663] {strides = array<i32>} : memref<8x1024xf32, #tpu.memory_space<vmem>>, vector<16xf32>,
          tpu.vector_store_idx %arg10[%add3A_660], %get3A_664 : memref<16384xf32, #tpu.memory_space<vmem>>[vector<16xi32>], vector<16xf32>,
          %add3A_665 = arith.constant 13 : i32
          %add3A_666 = vector.broadcast %add3A_665 : i32 to vector<16xi32>
          %add3A_667 = arith.addi %add3A_587, %add3A_666 : vector<16xi32>
          %get3A_668 = arith.constant 5 : i32
          %get3A_669 = arith.index_cast %get3A_668 : i32 to index
          %get3A_670 = arith.index_cast %add3A_583 : i32 to index
          %get3A_671 = tpu.vector_load %arg8[%get3A_669, %get3A_670] {strides = array<i32>} : memref<8x1024xf32, #tpu.memory_space<vmem>>, vector<16xf32>,
          tpu.vector_store_idx %arg10[%add3A_667], %get3A_671 : memref<16384xf32, #tpu.memory_space<vmem>>[vector<16xi32>], vector<16xf32>,
          %add3A_672 = arith.constant 6 : i32
          %add3A_673 = vector.broadcast %add3A_672 : i32 to vector<16xi32>
          %add3A_674 = arith.addi %add3A_587, %add3A_673 : vector<16xi32>
          %get3A_675 = arith.constant 6 : i32
          %get3A_676 = arith.index_cast %get3A_675 : i32 to index
          %get3A_677 = arith.index_cast %add3A_583 : i32 to index
          %get3A_678 = tpu.vector_load %arg7[%get3A_676, %get3A_677] {strides = array<i32>} : memref<8x1024xf32, #tpu.memory_space<vmem>>, vector<16xf32>,
          tpu.vector_store_idx %arg10[%add3A_674], %get3A_678 : memref<16384xf32, #tpu.memory_space<vmem>>[vector<16xi32>], vector<16xf32>,
          %add3A_679 = arith.constant 14 : i32
          %add3A_680 = vector.broadcast %add3A_679 : i32 to vector<16xi32>
          %add3A_681 = arith.addi %add3A_587, %add3A_680 : vector<16xi32>
          %get3A_682 = arith.constant 6 : i32
          %get3A_683 = arith.index_cast %get3A_682 : i32 to index
          %get3A_684 = arith.index_cast %add3A_583 : i32 to index
          %get3A_685 = tpu.vector_load %arg8[%get3A_683, %get3A_684] {strides = array<i32>} : memref<8x1024xf32, #tpu.memory_space<vmem>>, vector<16xf32>,
          tpu.vector_store_idx %arg10[%add3A_681], %get3A_685 : memref<16384xf32, #tpu.memory_space<vmem>>[vector<16xi32>], vector<16xf32>,
          %add3A_686 = arith.constant 7 : i32
          %add3A_687 = vector.broadcast %add3A_686 : i32 to vector<16xi32>
          %add3A_688 = arith.addi %add3A_587, %add3A_687 : vector<16xi32>
          %get3A_689 = arith.constant 7 : i32
          %get3A_690 = arith.index_cast %get3A_689 : i32 to index
          %get3A_691 = arith.index_cast %add3A_583 : i32 to index
          %get3A_692 = tpu.vector_load %arg7[%get3A_690, %get3A_691] {strides = array<i32>} : memref<8x1024xf32, #tpu.memory_space<vmem>>, vector<16xf32>,
          tpu.vector_store_idx %arg10[%add3A_688], %get3A_692 : memref<16384xf32, #tpu.memory_space<vmem>>[vector<16xi32>], vector<16xf32>,
          %add3A_693 = arith.constant 15 : i32
          %add3A_694 = vector.broadcast %add3A_693 : i32 to vector<16xi32>
          %add3A_695 = arith.addi %add3A_587, %add3A_694 : vector<16xi32>
          %get3A_696 = arith.constant 7 : i32
          %get3A_697 = arith.index_cast %get3A_696 : i32 to index
          %get3A_698 = arith.index_cast %add3A_583 : i32 to index
          %get3A_699 = tpu.vector_load %arg8[%get3A_697, %get3A_698] {strides = array<i32>} : memref<8x1024xf32, #tpu.memory_space<vmem>>, vector<16xf32>,
          tpu.vector_store_idx %arg10[%add3A_695], %get3A_699 : memref<16384xf32, #tpu.memory_space<vmem>>[vector<16xi32>], vector<16xf32>,
          %add3A_700 = arith.constant 80 : i32
          %add3A_701 = arith.addi %mul3A_108, %add3A_700 : i32
          %add3A_702 = arith.constant 1280 : i32
          %add3A_703 = arith.addi %mul3A_110, %add3A_702 : i32
          %add3A_704 = vector.broadcast %add3A_703 : i32 to vector<16xi32>
          %add3A_705 = arith.addi %add3A_704, %mul3A_3 : vector<16xi32>
          %add3A_706 = arith.constant 0 : i32
          %add3A_707 = vector.broadcast %add3A_706 : i32 to vector<16xi32>
          %add3A_708 = arith.addi %add3A_705, %add3A_707 : vector<16xi32>
          %get3A_709 = arith.constant 0 : i32
          %get3A_710 = arith.index_cast %get3A_709 : i32 to index
          %get3A_711 = arith.index_cast %add3A_701 : i32 to index
          %get3A_712 = tpu.vector_load %arg7[%get3A_710, %get3A_711] {strides = array<i32>} : memref<8x1024xf32, #tpu.memory_space<vmem>>, vector<16xf32>,
          tpu.vector_store_idx %arg10[%add3A_708], %get3A_712 : memref<16384xf32, #tpu.memory_space<vmem>>[vector<16xi32>], vector<16xf32>,
          %add3A_713 = arith.constant 8 : i32
          %add3A_714 = vector.broadcast %add3A_713 : i32 to vector<16xi32>
          %add3A_715 = arith.addi %add3A_705, %add3A_714 : vector<16xi32>
          %get3A_716 = arith.constant 0 : i32
          %get3A_717 = arith.index_cast %get3A_716 : i32 to index
          %get3A_718 = arith.index_cast %add3A_701 : i32 to index
          %get3A_719 = tpu.vector_load %arg8[%get3A_717, %get3A_718] {strides = array<i32>} : memref<8x1024xf32, #tpu.memory_space<vmem>>, vector<16xf32>,
          tpu.vector_store_idx %arg10[%add3A_715], %get3A_719 : memref<16384xf32, #tpu.memory_space<vmem>>[vector<16xi32>], vector<16xf32>,
          %add3A_720 = arith.constant 1 : i32
          %add3A_721 = vector.broadcast %add3A_720 : i32 to vector<16xi32>
          %add3A_722 = arith.addi %add3A_705, %add3A_721 : vector<16xi32>
          %get3A_723 = arith.constant 1 : i32
          %get3A_724 = arith.index_cast %get3A_723 : i32 to index
          %get3A_725 = arith.index_cast %add3A_701 : i32 to index
          %get3A_726 = tpu.vector_load %arg7[%get3A_724, %get3A_725] {strides = array<i32>} : memref<8x1024xf32, #tpu.memory_space<vmem>>, vector<16xf32>,
          tpu.vector_store_idx %arg10[%add3A_722], %get3A_726 : memref<16384xf32, #tpu.memory_space<vmem>>[vector<16xi32>], vector<16xf32>,
          %add3A_727 = arith.constant 9 : i32
          %add3A_728 = vector.broadcast %add3A_727 : i32 to vector<16xi32>
          %add3A_729 = arith.addi %add3A_705, %add3A_728 : vector<16xi32>
          %get3A_730 = arith.constant 1 : i32
          %get3A_731 = arith.index_cast %get3A_730 : i32 to index
          %get3A_732 = arith.index_cast %add3A_701 : i32 to index
          %get3A_733 = tpu.vector_load %arg8[%get3A_731, %get3A_732] {strides = array<i32>} : memref<8x1024xf32, #tpu.memory_space<vmem>>, vector<16xf32>,
          tpu.vector_store_idx %arg10[%add3A_729], %get3A_733 : memref<16384xf32, #tpu.memory_space<vmem>>[vector<16xi32>], vector<16xf32>,
          %add3A_734 = arith.constant 2 : i32
          %add3A_735 = vector.broadcast %add3A_734 : i32 to vector<16xi32>
          %add3A_736 = arith.addi %add3A_705, %add3A_735 : vector<16xi32>
          %get3A_737 = arith.constant 2 : i32
          %get3A_738 = arith.index_cast %get3A_737 : i32 to index
          %get3A_739 = arith.index_cast %add3A_701 : i32 to index
          %get3A_740 = tpu.vector_load %arg7[%get3A_738, %get3A_739] {strides = array<i32>} : memref<8x1024xf32, #tpu.memory_space<vmem>>, vector<16xf32>,
          tpu.vector_store_idx %arg10[%add3A_736], %get3A_740 : memref<16384xf32, #tpu.memory_space<vmem>>[vector<16xi32>], vector<16xf32>,
          %add3A_741 = arith.constant 10 : i32
          %add3A_742 = vector.broadcast %add3A_741 : i32 to vector<16xi32>
          %add3A_743 = arith.addi %add3A_705, %add3A_742 : vector<16xi32>
          %get3A_744 = arith.constant 2 : i32
          %get3A_745 = arith.index_cast %get3A_744 : i32 to index
          %get3A_746 = arith.index_cast %add3A_701 : i32 to index
          %get3A_747 = tpu.vector_load %arg8[%get3A_745, %get3A_746] {strides = array<i32>} : memref<8x1024xf32, #tpu.memory_space<vmem>>, vector<16xf32>,
          tpu.vector_store_idx %arg10[%add3A_743], %get3A_747 : memref<16384xf32, #tpu.memory_space<vmem>>[vector<16xi32>], vector<16xf32>,
          %add3A_748 = arith.constant 3 : i32
          %add3A_749 = vector.broadcast %add3A_748 : i32 to vector<16xi32>
          %add3A_750 = arith.addi %add3A_705, %add3A_749 : vector<16xi32>
          %get3A_751 = arith.constant 3 : i32
          %get3A_752 = arith.index_cast %get3A_751 : i32 to index
          %get3A_753 = arith.index_cast %add3A_701 : i32 to index
          %get3A_754 = tpu.vector_load %arg7[%get3A_752, %get3A_753] {strides = array<i32>} : memref<8x1024xf32, #tpu.memory_space<vmem>>, vector<16xf32>,
          tpu.vector_store_idx %arg10[%add3A_750], %get3A_754 : memref<16384xf32, #tpu.memory_space<vmem>>[vector<16xi32>], vector<16xf32>,
          %add3A_755 = arith.constant 11 : i32
          %add3A_756 = vector.broadcast %add3A_755 : i32 to vector<16xi32>
          %add3A_757 = arith.addi %add3A_705, %add3A_756 : vector<16xi32>
          %get3A_758 = arith.constant 3 : i32
          %get3A_759 = arith.index_cast %get3A_758 : i32 to index
          %get3A_760 = arith.index_cast %add3A_701 : i32 to index
          %get3A_761 = tpu.vector_load %arg8[%get3A_759, %get3A_760] {strides = array<i32>} : memref<8x1024xf32, #tpu.memory_space<vmem>>, vector<16xf32>,
          tpu.vector_store_idx %arg10[%add3A_757], %get3A_761 : memref<16384xf32, #tpu.memory_space<vmem>>[vector<16xi32>], vector<16xf32>,
          %add3A_762 = arith.constant 4 : i32
          %add3A_763 = vector.broadcast %add3A_762 : i32 to vector<16xi32>
          %add3A_764 = arith.addi %add3A_705, %add3A_763 : vector<16xi32>
          %get3A_765 = arith.constant 4 : i32
          %get3A_766 = arith.index_cast %get3A_765 : i32 to index
          %get3A_767 = arith.index_cast %add3A_701 : i32 to index
          %get3A_768 = tpu.vector_load %arg7[%get3A_766, %get3A_767] {strides = array<i32>} : memref<8x1024xf32, #tpu.memory_space<vmem>>, vector<16xf32>,
          tpu.vector_store_idx %arg10[%add3A_764], %get3A_768 : memref<16384xf32, #tpu.memory_space<vmem>>[vector<16xi32>], vector<16xf32>,
          %add3A_769 = arith.constant 12 : i32
          %add3A_770 = vector.broadcast %add3A_769 : i32 to vector<16xi32>
          %add3A_771 = arith.addi %add3A_705, %add3A_770 : vector<16xi32>
          %get3A_772 = arith.constant 4 : i32
          %get3A_773 = arith.index_cast %get3A_772 : i32 to index
          %get3A_774 = arith.index_cast %add3A_701 : i32 to index
          %get3A_775 = tpu.vector_load %arg8[%get3A_773, %get3A_774] {strides = array<i32>} : memref<8x1024xf32, #tpu.memory_space<vmem>>, vector<16xf32>,
          tpu.vector_store_idx %arg10[%add3A_771], %get3A_775 : memref<16384xf32, #tpu.memory_space<vmem>>[vector<16xi32>], vector<16xf32>,
          %add3A_776 = arith.constant 5 : i32
          %add3A_777 = vector.broadcast %add3A_776 : i32 to vector<16xi32>
          %add3A_778 = arith.addi %add3A_705, %add3A_777 : vector<16xi32>
          %get3A_779 = arith.constant 5 : i32
          %get3A_780 = arith.index_cast %get3A_779 : i32 to index
          %get3A_781 = arith.index_cast %add3A_701 : i32 to index
          %get3A_782 = tpu.vector_load %arg7[%get3A_780, %get3A_781] {strides = array<i32>} : memref<8x1024xf32, #tpu.memory_space<vmem>>, vector<16xf32>,
          tpu.vector_store_idx %arg10[%add3A_778], %get3A_782 : memref<16384xf32, #tpu.memory_space<vmem>>[vector<16xi32>], vector<16xf32>,
          %add3A_783 = arith.constant 13 : i32
          %add3A_784 = vector.broadcast %add3A_783 : i32 to vector<16xi32>
          %add3A_785 = arith.addi %add3A_705, %add3A_784 : vector<16xi32>
          %get3A_786 = arith.constant 5 : i32
          %get3A_787 = arith.index_cast %get3A_786 : i32 to index
          %get3A_788 = arith.index_cast %add3A_701 : i32 to index
          %get3A_789 = tpu.vector_load %arg8[%get3A_787, %get3A_788] {strides = array<i32>} : memref<8x1024xf32, #tpu.memory_space<vmem>>, vector<16xf32>,
          tpu.vector_store_idx %arg10[%add3A_785], %get3A_789 : memref<16384xf32, #tpu.memory_space<vmem>>[vector<16xi32>], vector<16xf32>,
          %add3A_790 = arith.constant 6 : i32
          %add3A_791 = vector.broadcast %add3A_790 : i32 to vector<16xi32>
          %add3A_792 = arith.addi %add3A_705, %add3A_791 : vector<16xi32>
          %get3A_793 = arith.constant 6 : i32
          %get3A_794 = arith.index_cast %get3A_793 : i32 to index
          %get3A_795 = arith.index_cast %add3A_701 : i32 to index
          %get3A_796 = tpu.vector_load %arg7[%get3A_794, %get3A_795] {strides = array<i32>} : memref<8x1024xf32, #tpu.memory_space<vmem>>, vector<16xf32>,
          tpu.vector_store_idx %arg10[%add3A_792], %get3A_796 : memref<16384xf32, #tpu.memory_space<vmem>>[vector<16xi32>], vector<16xf32>,
          %add3A_797 = arith.constant 14 : i32
          %add3A_798 = vector.broadcast %add3A_797 : i32 to vector<16xi32>
          %add3A_799 = arith.addi %add3A_705, %add3A_798 : vector<16xi32>
          %get3A_800 = arith.constant 6 : i32
          %get3A_801 = arith.index_cast %get3A_800 : i32 to index
          %get3A_802 = arith.index_cast %add3A_701 : i32 to index
          %get3A_803 = tpu.vector_load %arg8[%get3A_801, %get3A_802] {strides = array<i32>} : memref<8x1024xf32, #tpu.memory_space<vmem>>, vector<16xf32>,
          tpu.vector_store_idx %arg10[%add3A_799], %get3A_803 : memref<16384xf32, #tpu.memory_space<vmem>>[vector<16xi32>], vector<16xf32>,
          %add3A_804 = arith.constant 7 : i32
          %add3A_805 = vector.broadcast %add3A_804 : i32 to vector<16xi32>
          %add3A_806 = arith.addi %add3A_705, %add3A_805 : vector<16xi32>
          %get3A_807 = arith.constant 7 : i32
          %get3A_808 = arith.index_cast %get3A_807 : i32 to index
          %get3A_809 = arith.index_cast %add3A_701 : i32 to index
          %get3A_810 = tpu.vector_load %arg7[%get3A_808, %get3A_809] {strides = array<i32>} : memref<8x1024xf32, #tpu.memory_space<vmem>>, vector<16xf32>,
          tpu.vector_store_idx %arg10[%add3A_806], %get3A_810 : memref<16384xf32, #tpu.memory_space<vmem>>[vector<16xi32>], vector<16xf32>,
          %add3A_811 = arith.constant 15 : i32
          %add3A_812 = vector.broadcast %add3A_811 : i32 to vector<16xi32>
          %add3A_813 = arith.addi %add3A_705, %add3A_812 : vector<16xi32>
          %get3A_814 = arith.constant 7 : i32
          %get3A_815 = arith.index_cast %get3A_814 : i32 to index
          %get3A_816 = arith.index_cast %add3A_701 : i32 to index
          %get3A_817 = tpu.vector_load %arg8[%get3A_815, %get3A_816] {strides = array<i32>} : memref<8x1024xf32, #tpu.memory_space<vmem>>, vector<16xf32>,
          tpu.vector_store_idx %arg10[%add3A_813], %get3A_817 : memref<16384xf32, #tpu.memory_space<vmem>>[vector<16xi32>], vector<16xf32>,
          %add3A_818 = arith.constant 96 : i32
          %add3A_819 = arith.addi %mul3A_108, %add3A_818 : i32
          %add3A_820 = arith.constant 1536 : i32
          %add3A_821 = arith.addi %mul3A_110, %add3A_820 : i32
          %add3A_822 = vector.broadcast %add3A_821 : i32 to vector<16xi32>
          %add3A_823 = arith.addi %add3A_822, %mul3A_3 : vector<16xi32>
          %add3A_824 = arith.constant 0 : i32
          %add3A_825 = vector.broadcast %add3A_824 : i32 to vector<16xi32>
          %add3A_826 = arith.addi %add3A_823, %add3A_825 : vector<16xi32>
          %get3A_827 = arith.constant 0 : i32
          %get3A_828 = arith.index_cast %get3A_827 : i32 to index
          %get3A_829 = arith.index_cast %add3A_819 : i32 to index
          %get3A_830 = tpu.vector_load %arg7[%get3A_828, %get3A_829] {strides = array<i32>} : memref<8x1024xf32, #tpu.memory_space<vmem>>, vector<16xf32>,
          tpu.vector_store_idx %arg10[%add3A_826], %get3A_830 : memref<16384xf32, #tpu.memory_space<vmem>>[vector<16xi32>], vector<16xf32>,
          %add3A_831 = arith.constant 8 : i32
          %add3A_832 = vector.broadcast %add3A_831 : i32 to vector<16xi32>
          %add3A_833 = arith.addi %add3A_823, %add3A_832 : vector<16xi32>
          %get3A_834 = arith.constant 0 : i32
          %get3A_835 = arith.index_cast %get3A_834 : i32 to index
          %get3A_836 = arith.index_cast %add3A_819 : i32 to index
          %get3A_837 = tpu.vector_load %arg8[%get3A_835, %get3A_836] {strides = array<i32>} : memref<8x1024xf32, #tpu.memory_space<vmem>>, vector<16xf32>,
          tpu.vector_store_idx %arg10[%add3A_833], %get3A_837 : memref<16384xf32, #tpu.memory_space<vmem>>[vector<16xi32>], vector<16xf32>,
          %add3A_838 = arith.constant 1 : i32
          %add3A_839 = vector.broadcast %add3A_838 : i32 to vector<16xi32>
          %add3A_840 = arith.addi %add3A_823, %add3A_839 : vector<16xi32>
          %get3A_841 = arith.constant 1 : i32
          %get3A_842 = arith.index_cast %get3A_841 : i32 to index
          %get3A_843 = arith.index_cast %add3A_819 : i32 to index
          %get3A_844 = tpu.vector_load %arg7[%get3A_842, %get3A_843] {strides = array<i32>} : memref<8x1024xf32, #tpu.memory_space<vmem>>, vector<16xf32>,
          tpu.vector_store_idx %arg10[%add3A_840], %get3A_844 : memref<16384xf32, #tpu.memory_space<vmem>>[vector<16xi32>], vector<16xf32>,
          %add3A_845 = arith.constant 9 : i32
          %add3A_846 = vector.broadcast %add3A_845 : i32 to vector<16xi32>
          %add3A_847 = arith.addi %add3A_823, %add3A_846 : vector<16xi32>
          %get3A_848 = arith.constant 1 : i32
          %get3A_849 = arith.index_cast %get3A_848 : i32 to index
          %get3A_850 = arith.index_cast %add3A_819 : i32 to index
          %get3A_851 = tpu.vector_load %arg8[%get3A_849, %get3A_850] {strides = array<i32>} : memref<8x1024xf32, #tpu.memory_space<vmem>>, vector<16xf32>,
          tpu.vector_store_idx %arg10[%add3A_847], %get3A_851 : memref<16384xf32, #tpu.memory_space<vmem>>[vector<16xi32>], vector<16xf32>,
          %add3A_852 = arith.constant 2 : i32
          %add3A_853 = vector.broadcast %add3A_852 : i32 to vector<16xi32>
          %add3A_854 = arith.addi %add3A_823, %add3A_853 : vector<16xi32>
          %get3A_855 = arith.constant 2 : i32
          %get3A_856 = arith.index_cast %get3A_855 : i32 to index
          %get3A_857 = arith.index_cast %add3A_819 : i32 to index
          %get3A_858 = tpu.vector_load %arg7[%get3A_856, %get3A_857] {strides = array<i32>} : memref<8x1024xf32, #tpu.memory_space<vmem>>, vector<16xf32>,
          tpu.vector_store_idx %arg10[%add3A_854], %get3A_858 : memref<16384xf32, #tpu.memory_space<vmem>>[vector<16xi32>], vector<16xf32>,
          %add3A_859 = arith.constant 10 : i32
          %add3A_860 = vector.broadcast %add3A_859 : i32 to vector<16xi32>
          %add3A_861 = arith.addi %add3A_823, %add3A_860 : vector<16xi32>
          %get3A_862 = arith.constant 2 : i32
          %get3A_863 = arith.index_cast %get3A_862 : i32 to index
          %get3A_864 = arith.index_cast %add3A_819 : i32 to index
          %get3A_865 = tpu.vector_load %arg8[%get3A_863, %get3A_864] {strides = array<i32>} : memref<8x1024xf32, #tpu.memory_space<vmem>>, vector<16xf32>,
          tpu.vector_store_idx %arg10[%add3A_861], %get3A_865 : memref<16384xf32, #tpu.memory_space<vmem>>[vector<16xi32>], vector<16xf32>,
          %add3A_866 = arith.constant 3 : i32
          %add3A_867 = vector.broadcast %add3A_866 : i32 to vector<16xi32>
          %add3A_868 = arith.addi %add3A_823, %add3A_867 : vector<16xi32>
          %get3A_869 = arith.constant 3 : i32
          %get3A_870 = arith.index_cast %get3A_869 : i32 to index
          %get3A_871 = arith.index_cast %add3A_819 : i32 to index
          %get3A_872 = tpu.vector_load %arg7[%get3A_870, %get3A_871] {strides = array<i32>} : memref<8x1024xf32, #tpu.memory_space<vmem>>, vector<16xf32>,
          tpu.vector_store_idx %arg10[%add3A_868], %get3A_872 : memref<16384xf32, #tpu.memory_space<vmem>>[vector<16xi32>], vector<16xf32>,
          %add3A_873 = arith.constant 11 : i32
          %add3A_874 = vector.broadcast %add3A_873 : i32 to vector<16xi32>
          %add3A_875 = arith.addi %add3A_823, %add3A_874 : vector<16xi32>
          %get3A_876 = arith.constant 3 : i32
          %get3A_877 = arith.index_cast %get3A_876 : i32 to index
          %get3A_878 = arith.index_cast %add3A_819 : i32 to index
          %get3A_879 = tpu.vector_load %arg8[%get3A_877, %get3A_878] {strides = array<i32>} : memref<8x1024xf32, #tpu.memory_space<vmem>>, vector<16xf32>,
          tpu.vector_store_idx %arg10[%add3A_875], %get3A_879 : memref<16384xf32, #tpu.memory_space<vmem>>[vector<16xi32>], vector<16xf32>,
          %add3A_880 = arith.constant 4 : i32
          %add3A_881 = vector.broadcast %add3A_880 : i32 to vector<16xi32>
          %add3A_882 = arith.addi %add3A_823, %add3A_881 : vector<16xi32>
          %get3A_883 = arith.constant 4 : i32
          %get3A_884 = arith.index_cast %get3A_883 : i32 to index
          %get3A_885 = arith.index_cast %add3A_819 : i32 to index
          %get3A_886 = tpu.vector_load %arg7[%get3A_884, %get3A_885] {strides = array<i32>} : memref<8x1024xf32, #tpu.memory_space<vmem>>, vector<16xf32>,
          tpu.vector_store_idx %arg10[%add3A_882], %get3A_886 : memref<16384xf32, #tpu.memory_space<vmem>>[vector<16xi32>], vector<16xf32>,
          %add3A_887 = arith.constant 12 : i32
          %add3A_888 = vector.broadcast %add3A_887 : i32 to vector<16xi32>
          %add3A_889 = arith.addi %add3A_823, %add3A_888 : vector<16xi32>
          %get3A_890 = arith.constant 4 : i32
          %get3A_891 = arith.index_cast %get3A_890 : i32 to index
          %get3A_892 = arith.index_cast %add3A_819 : i32 to index
          %get3A_893 = tpu.vector_load %arg8[%get3A_891, %get3A_892] {strides = array<i32>} : memref<8x1024xf32, #tpu.memory_space<vmem>>, vector<16xf32>,
          tpu.vector_store_idx %arg10[%add3A_889], %get3A_893 : memref<16384xf32, #tpu.memory_space<vmem>>[vector<16xi32>], vector<16xf32>,
          %add3A_894 = arith.constant 5 : i32
          %add3A_895 = vector.broadcast %add3A_894 : i32 to vector<16xi32>
          %add3A_896 = arith.addi %add3A_823, %add3A_895 : vector<16xi32>
          %get3A_897 = arith.constant 5 : i32
          %get3A_898 = arith.index_cast %get3A_897 : i32 to index
          %get3A_899 = arith.index_cast %add3A_819 : i32 to index
          %get3A_900 = tpu.vector_load %arg7[%get3A_898, %get3A_899] {strides = array<i32>} : memref<8x1024xf32, #tpu.memory_space<vmem>>, vector<16xf32>,
          tpu.vector_store_idx %arg10[%add3A_896], %get3A_900 : memref<16384xf32, #tpu.memory_space<vmem>>[vector<16xi32>], vector<16xf32>,
          %add3A_901 = arith.constant 13 : i32
          %add3A_902 = vector.broadcast %add3A_901 : i32 to vector<16xi32>
          %add3A_903 = arith.addi %add3A_823, %add3A_902 : vector<16xi32>
          %get3A_904 = arith.constant 5 : i32
          %get3A_905 = arith.index_cast %get3A_904 : i32 to index
          %get3A_906 = arith.index_cast %add3A_819 : i32 to index
          %get3A_907 = tpu.vector_load %arg8[%get3A_905, %get3A_906] {strides = array<i32>} : memref<8x1024xf32, #tpu.memory_space<vmem>>, vector<16xf32>,
          tpu.vector_store_idx %arg10[%add3A_903], %get3A_907 : memref<16384xf32, #tpu.memory_space<vmem>>[vector<16xi32>], vector<16xf32>,
          %add3A_908 = arith.constant 6 : i32
          %add3A_909 = vector.broadcast %add3A_908 : i32 to vector<16xi32>
          %add3A_910 = arith.addi %add3A_823, %add3A_909 : vector<16xi32>
          %get3A_911 = arith.constant 6 : i32
          %get3A_912 = arith.index_cast %get3A_911 : i32 to index
          %get3A_913 = arith.index_cast %add3A_819 : i32 to index
          %get3A_914 = tpu.vector_load %arg7[%get3A_912, %get3A_913] {strides = array<i32>} : memref<8x1024xf32, #tpu.memory_space<vmem>>, vector<16xf32>,
          tpu.vector_store_idx %arg10[%add3A_910], %get3A_914 : memref<16384xf32, #tpu.memory_space<vmem>>[vector<16xi32>], vector<16xf32>,
          %add3A_915 = arith.constant 14 : i32
          %add3A_916 = vector.broadcast %add3A_915 : i32 to vector<16xi32>
          %add3A_917 = arith.addi %add3A_823, %add3A_916 : vector<16xi32>
          %get3A_918 = arith.constant 6 : i32
          %get3A_919 = arith.index_cast %get3A_918 : i32 to index
          %get3A_920 = arith.index_cast %add3A_819 : i32 to index
          %get3A_921 = tpu.vector_load %arg8[%get3A_919, %get3A_920] {strides = array<i32>} : memref<8x1024xf32, #tpu.memory_space<vmem>>, vector<16xf32>,
          tpu.vector_store_idx %arg10[%add3A_917], %get3A_921 : memref<16384xf32, #tpu.memory_space<vmem>>[vector<16xi32>], vector<16xf32>,
          %add3A_922 = arith.constant 7 : i32
          %add3A_923 = vector.broadcast %add3A_922 : i32 to vector<16xi32>
          %add3A_924 = arith.addi %add3A_823, %add3A_923 : vector<16xi32>
          %get3A_925 = arith.constant 7 : i32
          %get3A_926 = arith.index_cast %get3A_925 : i32 to index
          %get3A_927 = arith.index_cast %add3A_819 : i32 to index
          %get3A_928 = tpu.vector_load %arg7[%get3A_926, %get3A_927] {strides = array<i32>} : memref<8x1024xf32, #tpu.memory_space<vmem>>, vector<16xf32>,
          tpu.vector_store_idx %arg10[%add3A_924], %get3A_928 : memref<16384xf32, #tpu.memory_space<vmem>>[vector<16xi32>], vector<16xf32>,
          %add3A_929 = arith.constant 15 : i32
          %add3A_930 = vector.broadcast %add3A_929 : i32 to vector<16xi32>
          %add3A_931 = arith.addi %add3A_823, %add3A_930 : vector<16xi32>
          %get3A_932 = arith.constant 7 : i32
          %get3A_933 = arith.index_cast %get3A_932 : i32 to index
          %get3A_934 = arith.index_cast %add3A_819 : i32 to index
          %get3A_935 = tpu.vector_load %arg8[%get3A_933, %get3A_934] {strides = array<i32>} : memref<8x1024xf32, #tpu.memory_space<vmem>>, vector<16xf32>,
          tpu.vector_store_idx %arg10[%add3A_931], %get3A_935 : memref<16384xf32, #tpu.memory_space<vmem>>[vector<16xi32>], vector<16xf32>,
          %add3A_936 = arith.constant 112 : i32
          %add3A_937 = arith.addi %mul3A_108, %add3A_936 : i32
          %add3A_938 = arith.constant 1792 : i32
          %add3A_939 = arith.addi %mul3A_110, %add3A_938 : i32
          %add3A_940 = vector.broadcast %add3A_939 : i32 to vector<16xi32>
          %add3A_941 = arith.addi %add3A_940, %mul3A_3 : vector<16xi32>
          %add3A_942 = arith.constant 0 : i32
          %add3A_943 = vector.broadcast %add3A_942 : i32 to vector<16xi32>
          %add3A_944 = arith.addi %add3A_941, %add3A_943 : vector<16xi32>
          %get3A_945 = arith.constant 0 : i32
          %get3A_946 = arith.index_cast %get3A_945 : i32 to index
          %get3A_947 = arith.index_cast %add3A_937 : i32 to index
          %get3A_948 = tpu.vector_load %arg7[%get3A_946, %get3A_947] {strides = array<i32>} : memref<8x1024xf32, #tpu.memory_space<vmem>>, vector<16xf32>,
          tpu.vector_store_idx %arg10[%add3A_944], %get3A_948 : memref<16384xf32, #tpu.memory_space<vmem>>[vector<16xi32>], vector<16xf32>,
          %add3A_949 = arith.constant 8 : i32
          %add3A_950 = vector.broadcast %add3A_949 : i32 to vector<16xi32>
          %add3A_951 = arith.addi %add3A_941, %add3A_950 : vector<16xi32>
          %get3A_952 = arith.constant 0 : i32
          %get3A_953 = arith.index_cast %get3A_952 : i32 to index
          %get3A_954 = arith.index_cast %add3A_937 : i32 to index
          %get3A_955 = tpu.vector_load %arg8[%get3A_953, %get3A_954] {strides = array<i32>} : memref<8x1024xf32, #tpu.memory_space<vmem>>, vector<16xf32>,
          tpu.vector_store_idx %arg10[%add3A_951], %get3A_955 : memref<16384xf32, #tpu.memory_space<vmem>>[vector<16xi32>], vector<16xf32>,
          %add3A_956 = arith.constant 1 : i32
          %add3A_957 = vector.broadcast %add3A_956 : i32 to vector<16xi32>
          %add3A_958 = arith.addi %add3A_941, %add3A_957 : vector<16xi32>
          %get3A_959 = arith.constant 1 : i32
          %get3A_960 = arith.index_cast %get3A_959 : i32 to index
          %get3A_961 = arith.index_cast %add3A_937 : i32 to index
          %get3A_962 = tpu.vector_load %arg7[%get3A_960, %get3A_961] {strides = array<i32>} : memref<8x1024xf32, #tpu.memory_space<vmem>>, vector<16xf32>,
          tpu.vector_store_idx %arg10[%add3A_958], %get3A_962 : memref<16384xf32, #tpu.memory_space<vmem>>[vector<16xi32>], vector<16xf32>,
          %add3A_963 = arith.constant 9 : i32
          %add3A_964 = vector.broadcast %add3A_963 : i32 to vector<16xi32>
          %add3A_965 = arith.addi %add3A_941, %add3A_964 : vector<16xi32>
          %get3A_966 = arith.constant 1 : i32
          %get3A_967 = arith.index_cast %get3A_966 : i32 to index
          %get3A_968 = arith.index_cast %add3A_937 : i32 to index
          %get3A_969 = tpu.vector_load %arg8[%get3A_967, %get3A_968] {strides = array<i32>} : memref<8x1024xf32, #tpu.memory_space<vmem>>, vector<16xf32>,
          tpu.vector_store_idx %arg10[%add3A_965], %get3A_969 : memref<16384xf32, #tpu.memory_space<vmem>>[vector<16xi32>], vector<16xf32>,
          %add3A_970 = arith.constant 2 : i32
          %add3A_971 = vector.broadcast %add3A_970 : i32 to vector<16xi32>
          %add3A_972 = arith.addi %add3A_941, %add3A_971 : vector<16xi32>
          %get3A_973 = arith.constant 2 : i32
          %get3A_974 = arith.index_cast %get3A_973 : i32 to index
          %get3A_975 = arith.index_cast %add3A_937 : i32 to index
          %get3A_976 = tpu.vector_load %arg7[%get3A_974, %get3A_975] {strides = array<i32>} : memref<8x1024xf32, #tpu.memory_space<vmem>>, vector<16xf32>,
          tpu.vector_store_idx %arg10[%add3A_972], %get3A_976 : memref<16384xf32, #tpu.memory_space<vmem>>[vector<16xi32>], vector<16xf32>,
          %add3A_977 = arith.constant 10 : i32
          %add3A_978 = vector.broadcast %add3A_977 : i32 to vector<16xi32>
          %add3A_979 = arith.addi %add3A_941, %add3A_978 : vector<16xi32>
          %get3A_980 = arith.constant 2 : i32
          %get3A_981 = arith.index_cast %get3A_980 : i32 to index
          %get3A_982 = arith.index_cast %add3A_937 : i32 to index
          %get3A_983 = tpu.vector_load %arg8[%get3A_981, %get3A_982] {strides = array<i32>} : memref<8x1024xf32, #tpu.memory_space<vmem>>, vector<16xf32>,
          tpu.vector_store_idx %arg10[%add3A_979], %get3A_983 : memref<16384xf32, #tpu.memory_space<vmem>>[vector<16xi32>], vector<16xf32>,
          %add3A_984 = arith.constant 3 : i32
          %add3A_985 = vector.broadcast %add3A_984 : i32 to vector<16xi32>
          %add3A_986 = arith.addi %add3A_941, %add3A_985 : vector<16xi32>
          %get3A_987 = arith.constant 3 : i32
          %get3A_988 = arith.index_cast %get3A_987 : i32 to index
          %get3A_989 = arith.index_cast %add3A_937 : i32 to index
          %get3A_990 = tpu.vector_load %arg7[%get3A_988, %get3A_989] {strides = array<i32>} : memref<8x1024xf32, #tpu.memory_space<vmem>>, vector<16xf32>,
          tpu.vector_store_idx %arg10[%add3A_986], %get3A_990 : memref<16384xf32, #tpu.memory_space<vmem>>[vector<16xi32>], vector<16xf32>,
          %add3A_991 = arith.constant 11 : i32
          %add3A_992 = vector.broadcast %add3A_991 : i32 to vector<16xi32>
          %add3A_993 = arith.addi %add3A_941, %add3A_992 : vector<16xi32>
          %get3A_994 = arith.constant 3 : i32
          %get3A_995 = arith.index_cast %get3A_994 : i32 to index
          %get3A_996 = arith.index_cast %add3A_937 : i32 to index
          %get3A_997 = tpu.vector_load %arg8[%get3A_995, %get3A_996] {strides = array<i32>} : memref<8x1024xf32, #tpu.memory_space<vmem>>, vector<16xf32>,
          tpu.vector_store_idx %arg10[%add3A_993], %get3A_997 : memref<16384xf32, #tpu.memory_space<vmem>>[vector<16xi32>], vector<16xf32>,
          %add3A_998 = arith.constant 4 : i32
          %add3A_999 = vector.broadcast %add3A_998 : i32 to vector<16xi32>
          %add3A_1000 = arith.addi %add3A_941, %add3A_999 : vector<16xi32>
          %get3A_1001 = arith.constant 4 : i32
          %get3A_1002 = arith.index_cast %get3A_1001 : i32 to index
          %get3A_1003 = arith.index_cast %add3A_937 : i32 to index
          %get3A_1004 = tpu.vector_load %arg7[%get3A_1002, %get3A_1003] {strides = array<i32>} : memref<8x1024xf32, #tpu.memory_space<vmem>>, vector<16xf32>,
          tpu.vector_store_idx %arg10[%add3A_1000], %get3A_1004 : memref<16384xf32, #tpu.memory_space<vmem>>[vector<16xi32>], vector<16xf32>,
          %add3A_1005 = arith.constant 12 : i32
          %add3A_1006 = vector.broadcast %add3A_1005 : i32 to vector<16xi32>
          %add3A_1007 = arith.addi %add3A_941, %add3A_1006 : vector<16xi32>
          %get3A_1008 = arith.constant 4 : i32
          %get3A_1009 = arith.index_cast %get3A_1008 : i32 to index
          %get3A_1010 = arith.index_cast %add3A_937 : i32 to index
          %get3A_1011 = tpu.vector_load %arg8[%get3A_1009, %get3A_1010] {strides = array<i32>} : memref<8x1024xf32, #tpu.memory_space<vmem>>, vector<16xf32>,
          tpu.vector_store_idx %arg10[%add3A_1007], %get3A_1011 : memref<16384xf32, #tpu.memory_space<vmem>>[vector<16xi32>], vector<16xf32>,
          %add3A_1012 = arith.constant 5 : i32
          %add3A_1013 = vector.broadcast %add3A_1012 : i32 to vector<16xi32>
          %add3A_1014 = arith.addi %add3A_941, %add3A_1013 : vector<16xi32>
          %get3A_1015 = arith.constant 5 : i32
          %get3A_1016 = arith.index_cast %get3A_1015 : i32 to index
          %get3A_1017 = arith.index_cast %add3A_937 : i32 to index
          %get3A_1018 = tpu.vector_load %arg7[%get3A_1016, %get3A_1017] {strides = array<i32>} : memref<8x1024xf32, #tpu.memory_space<vmem>>, vector<16xf32>,
          tpu.vector_store_idx %arg10[%add3A_1014], %get3A_1018 : memref<16384xf32, #tpu.memory_space<vmem>>[vector<16xi32>], vector<16xf32>,
          %add3A_1019 = arith.constant 13 : i32
          %add3A_1020 = vector.broadcast %add3A_1019 : i32 to vector<16xi32>
          %add3A_1021 = arith.addi %add3A_941, %add3A_1020 : vector<16xi32>
          %get3A_1022 = arith.constant 5 : i32
          %get3A_1023 = arith.index_cast %get3A_1022 : i32 to index
          %get3A_1024 = arith.index_cast %add3A_937 : i32 to index
          %get3A_1025 = tpu.vector_load %arg8[%get3A_1023, %get3A_1024] {strides = array<i32>} : memref<8x1024xf32, #tpu.memory_space<vmem>>, vector<16xf32>,
          tpu.vector_store_idx %arg10[%add3A_1021], %get3A_1025 : memref<16384xf32, #tpu.memory_space<vmem>>[vector<16xi32>], vector<16xf32>,
          %add3A_1026 = arith.constant 6 : i32
          %add3A_1027 = vector.broadcast %add3A_1026 : i32 to vector<16xi32>
          %add3A_1028 = arith.addi %add3A_941, %add3A_1027 : vector<16xi32>
          %get3A_1029 = arith.constant 6 : i32
          %get3A_1030 = arith.index_cast %get3A_1029 : i32 to index
          %get3A_1031 = arith.index_cast %add3A_937 : i32 to index
          %get3A_1032 = tpu.vector_load %arg7[%get3A_1030, %get3A_1031] {strides = array<i32>} : memref<8x1024xf32, #tpu.memory_space<vmem>>, vector<16xf32>,
          tpu.vector_store_idx %arg10[%add3A_1028], %get3A_1032 : memref<16384xf32, #tpu.memory_space<vmem>>[vector<16xi32>], vector<16xf32>,
          %add3A_1033 = arith.constant 14 : i32
          %add3A_1034 = vector.broadcast %add3A_1033 : i32 to vector<16xi32>
          %add3A_1035 = arith.addi %add3A_941, %add3A_1034 : vector<16xi32>
          %get3A_1036 = arith.constant 6 : i32
          %get3A_1037 = arith.index_cast %get3A_1036 : i32 to index
          %get3A_1038 = arith.index_cast %add3A_937 : i32 to index
          %get3A_1039 = tpu.vector_load %arg8[%get3A_1037, %get3A_1038] {strides = array<i32>} : memref<8x1024xf32, #tpu.memory_space<vmem>>, vector<16xf32>,
          tpu.vector_store_idx %arg10[%add3A_1035], %get3A_1039 : memref<16384xf32, #tpu.memory_space<vmem>>[vector<16xi32>], vector<16xf32>,
          %add3A_1040 = arith.constant 7 : i32
          %add3A_1041 = vector.broadcast %add3A_1040 : i32 to vector<16xi32>
          %add3A_1042 = arith.addi %add3A_941, %add3A_1041 : vector<16xi32>
          %get3A_1043 = arith.constant 7 : i32
          %get3A_1044 = arith.index_cast %get3A_1043 : i32 to index
          %get3A_1045 = arith.index_cast %add3A_937 : i32 to index
          %get3A_1046 = tpu.vector_load %arg7[%get3A_1044, %get3A_1045] {strides = array<i32>} : memref<8x1024xf32, #tpu.memory_space<vmem>>, vector<16xf32>,
          tpu.vector_store_idx %arg10[%add3A_1042], %get3A_1046 : memref<16384xf32, #tpu.memory_space<vmem>>[vector<16xi32>], vector<16xf32>,
          %add3A_1047 = arith.constant 15 : i32
          %add3A_1048 = vector.broadcast %add3A_1047 : i32 to vector<16xi32>
          %add3A_1049 = arith.addi %add3A_941, %add3A_1048 : vector<16xi32>
          %get3A_1050 = arith.constant 7 : i32
          %get3A_1051 = arith.index_cast %get3A_1050 : i32 to index
          %get3A_1052 = arith.index_cast %add3A_937 : i32 to index
          %get3A_1053 = tpu.vector_load %arg8[%get3A_1051, %get3A_1052] {strides = array<i32>} : memref<8x1024xf32, #tpu.memory_space<vmem>>, vector<16xf32>,
          tpu.vector_store_idx %arg10[%add3A_1049], %get3A_1053 : memref<16384xf32, #tpu.memory_space<vmem>>[vector<16xi32>], vector<16xf32>,
        }
        %scan3A_102 = arith.constant 8 : i32
        %mul3A_103 = arith.constant 16384 : i32
        %mul3A_104 = arith.muli %add3A_91, %mul3A_103 : i32
        %dma_start3A = tpu.memref_slice %arg4[%mul3A_104] : memref<41600000xf32, #tpu.memory_space<hbm>> -> memref<16384xf32, #tpu.memory_space<hbm>>
        %dma_start3A_105 = tpu.memref_slice %arg4[%mul3A_104] : memref<41600000xf32, #tpu.memory_space<hbm>> -> memref<16384xf32, #tpu.memory_space<hbm>>
        tpu.enqueue_dma source(%arg10 : memref<16384xf32, #tpu.memory_space<vmem>>) target(%dma_start3A_105 : memref<16384xf32, #tpu.memory_space<hbm>>) target_semaphore(%arg14 : memref<!tpu.dma_semaphore, #tpu.memory_space<semaphore_mem>>)
      } else {
      }
    }
    %scan3A_12 = arith.constant 40 : i32
    %add3A_13 = arith.constant 2496 : i32
    %add3A_14 = arith.addi %add3A_13, %add3A : i32
    %lt3A_15 = arith.constant 2539 : i32
    %lt3A_16 = arith.cmpi slt, %add3A_14, %lt3A_15 : i32
    %convert_element_type3A_17 = arith.extui %lt3A_16 : i1 to i32
    %cond3A_18 = arith.constant 0 : i32
    %cond3A_19 = arith.cmpi ne, %convert_element_type3A_17, %cond3A_18 : i32
    scf.if %cond3A_19 {
      %mul3A_31 = arith.constant 16384 : i32
      %mul3A_32 = arith.muli %add3A_14, %mul3A_31 : i32
      %dma_wait3A = tpu.memref_slice %arg4[%mul3A_32] : memref<41600000xf32, #tpu.memory_space<hbm>> -> memref<16384xf32, #tpu.memory_space<hbm>>
      %dma_wait3A_33 = tpu.memref_slice %arg4[%mul3A_32] : memref<41600000xf32, #tpu.memory_space<hbm>> -> memref<16384xf32, #tpu.memory_space<hbm>>
      tpu.wait_dma2 semaphore(%arg13 : memref<!tpu.dma_semaphore, #tpu.memory_space<semaphore_mem>>) src(%arg9 : memref<16384xf32, #tpu.memory_space<vmem>>) dst(%dma_wait3A_33 : memref<16384xf32, #tpu.memory_space<hbm>>)
    } else {
    }
    %add3A_20 = arith.constant 2528 : i32
    %add3A_21 = arith.addi %add3A_20, %add3A : i32
    %lt3A_22 = arith.constant 2539 : i32
    %lt3A_23 = arith.cmpi slt, %add3A_21, %lt3A_22 : i32
    %convert_element_type3A_24 = arith.extui %lt3A_23 : i1 to i32
    %cond3A_25 = arith.constant 0 : i32
    %cond3A_26 = arith.cmpi ne, %convert_element_type3A_24, %cond3A_25 : i32
    scf.if %cond3A_26 {
      %mul3A_31 = arith.constant 16384 : i32
      %mul3A_32 = arith.muli %add3A_21, %mul3A_31 : i32
      %dma_wait3A = tpu.memref_slice %arg4[%mul3A_32] : memref<41600000xf32, #tpu.memory_space<hbm>> -> memref<16384xf32, #tpu.memory_space<hbm>>
      %dma_wait3A_33 = tpu.memref_slice %arg4[%mul3A_32] : memref<41600000xf32, #tpu.memory_space<hbm>> -> memref<16384xf32, #tpu.memory_space<hbm>>
      tpu.wait_dma2 semaphore(%arg14 : memref<!tpu.dma_semaphore, #tpu.memory_space<semaphore_mem>>) src(%arg10 : memref<16384xf32, #tpu.memory_space<vmem>>) dst(%dma_wait3A_33 : memref<16384xf32, #tpu.memory_space<hbm>>)
    } else {
    }
    %eq3A = arith.constant 0 : i32
    %eq3A_27 = arith.cmpi eq, %add3A, %eq3A : i32
    %convert_element_type3A_28 = arith.extui %eq3A_27 : i1 to i32
    %cond3A_29 = arith.constant 0 : i32
    %cond3A_30 = arith.cmpi ne, %convert_element_type3A_28, %cond3A_29 : i32
    scf.if %cond3A_30 {
      "tpu.region"() ({
        %run_scoped3A = tpu.sem_alloc : memref<!tpu.dma_semaphore, #tpu.memory_space<semaphore_mem>>
        %dma_start3A = arith.constant 0 : i32
        %dma_start3A_31 = tpu.memref_slice %arg10[%dma_start3A] : memref<16384xf32, #tpu.memory_space<vmem>> -> memref<1024xf32, #tpu.memory_space<vmem>>
        %dma_start3A_32 = arith.constant 0 : i32
        %dma_start3A_33 = tpu.memref_slice %arg10[%dma_start3A_32] : memref<16384xf32, #tpu.memory_space<vmem>> -> memref<1024xf32, #tpu.memory_space<vmem>>
        tpu.enqueue_dma source(%arg3 : memref<1024xf32, #tpu.memory_space<hbm>>) target(%dma_start3A_33 : memref<1024xf32, #tpu.memory_space<vmem>>) target_semaphore(%run_scoped3A : memref<!tpu.dma_semaphore, #tpu.memory_space<semaphore_mem>>)
        %dma_wait3A = arith.constant 0 : i32
        %dma_wait3A_34 = tpu.memref_slice %arg10[%dma_wait3A] : memref<16384xf32, #tpu.memory_space<vmem>> -> memref<1024xf32, #tpu.memory_space<vmem>>
        %dma_wait3A_35 = arith.constant 0 : i32
        %dma_wait3A_36 = tpu.memref_slice %arg10[%dma_wait3A_35] : memref<16384xf32, #tpu.memory_space<vmem>> -> memref<1024xf32, #tpu.memory_space<vmem>>
        tpu.wait_dma2 semaphore(%run_scoped3A : memref<!tpu.dma_semaphore, #tpu.memory_space<semaphore_mem>>) src(%arg3 : memref<1024xf32, #tpu.memory_space<hbm>>) dst(%dma_wait3A_36 : memref<1024xf32, #tpu.memory_space<vmem>>)
        tpu.yield
      }) : () -> ()
      "tpu.region"() ({
        %run_scoped3A = tpu.sem_alloc : memref<!tpu.dma_semaphore, #tpu.memory_space<semaphore_mem>>
        %dma_start3A = arith.constant 0 : i32
        %dma_start3A_31 = tpu.memref_slice %arg10[%dma_start3A] : memref<16384xf32, #tpu.memory_space<vmem>> -> memref<1024xf32, #tpu.memory_space<vmem>>
        %dma_start3A_32 = arith.constant 41598976 : i32
        %dma_start3A_33 = tpu.memref_slice %arg4[%dma_start3A_32] : memref<41600000xf32, #tpu.memory_space<hbm>> -> memref<1024xf32, #tpu.memory_space<hbm>>
        %dma_start3A_34 = arith.constant 41598976 : i32
        %dma_start3A_35 = tpu.memref_slice %arg4[%dma_start3A_34] : memref<41600000xf32, #tpu.memory_space<hbm>> -> memref<1024xf32, #tpu.memory_space<hbm>>
        %dma_start3A_36 = arith.constant 0 : i32
        %dma_start3A_37 = tpu.memref_slice %arg10[%dma_start3A_36] : memref<16384xf32, #tpu.memory_space<vmem>> -> memref<1024xf32, #tpu.memory_space<vmem>>
        tpu.enqueue_dma source(%dma_start3A_37 : memref<1024xf32, #tpu.memory_space<vmem>>) target(%dma_start3A_35 : memref<1024xf32, #tpu.memory_space<hbm>>) target_semaphore(%run_scoped3A : memref<!tpu.dma_semaphore, #tpu.memory_space<semaphore_mem>>)
        %dma_wait3A = arith.constant 0 : i32
        %dma_wait3A_38 = tpu.memref_slice %arg10[%dma_wait3A] : memref<16384xf32, #tpu.memory_space<vmem>> -> memref<1024xf32, #tpu.memory_space<vmem>>
        %dma_wait3A_39 = arith.constant 41598976 : i32
        %dma_wait3A_40 = tpu.memref_slice %arg4[%dma_wait3A_39] : memref<41600000xf32, #tpu.memory_space<hbm>> -> memref<1024xf32, #tpu.memory_space<hbm>>
        %dma_wait3A_41 = arith.constant 41598976 : i32
        %dma_wait3A_42 = tpu.memref_slice %arg4[%dma_wait3A_41] : memref<41600000xf32, #tpu.memory_space<hbm>> -> memref<1024xf32, #tpu.memory_space<hbm>>
        %dma_wait3A_43 = arith.constant 0 : i32
        %dma_wait3A_44 = tpu.memref_slice %arg10[%dma_wait3A_43] : memref<16384xf32, #tpu.memory_space<vmem>> -> memref<1024xf32, #tpu.memory_space<vmem>>
        tpu.wait_dma2 semaphore(%run_scoped3A : memref<!tpu.dma_semaphore, #tpu.memory_space<semaphore_mem>>) src(%dma_wait3A_44 : memref<1024xf32, #tpu.memory_space<vmem>>) dst(%dma_wait3A_42 : memref<1024xf32, #tpu.memory_space<hbm>>)
        tpu.yield
      }) : () -> ()
    } else {
    }
    return
  }
}

#map = affine_map<(d0, d1) -> (0)>
#map1 = affine_map<(d0, d1) -> (0, 0)>
module attributes {stable_mosaic.version = 14 : i64} {
  func.func @gather_kernel(%arg0: i32, %arg1: i32, %arg2: memref<425984xi32, #tpu.memory_space<hbm>>, %arg3: memref<3328xi32, #tpu.memory_space<hbm>>, %arg4: memref<2600000x16xf32, #tpu.memory_space<hbm>>, %arg5: memref<425984x16xf32, #tpu.memory_space<hbm>>, %arg6: memref<3328xi32, #tpu.memory_space<vmem>>, %arg7: memref<3328xi32, #tpu.memory_space<vmem>>, %arg8: memref<3328xi32, #tpu.memory_space<vmem>>, %arg9: memref<3328x16xf32, #tpu.memory_space<vmem>>, %arg10: memref<3328x16xf32, #tpu.memory_space<vmem>>, %arg11: memref<!tpu.dma_semaphore, #tpu.memory_space<semaphore_mem>>, %arg12: memref<!tpu.dma_semaphore, #tpu.memory_space<semaphore_mem>>, %arg13: memref<!tpu.dma_semaphore, #tpu.memory_space<semaphore_mem>>, %arg14: memref<!tpu.dma_semaphore, #tpu.memory_space<semaphore_mem>>) attributes {dimension_semantics = [#tpu.dimension_semantics<core_parallel>, #tpu.dimension_semantics<subcore_parallel>], iteration_bounds = array<i64: 2, 16>, scalar_prefetch = 0 : i64, scratch_operands = 9 : i64, tpu.core_type = #tpu.core_type<sc_vector_subcore>, window_params = [{transform_indices = #map}, {transform_indices = #map}, {transform_indices = #map1}, {transform_indices = #map1}]} {
    %mul3A = arith.constant 2 : i32
    %mul3A_0 = arith.muli %arg1, %mul3A : i32
    %add3A = arith.addi %mul3A_0, %arg0 : i32
    %mul3A_1 = arith.constant 13312 : i32
    %mul3A_2 = arith.muli %add3A, %mul3A_1 : i32
    "tpu.region"() ({
      %run_scoped3A = tpu.sem_alloc : memref<!tpu.dma_semaphore, #tpu.memory_space<semaphore_mem>>
      tpu.enqueue_dma source(%arg3 : memref<3328xi32, #tpu.memory_space<hbm>>) target(%arg6 : memref<3328xi32, #tpu.memory_space<vmem>>) target_semaphore(%run_scoped3A : memref<!tpu.dma_semaphore, #tpu.memory_space<semaphore_mem>>)
      tpu.wait_dma2 semaphore(%run_scoped3A : memref<!tpu.dma_semaphore, #tpu.memory_space<semaphore_mem>>) src(%arg3 : memref<3328xi32, #tpu.memory_space<hbm>>) dst(%arg6 : memref<3328xi32, #tpu.memory_space<vmem>>)
      tpu.yield
    }) : () -> ()
    %add3A_3 = arith.constant 0 : i32
    %add3A_4 = arith.addi %mul3A_2, %add3A_3 : i32
    "tpu.region"() ({
      %run_scoped3A = tpu.sem_alloc : memref<!tpu.dma_semaphore, #tpu.memory_space<semaphore_mem>>
      %dma_start3A_96 = tpu.memref_slice %arg2[%add3A_4] : memref<425984xi32, #tpu.memory_space<hbm>> -> memref<3328xi32, #tpu.memory_space<hbm>>
      %dma_start3A_97 = tpu.memref_slice %arg2[%add3A_4] : memref<425984xi32, #tpu.memory_space<hbm>> -> memref<3328xi32, #tpu.memory_space<hbm>>
      tpu.enqueue_dma source(%dma_start3A_97 : memref<3328xi32, #tpu.memory_space<hbm>>) target(%arg7 : memref<3328xi32, #tpu.memory_space<vmem>>) target_semaphore(%run_scoped3A : memref<!tpu.dma_semaphore, #tpu.memory_space<semaphore_mem>>)
      %dma_wait3A_98 = tpu.memref_slice %arg2[%add3A_4] : memref<425984xi32, #tpu.memory_space<hbm>> -> memref<3328xi32, #tpu.memory_space<hbm>>
      %dma_wait3A_99 = tpu.memref_slice %arg2[%add3A_4] : memref<425984xi32, #tpu.memory_space<hbm>> -> memref<3328xi32, #tpu.memory_space<hbm>>
      tpu.wait_dma2 semaphore(%run_scoped3A : memref<!tpu.dma_semaphore, #tpu.memory_space<semaphore_mem>>) src(%dma_wait3A_99 : memref<3328xi32, #tpu.memory_space<hbm>>) dst(%arg7 : memref<3328xi32, #tpu.memory_space<vmem>>)
      tpu.yield
    }) : () -> ()
    %scan3A = arith.constant 0 : i32
    %scan3A_5 = arith.constant 0 : i32
    %scan3A_6 = arith.constant 208 : i32
    %scan3A_7 = arith.addi %scan3A_5, %scan3A_6 : i32
    %scan3A_8 = arith.constant 1 : i32
    scf.for %scan3A_96 = %scan3A_5 to %scan3A_7 step %scan3A_8  : i32 {
      %mul3A_97 = arith.constant 16 : i32
      %mul3A_98 = arith.muli %scan3A_96, %mul3A_97 : i32
      %get3A = arith.index_cast %mul3A_98 : i32 to index
      %get3A_99 = tpu.vector_load %arg7[%get3A] {strides = array<i32>} : memref<3328xi32, #tpu.memory_space<vmem>>, vector<16xi32>,
      %get3A_100 = vector.shape_cast %get3A_99 : vector<16xi32> to vector<16xi32>
      %get3A_101 = arith.index_cast %mul3A_98 : i32 to index
      %get3A_102 = tpu.vector_load %arg6[%get3A_101] {strides = array<i32>} : memref<3328xi32, #tpu.memory_space<vmem>>, vector<16xi32>,
      %get3A_103 = vector.shape_cast %get3A_102 : vector<16xi32> to vector<16xi32>
      %add3A_104 = arith.addi %get3A_100, %get3A_103 : vector<16xi32>
      %swap3A = arith.index_cast %mul3A_98 : i32 to index
      %swap3A_105 = tpu.vector_load %arg7[%swap3A] {strides = array<i32>} : memref<3328xi32, #tpu.memory_space<vmem>>, vector<16xi32>,
      %swap3A_106 = vector.shape_cast %swap3A_105 : vector<16xi32> to vector<16xi32>
      %swap3A_107 = vector.shape_cast %add3A_104 : vector<16xi32> to vector<16xi32>
      tpu.vector_store %arg7[%swap3A], %swap3A_107 {strides = array<i32>} : memref<3328xi32, #tpu.memory_space<vmem>>, vector<16xi32>,
    }
    %scan3A_9 = arith.constant 208 : i32
    %dma_start3A = arith.constant 0 : i32
    %dma_start3A_10 = arith.constant 0 : i32
    %dma_start3A_11 = tpu.memref_slice %arg4[%dma_start3A, %dma_start3A_10] : memref<2600000x16xf32, #tpu.memory_space<hbm>> -> memref<2600000x16xf32, #tpu.memory_space<hbm>>
    tpu.enqueue_indirect_dma source(%dma_start3A_11 : memref<2600000x16xf32, #tpu.memory_space<hbm>>) target(%arg9 : memref<3328x16xf32, #tpu.memory_space<vmem>>) offsets(%arg7 : memref<3328xi32, #tpu.memory_space<vmem>>) semaphore(%arg11 : memref<!tpu.dma_semaphore, #tpu.memory_space<semaphore_mem>>)
    %add3A_12 = arith.constant 3328 : i32
    %add3A_13 = arith.addi %mul3A_2, %add3A_12 : i32
    "tpu.region"() ({
      %run_scoped3A = tpu.sem_alloc : memref<!tpu.dma_semaphore, #tpu.memory_space<semaphore_mem>>
      %dma_start3A_96 = tpu.memref_slice %arg2[%add3A_13] : memref<425984xi32, #tpu.memory_space<hbm>> -> memref<3328xi32, #tpu.memory_space<hbm>>
      %dma_start3A_97 = tpu.memref_slice %arg2[%add3A_13] : memref<425984xi32, #tpu.memory_space<hbm>> -> memref<3328xi32, #tpu.memory_space<hbm>>
      tpu.enqueue_dma source(%dma_start3A_97 : memref<3328xi32, #tpu.memory_space<hbm>>) target(%arg8 : memref<3328xi32, #tpu.memory_space<vmem>>) target_semaphore(%run_scoped3A : memref<!tpu.dma_semaphore, #tpu.memory_space<semaphore_mem>>)
      %dma_wait3A_98 = tpu.memref_slice %arg2[%add3A_13] : memref<425984xi32, #tpu.memory_space<hbm>> -> memref<3328xi32, #tpu.memory_space<hbm>>
      %dma_wait3A_99 = tpu.memref_slice %arg2[%add3A_13] : memref<425984xi32, #tpu.memory_space<hbm>> -> memref<3328xi32, #tpu.memory_space<hbm>>
      tpu.wait_dma2 semaphore(%run_scoped3A : memref<!tpu.dma_semaphore, #tpu.memory_space<semaphore_mem>>) src(%dma_wait3A_99 : memref<3328xi32, #tpu.memory_space<hbm>>) dst(%arg8 : memref<3328xi32, #tpu.memory_space<vmem>>)
      tpu.yield
    }) : () -> ()
    %scan3A_14 = arith.constant 0 : i32
    %scan3A_15 = arith.constant 0 : i32
    %scan3A_16 = arith.constant 208 : i32
    %scan3A_17 = arith.addi %scan3A_15, %scan3A_16 : i32
    %scan3A_18 = arith.constant 1 : i32
    scf.for %scan3A_96 = %scan3A_15 to %scan3A_17 step %scan3A_18  : i32 {
      %mul3A_97 = arith.constant 16 : i32
      %mul3A_98 = arith.muli %scan3A_96, %mul3A_97 : i32
      %get3A = arith.index_cast %mul3A_98 : i32 to index
      %get3A_99 = tpu.vector_load %arg8[%get3A] {strides = array<i32>} : memref<3328xi32, #tpu.memory_space<vmem>>, vector<16xi32>,
      %get3A_100 = vector.shape_cast %get3A_99 : vector<16xi32> to vector<16xi32>
      %get3A_101 = arith.index_cast %mul3A_98 : i32 to index
      %get3A_102 = tpu.vector_load %arg6[%get3A_101] {strides = array<i32>} : memref<3328xi32, #tpu.memory_space<vmem>>, vector<16xi32>,
      %get3A_103 = vector.shape_cast %get3A_102 : vector<16xi32> to vector<16xi32>
      %add3A_104 = arith.addi %get3A_100, %get3A_103 : vector<16xi32>
      %swap3A = arith.index_cast %mul3A_98 : i32 to index
      %swap3A_105 = tpu.vector_load %arg8[%swap3A] {strides = array<i32>} : memref<3328xi32, #tpu.memory_space<vmem>>, vector<16xi32>,
      %swap3A_106 = vector.shape_cast %swap3A_105 : vector<16xi32> to vector<16xi32>
      %swap3A_107 = vector.shape_cast %add3A_104 : vector<16xi32> to vector<16xi32>
      tpu.vector_store %arg8[%swap3A], %swap3A_107 {strides = array<i32>} : memref<3328xi32, #tpu.memory_space<vmem>>, vector<16xi32>,
    }
    %scan3A_19 = arith.constant 208 : i32
    %dma_start3A_20 = arith.constant 0 : i32
    %dma_start3A_21 = arith.constant 0 : i32
    %dma_start3A_22 = tpu.memref_slice %arg4[%dma_start3A_20, %dma_start3A_21] : memref<2600000x16xf32, #tpu.memory_space<hbm>> -> memref<2600000x16xf32, #tpu.memory_space<hbm>>
    tpu.enqueue_indirect_dma source(%dma_start3A_22 : memref<2600000x16xf32, #tpu.memory_space<hbm>>) target(%arg10 : memref<3328x16xf32, #tpu.memory_space<vmem>>) offsets(%arg8 : memref<3328xi32, #tpu.memory_space<vmem>>) semaphore(%arg12 : memref<!tpu.dma_semaphore, #tpu.memory_space<semaphore_mem>>)
    %dma_wait3A = arith.constant 0 : i32
    %dma_wait3A_23 = arith.constant 0 : i32
    %dma_wait3A_24 = tpu.memref_slice %arg4[%dma_wait3A, %dma_wait3A_23] : memref<2600000x16xf32, #tpu.memory_space<hbm>> -> memref<2600000x16xf32, #tpu.memory_space<hbm>>
    tpu.wait_indirect_dma semaphore(%arg11 : memref<!tpu.dma_semaphore, #tpu.memory_space<semaphore_mem>>) src(%dma_wait3A_24 : memref<2600000x16xf32, #tpu.memory_space<hbm>>) dst(%arg9 : memref<3328x16xf32, #tpu.memory_space<vmem>>)
    %add3A_25 = arith.constant 0 : i32
    %add3A_26 = arith.addi %mul3A_2, %add3A_25 : i32
    %dma_start3A_27 = arith.constant 0 : i32
    %dma_start3A_28 = tpu.memref_slice %arg5[%add3A_26, %dma_start3A_27] : memref<425984x16xf32, #tpu.memory_space<hbm>> -> memref<3328x16xf32, #tpu.memory_space<hbm>>
    %dma_start3A_29 = arith.constant 0 : i32
    %dma_start3A_30 = tpu.memref_slice %arg5[%add3A_26, %dma_start3A_29] : memref<425984x16xf32, #tpu.memory_space<hbm>> -> memref<3328x16xf32, #tpu.memory_space<hbm>>
    tpu.enqueue_dma source(%arg9 : memref<3328x16xf32, #tpu.memory_space<vmem>>) target(%dma_start3A_30 : memref<3328x16xf32, #tpu.memory_space<hbm>>) target_semaphore(%arg13 : memref<!tpu.dma_semaphore, #tpu.memory_space<semaphore_mem>>)
    %dma_wait3A_31 = arith.constant 0 : i32
    %dma_wait3A_32 = tpu.memref_slice %arg5[%add3A_26, %dma_wait3A_31] : memref<425984x16xf32, #tpu.memory_space<hbm>> -> memref<3328x16xf32, #tpu.memory_space<hbm>>
    %dma_wait3A_33 = arith.constant 0 : i32
    %dma_wait3A_34 = tpu.memref_slice %arg5[%add3A_26, %dma_wait3A_33] : memref<425984x16xf32, #tpu.memory_space<hbm>> -> memref<3328x16xf32, #tpu.memory_space<hbm>>
    tpu.wait_dma2 semaphore(%arg13 : memref<!tpu.dma_semaphore, #tpu.memory_space<semaphore_mem>>) src(%arg9 : memref<3328x16xf32, #tpu.memory_space<vmem>>) dst(%dma_wait3A_34 : memref<3328x16xf32, #tpu.memory_space<hbm>>)
    %add3A_35 = arith.constant 6656 : i32
    %add3A_36 = arith.addi %mul3A_2, %add3A_35 : i32
    "tpu.region"() ({
      %run_scoped3A = tpu.sem_alloc : memref<!tpu.dma_semaphore, #tpu.memory_space<semaphore_mem>>
      %dma_start3A_96 = tpu.memref_slice %arg2[%add3A_36] : memref<425984xi32, #tpu.memory_space<hbm>> -> memref<3328xi32, #tpu.memory_space<hbm>>
      %dma_start3A_97 = tpu.memref_slice %arg2[%add3A_36] : memref<425984xi32, #tpu.memory_space<hbm>> -> memref<3328xi32, #tpu.memory_space<hbm>>
      tpu.enqueue_dma source(%dma_start3A_97 : memref<3328xi32, #tpu.memory_space<hbm>>) target(%arg7 : memref<3328xi32, #tpu.memory_space<vmem>>) target_semaphore(%run_scoped3A : memref<!tpu.dma_semaphore, #tpu.memory_space<semaphore_mem>>)
      %dma_wait3A_98 = tpu.memref_slice %arg2[%add3A_36] : memref<425984xi32, #tpu.memory_space<hbm>> -> memref<3328xi32, #tpu.memory_space<hbm>>
      %dma_wait3A_99 = tpu.memref_slice %arg2[%add3A_36] : memref<425984xi32, #tpu.memory_space<hbm>> -> memref<3328xi32, #tpu.memory_space<hbm>>
      tpu.wait_dma2 semaphore(%run_scoped3A : memref<!tpu.dma_semaphore, #tpu.memory_space<semaphore_mem>>) src(%dma_wait3A_99 : memref<3328xi32, #tpu.memory_space<hbm>>) dst(%arg7 : memref<3328xi32, #tpu.memory_space<vmem>>)
      tpu.yield
    }) : () -> ()
    %scan3A_37 = arith.constant 0 : i32
    %scan3A_38 = arith.constant 0 : i32
    %scan3A_39 = arith.constant 208 : i32
    %scan3A_40 = arith.addi %scan3A_38, %scan3A_39 : i32
    %scan3A_41 = arith.constant 1 : i32
    scf.for %scan3A_96 = %scan3A_38 to %scan3A_40 step %scan3A_41  : i32 {
      %mul3A_97 = arith.constant 16 : i32
      %mul3A_98 = arith.muli %scan3A_96, %mul3A_97 : i32
      %get3A = arith.index_cast %mul3A_98 : i32 to index
      %get3A_99 = tpu.vector_load %arg7[%get3A] {strides = array<i32>} : memref<3328xi32, #tpu.memory_space<vmem>>, vector<16xi32>,
      %get3A_100 = vector.shape_cast %get3A_99 : vector<16xi32> to vector<16xi32>
      %get3A_101 = arith.index_cast %mul3A_98 : i32 to index
      %get3A_102 = tpu.vector_load %arg6[%get3A_101] {strides = array<i32>} : memref<3328xi32, #tpu.memory_space<vmem>>, vector<16xi32>,
      %get3A_103 = vector.shape_cast %get3A_102 : vector<16xi32> to vector<16xi32>
      %add3A_104 = arith.addi %get3A_100, %get3A_103 : vector<16xi32>
      %swap3A = arith.index_cast %mul3A_98 : i32 to index
      %swap3A_105 = tpu.vector_load %arg7[%swap3A] {strides = array<i32>} : memref<3328xi32, #tpu.memory_space<vmem>>, vector<16xi32>,
      %swap3A_106 = vector.shape_cast %swap3A_105 : vector<16xi32> to vector<16xi32>
      %swap3A_107 = vector.shape_cast %add3A_104 : vector<16xi32> to vector<16xi32>
      tpu.vector_store %arg7[%swap3A], %swap3A_107 {strides = array<i32>} : memref<3328xi32, #tpu.memory_space<vmem>>, vector<16xi32>,
    }
    %scan3A_42 = arith.constant 208 : i32
    %dma_start3A_43 = arith.constant 0 : i32
    %dma_start3A_44 = arith.constant 0 : i32
    %dma_start3A_45 = tpu.memref_slice %arg4[%dma_start3A_43, %dma_start3A_44] : memref<2600000x16xf32, #tpu.memory_space<hbm>> -> memref<2600000x16xf32, #tpu.memory_space<hbm>>
    tpu.enqueue_indirect_dma source(%dma_start3A_45 : memref<2600000x16xf32, #tpu.memory_space<hbm>>) target(%arg9 : memref<3328x16xf32, #tpu.memory_space<vmem>>) offsets(%arg7 : memref<3328xi32, #tpu.memory_space<vmem>>) semaphore(%arg11 : memref<!tpu.dma_semaphore, #tpu.memory_space<semaphore_mem>>)
    %dma_wait3A_46 = arith.constant 0 : i32
    %dma_wait3A_47 = arith.constant 0 : i32
    %dma_wait3A_48 = tpu.memref_slice %arg4[%dma_wait3A_46, %dma_wait3A_47] : memref<2600000x16xf32, #tpu.memory_space<hbm>> -> memref<2600000x16xf32, #tpu.memory_space<hbm>>
    tpu.wait_indirect_dma semaphore(%arg12 : memref<!tpu.dma_semaphore, #tpu.memory_space<semaphore_mem>>) src(%dma_wait3A_48 : memref<2600000x16xf32, #tpu.memory_space<hbm>>) dst(%arg10 : memref<3328x16xf32, #tpu.memory_space<vmem>>)
    %add3A_49 = arith.constant 3328 : i32
    %add3A_50 = arith.addi %mul3A_2, %add3A_49 : i32
    %dma_start3A_51 = arith.constant 0 : i32
    %dma_start3A_52 = tpu.memref_slice %arg5[%add3A_50, %dma_start3A_51] : memref<425984x16xf32, #tpu.memory_space<hbm>> -> memref<3328x16xf32, #tpu.memory_space<hbm>>
    %dma_start3A_53 = arith.constant 0 : i32
    %dma_start3A_54 = tpu.memref_slice %arg5[%add3A_50, %dma_start3A_53] : memref<425984x16xf32, #tpu.memory_space<hbm>> -> memref<3328x16xf32, #tpu.memory_space<hbm>>
    tpu.enqueue_dma source(%arg10 : memref<3328x16xf32, #tpu.memory_space<vmem>>) target(%dma_start3A_54 : memref<3328x16xf32, #tpu.memory_space<hbm>>) target_semaphore(%arg14 : memref<!tpu.dma_semaphore, #tpu.memory_space<semaphore_mem>>)
    %dma_wait3A_55 = arith.constant 0 : i32
    %dma_wait3A_56 = tpu.memref_slice %arg5[%add3A_50, %dma_wait3A_55] : memref<425984x16xf32, #tpu.memory_space<hbm>> -> memref<3328x16xf32, #tpu.memory_space<hbm>>
    %dma_wait3A_57 = arith.constant 0 : i32
    %dma_wait3A_58 = tpu.memref_slice %arg5[%add3A_50, %dma_wait3A_57] : memref<425984x16xf32, #tpu.memory_space<hbm>> -> memref<3328x16xf32, #tpu.memory_space<hbm>>
    tpu.wait_dma2 semaphore(%arg14 : memref<!tpu.dma_semaphore, #tpu.memory_space<semaphore_mem>>) src(%arg10 : memref<3328x16xf32, #tpu.memory_space<vmem>>) dst(%dma_wait3A_58 : memref<3328x16xf32, #tpu.memory_space<hbm>>)
    %add3A_59 = arith.constant 9984 : i32
    %add3A_60 = arith.addi %mul3A_2, %add3A_59 : i32
    "tpu.region"() ({
      %run_scoped3A = tpu.sem_alloc : memref<!tpu.dma_semaphore, #tpu.memory_space<semaphore_mem>>
      %dma_start3A_96 = tpu.memref_slice %arg2[%add3A_60] : memref<425984xi32, #tpu.memory_space<hbm>> -> memref<3328xi32, #tpu.memory_space<hbm>>
      %dma_start3A_97 = tpu.memref_slice %arg2[%add3A_60] : memref<425984xi32, #tpu.memory_space<hbm>> -> memref<3328xi32, #tpu.memory_space<hbm>>
      tpu.enqueue_dma source(%dma_start3A_97 : memref<3328xi32, #tpu.memory_space<hbm>>) target(%arg8 : memref<3328xi32, #tpu.memory_space<vmem>>) target_semaphore(%run_scoped3A : memref<!tpu.dma_semaphore, #tpu.memory_space<semaphore_mem>>)
      %dma_wait3A_98 = tpu.memref_slice %arg2[%add3A_60] : memref<425984xi32, #tpu.memory_space<hbm>> -> memref<3328xi32, #tpu.memory_space<hbm>>
      %dma_wait3A_99 = tpu.memref_slice %arg2[%add3A_60] : memref<425984xi32, #tpu.memory_space<hbm>> -> memref<3328xi32, #tpu.memory_space<hbm>>
      tpu.wait_dma2 semaphore(%run_scoped3A : memref<!tpu.dma_semaphore, #tpu.memory_space<semaphore_mem>>) src(%dma_wait3A_99 : memref<3328xi32, #tpu.memory_space<hbm>>) dst(%arg8 : memref<3328xi32, #tpu.memory_space<vmem>>)
      tpu.yield
    }) : () -> ()
    %scan3A_61 = arith.constant 0 : i32
    %scan3A_62 = arith.constant 0 : i32
    %scan3A_63 = arith.constant 208 : i32
    %scan3A_64 = arith.addi %scan3A_62, %scan3A_63 : i32
    %scan3A_65 = arith.constant 1 : i32
    scf.for %scan3A_96 = %scan3A_62 to %scan3A_64 step %scan3A_65  : i32 {
      %mul3A_97 = arith.constant 16 : i32
      %mul3A_98 = arith.muli %scan3A_96, %mul3A_97 : i32
      %get3A = arith.index_cast %mul3A_98 : i32 to index
      %get3A_99 = tpu.vector_load %arg8[%get3A] {strides = array<i32>} : memref<3328xi32, #tpu.memory_space<vmem>>, vector<16xi32>,
      %get3A_100 = vector.shape_cast %get3A_99 : vector<16xi32> to vector<16xi32>
      %get3A_101 = arith.index_cast %mul3A_98 : i32 to index
      %get3A_102 = tpu.vector_load %arg6[%get3A_101] {strides = array<i32>} : memref<3328xi32, #tpu.memory_space<vmem>>, vector<16xi32>,
      %get3A_103 = vector.shape_cast %get3A_102 : vector<16xi32> to vector<16xi32>
      %add3A_104 = arith.addi %get3A_100, %get3A_103 : vector<16xi32>
      %swap3A = arith.index_cast %mul3A_98 : i32 to index
      %swap3A_105 = tpu.vector_load %arg8[%swap3A] {strides = array<i32>} : memref<3328xi32, #tpu.memory_space<vmem>>, vector<16xi32>,
      %swap3A_106 = vector.shape_cast %swap3A_105 : vector<16xi32> to vector<16xi32>
      %swap3A_107 = vector.shape_cast %add3A_104 : vector<16xi32> to vector<16xi32>
      tpu.vector_store %arg8[%swap3A], %swap3A_107 {strides = array<i32>} : memref<3328xi32, #tpu.memory_space<vmem>>, vector<16xi32>,
    }
    %scan3A_66 = arith.constant 208 : i32
    %dma_start3A_67 = arith.constant 0 : i32
    %dma_start3A_68 = arith.constant 0 : i32
    %dma_start3A_69 = tpu.memref_slice %arg4[%dma_start3A_67, %dma_start3A_68] : memref<2600000x16xf32, #tpu.memory_space<hbm>> -> memref<2600000x16xf32, #tpu.memory_space<hbm>>
    tpu.enqueue_indirect_dma source(%dma_start3A_69 : memref<2600000x16xf32, #tpu.memory_space<hbm>>) target(%arg10 : memref<3328x16xf32, #tpu.memory_space<vmem>>) offsets(%arg8 : memref<3328xi32, #tpu.memory_space<vmem>>) semaphore(%arg12 : memref<!tpu.dma_semaphore, #tpu.memory_space<semaphore_mem>>)
    %dma_wait3A_70 = arith.constant 0 : i32
    %dma_wait3A_71 = arith.constant 0 : i32
    %dma_wait3A_72 = tpu.memref_slice %arg4[%dma_wait3A_70, %dma_wait3A_71] : memref<2600000x16xf32, #tpu.memory_space<hbm>> -> memref<2600000x16xf32, #tpu.memory_space<hbm>>
    tpu.wait_indirect_dma semaphore(%arg11 : memref<!tpu.dma_semaphore, #tpu.memory_space<semaphore_mem>>) src(%dma_wait3A_72 : memref<2600000x16xf32, #tpu.memory_space<hbm>>) dst(%arg9 : memref<3328x16xf32, #tpu.memory_space<vmem>>)
    %add3A_73 = arith.constant 6656 : i32
    %add3A_74 = arith.addi %mul3A_2, %add3A_73 : i32
    %dma_start3A_75 = arith.constant 0 : i32
    %dma_start3A_76 = tpu.memref_slice %arg5[%add3A_74, %dma_start3A_75] : memref<425984x16xf32, #tpu.memory_space<hbm>> -> memref<3328x16xf32, #tpu.memory_space<hbm>>
    %dma_start3A_77 = arith.constant 0 : i32
    %dma_start3A_78 = tpu.memref_slice %arg5[%add3A_74, %dma_start3A_77] : memref<425984x16xf32, #tpu.memory_space<hbm>> -> memref<3328x16xf32, #tpu.memory_space<hbm>>
    tpu.enqueue_dma source(%arg9 : memref<3328x16xf32, #tpu.memory_space<vmem>>) target(%dma_start3A_78 : memref<3328x16xf32, #tpu.memory_space<hbm>>) target_semaphore(%arg13 : memref<!tpu.dma_semaphore, #tpu.memory_space<semaphore_mem>>)
    %dma_wait3A_79 = arith.constant 0 : i32
    %dma_wait3A_80 = arith.constant 0 : i32
    %dma_wait3A_81 = tpu.memref_slice %arg4[%dma_wait3A_79, %dma_wait3A_80] : memref<2600000x16xf32, #tpu.memory_space<hbm>> -> memref<2600000x16xf32, #tpu.memory_space<hbm>>
    tpu.wait_indirect_dma semaphore(%arg12 : memref<!tpu.dma_semaphore, #tpu.memory_space<semaphore_mem>>) src(%dma_wait3A_81 : memref<2600000x16xf32, #tpu.memory_space<hbm>>) dst(%arg10 : memref<3328x16xf32, #tpu.memory_space<vmem>>)
    %add3A_82 = arith.constant 9984 : i32
    %add3A_83 = arith.addi %mul3A_2, %add3A_82 : i32
    %dma_start3A_84 = arith.constant 0 : i32
    %dma_start3A_85 = tpu.memref_slice %arg5[%add3A_83, %dma_start3A_84] : memref<425984x16xf32, #tpu.memory_space<hbm>> -> memref<3328x16xf32, #tpu.memory_space<hbm>>
    %dma_start3A_86 = arith.constant 0 : i32
    %dma_start3A_87 = tpu.memref_slice %arg5[%add3A_83, %dma_start3A_86] : memref<425984x16xf32, #tpu.memory_space<hbm>> -> memref<3328x16xf32, #tpu.memory_space<hbm>>
    tpu.enqueue_dma source(%arg10 : memref<3328x16xf32, #tpu.memory_space<vmem>>) target(%dma_start3A_87 : memref<3328x16xf32, #tpu.memory_space<hbm>>) target_semaphore(%arg14 : memref<!tpu.dma_semaphore, #tpu.memory_space<semaphore_mem>>)
    %dma_wait3A_88 = arith.constant 0 : i32
    %dma_wait3A_89 = tpu.memref_slice %arg5[%add3A_74, %dma_wait3A_88] : memref<425984x16xf32, #tpu.memory_space<hbm>> -> memref<3328x16xf32, #tpu.memory_space<hbm>>
    %dma_wait3A_90 = arith.constant 0 : i32
    %dma_wait3A_91 = tpu.memref_slice %arg5[%add3A_74, %dma_wait3A_90] : memref<425984x16xf32, #tpu.memory_space<hbm>> -> memref<3328x16xf32, #tpu.memory_space<hbm>>
    tpu.wait_dma2 semaphore(%arg13 : memref<!tpu.dma_semaphore, #tpu.memory_space<semaphore_mem>>) src(%arg9 : memref<3328x16xf32, #tpu.memory_space<vmem>>) dst(%dma_wait3A_91 : memref<3328x16xf32, #tpu.memory_space<hbm>>)
    %dma_wait3A_92 = arith.constant 0 : i32
    %dma_wait3A_93 = tpu.memref_slice %arg5[%add3A_83, %dma_wait3A_92] : memref<425984x16xf32, #tpu.memory_space<hbm>> -> memref<3328x16xf32, #tpu.memory_space<hbm>>
    %dma_wait3A_94 = arith.constant 0 : i32
    %dma_wait3A_95 = tpu.memref_slice %arg5[%add3A_83, %dma_wait3A_94] : memref<425984x16xf32, #tpu.memory_space<hbm>> -> memref<3328x16xf32, #tpu.memory_space<hbm>>
    tpu.wait_dma2 semaphore(%arg14 : memref<!tpu.dma_semaphore, #tpu.memory_space<semaphore_mem>>) src(%arg10 : memref<3328x16xf32, #tpu.memory_space<vmem>>) dst(%dma_wait3A_95 : memref<3328x16xf32, #tpu.memory_space<hbm>>)
    return
  }
}

#map = affine_map<(d0, d1) -> (0)>
#map1 = affine_map<(d0, d1) -> (0, 0, 0)>
module attributes {stable_mosaic.version = 14 : i64} {
  func.func @outfmt_kernel(%arg0: i32, %arg1: i32, %arg2: memref<6815744xf32, #tpu.memory_space<hbm>>, %arg3: memref<26x16x16384xf32, #tpu.memory_space<hbm>>, %arg4: memref<53248xf32, #tpu.memory_space<vmem>>, %arg5: memref<53248xf32, #tpu.memory_space<vmem>>, %arg6: memref<16x128xf32, #tpu.memory_space<vmem>>, %arg7: memref<16x128xf32, #tpu.memory_space<vmem>>, %arg8: memref<!tpu.dma_semaphore, #tpu.memory_space<semaphore_mem>>, %arg9: memref<!tpu.dma_semaphore, #tpu.memory_space<semaphore_mem>>, %arg10: memref<!tpu.dma_semaphore, #tpu.memory_space<semaphore_mem>>, %arg11: memref<!tpu.dma_semaphore, #tpu.memory_space<semaphore_mem>>) attributes {dimension_semantics = [#tpu.dimension_semantics<core_parallel>, #tpu.dimension_semantics<subcore_parallel>], iteration_bounds = array<i64: 2, 16>, scalar_prefetch = 0 : i64, scratch_operands = 8 : i64, tpu.core_type = #tpu.core_type<sc_vector_subcore>, window_params = [{transform_indices = #map}, {transform_indices = #map1}]} {
    %mul3A = arith.constant 2 : i32
    %mul3A_0 = arith.muli %arg1, %mul3A : i32
    %add3A = arith.addi %mul3A_0, %arg0 : i32
    %iota3A = tpu.iota {dimensions = array<i32: 0>} : vector<16xi32>
    %mul3A_1 = arith.constant 4 : i32
    %mul3A_2 = arith.muli %add3A, %mul3A_1 : i32
    %add3A_3 = arith.constant 0 : i32
    %add3A_4 = arith.addi %mul3A_2, %add3A_3 : i32
    %mul3A_5 = arith.constant 128 : i32
    %mul3A_6 = arith.muli %add3A_4, %mul3A_5 : i32
    %mul3A_7 = arith.constant 26 : i32
    %mul3A_8 = arith.muli %mul3A_6, %mul3A_7 : i32
    %mul3A_9 = arith.constant 16 : i32
    %mul3A_10 = arith.muli %mul3A_8, %mul3A_9 : i32
    %dma_start3A = tpu.memref_slice %arg2[%mul3A_10] : memref<6815744xf32, #tpu.memory_space<hbm>> -> memref<53248xf32, #tpu.memory_space<hbm>>
    %dma_start3A_11 = tpu.memref_slice %arg2[%mul3A_10] : memref<6815744xf32, #tpu.memory_space<hbm>> -> memref<53248xf32, #tpu.memory_space<hbm>>
    tpu.enqueue_dma source(%dma_start3A_11 : memref<53248xf32, #tpu.memory_space<hbm>>) target(%arg4 : memref<53248xf32, #tpu.memory_space<vmem>>) target_semaphore(%arg8 : memref<!tpu.dma_semaphore, #tpu.memory_space<semaphore_mem>>)
    %mul3A_12 = arith.constant 4 : i32
    %mul3A_13 = arith.muli %add3A, %mul3A_12 : i32
    %add3A_14 = arith.constant 1 : i32
    %add3A_15 = arith.addi %mul3A_13, %add3A_14 : i32
    %mul3A_16 = arith.constant 128 : i32
    %mul3A_17 = arith.muli %add3A_15, %mul3A_16 : i32
    %mul3A_18 = arith.constant 26 : i32
    %mul3A_19 = arith.muli %mul3A_17, %mul3A_18 : i32
    %mul3A_20 = arith.constant 16 : i32
    %mul3A_21 = arith.muli %mul3A_19, %mul3A_20 : i32
    %dma_start3A_22 = tpu.memref_slice %arg2[%mul3A_21] : memref<6815744xf32, #tpu.memory_space<hbm>> -> memref<53248xf32, #tpu.memory_space<hbm>>
    %dma_start3A_23 = tpu.memref_slice %arg2[%mul3A_21] : memref<6815744xf32, #tpu.memory_space<hbm>> -> memref<53248xf32, #tpu.memory_space<hbm>>
    tpu.enqueue_dma source(%dma_start3A_23 : memref<53248xf32, #tpu.memory_space<hbm>>) target(%arg5 : memref<53248xf32, #tpu.memory_space<vmem>>) target_semaphore(%arg9 : memref<!tpu.dma_semaphore, #tpu.memory_space<semaphore_mem>>)
    %mul3A_24 = arith.constant 4 : i32
    %mul3A_25 = arith.muli %add3A, %mul3A_24 : i32
    %add3A_26 = arith.constant 0 : i32
    %add3A_27 = arith.addi %mul3A_25, %add3A_26 : i32
    %mul3A_28 = arith.constant 128 : i32
    %mul3A_29 = arith.muli %add3A_27, %mul3A_28 : i32
    %mul3A_30 = arith.constant 26 : i32
    %mul3A_31 = arith.muli %mul3A_29, %mul3A_30 : i32
    %mul3A_32 = arith.constant 16 : i32
    %mul3A_33 = arith.muli %mul3A_31, %mul3A_32 : i32
    %dma_wait3A = tpu.memref_slice %arg2[%mul3A_33] : memref<6815744xf32, #tpu.memory_space<hbm>> -> memref<53248xf32, #tpu.memory_space<hbm>>
    %dma_wait3A_34 = tpu.memref_slice %arg2[%mul3A_33] : memref<6815744xf32, #tpu.memory_space<hbm>> -> memref<53248xf32, #tpu.memory_space<hbm>>
    tpu.wait_dma2 semaphore(%arg8 : memref<!tpu.dma_semaphore, #tpu.memory_space<semaphore_mem>>) src(%dma_wait3A_34 : memref<53248xf32, #tpu.memory_space<hbm>>) dst(%arg4 : memref<53248xf32, #tpu.memory_space<vmem>>)
    %mul3A_35 = arith.constant 4 : i32
    %mul3A_36 = arith.muli %add3A, %mul3A_35 : i32
    %add3A_37 = arith.constant 0 : i32
    %add3A_38 = arith.addi %mul3A_36, %add3A_37 : i32
    %mul3A_39 = arith.constant 128 : i32
    %mul3A_40 = arith.muli %add3A_38, %mul3A_39 : i32
    %scan3A = arith.constant 0 : i32
    %scan3A_41 = arith.constant 0 : i32
    %scan3A_42 = arith.constant 13 : i32
    %scan3A_43 = arith.addi %scan3A_41, %scan3A_42 : i32
    %scan3A_44 = arith.constant 1 : i32
    scf.for %scan3A_198 = %scan3A_41 to %scan3A_43 step %scan3A_44  : i32 {
      %mul3A_199 = arith.constant 2 : i32
      %mul3A_200 = arith.muli %scan3A_198, %mul3A_199 : i32
      %add3A_201 = arith.constant 0 : i32
      %add3A_202 = arith.addi %mul3A_200, %add3A_201 : i32
      %ge3A = arith.constant 1 : i32
      %ge3A_203 = arith.cmpi sge, %scan3A_198, %ge3A : i32
      %convert_element_type3A = arith.extui %ge3A_203 : i1 to i32
      %cond3A = arith.constant 0 : i32
      %cond3A_204 = arith.cmpi ne, %convert_element_type3A, %cond3A : i32
      scf.if %cond3A_204 {
        %sub3A = arith.constant 2 : i32
        %sub3A_238 = arith.subi %add3A_202, %sub3A : i32
        %dma_wait3A_239 = arith.constant 0 : i32
        %dma_wait3A_240 = tpu.memref_slice %arg3[%sub3A_238, %dma_wait3A_239, %mul3A_40] : memref<26x16x16384xf32, #tpu.memory_space<hbm>> -> memref<1x16x128xf32, #tpu.memory_space<hbm>>
        %dma_wait3A_241 = tpu.memref_squeeze %dma_wait3A_240 : memref<1x16x128xf32, #tpu.memory_space<hbm>> -> memref<16x128xf32, #tpu.memory_space<hbm>>
        %dma_wait3A_242 = arith.constant 0 : i32
        %dma_wait3A_243 = tpu.memref_slice %arg3[%sub3A_238, %dma_wait3A_242, %mul3A_40] : memref<26x16x16384xf32, #tpu.memory_space<hbm>> -> memref<1x16x128xf32, #tpu.memory_space<hbm>>
        %dma_wait3A_244 = tpu.memref_squeeze %dma_wait3A_243 : memref<1x16x128xf32, #tpu.memory_space<hbm>> -> memref<16x128xf32, #tpu.memory_space<hbm>>
        tpu.wait_dma2 semaphore(%arg10 : memref<!tpu.dma_semaphore, #tpu.memory_space<semaphore_mem>>) src(%arg6 : memref<16x128xf32, #tpu.memory_space<vmem>>) dst(%dma_wait3A_244 : memref<16x128xf32, #tpu.memory_space<hbm>>)
      } else {
      }
      %scan3A_205 = arith.constant 0 : i32
      %scan3A_206 = arith.constant 0 : i32
      %scan3A_207 = arith.constant 16 : i32
      %scan3A_208 = arith.addi %scan3A_206, %scan3A_207 : i32
      %scan3A_209 = arith.constant 1 : i32
      scf.for %scan3A_238 = %scan3A_206 to %scan3A_208 step %scan3A_209  : i32 {
        %mul3A_239 = arith.constant 8 : i32
        %mul3A_240 = arith.muli %scan3A_238, %mul3A_239 : i32
        %add3A_241 = arith.constant 0 : i32
        %add3A_242 = arith.addi %mul3A_240, %add3A_241 : i32
        %mul3A_243 = arith.constant 26 : i32
        %mul3A_244 = arith.muli %add3A_242, %mul3A_243 : i32
        %add3A_245 = arith.addi %mul3A_244, %add3A_202 : i32
        %mul3A_246 = arith.constant 16 : i32
        %mul3A_247 = arith.muli %add3A_245, %mul3A_246 : i32
        %get3A = arith.index_cast %mul3A_247 : i32 to index
        %get3A_248 = tpu.vector_load %arg4[%get3A] {strides = array<i32>} : memref<53248xf32, #tpu.memory_space<vmem>>, vector<16xf32>,
        %broadcast_in_dim3A = vector.broadcast %add3A_242 : i32 to vector<16xi32>
        tpu.vector_store_idx %arg6[%iota3A, %broadcast_in_dim3A], %get3A_248 : memref<16x128xf32, #tpu.memory_space<vmem>>[vector<16xi32>, vector<16xi32>], vector<16xf32>,
        %mul3A_249 = arith.constant 8 : i32
        %mul3A_250 = arith.muli %scan3A_238, %mul3A_249 : i32
        %add3A_251 = arith.constant 1 : i32
        %add3A_252 = arith.addi %mul3A_250, %add3A_251 : i32
        %mul3A_253 = arith.constant 26 : i32
        %mul3A_254 = arith.muli %add3A_252, %mul3A_253 : i32
        %add3A_255 = arith.addi %mul3A_254, %add3A_202 : i32
        %mul3A_256 = arith.constant 16 : i32
        %mul3A_257 = arith.muli %add3A_255, %mul3A_256 : i32
        %get3A_258 = arith.index_cast %mul3A_257 : i32 to index
        %get3A_259 = tpu.vector_load %arg4[%get3A_258] {strides = array<i32>} : memref<53248xf32, #tpu.memory_space<vmem>>, vector<16xf32>,
        %broadcast_in_dim3A_260 = vector.broadcast %add3A_252 : i32 to vector<16xi32>
        tpu.vector_store_idx %arg6[%iota3A, %broadcast_in_dim3A_260], %get3A_259 : memref<16x128xf32, #tpu.memory_space<vmem>>[vector<16xi32>, vector<16xi32>], vector<16xf32>,
        %mul3A_261 = arith.constant 8 : i32
        %mul3A_262 = arith.muli %scan3A_238, %mul3A_261 : i32
        %add3A_263 = arith.constant 2 : i32
        %add3A_264 = arith.addi %mul3A_262, %add3A_263 : i32
        %mul3A_265 = arith.constant 26 : i32
        %mul3A_266 = arith.muli %add3A_264, %mul3A_265 : i32
        %add3A_267 = arith.addi %mul3A_266, %add3A_202 : i32
        %mul3A_268 = arith.constant 16 : i32
        %mul3A_269 = arith.muli %add3A_267, %mul3A_268 : i32
        %get3A_270 = arith.index_cast %mul3A_269 : i32 to index
        %get3A_271 = tpu.vector_load %arg4[%get3A_270] {strides = array<i32>} : memref<53248xf32, #tpu.memory_space<vmem>>, vector<16xf32>,
        %broadcast_in_dim3A_272 = vector.broadcast %add3A_264 : i32 to vector<16xi32>
        tpu.vector_store_idx %arg6[%iota3A, %broadcast_in_dim3A_272], %get3A_271 : memref<16x128xf32, #tpu.memory_space<vmem>>[vector<16xi32>, vector<16xi32>], vector<16xf32>,
        %mul3A_273 = arith.constant 8 : i32
        %mul3A_274 = arith.muli %scan3A_238, %mul3A_273 : i32
        %add3A_275 = arith.constant 3 : i32
        %add3A_276 = arith.addi %mul3A_274, %add3A_275 : i32
        %mul3A_277 = arith.constant 26 : i32
        %mul3A_278 = arith.muli %add3A_276, %mul3A_277 : i32
        %add3A_279 = arith.addi %mul3A_278, %add3A_202 : i32
        %mul3A_280 = arith.constant 16 : i32
        %mul3A_281 = arith.muli %add3A_279, %mul3A_280 : i32
        %get3A_282 = arith.index_cast %mul3A_281 : i32 to index
        %get3A_283 = tpu.vector_load %arg4[%get3A_282] {strides = array<i32>} : memref<53248xf32, #tpu.memory_space<vmem>>, vector<16xf32>,
        %broadcast_in_dim3A_284 = vector.broadcast %add3A_276 : i32 to vector<16xi32>
        tpu.vector_store_idx %arg6[%iota3A, %broadcast_in_dim3A_284], %get3A_283 : memref<16x128xf32, #tpu.memory_space<vmem>>[vector<16xi32>, vector<16xi32>], vector<16xf32>,
        %mul3A_285 = arith.constant 8 : i32
        %mul3A_286 = arith.muli %scan3A_238, %mul3A_285 : i32
        %add3A_287 = arith.constant 4 : i32
        %add3A_288 = arith.addi %mul3A_286, %add3A_287 : i32
        %mul3A_289 = arith.constant 26 : i32
        %mul3A_290 = arith.muli %add3A_288, %mul3A_289 : i32
        %add3A_291 = arith.addi %mul3A_290, %add3A_202 : i32
        %mul3A_292 = arith.constant 16 : i32
        %mul3A_293 = arith.muli %add3A_291, %mul3A_292 : i32
        %get3A_294 = arith.index_cast %mul3A_293 : i32 to index
        %get3A_295 = tpu.vector_load %arg4[%get3A_294] {strides = array<i32>} : memref<53248xf32, #tpu.memory_space<vmem>>, vector<16xf32>,
        %broadcast_in_dim3A_296 = vector.broadcast %add3A_288 : i32 to vector<16xi32>
        tpu.vector_store_idx %arg6[%iota3A, %broadcast_in_dim3A_296], %get3A_295 : memref<16x128xf32, #tpu.memory_space<vmem>>[vector<16xi32>, vector<16xi32>], vector<16xf32>,
        %mul3A_297 = arith.constant 8 : i32
        %mul3A_298 = arith.muli %scan3A_238, %mul3A_297 : i32
        %add3A_299 = arith.constant 5 : i32
        %add3A_300 = arith.addi %mul3A_298, %add3A_299 : i32
        %mul3A_301 = arith.constant 26 : i32
        %mul3A_302 = arith.muli %add3A_300, %mul3A_301 : i32
        %add3A_303 = arith.addi %mul3A_302, %add3A_202 : i32
        %mul3A_304 = arith.constant 16 : i32
        %mul3A_305 = arith.muli %add3A_303, %mul3A_304 : i32
        %get3A_306 = arith.index_cast %mul3A_305 : i32 to index
        %get3A_307 = tpu.vector_load %arg4[%get3A_306] {strides = array<i32>} : memref<53248xf32, #tpu.memory_space<vmem>>, vector<16xf32>,
        %broadcast_in_dim3A_308 = vector.broadcast %add3A_300 : i32 to vector<16xi32>
        tpu.vector_store_idx %arg6[%iota3A, %broadcast_in_dim3A_308], %get3A_307 : memref<16x128xf32, #tpu.memory_space<vmem>>[vector<16xi32>, vector<16xi32>], vector<16xf32>,
        %mul3A_309 = arith.constant 8 : i32
        %mul3A_310 = arith.muli %scan3A_238, %mul3A_309 : i32
        %add3A_311 = arith.constant 6 : i32
        %add3A_312 = arith.addi %mul3A_310, %add3A_311 : i32
        %mul3A_313 = arith.constant 26 : i32
        %mul3A_314 = arith.muli %add3A_312, %mul3A_313 : i32
        %add3A_315 = arith.addi %mul3A_314, %add3A_202 : i32
        %mul3A_316 = arith.constant 16 : i32
        %mul3A_317 = arith.muli %add3A_315, %mul3A_316 : i32
        %get3A_318 = arith.index_cast %mul3A_317 : i32 to index
        %get3A_319 = tpu.vector_load %arg4[%get3A_318] {strides = array<i32>} : memref<53248xf32, #tpu.memory_space<vmem>>, vector<16xf32>,
        %broadcast_in_dim3A_320 = vector.broadcast %add3A_312 : i32 to vector<16xi32>
        tpu.vector_store_idx %arg6[%iota3A, %broadcast_in_dim3A_320], %get3A_319 : memref<16x128xf32, #tpu.memory_space<vmem>>[vector<16xi32>, vector<16xi32>], vector<16xf32>,
        %mul3A_321 = arith.constant 8 : i32
        %mul3A_322 = arith.muli %scan3A_238, %mul3A_321 : i32
        %add3A_323 = arith.constant 7 : i32
        %add3A_324 = arith.addi %mul3A_322, %add3A_323 : i32
        %mul3A_325 = arith.constant 26 : i32
        %mul3A_326 = arith.muli %add3A_324, %mul3A_325 : i32
        %add3A_327 = arith.addi %mul3A_326, %add3A_202 : i32
        %mul3A_328 = arith.constant 16 : i32
        %mul3A_329 = arith.muli %add3A_327, %mul3A_328 : i32
        %get3A_330 = arith.index_cast %mul3A_329 : i32 to index
        %get3A_331 = tpu.vector_load %arg4[%get3A_330] {strides = array<i32>} : memref<53248xf32, #tpu.memory_space<vmem>>, vector<16xf32>,
        %broadcast_in_dim3A_332 = vector.broadcast %add3A_324 : i32 to vector<16xi32>
        tpu.vector_store_idx %arg6[%iota3A, %broadcast_in_dim3A_332], %get3A_331 : memref<16x128xf32, #tpu.memory_space<vmem>>[vector<16xi32>, vector<16xi32>], vector<16xf32>,
      }
      %scan3A_210 = arith.constant 16 : i32
      %dma_start3A_211 = arith.constant 0 : i32
      %dma_start3A_212 = tpu.memref_slice %arg3[%add3A_202, %dma_start3A_211, %mul3A_40] : memref<26x16x16384xf32, #tpu.memory_space<hbm>> -> memref<1x16x128xf32, #tpu.memory_space<hbm>>
      %dma_start3A_213 = tpu.memref_squeeze %dma_start3A_212 : memref<1x16x128xf32, #tpu.memory_space<hbm>> -> memref<16x128xf32, #tpu.memory_space<hbm>>
      %dma_start3A_214 = arith.constant 0 : i32
      %dma_start3A_215 = tpu.memref_slice %arg3[%add3A_202, %dma_start3A_214, %mul3A_40] : memref<26x16x16384xf32, #tpu.memory_space<hbm>> -> memref<1x16x128xf32, #tpu.memory_space<hbm>>
      %dma_start3A_216 = tpu.memref_squeeze %dma_start3A_215 : memref<1x16x128xf32, #tpu.memory_space<hbm>> -> memref<16x128xf32, #tpu.memory_space<hbm>>
      tpu.enqueue_dma source(%arg6 : memref<16x128xf32, #tpu.memory_space<vmem>>) target(%dma_start3A_216 : memref<16x128xf32, #tpu.memory_space<hbm>>) target_semaphore(%arg10 : memref<!tpu.dma_semaphore, #tpu.memory_space<semaphore_mem>>)
      %mul3A_217 = arith.constant 2 : i32
      %mul3A_218 = arith.muli %scan3A_198, %mul3A_217 : i32
      %add3A_219 = arith.constant 1 : i32
      %add3A_220 = arith.addi %mul3A_218, %add3A_219 : i32
      %ge3A_221 = arith.constant 1 : i32
      %ge3A_222 = arith.cmpi sge, %scan3A_198, %ge3A_221 : i32
      %convert_element_type3A_223 = arith.extui %ge3A_222 : i1 to i32
      %cond3A_224 = arith.constant 0 : i32
      %cond3A_225 = arith.cmpi ne, %convert_element_type3A_223, %cond3A_224 : i32
      scf.if %cond3A_225 {
        %sub3A = arith.constant 2 : i32
        %sub3A_238 = arith.subi %add3A_220, %sub3A : i32
        %dma_wait3A_239 = arith.constant 0 : i32
        %dma_wait3A_240 = tpu.memref_slice %arg3[%sub3A_238, %dma_wait3A_239, %mul3A_40] : memref<26x16x16384xf32, #tpu.memory_space<hbm>> -> memref<1x16x128xf32, #tpu.memory_space<hbm>>
        %dma_wait3A_241 = tpu.memref_squeeze %dma_wait3A_240 : memref<1x16x128xf32, #tpu.memory_space<hbm>> -> memref<16x128xf32, #tpu.memory_space<hbm>>
        %dma_wait3A_242 = arith.constant 0 : i32
        %dma_wait3A_243 = tpu.memref_slice %arg3[%sub3A_238, %dma_wait3A_242, %mul3A_40] : memref<26x16x16384xf32, #tpu.memory_space<hbm>> -> memref<1x16x128xf32, #tpu.memory_space<hbm>>
        %dma_wait3A_244 = tpu.memref_squeeze %dma_wait3A_243 : memref<1x16x128xf32, #tpu.memory_space<hbm>> -> memref<16x128xf32, #tpu.memory_space<hbm>>
        tpu.wait_dma2 semaphore(%arg11 : memref<!tpu.dma_semaphore, #tpu.memory_space<semaphore_mem>>) src(%arg7 : memref<16x128xf32, #tpu.memory_space<vmem>>) dst(%dma_wait3A_244 : memref<16x128xf32, #tpu.memory_space<hbm>>)
      } else {
      }
      %scan3A_226 = arith.constant 0 : i32
      %scan3A_227 = arith.constant 0 : i32
      %scan3A_228 = arith.constant 16 : i32
      %scan3A_229 = arith.addi %scan3A_227, %scan3A_228 : i32
      %scan3A_230 = arith.constant 1 : i32
      scf.for %scan3A_238 = %scan3A_227 to %scan3A_229 step %scan3A_230  : i32 {
        %mul3A_239 = arith.constant 8 : i32
        %mul3A_240 = arith.muli %scan3A_238, %mul3A_239 : i32
        %add3A_241 = arith.constant 0 : i32
        %add3A_242 = arith.addi %mul3A_240, %add3A_241 : i32
        %mul3A_243 = arith.constant 26 : i32
        %mul3A_244 = arith.muli %add3A_242, %mul3A_243 : i32
        %add3A_245 = arith.addi %mul3A_244, %add3A_220 : i32
        %mul3A_246 = arith.constant 16 : i32
        %mul3A_247 = arith.muli %add3A_245, %mul3A_246 : i32
        %get3A = arith.index_cast %mul3A_247 : i32 to index
        %get3A_248 = tpu.vector_load %arg4[%get3A] {strides = array<i32>} : memref<53248xf32, #tpu.memory_space<vmem>>, vector<16xf32>,
        %broadcast_in_dim3A = vector.broadcast %add3A_242 : i32 to vector<16xi32>
        tpu.vector_store_idx %arg7[%iota3A, %broadcast_in_dim3A], %get3A_248 : memref<16x128xf32, #tpu.memory_space<vmem>>[vector<16xi32>, vector<16xi32>], vector<16xf32>,
        %mul3A_249 = arith.constant 8 : i32
        %mul3A_250 = arith.muli %scan3A_238, %mul3A_249 : i32
        %add3A_251 = arith.constant 1 : i32
        %add3A_252 = arith.addi %mul3A_250, %add3A_251 : i32
        %mul3A_253 = arith.constant 26 : i32
        %mul3A_254 = arith.muli %add3A_252, %mul3A_253 : i32
        %add3A_255 = arith.addi %mul3A_254, %add3A_220 : i32
        %mul3A_256 = arith.constant 16 : i32
        %mul3A_257 = arith.muli %add3A_255, %mul3A_256 : i32
        %get3A_258 = arith.index_cast %mul3A_257 : i32 to index
        %get3A_259 = tpu.vector_load %arg4[%get3A_258] {strides = array<i32>} : memref<53248xf32, #tpu.memory_space<vmem>>, vector<16xf32>,
        %broadcast_in_dim3A_260 = vector.broadcast %add3A_252 : i32 to vector<16xi32>
        tpu.vector_store_idx %arg7[%iota3A, %broadcast_in_dim3A_260], %get3A_259 : memref<16x128xf32, #tpu.memory_space<vmem>>[vector<16xi32>, vector<16xi32>], vector<16xf32>,
        %mul3A_261 = arith.constant 8 : i32
        %mul3A_262 = arith.muli %scan3A_238, %mul3A_261 : i32
        %add3A_263 = arith.constant 2 : i32
        %add3A_264 = arith.addi %mul3A_262, %add3A_263 : i32
        %mul3A_265 = arith.constant 26 : i32
        %mul3A_266 = arith.muli %add3A_264, %mul3A_265 : i32
        %add3A_267 = arith.addi %mul3A_266, %add3A_220 : i32
        %mul3A_268 = arith.constant 16 : i32
        %mul3A_269 = arith.muli %add3A_267, %mul3A_268 : i32
        %get3A_270 = arith.index_cast %mul3A_269 : i32 to index
        %get3A_271 = tpu.vector_load %arg4[%get3A_270] {strides = array<i32>} : memref<53248xf32, #tpu.memory_space<vmem>>, vector<16xf32>,
        %broadcast_in_dim3A_272 = vector.broadcast %add3A_264 : i32 to vector<16xi32>
        tpu.vector_store_idx %arg7[%iota3A, %broadcast_in_dim3A_272], %get3A_271 : memref<16x128xf32, #tpu.memory_space<vmem>>[vector<16xi32>, vector<16xi32>], vector<16xf32>,
        %mul3A_273 = arith.constant 8 : i32
        %mul3A_274 = arith.muli %scan3A_238, %mul3A_273 : i32
        %add3A_275 = arith.constant 3 : i32
        %add3A_276 = arith.addi %mul3A_274, %add3A_275 : i32
        %mul3A_277 = arith.constant 26 : i32
        %mul3A_278 = arith.muli %add3A_276, %mul3A_277 : i32
        %add3A_279 = arith.addi %mul3A_278, %add3A_220 : i32
        %mul3A_280 = arith.constant 16 : i32
        %mul3A_281 = arith.muli %add3A_279, %mul3A_280 : i32
        %get3A_282 = arith.index_cast %mul3A_281 : i32 to index
        %get3A_283 = tpu.vector_load %arg4[%get3A_282] {strides = array<i32>} : memref<53248xf32, #tpu.memory_space<vmem>>, vector<16xf32>,
        %broadcast_in_dim3A_284 = vector.broadcast %add3A_276 : i32 to vector<16xi32>
        tpu.vector_store_idx %arg7[%iota3A, %broadcast_in_dim3A_284], %get3A_283 : memref<16x128xf32, #tpu.memory_space<vmem>>[vector<16xi32>, vector<16xi32>], vector<16xf32>,
        %mul3A_285 = arith.constant 8 : i32
        %mul3A_286 = arith.muli %scan3A_238, %mul3A_285 : i32
        %add3A_287 = arith.constant 4 : i32
        %add3A_288 = arith.addi %mul3A_286, %add3A_287 : i32
        %mul3A_289 = arith.constant 26 : i32
        %mul3A_290 = arith.muli %add3A_288, %mul3A_289 : i32
        %add3A_291 = arith.addi %mul3A_290, %add3A_220 : i32
        %mul3A_292 = arith.constant 16 : i32
        %mul3A_293 = arith.muli %add3A_291, %mul3A_292 : i32
        %get3A_294 = arith.index_cast %mul3A_293 : i32 to index
        %get3A_295 = tpu.vector_load %arg4[%get3A_294] {strides = array<i32>} : memref<53248xf32, #tpu.memory_space<vmem>>, vector<16xf32>,
        %broadcast_in_dim3A_296 = vector.broadcast %add3A_288 : i32 to vector<16xi32>
        tpu.vector_store_idx %arg7[%iota3A, %broadcast_in_dim3A_296], %get3A_295 : memref<16x128xf32, #tpu.memory_space<vmem>>[vector<16xi32>, vector<16xi32>], vector<16xf32>,
        %mul3A_297 = arith.constant 8 : i32
        %mul3A_298 = arith.muli %scan3A_238, %mul3A_297 : i32
        %add3A_299 = arith.constant 5 : i32
        %add3A_300 = arith.addi %mul3A_298, %add3A_299 : i32
        %mul3A_301 = arith.constant 26 : i32
        %mul3A_302 = arith.muli %add3A_300, %mul3A_301 : i32
        %add3A_303 = arith.addi %mul3A_302, %add3A_220 : i32
        %mul3A_304 = arith.constant 16 : i32
        %mul3A_305 = arith.muli %add3A_303, %mul3A_304 : i32
        %get3A_306 = arith.index_cast %mul3A_305 : i32 to index
        %get3A_307 = tpu.vector_load %arg4[%get3A_306] {strides = array<i32>} : memref<53248xf32, #tpu.memory_space<vmem>>, vector<16xf32>,
        %broadcast_in_dim3A_308 = vector.broadcast %add3A_300 : i32 to vector<16xi32>
        tpu.vector_store_idx %arg7[%iota3A, %broadcast_in_dim3A_308], %get3A_307 : memref<16x128xf32, #tpu.memory_space<vmem>>[vector<16xi32>, vector<16xi32>], vector<16xf32>,
        %mul3A_309 = arith.constant 8 : i32
        %mul3A_310 = arith.muli %scan3A_238, %mul3A_309 : i32
        %add3A_311 = arith.constant 6 : i32
        %add3A_312 = arith.addi %mul3A_310, %add3A_311 : i32
        %mul3A_313 = arith.constant 26 : i32
        %mul3A_314 = arith.muli %add3A_312, %mul3A_313 : i32
        %add3A_315 = arith.addi %mul3A_314, %add3A_220 : i32
        %mul3A_316 = arith.constant 16 : i32
        %mul3A_317 = arith.muli %add3A_315, %mul3A_316 : i32
        %get3A_318 = arith.index_cast %mul3A_317 : i32 to index
        %get3A_319 = tpu.vector_load %arg4[%get3A_318] {strides = array<i32>} : memref<53248xf32, #tpu.memory_space<vmem>>, vector<16xf32>,
        %broadcast_in_dim3A_320 = vector.broadcast %add3A_312 : i32 to vector<16xi32>
        tpu.vector_store_idx %arg7[%iota3A, %broadcast_in_dim3A_320], %get3A_319 : memref<16x128xf32, #tpu.memory_space<vmem>>[vector<16xi32>, vector<16xi32>], vector<16xf32>,
        %mul3A_321 = arith.constant 8 : i32
        %mul3A_322 = arith.muli %scan3A_238, %mul3A_321 : i32
        %add3A_323 = arith.constant 7 : i32
        %add3A_324 = arith.addi %mul3A_322, %add3A_323 : i32
        %mul3A_325 = arith.constant 26 : i32
        %mul3A_326 = arith.muli %add3A_324, %mul3A_325 : i32
        %add3A_327 = arith.addi %mul3A_326, %add3A_220 : i32
        %mul3A_328 = arith.constant 16 : i32
        %mul3A_329 = arith.muli %add3A_327, %mul3A_328 : i32
        %get3A_330 = arith.index_cast %mul3A_329 : i32 to index
        %get3A_331 = tpu.vector_load %arg4[%get3A_330] {strides = array<i32>} : memref<53248xf32, #tpu.memory_space<vmem>>, vector<16xf32>,
        %broadcast_in_dim3A_332 = vector.broadcast %add3A_324 : i32 to vector<16xi32>
        tpu.vector_store_idx %arg7[%iota3A, %broadcast_in_dim3A_332], %get3A_331 : memref<16x128xf32, #tpu.memory_space<vmem>>[vector<16xi32>, vector<16xi32>], vector<16xf32>,
      }
      %scan3A_231 = arith.constant 16 : i32
      %dma_start3A_232 = arith.constant 0 : i32
      %dma_start3A_233 = tpu.memref_slice %arg3[%add3A_220, %dma_start3A_232, %mul3A_40] : memref<26x16x16384xf32, #tpu.memory_space<hbm>> -> memref<1x16x128xf32, #tpu.memory_space<hbm>>
      %dma_start3A_234 = tpu.memref_squeeze %dma_start3A_233 : memref<1x16x128xf32, #tpu.memory_space<hbm>> -> memref<16x128xf32, #tpu.memory_space<hbm>>
      %dma_start3A_235 = arith.constant 0 : i32
      %dma_start3A_236 = tpu.memref_slice %arg3[%add3A_220, %dma_start3A_235, %mul3A_40] : memref<26x16x16384xf32, #tpu.memory_space<hbm>> -> memref<1x16x128xf32, #tpu.memory_space<hbm>>
      %dma_start3A_237 = tpu.memref_squeeze %dma_start3A_236 : memref<1x16x128xf32, #tpu.memory_space<hbm>> -> memref<16x128xf32, #tpu.memory_space<hbm>>
      tpu.enqueue_dma source(%arg7 : memref<16x128xf32, #tpu.memory_space<vmem>>) target(%dma_start3A_237 : memref<16x128xf32, #tpu.memory_space<hbm>>) target_semaphore(%arg11 : memref<!tpu.dma_semaphore, #tpu.memory_space<semaphore_mem>>)
    }
    %scan3A_45 = arith.constant 13 : i32
    %dma_wait3A_46 = arith.constant 24 : i32
    %dma_wait3A_47 = arith.constant 0 : i32
    %dma_wait3A_48 = tpu.memref_slice %arg3[%dma_wait3A_46, %dma_wait3A_47, %mul3A_40] : memref<26x16x16384xf32, #tpu.memory_space<hbm>> -> memref<1x16x128xf32, #tpu.memory_space<hbm>>
    %dma_wait3A_49 = tpu.memref_squeeze %dma_wait3A_48 : memref<1x16x128xf32, #tpu.memory_space<hbm>> -> memref<16x128xf32, #tpu.memory_space<hbm>>
    %dma_wait3A_50 = arith.constant 0 : i32
    %dma_wait3A_51 = tpu.memref_slice %arg3[%dma_wait3A_46, %dma_wait3A_50, %mul3A_40] : memref<26x16x16384xf32, #tpu.memory_space<hbm>> -> memref<1x16x128xf32, #tpu.memory_space<hbm>>
    %dma_wait3A_52 = tpu.memref_squeeze %dma_wait3A_51 : memref<1x16x128xf32, #tpu.memory_space<hbm>> -> memref<16x128xf32, #tpu.memory_space<hbm>>
    tpu.wait_dma2 semaphore(%arg10 : memref<!tpu.dma_semaphore, #tpu.memory_space<semaphore_mem>>) src(%arg6 : memref<16x128xf32, #tpu.memory_space<vmem>>) dst(%dma_wait3A_52 : memref<16x128xf32, #tpu.memory_space<hbm>>)
    %dma_wait3A_53 = arith.constant 25 : i32
    %dma_wait3A_54 = arith.constant 0 : i32
    %dma_wait3A_55 = tpu.memref_slice %arg3[%dma_wait3A_53, %dma_wait3A_54, %mul3A_40] : memref<26x16x16384xf32, #tpu.memory_space<hbm>> -> memref<1x16x128xf32, #tpu.memory_space<hbm>>
    %dma_wait3A_56 = tpu.memref_squeeze %dma_wait3A_55 : memref<1x16x128xf32, #tpu.memory_space<hbm>> -> memref<16x128xf32, #tpu.memory_space<hbm>>
    %dma_wait3A_57 = arith.constant 0 : i32
    %dma_wait3A_58 = tpu.memref_slice %arg3[%dma_wait3A_53, %dma_wait3A_57, %mul3A_40] : memref<26x16x16384xf32, #tpu.memory_space<hbm>> -> memref<1x16x128xf32, #tpu.memory_space<hbm>>
    %dma_wait3A_59 = tpu.memref_squeeze %dma_wait3A_58 : memref<1x16x128xf32, #tpu.memory_space<hbm>> -> memref<16x128xf32, #tpu.memory_space<hbm>>
    tpu.wait_dma2 semaphore(%arg11 : memref<!tpu.dma_semaphore, #tpu.memory_space<semaphore_mem>>) src(%arg7 : memref<16x128xf32, #tpu.memory_space<vmem>>) dst(%dma_wait3A_59 : memref<16x128xf32, #tpu.memory_space<hbm>>)
    %mul3A_60 = arith.constant 4 : i32
    %mul3A_61 = arith.muli %add3A, %mul3A_60 : i32
    %add3A_62 = arith.constant 2 : i32
    %add3A_63 = arith.addi %mul3A_61, %add3A_62 : i32
    %mul3A_64 = arith.constant 128 : i32
    %mul3A_65 = arith.muli %add3A_63, %mul3A_64 : i32
    %mul3A_66 = arith.constant 26 : i32
    %mul3A_67 = arith.muli %mul3A_65, %mul3A_66 : i32
    %mul3A_68 = arith.constant 16 : i32
    %mul3A_69 = arith.muli %mul3A_67, %mul3A_68 : i32
    %dma_start3A_70 = tpu.memref_slice %arg2[%mul3A_69] : memref<6815744xf32, #tpu.memory_space<hbm>> -> memref<53248xf32, #tpu.memory_space<hbm>>
    %dma_start3A_71 = tpu.memref_slice %arg2[%mul3A_69] : memref<6815744xf32, #tpu.memory_space<hbm>> -> memref<53248xf32, #tpu.memory_space<hbm>>
    tpu.enqueue_dma source(%dma_start3A_71 : memref<53248xf32, #tpu.memory_space<hbm>>) target(%arg4 : memref<53248xf32, #tpu.memory_space<vmem>>) target_semaphore(%arg8 : memref<!tpu.dma_semaphore, #tpu.memory_space<semaphore_mem>>)
    %mul3A_72 = arith.constant 4 : i32
    %mul3A_73 = arith.muli %add3A, %mul3A_72 : i32
    %add3A_74 = arith.constant 1 : i32
    %add3A_75 = arith.addi %mul3A_73, %add3A_74 : i32
    %mul3A_76 = arith.constant 128 : i32
    %mul3A_77 = arith.muli %add3A_75, %mul3A_76 : i32
    %mul3A_78 = arith.constant 26 : i32
    %mul3A_79 = arith.muli %mul3A_77, %mul3A_78 : i32
    %mul3A_80 = arith.constant 16 : i32
    %mul3A_81 = arith.muli %mul3A_79, %mul3A_80 : i32
    %dma_wait3A_82 = tpu.memref_slice %arg2[%mul3A_81] : memref<6815744xf32, #tpu.memory_space<hbm>> -> memref<53248xf32, #tpu.memory_space<hbm>>
    %dma_wait3A_83 = tpu.memref_slice %arg2[%mul3A_81] : memref<6815744xf32, #tpu.memory_space<hbm>> -> memref<53248xf32, #tpu.memory_space<hbm>>
    tpu.wait_dma2 semaphore(%arg9 : memref<!tpu.dma_semaphore, #tpu.memory_space<semaphore_mem>>) src(%dma_wait3A_83 : memref<53248xf32, #tpu.memory_space<hbm>>) dst(%arg5 : memref<53248xf32, #tpu.memory_space<vmem>>)
    %mul3A_84 = arith.constant 4 : i32
    %mul3A_85 = arith.muli %add3A, %mul3A_84 : i32
    %add3A_86 = arith.constant 1 : i32
    %add3A_87 = arith.addi %mul3A_85, %add3A_86 : i32
    %mul3A_88 = arith.constant 128 : i32
    %mul3A_89 = arith.muli %add3A_87, %mul3A_88 : i32
    %scan3A_90 = arith.constant 0 : i32
    %scan3A_91 = arith.constant 0 : i32
    %scan3A_92 = arith.constant 13 : i32
    %scan3A_93 = arith.addi %scan3A_91, %scan3A_92 : i32
    %scan3A_94 = arith.constant 1 : i32
    scf.for %scan3A_198 = %scan3A_91 to %scan3A_93 step %scan3A_94  : i32 {
      %mul3A_199 = arith.constant 2 : i32
      %mul3A_200 = arith.muli %scan3A_198, %mul3A_199 : i32
      %add3A_201 = arith.constant 0 : i32
      %add3A_202 = arith.addi %mul3A_200, %add3A_201 : i32
      %ge3A = arith.constant 1 : i32
      %ge3A_203 = arith.cmpi sge, %scan3A_198, %ge3A : i32
      %convert_element_type3A = arith.extui %ge3A_203 : i1 to i32
      %cond3A = arith.constant 0 : i32
      %cond3A_204 = arith.cmpi ne, %convert_element_type3A, %cond3A : i32
      scf.if %cond3A_204 {
        %sub3A = arith.constant 2 : i32
        %sub3A_238 = arith.subi %add3A_202, %sub3A : i32
        %dma_wait3A_239 = arith.constant 0 : i32
        %dma_wait3A_240 = tpu.memref_slice %arg3[%sub3A_238, %dma_wait3A_239, %mul3A_89] : memref<26x16x16384xf32, #tpu.memory_space<hbm>> -> memref<1x16x128xf32, #tpu.memory_space<hbm>>
        %dma_wait3A_241 = tpu.memref_squeeze %dma_wait3A_240 : memref<1x16x128xf32, #tpu.memory_space<hbm>> -> memref<16x128xf32, #tpu.memory_space<hbm>>
        %dma_wait3A_242 = arith.constant 0 : i32
        %dma_wait3A_243 = tpu.memref_slice %arg3[%sub3A_238, %dma_wait3A_242, %mul3A_89] : memref<26x16x16384xf32, #tpu.memory_space<hbm>> -> memref<1x16x128xf32, #tpu.memory_space<hbm>>
        %dma_wait3A_244 = tpu.memref_squeeze %dma_wait3A_243 : memref<1x16x128xf32, #tpu.memory_space<hbm>> -> memref<16x128xf32, #tpu.memory_space<hbm>>
        tpu.wait_dma2 semaphore(%arg10 : memref<!tpu.dma_semaphore, #tpu.memory_space<semaphore_mem>>) src(%arg6 : memref<16x128xf32, #tpu.memory_space<vmem>>) dst(%dma_wait3A_244 : memref<16x128xf32, #tpu.memory_space<hbm>>)
      } else {
      }
      %scan3A_205 = arith.constant 0 : i32
      %scan3A_206 = arith.constant 0 : i32
      %scan3A_207 = arith.constant 16 : i32
      %scan3A_208 = arith.addi %scan3A_206, %scan3A_207 : i32
      %scan3A_209 = arith.constant 1 : i32
      scf.for %scan3A_238 = %scan3A_206 to %scan3A_208 step %scan3A_209  : i32 {
        %mul3A_239 = arith.constant 8 : i32
        %mul3A_240 = arith.muli %scan3A_238, %mul3A_239 : i32
        %add3A_241 = arith.constant 0 : i32
        %add3A_242 = arith.addi %mul3A_240, %add3A_241 : i32
        %mul3A_243 = arith.constant 26 : i32
        %mul3A_244 = arith.muli %add3A_242, %mul3A_243 : i32
        %add3A_245 = arith.addi %mul3A_244, %add3A_202 : i32
        %mul3A_246 = arith.constant 16 : i32
        %mul3A_247 = arith.muli %add3A_245, %mul3A_246 : i32
        %get3A = arith.index_cast %mul3A_247 : i32 to index
        %get3A_248 = tpu.vector_load %arg5[%get3A] {strides = array<i32>} : memref<53248xf32, #tpu.memory_space<vmem>>, vector<16xf32>,
        %broadcast_in_dim3A = vector.broadcast %add3A_242 : i32 to vector<16xi32>
        tpu.vector_store_idx %arg6[%iota3A, %broadcast_in_dim3A], %get3A_248 : memref<16x128xf32, #tpu.memory_space<vmem>>[vector<16xi32>, vector<16xi32>], vector<16xf32>,
        %mul3A_249 = arith.constant 8 : i32
        %mul3A_250 = arith.muli %scan3A_238, %mul3A_249 : i32
        %add3A_251 = arith.constant 1 : i32
        %add3A_252 = arith.addi %mul3A_250, %add3A_251 : i32
        %mul3A_253 = arith.constant 26 : i32
        %mul3A_254 = arith.muli %add3A_252, %mul3A_253 : i32
        %add3A_255 = arith.addi %mul3A_254, %add3A_202 : i32
        %mul3A_256 = arith.constant 16 : i32
        %mul3A_257 = arith.muli %add3A_255, %mul3A_256 : i32
        %get3A_258 = arith.index_cast %mul3A_257 : i32 to index
        %get3A_259 = tpu.vector_load %arg5[%get3A_258] {strides = array<i32>} : memref<53248xf32, #tpu.memory_space<vmem>>, vector<16xf32>,
        %broadcast_in_dim3A_260 = vector.broadcast %add3A_252 : i32 to vector<16xi32>
        tpu.vector_store_idx %arg6[%iota3A, %broadcast_in_dim3A_260], %get3A_259 : memref<16x128xf32, #tpu.memory_space<vmem>>[vector<16xi32>, vector<16xi32>], vector<16xf32>,
        %mul3A_261 = arith.constant 8 : i32
        %mul3A_262 = arith.muli %scan3A_238, %mul3A_261 : i32
        %add3A_263 = arith.constant 2 : i32
        %add3A_264 = arith.addi %mul3A_262, %add3A_263 : i32
        %mul3A_265 = arith.constant 26 : i32
        %mul3A_266 = arith.muli %add3A_264, %mul3A_265 : i32
        %add3A_267 = arith.addi %mul3A_266, %add3A_202 : i32
        %mul3A_268 = arith.constant 16 : i32
        %mul3A_269 = arith.muli %add3A_267, %mul3A_268 : i32
        %get3A_270 = arith.index_cast %mul3A_269 : i32 to index
        %get3A_271 = tpu.vector_load %arg5[%get3A_270] {strides = array<i32>} : memref<53248xf32, #tpu.memory_space<vmem>>, vector<16xf32>,
        %broadcast_in_dim3A_272 = vector.broadcast %add3A_264 : i32 to vector<16xi32>
        tpu.vector_store_idx %arg6[%iota3A, %broadcast_in_dim3A_272], %get3A_271 : memref<16x128xf32, #tpu.memory_space<vmem>>[vector<16xi32>, vector<16xi32>], vector<16xf32>,
        %mul3A_273 = arith.constant 8 : i32
        %mul3A_274 = arith.muli %scan3A_238, %mul3A_273 : i32
        %add3A_275 = arith.constant 3 : i32
        %add3A_276 = arith.addi %mul3A_274, %add3A_275 : i32
        %mul3A_277 = arith.constant 26 : i32
        %mul3A_278 = arith.muli %add3A_276, %mul3A_277 : i32
        %add3A_279 = arith.addi %mul3A_278, %add3A_202 : i32
        %mul3A_280 = arith.constant 16 : i32
        %mul3A_281 = arith.muli %add3A_279, %mul3A_280 : i32
        %get3A_282 = arith.index_cast %mul3A_281 : i32 to index
        %get3A_283 = tpu.vector_load %arg5[%get3A_282] {strides = array<i32>} : memref<53248xf32, #tpu.memory_space<vmem>>, vector<16xf32>,
        %broadcast_in_dim3A_284 = vector.broadcast %add3A_276 : i32 to vector<16xi32>
        tpu.vector_store_idx %arg6[%iota3A, %broadcast_in_dim3A_284], %get3A_283 : memref<16x128xf32, #tpu.memory_space<vmem>>[vector<16xi32>, vector<16xi32>], vector<16xf32>,
        %mul3A_285 = arith.constant 8 : i32
        %mul3A_286 = arith.muli %scan3A_238, %mul3A_285 : i32
        %add3A_287 = arith.constant 4 : i32
        %add3A_288 = arith.addi %mul3A_286, %add3A_287 : i32
        %mul3A_289 = arith.constant 26 : i32
        %mul3A_290 = arith.muli %add3A_288, %mul3A_289 : i32
        %add3A_291 = arith.addi %mul3A_290, %add3A_202 : i32
        %mul3A_292 = arith.constant 16 : i32
        %mul3A_293 = arith.muli %add3A_291, %mul3A_292 : i32
        %get3A_294 = arith.index_cast %mul3A_293 : i32 to index
        %get3A_295 = tpu.vector_load %arg5[%get3A_294] {strides = array<i32>} : memref<53248xf32, #tpu.memory_space<vmem>>, vector<16xf32>,
        %broadcast_in_dim3A_296 = vector.broadcast %add3A_288 : i32 to vector<16xi32>
        tpu.vector_store_idx %arg6[%iota3A, %broadcast_in_dim3A_296], %get3A_295 : memref<16x128xf32, #tpu.memory_space<vmem>>[vector<16xi32>, vector<16xi32>], vector<16xf32>,
        %mul3A_297 = arith.constant 8 : i32
        %mul3A_298 = arith.muli %scan3A_238, %mul3A_297 : i32
        %add3A_299 = arith.constant 5 : i32
        %add3A_300 = arith.addi %mul3A_298, %add3A_299 : i32
        %mul3A_301 = arith.constant 26 : i32
        %mul3A_302 = arith.muli %add3A_300, %mul3A_301 : i32
        %add3A_303 = arith.addi %mul3A_302, %add3A_202 : i32
        %mul3A_304 = arith.constant 16 : i32
        %mul3A_305 = arith.muli %add3A_303, %mul3A_304 : i32
        %get3A_306 = arith.index_cast %mul3A_305 : i32 to index
        %get3A_307 = tpu.vector_load %arg5[%get3A_306] {strides = array<i32>} : memref<53248xf32, #tpu.memory_space<vmem>>, vector<16xf32>,
        %broadcast_in_dim3A_308 = vector.broadcast %add3A_300 : i32 to vector<16xi32>
        tpu.vector_store_idx %arg6[%iota3A, %broadcast_in_dim3A_308], %get3A_307 : memref<16x128xf32, #tpu.memory_space<vmem>>[vector<16xi32>, vector<16xi32>], vector<16xf32>,
        %mul3A_309 = arith.constant 8 : i32
        %mul3A_310 = arith.muli %scan3A_238, %mul3A_309 : i32
        %add3A_311 = arith.constant 6 : i32
        %add3A_312 = arith.addi %mul3A_310, %add3A_311 : i32
        %mul3A_313 = arith.constant 26 : i32
        %mul3A_314 = arith.muli %add3A_312, %mul3A_313 : i32
        %add3A_315 = arith.addi %mul3A_314, %add3A_202 : i32
        %mul3A_316 = arith.constant 16 : i32
        %mul3A_317 = arith.muli %add3A_315, %mul3A_316 : i32
        %get3A_318 = arith.index_cast %mul3A_317 : i32 to index
        %get3A_319 = tpu.vector_load %arg5[%get3A_318] {strides = array<i32>} : memref<53248xf32, #tpu.memory_space<vmem>>, vector<16xf32>,
        %broadcast_in_dim3A_320 = vector.broadcast %add3A_312 : i32 to vector<16xi32>
        tpu.vector_store_idx %arg6[%iota3A, %broadcast_in_dim3A_320], %get3A_319 : memref<16x128xf32, #tpu.memory_space<vmem>>[vector<16xi32>, vector<16xi32>], vector<16xf32>,
        %mul3A_321 = arith.constant 8 : i32
        %mul3A_322 = arith.muli %scan3A_238, %mul3A_321 : i32
        %add3A_323 = arith.constant 7 : i32
        %add3A_324 = arith.addi %mul3A_322, %add3A_323 : i32
        %mul3A_325 = arith.constant 26 : i32
        %mul3A_326 = arith.muli %add3A_324, %mul3A_325 : i32
        %add3A_327 = arith.addi %mul3A_326, %add3A_202 : i32
        %mul3A_328 = arith.constant 16 : i32
        %mul3A_329 = arith.muli %add3A_327, %mul3A_328 : i32
        %get3A_330 = arith.index_cast %mul3A_329 : i32 to index
        %get3A_331 = tpu.vector_load %arg5[%get3A_330] {strides = array<i32>} : memref<53248xf32, #tpu.memory_space<vmem>>, vector<16xf32>,
        %broadcast_in_dim3A_332 = vector.broadcast %add3A_324 : i32 to vector<16xi32>
        tpu.vector_store_idx %arg6[%iota3A, %broadcast_in_dim3A_332], %get3A_331 : memref<16x128xf32, #tpu.memory_space<vmem>>[vector<16xi32>, vector<16xi32>], vector<16xf32>,
      }
      %scan3A_210 = arith.constant 16 : i32
      %dma_start3A_211 = arith.constant 0 : i32
      %dma_start3A_212 = tpu.memref_slice %arg3[%add3A_202, %dma_start3A_211, %mul3A_89] : memref<26x16x16384xf32, #tpu.memory_space<hbm>> -> memref<1x16x128xf32, #tpu.memory_space<hbm>>
      %dma_start3A_213 = tpu.memref_squeeze %dma_start3A_212 : memref<1x16x128xf32, #tpu.memory_space<hbm>> -> memref<16x128xf32, #tpu.memory_space<hbm>>
      %dma_start3A_214 = arith.constant 0 : i32
      %dma_start3A_215 = tpu.memref_slice %arg3[%add3A_202, %dma_start3A_214, %mul3A_89] : memref<26x16x16384xf32, #tpu.memory_space<hbm>> -> memref<1x16x128xf32, #tpu.memory_space<hbm>>
      %dma_start3A_216 = tpu.memref_squeeze %dma_start3A_215 : memref<1x16x128xf32, #tpu.memory_space<hbm>> -> memref<16x128xf32, #tpu.memory_space<hbm>>
      tpu.enqueue_dma source(%arg6 : memref<16x128xf32, #tpu.memory_space<vmem>>) target(%dma_start3A_216 : memref<16x128xf32, #tpu.memory_space<hbm>>) target_semaphore(%arg10 : memref<!tpu.dma_semaphore, #tpu.memory_space<semaphore_mem>>)
      %mul3A_217 = arith.constant 2 : i32
      %mul3A_218 = arith.muli %scan3A_198, %mul3A_217 : i32
      %add3A_219 = arith.constant 1 : i32
      %add3A_220 = arith.addi %mul3A_218, %add3A_219 : i32
      %ge3A_221 = arith.constant 1 : i32
      %ge3A_222 = arith.cmpi sge, %scan3A_198, %ge3A_221 : i32
      %convert_element_type3A_223 = arith.extui %ge3A_222 : i1 to i32
      %cond3A_224 = arith.constant 0 : i32
      %cond3A_225 = arith.cmpi ne, %convert_element_type3A_223, %cond3A_224 : i32
      scf.if %cond3A_225 {
        %sub3A = arith.constant 2 : i32
        %sub3A_238 = arith.subi %add3A_220, %sub3A : i32
        %dma_wait3A_239 = arith.constant 0 : i32
        %dma_wait3A_240 = tpu.memref_slice %arg3[%sub3A_238, %dma_wait3A_239, %mul3A_89] : memref<26x16x16384xf32, #tpu.memory_space<hbm>> -> memref<1x16x128xf32, #tpu.memory_space<hbm>>
        %dma_wait3A_241 = tpu.memref_squeeze %dma_wait3A_240 : memref<1x16x128xf32, #tpu.memory_space<hbm>> -> memref<16x128xf32, #tpu.memory_space<hbm>>
        %dma_wait3A_242 = arith.constant 0 : i32
        %dma_wait3A_243 = tpu.memref_slice %arg3[%sub3A_238, %dma_wait3A_242, %mul3A_89] : memref<26x16x16384xf32, #tpu.memory_space<hbm>> -> memref<1x16x128xf32, #tpu.memory_space<hbm>>
        %dma_wait3A_244 = tpu.memref_squeeze %dma_wait3A_243 : memref<1x16x128xf32, #tpu.memory_space<hbm>> -> memref<16x128xf32, #tpu.memory_space<hbm>>
        tpu.wait_dma2 semaphore(%arg11 : memref<!tpu.dma_semaphore, #tpu.memory_space<semaphore_mem>>) src(%arg7 : memref<16x128xf32, #tpu.memory_space<vmem>>) dst(%dma_wait3A_244 : memref<16x128xf32, #tpu.memory_space<hbm>>)
      } else {
      }
      %scan3A_226 = arith.constant 0 : i32
      %scan3A_227 = arith.constant 0 : i32
      %scan3A_228 = arith.constant 16 : i32
      %scan3A_229 = arith.addi %scan3A_227, %scan3A_228 : i32
      %scan3A_230 = arith.constant 1 : i32
      scf.for %scan3A_238 = %scan3A_227 to %scan3A_229 step %scan3A_230  : i32 {
        %mul3A_239 = arith.constant 8 : i32
        %mul3A_240 = arith.muli %scan3A_238, %mul3A_239 : i32
        %add3A_241 = arith.constant 0 : i32
        %add3A_242 = arith.addi %mul3A_240, %add3A_241 : i32
        %mul3A_243 = arith.constant 26 : i32
        %mul3A_244 = arith.muli %add3A_242, %mul3A_243 : i32
        %add3A_245 = arith.addi %mul3A_244, %add3A_220 : i32
        %mul3A_246 = arith.constant 16 : i32
        %mul3A_247 = arith.muli %add3A_245, %mul3A_246 : i32
        %get3A = arith.index_cast %mul3A_247 : i32 to index
        %get3A_248 = tpu.vector_load %arg5[%get3A] {strides = array<i32>} : memref<53248xf32, #tpu.memory_space<vmem>>, vector<16xf32>,
        %broadcast_in_dim3A = vector.broadcast %add3A_242 : i32 to vector<16xi32>
        tpu.vector_store_idx %arg7[%iota3A, %broadcast_in_dim3A], %get3A_248 : memref<16x128xf32, #tpu.memory_space<vmem>>[vector<16xi32>, vector<16xi32>], vector<16xf32>,
        %mul3A_249 = arith.constant 8 : i32
        %mul3A_250 = arith.muli %scan3A_238, %mul3A_249 : i32
        %add3A_251 = arith.constant 1 : i32
        %add3A_252 = arith.addi %mul3A_250, %add3A_251 : i32
        %mul3A_253 = arith.constant 26 : i32
        %mul3A_254 = arith.muli %add3A_252, %mul3A_253 : i32
        %add3A_255 = arith.addi %mul3A_254, %add3A_220 : i32
        %mul3A_256 = arith.constant 16 : i32
        %mul3A_257 = arith.muli %add3A_255, %mul3A_256 : i32
        %get3A_258 = arith.index_cast %mul3A_257 : i32 to index
        %get3A_259 = tpu.vector_load %arg5[%get3A_258] {strides = array<i32>} : memref<53248xf32, #tpu.memory_space<vmem>>, vector<16xf32>,
        %broadcast_in_dim3A_260 = vector.broadcast %add3A_252 : i32 to vector<16xi32>
        tpu.vector_store_idx %arg7[%iota3A, %broadcast_in_dim3A_260], %get3A_259 : memref<16x128xf32, #tpu.memory_space<vmem>>[vector<16xi32>, vector<16xi32>], vector<16xf32>,
        %mul3A_261 = arith.constant 8 : i32
        %mul3A_262 = arith.muli %scan3A_238, %mul3A_261 : i32
        %add3A_263 = arith.constant 2 : i32
        %add3A_264 = arith.addi %mul3A_262, %add3A_263 : i32
        %mul3A_265 = arith.constant 26 : i32
        %mul3A_266 = arith.muli %add3A_264, %mul3A_265 : i32
        %add3A_267 = arith.addi %mul3A_266, %add3A_220 : i32
        %mul3A_268 = arith.constant 16 : i32
        %mul3A_269 = arith.muli %add3A_267, %mul3A_268 : i32
        %get3A_270 = arith.index_cast %mul3A_269 : i32 to index
        %get3A_271 = tpu.vector_load %arg5[%get3A_270] {strides = array<i32>} : memref<53248xf32, #tpu.memory_space<vmem>>, vector<16xf32>,
        %broadcast_in_dim3A_272 = vector.broadcast %add3A_264 : i32 to vector<16xi32>
        tpu.vector_store_idx %arg7[%iota3A, %broadcast_in_dim3A_272], %get3A_271 : memref<16x128xf32, #tpu.memory_space<vmem>>[vector<16xi32>, vector<16xi32>], vector<16xf32>,
        %mul3A_273 = arith.constant 8 : i32
        %mul3A_274 = arith.muli %scan3A_238, %mul3A_273 : i32
        %add3A_275 = arith.constant 3 : i32
        %add3A_276 = arith.addi %mul3A_274, %add3A_275 : i32
        %mul3A_277 = arith.constant 26 : i32
        %mul3A_278 = arith.muli %add3A_276, %mul3A_277 : i32
        %add3A_279 = arith.addi %mul3A_278, %add3A_220 : i32
        %mul3A_280 = arith.constant 16 : i32
        %mul3A_281 = arith.muli %add3A_279, %mul3A_280 : i32
        %get3A_282 = arith.index_cast %mul3A_281 : i32 to index
        %get3A_283 = tpu.vector_load %arg5[%get3A_282] {strides = array<i32>} : memref<53248xf32, #tpu.memory_space<vmem>>, vector<16xf32>,
        %broadcast_in_dim3A_284 = vector.broadcast %add3A_276 : i32 to vector<16xi32>
        tpu.vector_store_idx %arg7[%iota3A, %broadcast_in_dim3A_284], %get3A_283 : memref<16x128xf32, #tpu.memory_space<vmem>>[vector<16xi32>, vector<16xi32>], vector<16xf32>,
        %mul3A_285 = arith.constant 8 : i32
        %mul3A_286 = arith.muli %scan3A_238, %mul3A_285 : i32
        %add3A_287 = arith.constant 4 : i32
        %add3A_288 = arith.addi %mul3A_286, %add3A_287 : i32
        %mul3A_289 = arith.constant 26 : i32
        %mul3A_290 = arith.muli %add3A_288, %mul3A_289 : i32
        %add3A_291 = arith.addi %mul3A_290, %add3A_220 : i32
        %mul3A_292 = arith.constant 16 : i32
        %mul3A_293 = arith.muli %add3A_291, %mul3A_292 : i32
        %get3A_294 = arith.index_cast %mul3A_293 : i32 to index
        %get3A_295 = tpu.vector_load %arg5[%get3A_294] {strides = array<i32>} : memref<53248xf32, #tpu.memory_space<vmem>>, vector<16xf32>,
        %broadcast_in_dim3A_296 = vector.broadcast %add3A_288 : i32 to vector<16xi32>
        tpu.vector_store_idx %arg7[%iota3A, %broadcast_in_dim3A_296], %get3A_295 : memref<16x128xf32, #tpu.memory_space<vmem>>[vector<16xi32>, vector<16xi32>], vector<16xf32>,
        %mul3A_297 = arith.constant 8 : i32
        %mul3A_298 = arith.muli %scan3A_238, %mul3A_297 : i32
        %add3A_299 = arith.constant 5 : i32
        %add3A_300 = arith.addi %mul3A_298, %add3A_299 : i32
        %mul3A_301 = arith.constant 26 : i32
        %mul3A_302 = arith.muli %add3A_300, %mul3A_301 : i32
        %add3A_303 = arith.addi %mul3A_302, %add3A_220 : i32
        %mul3A_304 = arith.constant 16 : i32
        %mul3A_305 = arith.muli %add3A_303, %mul3A_304 : i32
        %get3A_306 = arith.index_cast %mul3A_305 : i32 to index
        %get3A_307 = tpu.vector_load %arg5[%get3A_306] {strides = array<i32>} : memref<53248xf32, #tpu.memory_space<vmem>>, vector<16xf32>,
        %broadcast_in_dim3A_308 = vector.broadcast %add3A_300 : i32 to vector<16xi32>
        tpu.vector_store_idx %arg7[%iota3A, %broadcast_in_dim3A_308], %get3A_307 : memref<16x128xf32, #tpu.memory_space<vmem>>[vector<16xi32>, vector<16xi32>], vector<16xf32>,
        %mul3A_309 = arith.constant 8 : i32
        %mul3A_310 = arith.muli %scan3A_238, %mul3A_309 : i32
        %add3A_311 = arith.constant 6 : i32
        %add3A_312 = arith.addi %mul3A_310, %add3A_311 : i32
        %mul3A_313 = arith.constant 26 : i32
        %mul3A_314 = arith.muli %add3A_312, %mul3A_313 : i32
        %add3A_315 = arith.addi %mul3A_314, %add3A_220 : i32
        %mul3A_316 = arith.constant 16 : i32
        %mul3A_317 = arith.muli %add3A_315, %mul3A_316 : i32
        %get3A_318 = arith.index_cast %mul3A_317 : i32 to index
        %get3A_319 = tpu.vector_load %arg5[%get3A_318] {strides = array<i32>} : memref<53248xf32, #tpu.memory_space<vmem>>, vector<16xf32>,
        %broadcast_in_dim3A_320 = vector.broadcast %add3A_312 : i32 to vector<16xi32>
        tpu.vector_store_idx %arg7[%iota3A, %broadcast_in_dim3A_320], %get3A_319 : memref<16x128xf32, #tpu.memory_space<vmem>>[vector<16xi32>, vector<16xi32>], vector<16xf32>,
        %mul3A_321 = arith.constant 8 : i32
        %mul3A_322 = arith.muli %scan3A_238, %mul3A_321 : i32
        %add3A_323 = arith.constant 7 : i32
        %add3A_324 = arith.addi %mul3A_322, %add3A_323 : i32
        %mul3A_325 = arith.constant 26 : i32
        %mul3A_326 = arith.muli %add3A_324, %mul3A_325 : i32
        %add3A_327 = arith.addi %mul3A_326, %add3A_220 : i32
        %mul3A_328 = arith.constant 16 : i32
        %mul3A_329 = arith.muli %add3A_327, %mul3A_328 : i32
        %get3A_330 = arith.index_cast %mul3A_329 : i32 to index
        %get3A_331 = tpu.vector_load %arg5[%get3A_330] {strides = array<i32>} : memref<53248xf32, #tpu.memory_space<vmem>>, vector<16xf32>,
        %broadcast_in_dim3A_332 = vector.broadcast %add3A_324 : i32 to vector<16xi32>
        tpu.vector_store_idx %arg7[%iota3A, %broadcast_in_dim3A_332], %get3A_331 : memref<16x128xf32, #tpu.memory_space<vmem>>[vector<16xi32>, vector<16xi32>], vector<16xf32>,
      }
      %scan3A_231 = arith.constant 16 : i32
      %dma_start3A_232 = arith.constant 0 : i32
      %dma_start3A_233 = tpu.memref_slice %arg3[%add3A_220, %dma_start3A_232, %mul3A_89] : memref<26x16x16384xf32, #tpu.memory_space<hbm>> -> memref<1x16x128xf32, #tpu.memory_space<hbm>>
      %dma_start3A_234 = tpu.memref_squeeze %dma_start3A_233 : memref<1x16x128xf32, #tpu.memory_space<hbm>> -> memref<16x128xf32, #tpu.memory_space<hbm>>
      %dma_start3A_235 = arith.constant 0 : i32
      %dma_start3A_236 = tpu.memref_slice %arg3[%add3A_220, %dma_start3A_235, %mul3A_89] : memref<26x16x16384xf32, #tpu.memory_space<hbm>> -> memref<1x16x128xf32, #tpu.memory_space<hbm>>
      %dma_start3A_237 = tpu.memref_squeeze %dma_start3A_236 : memref<1x16x128xf32, #tpu.memory_space<hbm>> -> memref<16x128xf32, #tpu.memory_space<hbm>>
      tpu.enqueue_dma source(%arg7 : memref<16x128xf32, #tpu.memory_space<vmem>>) target(%dma_start3A_237 : memref<16x128xf32, #tpu.memory_space<hbm>>) target_semaphore(%arg11 : memref<!tpu.dma_semaphore, #tpu.memory_space<semaphore_mem>>)
    }
    %scan3A_95 = arith.constant 13 : i32
    %dma_wait3A_96 = arith.constant 24 : i32
    %dma_wait3A_97 = arith.constant 0 : i32
    %dma_wait3A_98 = tpu.memref_slice %arg3[%dma_wait3A_96, %dma_wait3A_97, %mul3A_89] : memref<26x16x16384xf32, #tpu.memory_space<hbm>> -> memref<1x16x128xf32, #tpu.memory_space<hbm>>
    %dma_wait3A_99 = tpu.memref_squeeze %dma_wait3A_98 : memref<1x16x128xf32, #tpu.memory_space<hbm>> -> memref<16x128xf32, #tpu.memory_space<hbm>>
    %dma_wait3A_100 = arith.constant 0 : i32
    %dma_wait3A_101 = tpu.memref_slice %arg3[%dma_wait3A_96, %dma_wait3A_100, %mul3A_89] : memref<26x16x16384xf32, #tpu.memory_space<hbm>> -> memref<1x16x128xf32, #tpu.memory_space<hbm>>
    %dma_wait3A_102 = tpu.memref_squeeze %dma_wait3A_101 : memref<1x16x128xf32, #tpu.memory_space<hbm>> -> memref<16x128xf32, #tpu.memory_space<hbm>>
    tpu.wait_dma2 semaphore(%arg10 : memref<!tpu.dma_semaphore, #tpu.memory_space<semaphore_mem>>) src(%arg6 : memref<16x128xf32, #tpu.memory_space<vmem>>) dst(%dma_wait3A_102 : memref<16x128xf32, #tpu.memory_space<hbm>>)
    %dma_wait3A_103 = arith.constant 25 : i32
    %dma_wait3A_104 = arith.constant 0 : i32
    %dma_wait3A_105 = tpu.memref_slice %arg3[%dma_wait3A_103, %dma_wait3A_104, %mul3A_89] : memref<26x16x16384xf32, #tpu.memory_space<hbm>> -> memref<1x16x128xf32, #tpu.memory_space<hbm>>
    %dma_wait3A_106 = tpu.memref_squeeze %dma_wait3A_105 : memref<1x16x128xf32, #tpu.memory_space<hbm>> -> memref<16x128xf32, #tpu.memory_space<hbm>>
    %dma_wait3A_107 = arith.constant 0 : i32
    %dma_wait3A_108 = tpu.memref_slice %arg3[%dma_wait3A_103, %dma_wait3A_107, %mul3A_89] : memref<26x16x16384xf32, #tpu.memory_space<hbm>> -> memref<1x16x128xf32, #tpu.memory_space<hbm>>
    %dma_wait3A_109 = tpu.memref_squeeze %dma_wait3A_108 : memref<1x16x128xf32, #tpu.memory_space<hbm>> -> memref<16x128xf32, #tpu.memory_space<hbm>>
    tpu.wait_dma2 semaphore(%arg11 : memref<!tpu.dma_semaphore, #tpu.memory_space<semaphore_mem>>) src(%arg7 : memref<16x128xf32, #tpu.memory_space<vmem>>) dst(%dma_wait3A_109 : memref<16x128xf32, #tpu.memory_space<hbm>>)
    %mul3A_110 = arith.constant 4 : i32
    %mul3A_111 = arith.muli %add3A, %mul3A_110 : i32
    %add3A_112 = arith.constant 3 : i32
    %add3A_113 = arith.addi %mul3A_111, %add3A_112 : i32
    %mul3A_114 = arith.constant 128 : i32
    %mul3A_115 = arith.muli %add3A_113, %mul3A_114 : i32
    %mul3A_116 = arith.constant 26 : i32
    %mul3A_117 = arith.muli %mul3A_115, %mul3A_116 : i32
    %mul3A_118 = arith.constant 16 : i32
    %mul3A_119 = arith.muli %mul3A_117, %mul3A_118 : i32
    %dma_start3A_120 = tpu.memref_slice %arg2[%mul3A_119] : memref<6815744xf32, #tpu.memory_space<hbm>> -> memref<53248xf32, #tpu.memory_space<hbm>>
    %dma_start3A_121 = tpu.memref_slice %arg2[%mul3A_119] : memref<6815744xf32, #tpu.memory_space<hbm>> -> memref<53248xf32, #tpu.memory_space<hbm>>
    tpu.enqueue_dma source(%dma_start3A_121 : memref<53248xf32, #tpu.memory_space<hbm>>) target(%arg5 : memref<53248xf32, #tpu.memory_space<vmem>>) target_semaphore(%arg9 : memref<!tpu.dma_semaphore, #tpu.memory_space<semaphore_mem>>)
    %mul3A_122 = arith.constant 4 : i32
    %mul3A_123 = arith.muli %add3A, %mul3A_122 : i32
    %add3A_124 = arith.constant 2 : i32
    %add3A_125 = arith.addi %mul3A_123, %add3A_124 : i32
    %mul3A_126 = arith.constant 128 : i32
    %mul3A_127 = arith.muli %add3A_125, %mul3A_126 : i32
    %mul3A_128 = arith.constant 26 : i32
    %mul3A_129 = arith.muli %mul3A_127, %mul3A_128 : i32
    %mul3A_130 = arith.constant 16 : i32
    %mul3A_131 = arith.muli %mul3A_129, %mul3A_130 : i32
    %dma_wait3A_132 = tpu.memref_slice %arg2[%mul3A_131] : memref<6815744xf32, #tpu.memory_space<hbm>> -> memref<53248xf32, #tpu.memory_space<hbm>>
    %dma_wait3A_133 = tpu.memref_slice %arg2[%mul3A_131] : memref<6815744xf32, #tpu.memory_space<hbm>> -> memref<53248xf32, #tpu.memory_space<hbm>>
    tpu.wait_dma2 semaphore(%arg8 : memref<!tpu.dma_semaphore, #tpu.memory_space<semaphore_mem>>) src(%dma_wait3A_133 : memref<53248xf32, #tpu.memory_space<hbm>>) dst(%arg4 : memref<53248xf32, #tpu.memory_space<vmem>>)
    %mul3A_134 = arith.constant 4 : i32
    %mul3A_135 = arith.muli %add3A, %mul3A_134 : i32
    %add3A_136 = arith.constant 2 : i32
    %add3A_137 = arith.addi %mul3A_135, %add3A_136 : i32
    %mul3A_138 = arith.constant 128 : i32
    %mul3A_139 = arith.muli %add3A_137, %mul3A_138 : i32
    %scan3A_140 = arith.constant 0 : i32
    %scan3A_141 = arith.constant 0 : i32
    %scan3A_142 = arith.constant 13 : i32
    %scan3A_143 = arith.addi %scan3A_141, %scan3A_142 : i32
    %scan3A_144 = arith.constant 1 : i32
    scf.for %scan3A_198 = %scan3A_141 to %scan3A_143 step %scan3A_144  : i32 {
      %mul3A_199 = arith.constant 2 : i32
      %mul3A_200 = arith.muli %scan3A_198, %mul3A_199 : i32
      %add3A_201 = arith.constant 0 : i32
      %add3A_202 = arith.addi %mul3A_200, %add3A_201 : i32
      %ge3A = arith.constant 1 : i32
      %ge3A_203 = arith.cmpi sge, %scan3A_198, %ge3A : i32
      %convert_element_type3A = arith.extui %ge3A_203 : i1 to i32
      %cond3A = arith.constant 0 : i32
      %cond3A_204 = arith.cmpi ne, %convert_element_type3A, %cond3A : i32
      scf.if %cond3A_204 {
        %sub3A = arith.constant 2 : i32
        %sub3A_238 = arith.subi %add3A_202, %sub3A : i32
        %dma_wait3A_239 = arith.constant 0 : i32
        %dma_wait3A_240 = tpu.memref_slice %arg3[%sub3A_238, %dma_wait3A_239, %mul3A_139] : memref<26x16x16384xf32, #tpu.memory_space<hbm>> -> memref<1x16x128xf32, #tpu.memory_space<hbm>>
        %dma_wait3A_241 = tpu.memref_squeeze %dma_wait3A_240 : memref<1x16x128xf32, #tpu.memory_space<hbm>> -> memref<16x128xf32, #tpu.memory_space<hbm>>
        %dma_wait3A_242 = arith.constant 0 : i32
        %dma_wait3A_243 = tpu.memref_slice %arg3[%sub3A_238, %dma_wait3A_242, %mul3A_139] : memref<26x16x16384xf32, #tpu.memory_space<hbm>> -> memref<1x16x128xf32, #tpu.memory_space<hbm>>
        %dma_wait3A_244 = tpu.memref_squeeze %dma_wait3A_243 : memref<1x16x128xf32, #tpu.memory_space<hbm>> -> memref<16x128xf32, #tpu.memory_space<hbm>>
        tpu.wait_dma2 semaphore(%arg10 : memref<!tpu.dma_semaphore, #tpu.memory_space<semaphore_mem>>) src(%arg6 : memref<16x128xf32, #tpu.memory_space<vmem>>) dst(%dma_wait3A_244 : memref<16x128xf32, #tpu.memory_space<hbm>>)
      } else {
      }
      %scan3A_205 = arith.constant 0 : i32
      %scan3A_206 = arith.constant 0 : i32
      %scan3A_207 = arith.constant 16 : i32
      %scan3A_208 = arith.addi %scan3A_206, %scan3A_207 : i32
      %scan3A_209 = arith.constant 1 : i32
      scf.for %scan3A_238 = %scan3A_206 to %scan3A_208 step %scan3A_209  : i32 {
        %mul3A_239 = arith.constant 8 : i32
        %mul3A_240 = arith.muli %scan3A_238, %mul3A_239 : i32
        %add3A_241 = arith.constant 0 : i32
        %add3A_242 = arith.addi %mul3A_240, %add3A_241 : i32
        %mul3A_243 = arith.constant 26 : i32
        %mul3A_244 = arith.muli %add3A_242, %mul3A_243 : i32
        %add3A_245 = arith.addi %mul3A_244, %add3A_202 : i32
        %mul3A_246 = arith.constant 16 : i32
        %mul3A_247 = arith.muli %add3A_245, %mul3A_246 : i32
        %get3A = arith.index_cast %mul3A_247 : i32 to index
        %get3A_248 = tpu.vector_load %arg4[%get3A] {strides = array<i32>} : memref<53248xf32, #tpu.memory_space<vmem>>, vector<16xf32>,
        %broadcast_in_dim3A = vector.broadcast %add3A_242 : i32 to vector<16xi32>
        tpu.vector_store_idx %arg6[%iota3A, %broadcast_in_dim3A], %get3A_248 : memref<16x128xf32, #tpu.memory_space<vmem>>[vector<16xi32>, vector<16xi32>], vector<16xf32>,
        %mul3A_249 = arith.constant 8 : i32
        %mul3A_250 = arith.muli %scan3A_238, %mul3A_249 : i32
        %add3A_251 = arith.constant 1 : i32
        %add3A_252 = arith.addi %mul3A_250, %add3A_251 : i32
        %mul3A_253 = arith.constant 26 : i32
        %mul3A_254 = arith.muli %add3A_252, %mul3A_253 : i32
        %add3A_255 = arith.addi %mul3A_254, %add3A_202 : i32
        %mul3A_256 = arith.constant 16 : i32
        %mul3A_257 = arith.muli %add3A_255, %mul3A_256 : i32
        %get3A_258 = arith.index_cast %mul3A_257 : i32 to index
        %get3A_259 = tpu.vector_load %arg4[%get3A_258] {strides = array<i32>} : memref<53248xf32, #tpu.memory_space<vmem>>, vector<16xf32>,
        %broadcast_in_dim3A_260 = vector.broadcast %add3A_252 : i32 to vector<16xi32>
        tpu.vector_store_idx %arg6[%iota3A, %broadcast_in_dim3A_260], %get3A_259 : memref<16x128xf32, #tpu.memory_space<vmem>>[vector<16xi32>, vector<16xi32>], vector<16xf32>,
        %mul3A_261 = arith.constant 8 : i32
        %mul3A_262 = arith.muli %scan3A_238, %mul3A_261 : i32
        %add3A_263 = arith.constant 2 : i32
        %add3A_264 = arith.addi %mul3A_262, %add3A_263 : i32
        %mul3A_265 = arith.constant 26 : i32
        %mul3A_266 = arith.muli %add3A_264, %mul3A_265 : i32
        %add3A_267 = arith.addi %mul3A_266, %add3A_202 : i32
        %mul3A_268 = arith.constant 16 : i32
        %mul3A_269 = arith.muli %add3A_267, %mul3A_268 : i32
        %get3A_270 = arith.index_cast %mul3A_269 : i32 to index
        %get3A_271 = tpu.vector_load %arg4[%get3A_270] {strides = array<i32>} : memref<53248xf32, #tpu.memory_space<vmem>>, vector<16xf32>,
        %broadcast_in_dim3A_272 = vector.broadcast %add3A_264 : i32 to vector<16xi32>
        tpu.vector_store_idx %arg6[%iota3A, %broadcast_in_dim3A_272], %get3A_271 : memref<16x128xf32, #tpu.memory_space<vmem>>[vector<16xi32>, vector<16xi32>], vector<16xf32>,
        %mul3A_273 = arith.constant 8 : i32
        %mul3A_274 = arith.muli %scan3A_238, %mul3A_273 : i32
        %add3A_275 = arith.constant 3 : i32
        %add3A_276 = arith.addi %mul3A_274, %add3A_275 : i32
        %mul3A_277 = arith.constant 26 : i32
        %mul3A_278 = arith.muli %add3A_276, %mul3A_277 : i32
        %add3A_279 = arith.addi %mul3A_278, %add3A_202 : i32
        %mul3A_280 = arith.constant 16 : i32
        %mul3A_281 = arith.muli %add3A_279, %mul3A_280 : i32
        %get3A_282 = arith.index_cast %mul3A_281 : i32 to index
        %get3A_283 = tpu.vector_load %arg4[%get3A_282] {strides = array<i32>} : memref<53248xf32, #tpu.memory_space<vmem>>, vector<16xf32>,
        %broadcast_in_dim3A_284 = vector.broadcast %add3A_276 : i32 to vector<16xi32>
        tpu.vector_store_idx %arg6[%iota3A, %broadcast_in_dim3A_284], %get3A_283 : memref<16x128xf32, #tpu.memory_space<vmem>>[vector<16xi32>, vector<16xi32>], vector<16xf32>,
        %mul3A_285 = arith.constant 8 : i32
        %mul3A_286 = arith.muli %scan3A_238, %mul3A_285 : i32
        %add3A_287 = arith.constant 4 : i32
        %add3A_288 = arith.addi %mul3A_286, %add3A_287 : i32
        %mul3A_289 = arith.constant 26 : i32
        %mul3A_290 = arith.muli %add3A_288, %mul3A_289 : i32
        %add3A_291 = arith.addi %mul3A_290, %add3A_202 : i32
        %mul3A_292 = arith.constant 16 : i32
        %mul3A_293 = arith.muli %add3A_291, %mul3A_292 : i32
        %get3A_294 = arith.index_cast %mul3A_293 : i32 to index
        %get3A_295 = tpu.vector_load %arg4[%get3A_294] {strides = array<i32>} : memref<53248xf32, #tpu.memory_space<vmem>>, vector<16xf32>,
        %broadcast_in_dim3A_296 = vector.broadcast %add3A_288 : i32 to vector<16xi32>
        tpu.vector_store_idx %arg6[%iota3A, %broadcast_in_dim3A_296], %get3A_295 : memref<16x128xf32, #tpu.memory_space<vmem>>[vector<16xi32>, vector<16xi32>], vector<16xf32>,
        %mul3A_297 = arith.constant 8 : i32
        %mul3A_298 = arith.muli %scan3A_238, %mul3A_297 : i32
        %add3A_299 = arith.constant 5 : i32
        %add3A_300 = arith.addi %mul3A_298, %add3A_299 : i32
        %mul3A_301 = arith.constant 26 : i32
        %mul3A_302 = arith.muli %add3A_300, %mul3A_301 : i32
        %add3A_303 = arith.addi %mul3A_302, %add3A_202 : i32
        %mul3A_304 = arith.constant 16 : i32
        %mul3A_305 = arith.muli %add3A_303, %mul3A_304 : i32
        %get3A_306 = arith.index_cast %mul3A_305 : i32 to index
        %get3A_307 = tpu.vector_load %arg4[%get3A_306] {strides = array<i32>} : memref<53248xf32, #tpu.memory_space<vmem>>, vector<16xf32>,
        %broadcast_in_dim3A_308 = vector.broadcast %add3A_300 : i32 to vector<16xi32>
        tpu.vector_store_idx %arg6[%iota3A, %broadcast_in_dim3A_308], %get3A_307 : memref<16x128xf32, #tpu.memory_space<vmem>>[vector<16xi32>, vector<16xi32>], vector<16xf32>,
        %mul3A_309 = arith.constant 8 : i32
        %mul3A_310 = arith.muli %scan3A_238, %mul3A_309 : i32
        %add3A_311 = arith.constant 6 : i32
        %add3A_312 = arith.addi %mul3A_310, %add3A_311 : i32
        %mul3A_313 = arith.constant 26 : i32
        %mul3A_314 = arith.muli %add3A_312, %mul3A_313 : i32
        %add3A_315 = arith.addi %mul3A_314, %add3A_202 : i32
        %mul3A_316 = arith.constant 16 : i32
        %mul3A_317 = arith.muli %add3A_315, %mul3A_316 : i32
        %get3A_318 = arith.index_cast %mul3A_317 : i32 to index
        %get3A_319 = tpu.vector_load %arg4[%get3A_318] {strides = array<i32>} : memref<53248xf32, #tpu.memory_space<vmem>>, vector<16xf32>,
        %broadcast_in_dim3A_320 = vector.broadcast %add3A_312 : i32 to vector<16xi32>
        tpu.vector_store_idx %arg6[%iota3A, %broadcast_in_dim3A_320], %get3A_319 : memref<16x128xf32, #tpu.memory_space<vmem>>[vector<16xi32>, vector<16xi32>], vector<16xf32>,
        %mul3A_321 = arith.constant 8 : i32
        %mul3A_322 = arith.muli %scan3A_238, %mul3A_321 : i32
        %add3A_323 = arith.constant 7 : i32
        %add3A_324 = arith.addi %mul3A_322, %add3A_323 : i32
        %mul3A_325 = arith.constant 26 : i32
        %mul3A_326 = arith.muli %add3A_324, %mul3A_325 : i32
        %add3A_327 = arith.addi %mul3A_326, %add3A_202 : i32
        %mul3A_328 = arith.constant 16 : i32
        %mul3A_329 = arith.muli %add3A_327, %mul3A_328 : i32
        %get3A_330 = arith.index_cast %mul3A_329 : i32 to index
        %get3A_331 = tpu.vector_load %arg4[%get3A_330] {strides = array<i32>} : memref<53248xf32, #tpu.memory_space<vmem>>, vector<16xf32>,
        %broadcast_in_dim3A_332 = vector.broadcast %add3A_324 : i32 to vector<16xi32>
        tpu.vector_store_idx %arg6[%iota3A, %broadcast_in_dim3A_332], %get3A_331 : memref<16x128xf32, #tpu.memory_space<vmem>>[vector<16xi32>, vector<16xi32>], vector<16xf32>,
      }
      %scan3A_210 = arith.constant 16 : i32
      %dma_start3A_211 = arith.constant 0 : i32
      %dma_start3A_212 = tpu.memref_slice %arg3[%add3A_202, %dma_start3A_211, %mul3A_139] : memref<26x16x16384xf32, #tpu.memory_space<hbm>> -> memref<1x16x128xf32, #tpu.memory_space<hbm>>
      %dma_start3A_213 = tpu.memref_squeeze %dma_start3A_212 : memref<1x16x128xf32, #tpu.memory_space<hbm>> -> memref<16x128xf32, #tpu.memory_space<hbm>>
      %dma_start3A_214 = arith.constant 0 : i32
      %dma_start3A_215 = tpu.memref_slice %arg3[%add3A_202, %dma_start3A_214, %mul3A_139] : memref<26x16x16384xf32, #tpu.memory_space<hbm>> -> memref<1x16x128xf32, #tpu.memory_space<hbm>>
      %dma_start3A_216 = tpu.memref_squeeze %dma_start3A_215 : memref<1x16x128xf32, #tpu.memory_space<hbm>> -> memref<16x128xf32, #tpu.memory_space<hbm>>
      tpu.enqueue_dma source(%arg6 : memref<16x128xf32, #tpu.memory_space<vmem>>) target(%dma_start3A_216 : memref<16x128xf32, #tpu.memory_space<hbm>>) target_semaphore(%arg10 : memref<!tpu.dma_semaphore, #tpu.memory_space<semaphore_mem>>)
      %mul3A_217 = arith.constant 2 : i32
      %mul3A_218 = arith.muli %scan3A_198, %mul3A_217 : i32
      %add3A_219 = arith.constant 1 : i32
      %add3A_220 = arith.addi %mul3A_218, %add3A_219 : i32
      %ge3A_221 = arith.constant 1 : i32
      %ge3A_222 = arith.cmpi sge, %scan3A_198, %ge3A_221 : i32
      %convert_element_type3A_223 = arith.extui %ge3A_222 : i1 to i32
      %cond3A_224 = arith.constant 0 : i32
      %cond3A_225 = arith.cmpi ne, %convert_element_type3A_223, %cond3A_224 : i32
      scf.if %cond3A_225 {
        %sub3A = arith.constant 2 : i32
        %sub3A_238 = arith.subi %add3A_220, %sub3A : i32
        %dma_wait3A_239 = arith.constant 0 : i32
        %dma_wait3A_240 = tpu.memref_slice %arg3[%sub3A_238, %dma_wait3A_239, %mul3A_139] : memref<26x16x16384xf32, #tpu.memory_space<hbm>> -> memref<1x16x128xf32, #tpu.memory_space<hbm>>
        %dma_wait3A_241 = tpu.memref_squeeze %dma_wait3A_240 : memref<1x16x128xf32, #tpu.memory_space<hbm>> -> memref<16x128xf32, #tpu.memory_space<hbm>>
        %dma_wait3A_242 = arith.constant 0 : i32
        %dma_wait3A_243 = tpu.memref_slice %arg3[%sub3A_238, %dma_wait3A_242, %mul3A_139] : memref<26x16x16384xf32, #tpu.memory_space<hbm>> -> memref<1x16x128xf32, #tpu.memory_space<hbm>>
        %dma_wait3A_244 = tpu.memref_squeeze %dma_wait3A_243 : memref<1x16x128xf32, #tpu.memory_space<hbm>> -> memref<16x128xf32, #tpu.memory_space<hbm>>
        tpu.wait_dma2 semaphore(%arg11 : memref<!tpu.dma_semaphore, #tpu.memory_space<semaphore_mem>>) src(%arg7 : memref<16x128xf32, #tpu.memory_space<vmem>>) dst(%dma_wait3A_244 : memref<16x128xf32, #tpu.memory_space<hbm>>)
      } else {
      }
      %scan3A_226 = arith.constant 0 : i32
      %scan3A_227 = arith.constant 0 : i32
      %scan3A_228 = arith.constant 16 : i32
      %scan3A_229 = arith.addi %scan3A_227, %scan3A_228 : i32
      %scan3A_230 = arith.constant 1 : i32
      scf.for %scan3A_238 = %scan3A_227 to %scan3A_229 step %scan3A_230  : i32 {
        %mul3A_239 = arith.constant 8 : i32
        %mul3A_240 = arith.muli %scan3A_238, %mul3A_239 : i32
        %add3A_241 = arith.constant 0 : i32
        %add3A_242 = arith.addi %mul3A_240, %add3A_241 : i32
        %mul3A_243 = arith.constant 26 : i32
        %mul3A_244 = arith.muli %add3A_242, %mul3A_243 : i32
        %add3A_245 = arith.addi %mul3A_244, %add3A_220 : i32
        %mul3A_246 = arith.constant 16 : i32
        %mul3A_247 = arith.muli %add3A_245, %mul3A_246 : i32
        %get3A = arith.index_cast %mul3A_247 : i32 to index
        %get3A_248 = tpu.vector_load %arg4[%get3A] {strides = array<i32>} : memref<53248xf32, #tpu.memory_space<vmem>>, vector<16xf32>,
        %broadcast_in_dim3A = vector.broadcast %add3A_242 : i32 to vector<16xi32>
        tpu.vector_store_idx %arg7[%iota3A, %broadcast_in_dim3A], %get3A_248 : memref<16x128xf32, #tpu.memory_space<vmem>>[vector<16xi32>, vector<16xi32>], vector<16xf32>,
        %mul3A_249 = arith.constant 8 : i32
        %mul3A_250 = arith.muli %scan3A_238, %mul3A_249 : i32
        %add3A_251 = arith.constant 1 : i32
        %add3A_252 = arith.addi %mul3A_250, %add3A_251 : i32
        %mul3A_253 = arith.constant 26 : i32
        %mul3A_254 = arith.muli %add3A_252, %mul3A_253 : i32
        %add3A_255 = arith.addi %mul3A_254, %add3A_220 : i32
        %mul3A_256 = arith.constant 16 : i32
        %mul3A_257 = arith.muli %add3A_255, %mul3A_256 : i32
        %get3A_258 = arith.index_cast %mul3A_257 : i32 to index
        %get3A_259 = tpu.vector_load %arg4[%get3A_258] {strides = array<i32>} : memref<53248xf32, #tpu.memory_space<vmem>>, vector<16xf32>,
        %broadcast_in_dim3A_260 = vector.broadcast %add3A_252 : i32 to vector<16xi32>
        tpu.vector_store_idx %arg7[%iota3A, %broadcast_in_dim3A_260], %get3A_259 : memref<16x128xf32, #tpu.memory_space<vmem>>[vector<16xi32>, vector<16xi32>], vector<16xf32>,
        %mul3A_261 = arith.constant 8 : i32
        %mul3A_262 = arith.muli %scan3A_238, %mul3A_261 : i32
        %add3A_263 = arith.constant 2 : i32
        %add3A_264 = arith.addi %mul3A_262, %add3A_263 : i32
        %mul3A_265 = arith.constant 26 : i32
        %mul3A_266 = arith.muli %add3A_264, %mul3A_265 : i32
        %add3A_267 = arith.addi %mul3A_266, %add3A_220 : i32
        %mul3A_268 = arith.constant 16 : i32
        %mul3A_269 = arith.muli %add3A_267, %mul3A_268 : i32
        %get3A_270 = arith.index_cast %mul3A_269 : i32 to index
        %get3A_271 = tpu.vector_load %arg4[%get3A_270] {strides = array<i32>} : memref<53248xf32, #tpu.memory_space<vmem>>, vector<16xf32>,
        %broadcast_in_dim3A_272 = vector.broadcast %add3A_264 : i32 to vector<16xi32>
        tpu.vector_store_idx %arg7[%iota3A, %broadcast_in_dim3A_272], %get3A_271 : memref<16x128xf32, #tpu.memory_space<vmem>>[vector<16xi32>, vector<16xi32>], vector<16xf32>,
        %mul3A_273 = arith.constant 8 : i32
        %mul3A_274 = arith.muli %scan3A_238, %mul3A_273 : i32
        %add3A_275 = arith.constant 3 : i32
        %add3A_276 = arith.addi %mul3A_274, %add3A_275 : i32
        %mul3A_277 = arith.constant 26 : i32
        %mul3A_278 = arith.muli %add3A_276, %mul3A_277 : i32
        %add3A_279 = arith.addi %mul3A_278, %add3A_220 : i32
        %mul3A_280 = arith.constant 16 : i32
        %mul3A_281 = arith.muli %add3A_279, %mul3A_280 : i32
        %get3A_282 = arith.index_cast %mul3A_281 : i32 to index
        %get3A_283 = tpu.vector_load %arg4[%get3A_282] {strides = array<i32>} : memref<53248xf32, #tpu.memory_space<vmem>>, vector<16xf32>,
        %broadcast_in_dim3A_284 = vector.broadcast %add3A_276 : i32 to vector<16xi32>
        tpu.vector_store_idx %arg7[%iota3A, %broadcast_in_dim3A_284], %get3A_283 : memref<16x128xf32, #tpu.memory_space<vmem>>[vector<16xi32>, vector<16xi32>], vector<16xf32>,
        %mul3A_285 = arith.constant 8 : i32
        %mul3A_286 = arith.muli %scan3A_238, %mul3A_285 : i32
        %add3A_287 = arith.constant 4 : i32
        %add3A_288 = arith.addi %mul3A_286, %add3A_287 : i32
        %mul3A_289 = arith.constant 26 : i32
        %mul3A_290 = arith.muli %add3A_288, %mul3A_289 : i32
        %add3A_291 = arith.addi %mul3A_290, %add3A_220 : i32
        %mul3A_292 = arith.constant 16 : i32
        %mul3A_293 = arith.muli %add3A_291, %mul3A_292 : i32
        %get3A_294 = arith.index_cast %mul3A_293 : i32 to index
        %get3A_295 = tpu.vector_load %arg4[%get3A_294] {strides = array<i32>} : memref<53248xf32, #tpu.memory_space<vmem>>, vector<16xf32>,
        %broadcast_in_dim3A_296 = vector.broadcast %add3A_288 : i32 to vector<16xi32>
        tpu.vector_store_idx %arg7[%iota3A, %broadcast_in_dim3A_296], %get3A_295 : memref<16x128xf32, #tpu.memory_space<vmem>>[vector<16xi32>, vector<16xi32>], vector<16xf32>,
        %mul3A_297 = arith.constant 8 : i32
        %mul3A_298 = arith.muli %scan3A_238, %mul3A_297 : i32
        %add3A_299 = arith.constant 5 : i32
        %add3A_300 = arith.addi %mul3A_298, %add3A_299 : i32
        %mul3A_301 = arith.constant 26 : i32
        %mul3A_302 = arith.muli %add3A_300, %mul3A_301 : i32
        %add3A_303 = arith.addi %mul3A_302, %add3A_220 : i32
        %mul3A_304 = arith.constant 16 : i32
        %mul3A_305 = arith.muli %add3A_303, %mul3A_304 : i32
        %get3A_306 = arith.index_cast %mul3A_305 : i32 to index
        %get3A_307 = tpu.vector_load %arg4[%get3A_306] {strides = array<i32>} : memref<53248xf32, #tpu.memory_space<vmem>>, vector<16xf32>,
        %broadcast_in_dim3A_308 = vector.broadcast %add3A_300 : i32 to vector<16xi32>
        tpu.vector_store_idx %arg7[%iota3A, %broadcast_in_dim3A_308], %get3A_307 : memref<16x128xf32, #tpu.memory_space<vmem>>[vector<16xi32>, vector<16xi32>], vector<16xf32>,
        %mul3A_309 = arith.constant 8 : i32
        %mul3A_310 = arith.muli %scan3A_238, %mul3A_309 : i32
        %add3A_311 = arith.constant 6 : i32
        %add3A_312 = arith.addi %mul3A_310, %add3A_311 : i32
        %mul3A_313 = arith.constant 26 : i32
        %mul3A_314 = arith.muli %add3A_312, %mul3A_313 : i32
        %add3A_315 = arith.addi %mul3A_314, %add3A_220 : i32
        %mul3A_316 = arith.constant 16 : i32
        %mul3A_317 = arith.muli %add3A_315, %mul3A_316 : i32
        %get3A_318 = arith.index_cast %mul3A_317 : i32 to index
        %get3A_319 = tpu.vector_load %arg4[%get3A_318] {strides = array<i32>} : memref<53248xf32, #tpu.memory_space<vmem>>, vector<16xf32>,
        %broadcast_in_dim3A_320 = vector.broadcast %add3A_312 : i32 to vector<16xi32>
        tpu.vector_store_idx %arg7[%iota3A, %broadcast_in_dim3A_320], %get3A_319 : memref<16x128xf32, #tpu.memory_space<vmem>>[vector<16xi32>, vector<16xi32>], vector<16xf32>,
        %mul3A_321 = arith.constant 8 : i32
        %mul3A_322 = arith.muli %scan3A_238, %mul3A_321 : i32
        %add3A_323 = arith.constant 7 : i32
        %add3A_324 = arith.addi %mul3A_322, %add3A_323 : i32
        %mul3A_325 = arith.constant 26 : i32
        %mul3A_326 = arith.muli %add3A_324, %mul3A_325 : i32
        %add3A_327 = arith.addi %mul3A_326, %add3A_220 : i32
        %mul3A_328 = arith.constant 16 : i32
        %mul3A_329 = arith.muli %add3A_327, %mul3A_328 : i32
        %get3A_330 = arith.index_cast %mul3A_329 : i32 to index
        %get3A_331 = tpu.vector_load %arg4[%get3A_330] {strides = array<i32>} : memref<53248xf32, #tpu.memory_space<vmem>>, vector<16xf32>,
        %broadcast_in_dim3A_332 = vector.broadcast %add3A_324 : i32 to vector<16xi32>
        tpu.vector_store_idx %arg7[%iota3A, %broadcast_in_dim3A_332], %get3A_331 : memref<16x128xf32, #tpu.memory_space<vmem>>[vector<16xi32>, vector<16xi32>], vector<16xf32>,
      }
      %scan3A_231 = arith.constant 16 : i32
      %dma_start3A_232 = arith.constant 0 : i32
      %dma_start3A_233 = tpu.memref_slice %arg3[%add3A_220, %dma_start3A_232, %mul3A_139] : memref<26x16x16384xf32, #tpu.memory_space<hbm>> -> memref<1x16x128xf32, #tpu.memory_space<hbm>>
      %dma_start3A_234 = tpu.memref_squeeze %dma_start3A_233 : memref<1x16x128xf32, #tpu.memory_space<hbm>> -> memref<16x128xf32, #tpu.memory_space<hbm>>
      %dma_start3A_235 = arith.constant 0 : i32
      %dma_start3A_236 = tpu.memref_slice %arg3[%add3A_220, %dma_start3A_235, %mul3A_139] : memref<26x16x16384xf32, #tpu.memory_space<hbm>> -> memref<1x16x128xf32, #tpu.memory_space<hbm>>
      %dma_start3A_237 = tpu.memref_squeeze %dma_start3A_236 : memref<1x16x128xf32, #tpu.memory_space<hbm>> -> memref<16x128xf32, #tpu.memory_space<hbm>>
      tpu.enqueue_dma source(%arg7 : memref<16x128xf32, #tpu.memory_space<vmem>>) target(%dma_start3A_237 : memref<16x128xf32, #tpu.memory_space<hbm>>) target_semaphore(%arg11 : memref<!tpu.dma_semaphore, #tpu.memory_space<semaphore_mem>>)
    }
    %scan3A_145 = arith.constant 13 : i32
    %dma_wait3A_146 = arith.constant 24 : i32
    %dma_wait3A_147 = arith.constant 0 : i32
    %dma_wait3A_148 = tpu.memref_slice %arg3[%dma_wait3A_146, %dma_wait3A_147, %mul3A_139] : memref<26x16x16384xf32, #tpu.memory_space<hbm>> -> memref<1x16x128xf32, #tpu.memory_space<hbm>>
    %dma_wait3A_149 = tpu.memref_squeeze %dma_wait3A_148 : memref<1x16x128xf32, #tpu.memory_space<hbm>> -> memref<16x128xf32, #tpu.memory_space<hbm>>
    %dma_wait3A_150 = arith.constant 0 : i32
    %dma_wait3A_151 = tpu.memref_slice %arg3[%dma_wait3A_146, %dma_wait3A_150, %mul3A_139] : memref<26x16x16384xf32, #tpu.memory_space<hbm>> -> memref<1x16x128xf32, #tpu.memory_space<hbm>>
    %dma_wait3A_152 = tpu.memref_squeeze %dma_wait3A_151 : memref<1x16x128xf32, #tpu.memory_space<hbm>> -> memref<16x128xf32, #tpu.memory_space<hbm>>
    tpu.wait_dma2 semaphore(%arg10 : memref<!tpu.dma_semaphore, #tpu.memory_space<semaphore_mem>>) src(%arg6 : memref<16x128xf32, #tpu.memory_space<vmem>>) dst(%dma_wait3A_152 : memref<16x128xf32, #tpu.memory_space<hbm>>)
    %dma_wait3A_153 = arith.constant 25 : i32
    %dma_wait3A_154 = arith.constant 0 : i32
    %dma_wait3A_155 = tpu.memref_slice %arg3[%dma_wait3A_153, %dma_wait3A_154, %mul3A_139] : memref<26x16x16384xf32, #tpu.memory_space<hbm>> -> memref<1x16x128xf32, #tpu.memory_space<hbm>>
    %dma_wait3A_156 = tpu.memref_squeeze %dma_wait3A_155 : memref<1x16x128xf32, #tpu.memory_space<hbm>> -> memref<16x128xf32, #tpu.memory_space<hbm>>
    %dma_wait3A_157 = arith.constant 0 : i32
    %dma_wait3A_158 = tpu.memref_slice %arg3[%dma_wait3A_153, %dma_wait3A_157, %mul3A_139] : memref<26x16x16384xf32, #tpu.memory_space<hbm>> -> memref<1x16x128xf32, #tpu.memory_space<hbm>>
    %dma_wait3A_159 = tpu.memref_squeeze %dma_wait3A_158 : memref<1x16x128xf32, #tpu.memory_space<hbm>> -> memref<16x128xf32, #tpu.memory_space<hbm>>
    tpu.wait_dma2 semaphore(%arg11 : memref<!tpu.dma_semaphore, #tpu.memory_space<semaphore_mem>>) src(%arg7 : memref<16x128xf32, #tpu.memory_space<vmem>>) dst(%dma_wait3A_159 : memref<16x128xf32, #tpu.memory_space<hbm>>)
    %mul3A_160 = arith.constant 4 : i32
    %mul3A_161 = arith.muli %add3A, %mul3A_160 : i32
    %add3A_162 = arith.constant 3 : i32
    %add3A_163 = arith.addi %mul3A_161, %add3A_162 : i32
    %mul3A_164 = arith.constant 128 : i32
    %mul3A_165 = arith.muli %add3A_163, %mul3A_164 : i32
    %mul3A_166 = arith.constant 26 : i32
    %mul3A_167 = arith.muli %mul3A_165, %mul3A_166 : i32
    %mul3A_168 = arith.constant 16 : i32
    %mul3A_169 = arith.muli %mul3A_167, %mul3A_168 : i32
    %dma_wait3A_170 = tpu.memref_slice %arg2[%mul3A_169] : memref<6815744xf32, #tpu.memory_space<hbm>> -> memref<53248xf32, #tpu.memory_space<hbm>>
    %dma_wait3A_171 = tpu.memref_slice %arg2[%mul3A_169] : memref<6815744xf32, #tpu.memory_space<hbm>> -> memref<53248xf32, #tpu.memory_space<hbm>>
    tpu.wait_dma2 semaphore(%arg9 : memref<!tpu.dma_semaphore, #tpu.memory_space<semaphore_mem>>) src(%dma_wait3A_171 : memref<53248xf32, #tpu.memory_space<hbm>>) dst(%arg5 : memref<53248xf32, #tpu.memory_space<vmem>>)
    %mul3A_172 = arith.constant 4 : i32
    %mul3A_173 = arith.muli %add3A, %mul3A_172 : i32
    %add3A_174 = arith.constant 3 : i32
    %add3A_175 = arith.addi %mul3A_173, %add3A_174 : i32
    %mul3A_176 = arith.constant 128 : i32
    %mul3A_177 = arith.muli %add3A_175, %mul3A_176 : i32
    %scan3A_178 = arith.constant 0 : i32
    %scan3A_179 = arith.constant 0 : i32
    %scan3A_180 = arith.constant 13 : i32
    %scan3A_181 = arith.addi %scan3A_179, %scan3A_180 : i32
    %scan3A_182 = arith.constant 1 : i32
    scf.for %scan3A_198 = %scan3A_179 to %scan3A_181 step %scan3A_182  : i32 {
      %mul3A_199 = arith.constant 2 : i32
      %mul3A_200 = arith.muli %scan3A_198, %mul3A_199 : i32
      %add3A_201 = arith.constant 0 : i32
      %add3A_202 = arith.addi %mul3A_200, %add3A_201 : i32
      %ge3A = arith.constant 1 : i32
      %ge3A_203 = arith.cmpi sge, %scan3A_198, %ge3A : i32
      %convert_element_type3A = arith.extui %ge3A_203 : i1 to i32
      %cond3A = arith.constant 0 : i32
      %cond3A_204 = arith.cmpi ne, %convert_element_type3A, %cond3A : i32
      scf.if %cond3A_204 {
        %sub3A = arith.constant 2 : i32
        %sub3A_238 = arith.subi %add3A_202, %sub3A : i32
        %dma_wait3A_239 = arith.constant 0 : i32
        %dma_wait3A_240 = tpu.memref_slice %arg3[%sub3A_238, %dma_wait3A_239, %mul3A_177] : memref<26x16x16384xf32, #tpu.memory_space<hbm>> -> memref<1x16x128xf32, #tpu.memory_space<hbm>>
        %dma_wait3A_241 = tpu.memref_squeeze %dma_wait3A_240 : memref<1x16x128xf32, #tpu.memory_space<hbm>> -> memref<16x128xf32, #tpu.memory_space<hbm>>
        %dma_wait3A_242 = arith.constant 0 : i32
        %dma_wait3A_243 = tpu.memref_slice %arg3[%sub3A_238, %dma_wait3A_242, %mul3A_177] : memref<26x16x16384xf32, #tpu.memory_space<hbm>> -> memref<1x16x128xf32, #tpu.memory_space<hbm>>
        %dma_wait3A_244 = tpu.memref_squeeze %dma_wait3A_243 : memref<1x16x128xf32, #tpu.memory_space<hbm>> -> memref<16x128xf32, #tpu.memory_space<hbm>>
        tpu.wait_dma2 semaphore(%arg10 : memref<!tpu.dma_semaphore, #tpu.memory_space<semaphore_mem>>) src(%arg6 : memref<16x128xf32, #tpu.memory_space<vmem>>) dst(%dma_wait3A_244 : memref<16x128xf32, #tpu.memory_space<hbm>>)
      } else {
      }
      %scan3A_205 = arith.constant 0 : i32
      %scan3A_206 = arith.constant 0 : i32
      %scan3A_207 = arith.constant 16 : i32
      %scan3A_208 = arith.addi %scan3A_206, %scan3A_207 : i32
      %scan3A_209 = arith.constant 1 : i32
      scf.for %scan3A_238 = %scan3A_206 to %scan3A_208 step %scan3A_209  : i32 {
        %mul3A_239 = arith.constant 8 : i32
        %mul3A_240 = arith.muli %scan3A_238, %mul3A_239 : i32
        %add3A_241 = arith.constant 0 : i32
        %add3A_242 = arith.addi %mul3A_240, %add3A_241 : i32
        %mul3A_243 = arith.constant 26 : i32
        %mul3A_244 = arith.muli %add3A_242, %mul3A_243 : i32
        %add3A_245 = arith.addi %mul3A_244, %add3A_202 : i32
        %mul3A_246 = arith.constant 16 : i32
        %mul3A_247 = arith.muli %add3A_245, %mul3A_246 : i32
        %get3A = arith.index_cast %mul3A_247 : i32 to index
        %get3A_248 = tpu.vector_load %arg5[%get3A] {strides = array<i32>} : memref<53248xf32, #tpu.memory_space<vmem>>, vector<16xf32>,
        %broadcast_in_dim3A = vector.broadcast %add3A_242 : i32 to vector<16xi32>
        tpu.vector_store_idx %arg6[%iota3A, %broadcast_in_dim3A], %get3A_248 : memref<16x128xf32, #tpu.memory_space<vmem>>[vector<16xi32>, vector<16xi32>], vector<16xf32>,
        %mul3A_249 = arith.constant 8 : i32
        %mul3A_250 = arith.muli %scan3A_238, %mul3A_249 : i32
        %add3A_251 = arith.constant 1 : i32
        %add3A_252 = arith.addi %mul3A_250, %add3A_251 : i32
        %mul3A_253 = arith.constant 26 : i32
        %mul3A_254 = arith.muli %add3A_252, %mul3A_253 : i32
        %add3A_255 = arith.addi %mul3A_254, %add3A_202 : i32
        %mul3A_256 = arith.constant 16 : i32
        %mul3A_257 = arith.muli %add3A_255, %mul3A_256 : i32
        %get3A_258 = arith.index_cast %mul3A_257 : i32 to index
        %get3A_259 = tpu.vector_load %arg5[%get3A_258] {strides = array<i32>} : memref<53248xf32, #tpu.memory_space<vmem>>, vector<16xf32>,
        %broadcast_in_dim3A_260 = vector.broadcast %add3A_252 : i32 to vector<16xi32>
        tpu.vector_store_idx %arg6[%iota3A, %broadcast_in_dim3A_260], %get3A_259 : memref<16x128xf32, #tpu.memory_space<vmem>>[vector<16xi32>, vector<16xi32>], vector<16xf32>,
        %mul3A_261 = arith.constant 8 : i32
        %mul3A_262 = arith.muli %scan3A_238, %mul3A_261 : i32
        %add3A_263 = arith.constant 2 : i32
        %add3A_264 = arith.addi %mul3A_262, %add3A_263 : i32
        %mul3A_265 = arith.constant 26 : i32
        %mul3A_266 = arith.muli %add3A_264, %mul3A_265 : i32
        %add3A_267 = arith.addi %mul3A_266, %add3A_202 : i32
        %mul3A_268 = arith.constant 16 : i32
        %mul3A_269 = arith.muli %add3A_267, %mul3A_268 : i32
        %get3A_270 = arith.index_cast %mul3A_269 : i32 to index
        %get3A_271 = tpu.vector_load %arg5[%get3A_270] {strides = array<i32>} : memref<53248xf32, #tpu.memory_space<vmem>>, vector<16xf32>,
        %broadcast_in_dim3A_272 = vector.broadcast %add3A_264 : i32 to vector<16xi32>
        tpu.vector_store_idx %arg6[%iota3A, %broadcast_in_dim3A_272], %get3A_271 : memref<16x128xf32, #tpu.memory_space<vmem>>[vector<16xi32>, vector<16xi32>], vector<16xf32>,
        %mul3A_273 = arith.constant 8 : i32
        %mul3A_274 = arith.muli %scan3A_238, %mul3A_273 : i32
        %add3A_275 = arith.constant 3 : i32
        %add3A_276 = arith.addi %mul3A_274, %add3A_275 : i32
        %mul3A_277 = arith.constant 26 : i32
        %mul3A_278 = arith.muli %add3A_276, %mul3A_277 : i32
        %add3A_279 = arith.addi %mul3A_278, %add3A_202 : i32
        %mul3A_280 = arith.constant 16 : i32
        %mul3A_281 = arith.muli %add3A_279, %mul3A_280 : i32
        %get3A_282 = arith.index_cast %mul3A_281 : i32 to index
        %get3A_283 = tpu.vector_load %arg5[%get3A_282] {strides = array<i32>} : memref<53248xf32, #tpu.memory_space<vmem>>, vector<16xf32>,
        %broadcast_in_dim3A_284 = vector.broadcast %add3A_276 : i32 to vector<16xi32>
        tpu.vector_store_idx %arg6[%iota3A, %broadcast_in_dim3A_284], %get3A_283 : memref<16x128xf32, #tpu.memory_space<vmem>>[vector<16xi32>, vector<16xi32>], vector<16xf32>,
        %mul3A_285 = arith.constant 8 : i32
        %mul3A_286 = arith.muli %scan3A_238, %mul3A_285 : i32
        %add3A_287 = arith.constant 4 : i32
        %add3A_288 = arith.addi %mul3A_286, %add3A_287 : i32
        %mul3A_289 = arith.constant 26 : i32
        %mul3A_290 = arith.muli %add3A_288, %mul3A_289 : i32
        %add3A_291 = arith.addi %mul3A_290, %add3A_202 : i32
        %mul3A_292 = arith.constant 16 : i32
        %mul3A_293 = arith.muli %add3A_291, %mul3A_292 : i32
        %get3A_294 = arith.index_cast %mul3A_293 : i32 to index
        %get3A_295 = tpu.vector_load %arg5[%get3A_294] {strides = array<i32>} : memref<53248xf32, #tpu.memory_space<vmem>>, vector<16xf32>,
        %broadcast_in_dim3A_296 = vector.broadcast %add3A_288 : i32 to vector<16xi32>
        tpu.vector_store_idx %arg6[%iota3A, %broadcast_in_dim3A_296], %get3A_295 : memref<16x128xf32, #tpu.memory_space<vmem>>[vector<16xi32>, vector<16xi32>], vector<16xf32>,
        %mul3A_297 = arith.constant 8 : i32
        %mul3A_298 = arith.muli %scan3A_238, %mul3A_297 : i32
        %add3A_299 = arith.constant 5 : i32
        %add3A_300 = arith.addi %mul3A_298, %add3A_299 : i32
        %mul3A_301 = arith.constant 26 : i32
        %mul3A_302 = arith.muli %add3A_300, %mul3A_301 : i32
        %add3A_303 = arith.addi %mul3A_302, %add3A_202 : i32
        %mul3A_304 = arith.constant 16 : i32
        %mul3A_305 = arith.muli %add3A_303, %mul3A_304 : i32
        %get3A_306 = arith.index_cast %mul3A_305 : i32 to index
        %get3A_307 = tpu.vector_load %arg5[%get3A_306] {strides = array<i32>} : memref<53248xf32, #tpu.memory_space<vmem>>, vector<16xf32>,
        %broadcast_in_dim3A_308 = vector.broadcast %add3A_300 : i32 to vector<16xi32>
        tpu.vector_store_idx %arg6[%iota3A, %broadcast_in_dim3A_308], %get3A_307 : memref<16x128xf32, #tpu.memory_space<vmem>>[vector<16xi32>, vector<16xi32>], vector<16xf32>,
        %mul3A_309 = arith.constant 8 : i32
        %mul3A_310 = arith.muli %scan3A_238, %mul3A_309 : i32
        %add3A_311 = arith.constant 6 : i32
        %add3A_312 = arith.addi %mul3A_310, %add3A_311 : i32
        %mul3A_313 = arith.constant 26 : i32
        %mul3A_314 = arith.muli %add3A_312, %mul3A_313 : i32
        %add3A_315 = arith.addi %mul3A_314, %add3A_202 : i32
        %mul3A_316 = arith.constant 16 : i32
        %mul3A_317 = arith.muli %add3A_315, %mul3A_316 : i32
        %get3A_318 = arith.index_cast %mul3A_317 : i32 to index
        %get3A_319 = tpu.vector_load %arg5[%get3A_318] {strides = array<i32>} : memref<53248xf32, #tpu.memory_space<vmem>>, vector<16xf32>,
        %broadcast_in_dim3A_320 = vector.broadcast %add3A_312 : i32 to vector<16xi32>
        tpu.vector_store_idx %arg6[%iota3A, %broadcast_in_dim3A_320], %get3A_319 : memref<16x128xf32, #tpu.memory_space<vmem>>[vector<16xi32>, vector<16xi32>], vector<16xf32>,
        %mul3A_321 = arith.constant 8 : i32
        %mul3A_322 = arith.muli %scan3A_238, %mul3A_321 : i32
        %add3A_323 = arith.constant 7 : i32
        %add3A_324 = arith.addi %mul3A_322, %add3A_323 : i32
        %mul3A_325 = arith.constant 26 : i32
        %mul3A_326 = arith.muli %add3A_324, %mul3A_325 : i32
        %add3A_327 = arith.addi %mul3A_326, %add3A_202 : i32
        %mul3A_328 = arith.constant 16 : i32
        %mul3A_329 = arith.muli %add3A_327, %mul3A_328 : i32
        %get3A_330 = arith.index_cast %mul3A_329 : i32 to index
        %get3A_331 = tpu.vector_load %arg5[%get3A_330] {strides = array<i32>} : memref<53248xf32, #tpu.memory_space<vmem>>, vector<16xf32>,
        %broadcast_in_dim3A_332 = vector.broadcast %add3A_324 : i32 to vector<16xi32>
        tpu.vector_store_idx %arg6[%iota3A, %broadcast_in_dim3A_332], %get3A_331 : memref<16x128xf32, #tpu.memory_space<vmem>>[vector<16xi32>, vector<16xi32>], vector<16xf32>,
      }
      %scan3A_210 = arith.constant 16 : i32
      %dma_start3A_211 = arith.constant 0 : i32
      %dma_start3A_212 = tpu.memref_slice %arg3[%add3A_202, %dma_start3A_211, %mul3A_177] : memref<26x16x16384xf32, #tpu.memory_space<hbm>> -> memref<1x16x128xf32, #tpu.memory_space<hbm>>
      %dma_start3A_213 = tpu.memref_squeeze %dma_start3A_212 : memref<1x16x128xf32, #tpu.memory_space<hbm>> -> memref<16x128xf32, #tpu.memory_space<hbm>>
      %dma_start3A_214 = arith.constant 0 : i32
      %dma_start3A_215 = tpu.memref_slice %arg3[%add3A_202, %dma_start3A_214, %mul3A_177] : memref<26x16x16384xf32, #tpu.memory_space<hbm>> -> memref<1x16x128xf32, #tpu.memory_space<hbm>>
      %dma_start3A_216 = tpu.memref_squeeze %dma_start3A_215 : memref<1x16x128xf32, #tpu.memory_space<hbm>> -> memref<16x128xf32, #tpu.memory_space<hbm>>
      tpu.enqueue_dma source(%arg6 : memref<16x128xf32, #tpu.memory_space<vmem>>) target(%dma_start3A_216 : memref<16x128xf32, #tpu.memory_space<hbm>>) target_semaphore(%arg10 : memref<!tpu.dma_semaphore, #tpu.memory_space<semaphore_mem>>)
      %mul3A_217 = arith.constant 2 : i32
      %mul3A_218 = arith.muli %scan3A_198, %mul3A_217 : i32
      %add3A_219 = arith.constant 1 : i32
      %add3A_220 = arith.addi %mul3A_218, %add3A_219 : i32
      %ge3A_221 = arith.constant 1 : i32
      %ge3A_222 = arith.cmpi sge, %scan3A_198, %ge3A_221 : i32
      %convert_element_type3A_223 = arith.extui %ge3A_222 : i1 to i32
      %cond3A_224 = arith.constant 0 : i32
      %cond3A_225 = arith.cmpi ne, %convert_element_type3A_223, %cond3A_224 : i32
      scf.if %cond3A_225 {
        %sub3A = arith.constant 2 : i32
        %sub3A_238 = arith.subi %add3A_220, %sub3A : i32
        %dma_wait3A_239 = arith.constant 0 : i32
        %dma_wait3A_240 = tpu.memref_slice %arg3[%sub3A_238, %dma_wait3A_239, %mul3A_177] : memref<26x16x16384xf32, #tpu.memory_space<hbm>> -> memref<1x16x128xf32, #tpu.memory_space<hbm>>
        %dma_wait3A_241 = tpu.memref_squeeze %dma_wait3A_240 : memref<1x16x128xf32, #tpu.memory_space<hbm>> -> memref<16x128xf32, #tpu.memory_space<hbm>>
        %dma_wait3A_242 = arith.constant 0 : i32
        %dma_wait3A_243 = tpu.memref_slice %arg3[%sub3A_238, %dma_wait3A_242, %mul3A_177] : memref<26x16x16384xf32, #tpu.memory_space<hbm>> -> memref<1x16x128xf32, #tpu.memory_space<hbm>>
        %dma_wait3A_244 = tpu.memref_squeeze %dma_wait3A_243 : memref<1x16x128xf32, #tpu.memory_space<hbm>> -> memref<16x128xf32, #tpu.memory_space<hbm>>
        tpu.wait_dma2 semaphore(%arg11 : memref<!tpu.dma_semaphore, #tpu.memory_space<semaphore_mem>>) src(%arg7 : memref<16x128xf32, #tpu.memory_space<vmem>>) dst(%dma_wait3A_244 : memref<16x128xf32, #tpu.memory_space<hbm>>)
      } else {
      }
      %scan3A_226 = arith.constant 0 : i32
      %scan3A_227 = arith.constant 0 : i32
      %scan3A_228 = arith.constant 16 : i32
      %scan3A_229 = arith.addi %scan3A_227, %scan3A_228 : i32
      %scan3A_230 = arith.constant 1 : i32
      scf.for %scan3A_238 = %scan3A_227 to %scan3A_229 step %scan3A_230  : i32 {
        %mul3A_239 = arith.constant 8 : i32
        %mul3A_240 = arith.muli %scan3A_238, %mul3A_239 : i32
        %add3A_241 = arith.constant 0 : i32
        %add3A_242 = arith.addi %mul3A_240, %add3A_241 : i32
        %mul3A_243 = arith.constant 26 : i32
        %mul3A_244 = arith.muli %add3A_242, %mul3A_243 : i32
        %add3A_245 = arith.addi %mul3A_244, %add3A_220 : i32
        %mul3A_246 = arith.constant 16 : i32
        %mul3A_247 = arith.muli %add3A_245, %mul3A_246 : i32
        %get3A = arith.index_cast %mul3A_247 : i32 to index
        %get3A_248 = tpu.vector_load %arg5[%get3A] {strides = array<i32>} : memref<53248xf32, #tpu.memory_space<vmem>>, vector<16xf32>,
        %broadcast_in_dim3A = vector.broadcast %add3A_242 : i32 to vector<16xi32>
        tpu.vector_store_idx %arg7[%iota3A, %broadcast_in_dim3A], %get3A_248 : memref<16x128xf32, #tpu.memory_space<vmem>>[vector<16xi32>, vector<16xi32>], vector<16xf32>,
        %mul3A_249 = arith.constant 8 : i32
        %mul3A_250 = arith.muli %scan3A_238, %mul3A_249 : i32
        %add3A_251 = arith.constant 1 : i32
        %add3A_252 = arith.addi %mul3A_250, %add3A_251 : i32
        %mul3A_253 = arith.constant 26 : i32
        %mul3A_254 = arith.muli %add3A_252, %mul3A_253 : i32
        %add3A_255 = arith.addi %mul3A_254, %add3A_220 : i32
        %mul3A_256 = arith.constant 16 : i32
        %mul3A_257 = arith.muli %add3A_255, %mul3A_256 : i32
        %get3A_258 = arith.index_cast %mul3A_257 : i32 to index
        %get3A_259 = tpu.vector_load %arg5[%get3A_258] {strides = array<i32>} : memref<53248xf32, #tpu.memory_space<vmem>>, vector<16xf32>,
        %broadcast_in_dim3A_260 = vector.broadcast %add3A_252 : i32 to vector<16xi32>
        tpu.vector_store_idx %arg7[%iota3A, %broadcast_in_dim3A_260], %get3A_259 : memref<16x128xf32, #tpu.memory_space<vmem>>[vector<16xi32>, vector<16xi32>], vector<16xf32>,
        %mul3A_261 = arith.constant 8 : i32
        %mul3A_262 = arith.muli %scan3A_238, %mul3A_261 : i32
        %add3A_263 = arith.constant 2 : i32
        %add3A_264 = arith.addi %mul3A_262, %add3A_263 : i32
        %mul3A_265 = arith.constant 26 : i32
        %mul3A_266 = arith.muli %add3A_264, %mul3A_265 : i32
        %add3A_267 = arith.addi %mul3A_266, %add3A_220 : i32
        %mul3A_268 = arith.constant 16 : i32
        %mul3A_269 = arith.muli %add3A_267, %mul3A_268 : i32
        %get3A_270 = arith.index_cast %mul3A_269 : i32 to index
        %get3A_271 = tpu.vector_load %arg5[%get3A_270] {strides = array<i32>} : memref<53248xf32, #tpu.memory_space<vmem>>, vector<16xf32>,
        %broadcast_in_dim3A_272 = vector.broadcast %add3A_264 : i32 to vector<16xi32>
        tpu.vector_store_idx %arg7[%iota3A, %broadcast_in_dim3A_272], %get3A_271 : memref<16x128xf32, #tpu.memory_space<vmem>>[vector<16xi32>, vector<16xi32>], vector<16xf32>,
        %mul3A_273 = arith.constant 8 : i32
        %mul3A_274 = arith.muli %scan3A_238, %mul3A_273 : i32
        %add3A_275 = arith.constant 3 : i32
        %add3A_276 = arith.addi %mul3A_274, %add3A_275 : i32
        %mul3A_277 = arith.constant 26 : i32
        %mul3A_278 = arith.muli %add3A_276, %mul3A_277 : i32
        %add3A_279 = arith.addi %mul3A_278, %add3A_220 : i32
        %mul3A_280 = arith.constant 16 : i32
        %mul3A_281 = arith.muli %add3A_279, %mul3A_280 : i32
        %get3A_282 = arith.index_cast %mul3A_281 : i32 to index
        %get3A_283 = tpu.vector_load %arg5[%get3A_282] {strides = array<i32>} : memref<53248xf32, #tpu.memory_space<vmem>>, vector<16xf32>,
        %broadcast_in_dim3A_284 = vector.broadcast %add3A_276 : i32 to vector<16xi32>
        tpu.vector_store_idx %arg7[%iota3A, %broadcast_in_dim3A_284], %get3A_283 : memref<16x128xf32, #tpu.memory_space<vmem>>[vector<16xi32>, vector<16xi32>], vector<16xf32>,
        %mul3A_285 = arith.constant 8 : i32
        %mul3A_286 = arith.muli %scan3A_238, %mul3A_285 : i32
        %add3A_287 = arith.constant 4 : i32
        %add3A_288 = arith.addi %mul3A_286, %add3A_287 : i32
        %mul3A_289 = arith.constant 26 : i32
        %mul3A_290 = arith.muli %add3A_288, %mul3A_289 : i32
        %add3A_291 = arith.addi %mul3A_290, %add3A_220 : i32
        %mul3A_292 = arith.constant 16 : i32
        %mul3A_293 = arith.muli %add3A_291, %mul3A_292 : i32
        %get3A_294 = arith.index_cast %mul3A_293 : i32 to index
        %get3A_295 = tpu.vector_load %arg5[%get3A_294] {strides = array<i32>} : memref<53248xf32, #tpu.memory_space<vmem>>, vector<16xf32>,
        %broadcast_in_dim3A_296 = vector.broadcast %add3A_288 : i32 to vector<16xi32>
        tpu.vector_store_idx %arg7[%iota3A, %broadcast_in_dim3A_296], %get3A_295 : memref<16x128xf32, #tpu.memory_space<vmem>>[vector<16xi32>, vector<16xi32>], vector<16xf32>,
        %mul3A_297 = arith.constant 8 : i32
        %mul3A_298 = arith.muli %scan3A_238, %mul3A_297 : i32
        %add3A_299 = arith.constant 5 : i32
        %add3A_300 = arith.addi %mul3A_298, %add3A_299 : i32
        %mul3A_301 = arith.constant 26 : i32
        %mul3A_302 = arith.muli %add3A_300, %mul3A_301 : i32
        %add3A_303 = arith.addi %mul3A_302, %add3A_220 : i32
        %mul3A_304 = arith.constant 16 : i32
        %mul3A_305 = arith.muli %add3A_303, %mul3A_304 : i32
        %get3A_306 = arith.index_cast %mul3A_305 : i32 to index
        %get3A_307 = tpu.vector_load %arg5[%get3A_306] {strides = array<i32>} : memref<53248xf32, #tpu.memory_space<vmem>>, vector<16xf32>,
        %broadcast_in_dim3A_308 = vector.broadcast %add3A_300 : i32 to vector<16xi32>
        tpu.vector_store_idx %arg7[%iota3A, %broadcast_in_dim3A_308], %get3A_307 : memref<16x128xf32, #tpu.memory_space<vmem>>[vector<16xi32>, vector<16xi32>], vector<16xf32>,
        %mul3A_309 = arith.constant 8 : i32
        %mul3A_310 = arith.muli %scan3A_238, %mul3A_309 : i32
        %add3A_311 = arith.constant 6 : i32
        %add3A_312 = arith.addi %mul3A_310, %add3A_311 : i32
        %mul3A_313 = arith.constant 26 : i32
        %mul3A_314 = arith.muli %add3A_312, %mul3A_313 : i32
        %add3A_315 = arith.addi %mul3A_314, %add3A_220 : i32
        %mul3A_316 = arith.constant 16 : i32
        %mul3A_317 = arith.muli %add3A_315, %mul3A_316 : i32
        %get3A_318 = arith.index_cast %mul3A_317 : i32 to index
        %get3A_319 = tpu.vector_load %arg5[%get3A_318] {strides = array<i32>} : memref<53248xf32, #tpu.memory_space<vmem>>, vector<16xf32>,
        %broadcast_in_dim3A_320 = vector.broadcast %add3A_312 : i32 to vector<16xi32>
        tpu.vector_store_idx %arg7[%iota3A, %broadcast_in_dim3A_320], %get3A_319 : memref<16x128xf32, #tpu.memory_space<vmem>>[vector<16xi32>, vector<16xi32>], vector<16xf32>,
        %mul3A_321 = arith.constant 8 : i32
        %mul3A_322 = arith.muli %scan3A_238, %mul3A_321 : i32
        %add3A_323 = arith.constant 7 : i32
        %add3A_324 = arith.addi %mul3A_322, %add3A_323 : i32
        %mul3A_325 = arith.constant 26 : i32
        %mul3A_326 = arith.muli %add3A_324, %mul3A_325 : i32
        %add3A_327 = arith.addi %mul3A_326, %add3A_220 : i32
        %mul3A_328 = arith.constant 16 : i32
        %mul3A_329 = arith.muli %add3A_327, %mul3A_328 : i32
        %get3A_330 = arith.index_cast %mul3A_329 : i32 to index
        %get3A_331 = tpu.vector_load %arg5[%get3A_330] {strides = array<i32>} : memref<53248xf32, #tpu.memory_space<vmem>>, vector<16xf32>,
        %broadcast_in_dim3A_332 = vector.broadcast %add3A_324 : i32 to vector<16xi32>
        tpu.vector_store_idx %arg7[%iota3A, %broadcast_in_dim3A_332], %get3A_331 : memref<16x128xf32, #tpu.memory_space<vmem>>[vector<16xi32>, vector<16xi32>], vector<16xf32>,
      }
      %scan3A_231 = arith.constant 16 : i32
      %dma_start3A_232 = arith.constant 0 : i32
      %dma_start3A_233 = tpu.memref_slice %arg3[%add3A_220, %dma_start3A_232, %mul3A_177] : memref<26x16x16384xf32, #tpu.memory_space<hbm>> -> memref<1x16x128xf32, #tpu.memory_space<hbm>>
      %dma_start3A_234 = tpu.memref_squeeze %dma_start3A_233 : memref<1x16x128xf32, #tpu.memory_space<hbm>> -> memref<16x128xf32, #tpu.memory_space<hbm>>
      %dma_start3A_235 = arith.constant 0 : i32
      %dma_start3A_236 = tpu.memref_slice %arg3[%add3A_220, %dma_start3A_235, %mul3A_177] : memref<26x16x16384xf32, #tpu.memory_space<hbm>> -> memref<1x16x128xf32, #tpu.memory_space<hbm>>
      %dma_start3A_237 = tpu.memref_squeeze %dma_start3A_236 : memref<1x16x128xf32, #tpu.memory_space<hbm>> -> memref<16x128xf32, #tpu.memory_space<hbm>>
      tpu.enqueue_dma source(%arg7 : memref<16x128xf32, #tpu.memory_space<vmem>>) target(%dma_start3A_237 : memref<16x128xf32, #tpu.memory_space<hbm>>) target_semaphore(%arg11 : memref<!tpu.dma_semaphore, #tpu.memory_space<semaphore_mem>>)
    }
    %scan3A_183 = arith.constant 13 : i32
    %dma_wait3A_184 = arith.constant 24 : i32
    %dma_wait3A_185 = arith.constant 0 : i32
    %dma_wait3A_186 = tpu.memref_slice %arg3[%dma_wait3A_184, %dma_wait3A_185, %mul3A_177] : memref<26x16x16384xf32, #tpu.memory_space<hbm>> -> memref<1x16x128xf32, #tpu.memory_space<hbm>>
    %dma_wait3A_187 = tpu.memref_squeeze %dma_wait3A_186 : memref<1x16x128xf32, #tpu.memory_space<hbm>> -> memref<16x128xf32, #tpu.memory_space<hbm>>
    %dma_wait3A_188 = arith.constant 0 : i32
    %dma_wait3A_189 = tpu.memref_slice %arg3[%dma_wait3A_184, %dma_wait3A_188, %mul3A_177] : memref<26x16x16384xf32, #tpu.memory_space<hbm>> -> memref<1x16x128xf32, #tpu.memory_space<hbm>>
    %dma_wait3A_190 = tpu.memref_squeeze %dma_wait3A_189 : memref<1x16x128xf32, #tpu.memory_space<hbm>> -> memref<16x128xf32, #tpu.memory_space<hbm>>
    tpu.wait_dma2 semaphore(%arg10 : memref<!tpu.dma_semaphore, #tpu.memory_space<semaphore_mem>>) src(%arg6 : memref<16x128xf32, #tpu.memory_space<vmem>>) dst(%dma_wait3A_190 : memref<16x128xf32, #tpu.memory_space<hbm>>)
    %dma_wait3A_191 = arith.constant 25 : i32
    %dma_wait3A_192 = arith.constant 0 : i32
    %dma_wait3A_193 = tpu.memref_slice %arg3[%dma_wait3A_191, %dma_wait3A_192, %mul3A_177] : memref<26x16x16384xf32, #tpu.memory_space<hbm>> -> memref<1x16x128xf32, #tpu.memory_space<hbm>>
    %dma_wait3A_194 = tpu.memref_squeeze %dma_wait3A_193 : memref<1x16x128xf32, #tpu.memory_space<hbm>> -> memref<16x128xf32, #tpu.memory_space<hbm>>
    %dma_wait3A_195 = arith.constant 0 : i32
    %dma_wait3A_196 = tpu.memref_slice %arg3[%dma_wait3A_191, %dma_wait3A_195, %mul3A_177] : memref<26x16x16384xf32, #tpu.memory_space<hbm>> -> memref<1x16x128xf32, #tpu.memory_space<hbm>>
    %dma_wait3A_197 = tpu.memref_squeeze %dma_wait3A_196 : memref<1x16x128xf32, #tpu.memory_space<hbm>> -> memref<16x128xf32, #tpu.memory_space<hbm>>
    tpu.wait_dma2 semaphore(%arg11 : memref<!tpu.dma_semaphore, #tpu.memory_space<semaphore_mem>>) src(%arg7 : memref<16x128xf32, #tpu.memory_space<vmem>>) dst(%dma_wait3A_197 : memref<16x128xf32, #tpu.memory_space<hbm>>)
    return
  }
}

</mosaic_0001>

<sc_bundles>
// kernel: kernel.11.cloned.1.call-start
scs
__scs_entry_jumppad:
0x0: {  	(pc) =	sbr.rel $0x88, $3  }
0x1: {  	(tag) =	ssettag $0x0;
	lr =	simm.s32 $0x1  }
0x2: {  	[smem:$0x3F9F] =	sst lr;
	_ =	strace $0xD0000000  }
0x3: {  	_ = 	snop  }
0x4: {  	_ = 	snop  }
0x5: {  	_ = 	snop  }
0x6: {  	_ = 	snop  }
0x7: {  	_ = 	snop  }
__scs_overlays_trampoline_lowered:
0x8: {  	[smem:$0x3FAE] =	sst s0  }
0x9: {  	[smem:$0x3FAF] =	sst s1  }
0xa: {  	[smem:$0x3FB0] =	sst s2  }
0xb: {  	[smem:$0x3FB1] =	sst s3  }
0xc: {  	[smem:$0x3FB2] =	sst s4  }
0xd: {  	[smem:$0x3FB3] =	sst s5  }
0xe: {  	[smem:$0x3FB4] =	sst s6  }
0xf: {  	[smem:$0x3FB5] =	sst s7  }
0x10: {  	[smem:$0x3FB6] =	sst s8  }
0x11: {  	[smem:$0x3FB7] =	sst s9;
	s0 =	simm.s32 @!p0 $0x0  }
0x12: {  	s1 =	sld [smem:$0x3F9D];
	s0 =	simm.s32 @p0 $0x1  }
0x13: {  	[smem:$0x3FB8] =	sst s0;
	s0 =	simm.s32 @!p1 $0x0  }
0x14: {  	s2 =	sld [smem:$0x3F9C];
	s0 =	simm.s32 @p1 $0x1  }
0x15: {  	[smem:$0x3FB9] =	sst s0;
	s0 =	simm.s32 @!p2 $0x0  }
0x16: {  	s3 =	sld [smem:$0x3FDB];
	s0 =	simm.s32 @p2 $0x1  }
0x17: {  	s4 =	simm.s32 $0x1BF5;
	[smem:$0x3FBB] =	sst s0  }
0x18: {  	s0 =	sld [smem:$0x3F9E];
	_ =	swait.ge [sflag:s4], $0x0  }
0x19: {  	s7 =	sld [smem:$0x3F9F]  }
0x1a: {  	s8 =	sadd.s32 $0xFFFFE003, lr  }
0x1b: {  	s9 =	sadd.s32 $0xFFFFFEF7, lr;
	s5 =	simm.s32 $0xFFFFFFFF;
	p2 =	slt.u32 s8, $0xFFFFF086  }
0x1c: {  	p1 =	slt.u32 s9, $0xF7A;
	s5 =	simm.s32 @!p2 $0x0  }
0x1d: {  	s5 =	simm.s32 @p1 $0x1;
	p0 =	seq.s32 s7, s2  }
0x1e: {  	s7 =	smul.u32 @!p0 $0xF7A, s2;
	p2 =	seq.s32 @!p0 s5, $0x0  }
0x1f: {  	s9 =	smul.u32 $0xF7A, s1;
	s8 =	simm.s32 @!p0 $0x1BF5;
	p2 =	por !p2, p0  }
0x20: {  	[sflag:s8] =	ssyncset.s32 @!p0 $0xFFFFF086;
	s6 =	sadd.s32 @!p0 s3, s7;
	s7 =	simm.s32 @!p0 $0x108  }
0x21: {  	s3 =	sadd.s32 s3, s9;
	s6 =	sadd.s32 @!p0 $0x88, s6;
	s7 =	simm.s32 @p2 $0x1082  }
0x22: {  	[simem:s7], [sflag:s8] =	dma.local @!p0 [hbm:s6], $0xF7A  }
0x23: {  	s9 =	sor.u32 $0xD0000000, s2;
	s6 =	simm.s32 $0x108;
	_ =	swait.ge @!p0 [sflag:s8], $0x0  }
0x24: {  	s3 =	sadd.s32 $0x88, s3;
	s6 =	simm.s32 @!p1 $0x1082;
	[sflag:s4] =	ssyncset.s32 $0xFFFFF086  }
0x25: {  	[simem:s6], [sflag:s4] =	dma.local [hbm:s3], $0xF7A  }
0x26: {  	[smem:$0x3F9F] =	sst s1;
	(tag) =	ssettag s2;
	_ =	strace s9  }
0x27: {  	s1 =	sld [smem:$0x3FAF]  }
0x28: {  	s2 =	sld [smem:$0x3FB0]  }
0x29: {  	s4 =	sld [smem:$0x3FB2]  }
0x2a: {  	p0 =	seq.s32 s5, $0x0;
	s5 =	sld [smem:$0x3FB3]  }
0x2b: {  	s6 =	sld [smem:$0x3FB4]  }
0x2c: {  	s7 =	sld [smem:$0x3FB5]  }
0x2d: {  	s3 =	simm.s32 $0x108;
	s8 =	sld [smem:$0x3FB6]  }
0x2e: {  	s3 =	simm.s32 @!p0 $0x1082;
	s9 =	sld [smem:$0x3FB7]  }
0x2f: {  	lr =	sadd.s32 s0, s3;
	s0 =	sld [smem:$0x3FAE]  }
0x30: {  	s3 =	sld [smem:$0x3FB1]  }
0x31: {  	[smem:$0x3FBA] =	sst s10  }
0x32: {  	s10 =	sld [smem:$0x3FB8];
	_ =	sdelay $0x3  }
0x33: {  	p0 =	seq.s32 s10, $0x1;
	s10 =	sld [smem:$0x3FBA];
	_ =	sdelay $0x3  }
0x34: {  	[smem:$0x3FBA] =	sst s10  }
0x35: {  	s10 =	sld [smem:$0x3FB9];
	_ =	sdelay $0x3  }
0x36: {  	p1 =	seq.s32 s10, $0x1;
	s10 =	sld [smem:$0x3FBA];
	_ =	sdelay $0x3  }
0x37: {  	[smem:$0x3FBA] =	sst s10  }
0x38: {  	s10 =	sld [smem:$0x3FBB]  }
0x39: {  	_ = 	snop;
	(pc) =	sbr.ind lr, $3  }
0x3a: {  	_ = 	snop  }
0x3b: {  	_ = 	snop  }
0x3c: {  	p2 =	seq.s32 s10, $0x1;
	s10 =	sld [smem:$0x3FBA]  }
0x3d: {  	_ =	shalt  }
0x3e: {  	_ =	shalt  }
0x3f: {  	_ =	shalt  }
0x40: {  	_ =	shalt  }
0x41: {  	_ =	shalt  }
0x42: {  	_ =	shalt  }
0x43: {  	_ =	shalt  }
0x44: {  	_ =	shalt  }
0x45: {  	_ =	shalt  }
0x46: {  	_ =	shalt  }
0x47: {  	_ =	shalt  }
0x48: {  	_ =	shalt  }
0x49: {  	_ =	shalt  }
0x4a: {  	_ =	shalt  }
0x4b: {  	_ =	shalt  }
0x4c: {  	_ =	shalt  }
0x4d: {  	_ =	shalt  }
0x4e: {  	_ =	shalt  }
0x4f: {  	_ =	shalt  }
0x50: {  	_ =	shalt  }
0x51: {  	_ =	shalt  }
0x52: {  	_ =	shalt  }
0x53: {  	_ =	shalt  }
0x54: {  	_ =	shalt  }
0x55: {  	_ =	shalt  }
0x56: {  	_ =	shalt  }
0x57: {  	_ =	shalt  }
0x58: {  	_ =	shalt  }
0x59: {  	_ =	shalt  }
0x5a: {  	_ =	shalt  }
0x5b: {  	_ =	shalt  }
0x5c: {  	_ =	shalt  }
0x5d: {  	_ =	shalt  }
0x5e: {  	_ =	shalt  }
0x5f: {  	_ =	shalt  }
0x60: {  	_ =	shalt  }
0x61: {  	_ =	shalt  }
0x62: {  	_ =	shalt  }
0x63: {  	_ =	shalt  }
0x64: {  	_ =	shalt  }
0x65: {  	_ =	shalt  }
0x66: {  	_ =	shalt  }
0x67: {  	_ =	shalt  }
0x68: {  	_ =	shalt  }
0x69: {  	_ =	shalt  }
0x6a: {  	_ =	shalt  }
0x6b: {  	_ =	shalt  }
0x6c: {  	_ =	shalt  }
0x6d: {  	_ =	shalt  }
0x6e: {  	_ =	shalt  }
0x6f: {  	_ =	shalt  }
0x70: {  	_ =	shalt  }
0x71: {  	_ =	shalt  }
0x72: {  	_ =	shalt  }
0x73: {  	_ =	shalt  }
0x74: {  	_ =	shalt  }
0x75: {  	_ =	shalt  }
0x76: {  	_ =	shalt  }
0x77: {  	_ =	shalt  }
0x78: {  	_ =	shalt  }
0x79: {  	_ =	shalt  }
0x7a: {  	_ =	shalt  }
0x7b: {  	_ =	shalt  }
0x7c: {  	_ =	shalt  }
0x7d: {  	_ =	shalt  }
0x7e: {  	_ =	shalt  }
0x7f: {  	_ =	shalt  }
0x80: {  	_ =	shalt  }
0x81: {  	_ =	shalt  }
0x82: {  	_ =	shalt  }
0x83: {  	_ =	shalt  }
0x84: {  	_ =	shalt  }
0x85: {  	_ =	shalt  }
0x86: {  	_ =	shalt  }
0x87: {  	_ =	shalt  }
.Lfunc_end0:
.L_simem_size_0:
called_computation.2_lowered:
.L_overlay_start_0:
0x88: {  	s2 =	sld [smem:$0x3FD9]  }
0x89: {  	s3 =	sld [smem:$0x3FFE];
	_ =	sdelay $0x1  }
0x8a: {  	s1 =	srdreg.scid  }
0x8b: {  	s0 =	sand.u32 $0x1, s1  }
0x8c: {  	s17 =	sshll.u32 s0, $0xA;
	s2 =	sadd.s32 s3, s2  }
0x8d: {  	s2 =	sadd.s32 s2, s17  }
0x8e: {  	[smem:$0x3FC6] =	sst s2  }
0x8f: {  	_ = 	snop  }
0x90: {  	s2 =	sld [smem:$0x3FD0];
	(tm) =	ssettm $0x1  }
0x91: {  	s18 =	sld [smem:$0x3FFB];
	_ =	sdelay $0x3  }
0x92: {  	_ =	strace s18  }
0x93: {  	s3 =	sld [smem:$0x3FFC];
	_ =	sdelay $0x3  }
0x94: {  	_ =	strace s3  }
0x95: {  	s3 =	sld [smem:$0x3FFD];
	_ =	sdelay $0x3  }
0x96: {  	_ =	strace s3  }
0x97: {  	_ =	strace $0x8FFFFFFF  }
0x98: {  	s19 =	sld [smem:$0x3FDB];
	_ =	sdelay $0x1  }
0x99: {  	s4 =	simm.s32 $_scs_section_size  }
0x9a: {  	s5 =	simm.s32 $_size__tile_overlayer_lowered;
	s6 =	simm.s32 $_tile_overlayer_lowered  }
0x9b: {  	s22 =	simm.s32 $0x1BFF;
	s21 =	sshll.u32 s6, $0x1;
	s3 =	sadd.s32 s4, s19  }
0x9c: {  	s7 =	simm.s32 $0x0;
	s20 =	sshll.u32 s5, $0x1;
	s5 =	sadd.s32 s21, s3  }
0x9d: {  	[timem:s7], [sflag:s22] =	dma.local [hbm:s5], s20  }
0x9e: {  	_ =	swait.ge [sflag:s22], s20  }
0x9f: {  	s4 =	ssub.s32 $0x0, s20;
	[sflag:s22] =	ssyncset.done $0x0  }
0xa0: {  	[sflag:s22] =	ssyncadd.s32 s4;
	_ =	sdelay $0x1  }
0xa1: {  	s23 =	simm.s32 $0x1B8B  }
0xa2: {  	_ =	swait.ge [sflag:s23], $0x1  }
0xa3: {  	[sflag:s23] =	ssyncset.done $0x0  }
0xa4: {  	s25 =	simm.s32 $0x1B8E;
	s24 =	sld [smem:$0x3FFE];
	[sflag:s23] =	ssyncadd.s32 $0xFFFFFFFF  }
0xa5: {  	s26 =	simm.s32 $execute0_lowered;
	[smem:$0x3FD2] =	sst s25  }
0xa6: {  	s5 =	sshll.u32 s26, $0x1;
	_ =	strace $0x8000004C;
	[dreg:$0x1] =	wrdreg $0xFFFFFFFF  }
0xa7: {  	s28 =	simm.s32 $_size_execute0_lowered;
	s3 =	sadd.s32 s3, s5;
	[dreg:$0x0] =	wrdreg $0x0  }
0xa8: {  	s5 =	sshll.u32 s28, $0x1;
	[dreg:$0x2] =	wrdreg s3  }
0xa9: {  	[dreg:$0x3] =	wrdreg s5  }
0xaa: {  	[dreg:$0x4] =	wrdreg $0xC0  }
0xab: {  	_ =	task [dreg:s7], $0x5FFFF  }
0xac: {  	[dreg:$0x1] =	wrdreg $0xFFFFFFFF  }
0xad: {  	[dreg:$0x0] =	wrdreg $0x60  }
0xae: {  	[dreg:$0x2] =	wrdreg s24  }
0xaf: {  	[dreg:$0x3] =	wrdreg s2  }
0xb0: {  	[dreg:$0x4] =	wrdreg $0x9  }
0xb1: {  	_ =	task.clear_ibuf [dreg:s7], $0x5FFFF;
	_ =	strace $0x9000004C  }
0xb2: {  	s29 =	simm.s32 $0x9;
	_ =	strace $0x8000004E  }
0xb3: {  	_ =	swait.ge [sflag:s29], $0x1  }
0xb4: {  	[sflag:s29] =	ssyncadd.s32 $0xFFFFFFFF  }
0xb5: {  	_ =	strace $0x9000004E  }
0xb6: {  	_ =	sfence  }
0xb7: {  	s30 =	sld [smem:$0x0];
	_ =	sdelay $0x2  }
0xb8: {  	s31 =	sshll.u32 s1, $0xD;
	s1 =	sshrl.u32 s1, $0x2  }
0xb9: {  	s3 =	sand.u32 $0x4000, s31;
	s1 =	sadd.s32 s1, s30  }
0xba: {  	s0 =	sor.u32 s3, s0;
	s1 =	sshll.u32 s1, $0x11  }
0xbb: {  	s0 =	sor.u32 s1, s0  }
0xbc: {  	s0 =	sadd.s32 $0x8F2B, s0  }
0xbd: {  	[sflag:s0] =	ssyncadd.remote.s32 $0x1  }
0xbe: {  	_ =	sfence.sel $0xFFFF  }
0xbf: {  	[dreg:$0x0] =	wrdreg $0xFFFFFFFF;
	(pc) =	sbr.abs _section_cstart, $3  }
0xc0: {  	[dreg:$0x1] =	wrdreg $0xFFFFFFFF  }
0xc1: {  	_ =	task.clear_ibuf [dreg:s7], $0x2FFFF;
	_ =	strace $0x9FFFFFFF  }
0xc2: {  	(tm) =	ssettm $0x7FFFFFFF  }
0xc3: {  	_ =	shalt  }
tec
execute0_lowered:
.L_overlay_start_1:
0x0: {  	(tag) =	ssettag $0x1  }
0x1: {  	s4 =	rddreg [dreg:$0x0]  }
0x2: {  	s2 =	rddreg [dreg:$0x1]  }
0x3: {  	s0 =	rddreg [dreg:$0x2]  }
0x4: {  	s5 =	srdreg.scid;
	s1 =	stileid.u32;
	s3 =	simm.s32 $0x0  }
0x5: {  	s16 =	simm.s32 $0x400;
	s17 =	simm.s32 $0x20000;
	s18 =	simm.s32 $0x1A800  }
0x6: {  	s19 =	simm.s32 $0x3;
	s20 =	simm.s32 $0x4;
	s21 =	simm.s32 $0x2  }
0x7: {  	s22 =	simm.s32 $0x0;
	s5 =	sand.u32 $0x1, s5;
	s6 =	sshll.u32 s1, $0x1  }
0x8: {  	[smem:$0x7FF] =	sst s3;
	s9 =	sadd.s32 $0x4F6E00, s4;
	s6 =	sor.u32 s5, s6  }
0x9: {  	s7 =	sshll.u32 s6, $0x2;
	s30 =	smul.u32 $0x6800, s6;
	s13 =	sshllo.u32 s6, $0x2  }
0xa: {  	_ =	strace $0x8000004D;
	s8 =	sor.u32 $0x1, s7;
	s15 =	smul.u32 $0x1A00, s13  }
0xb: {  	s5 =	ssub.s32 $0x2, s5;
	s11 =	sor.u32 $0x2, s7;
	s10 =	smul.u32 $0x1A00, s8  }
0xc: {  	s31 =	sshrl.u32 s5, $0x1;
	s6 =	sshll.u32 s6, $0xC;
	s12 =	smul.u32 $0x1A00, s11  }
0xd: {  	s14 =	ssub.s32 s5, s31;
	s4 =	sadd.s32 s9, s30;
	s8 =	sshll.u32 s8, $0xA  }
0xe: {  	s5 =	sadd.s32 s9, s10;
	s7 =	sadd.s32 s9, s12;
	s9 =	sadd.s32 s9, s15  }
0xf: {  	v0 =	vlaneseq.u32;
	s10 =	sshll.u32 s11, $0xA;
	s11 =	sshll.u32 s13, $0xA;
	s12 =	smax.u32 s14, $0x1  }
0x10: {  	v0 =	vmul.u32 $0x80, v0;
	s13 =	simm.s32 $0xD000;
	s14 =	simm.s32 $0x1;
	s15 =	simm.s32 $0x1A000  }
.LBB2_1:
0x11: {  	[tilespmem:s3], [sflag:$0x1] =	stream.linear.gather [hbm4b:s4+s3], $0xD000, $0x38;
	[tilespmem:$0x1B000] =	vst v63  }
0x12: {  	_ = 	snop  }
0x13: {  	[tilespmem:s13], [sflag:$0x2] =	stream.linear.gather [hbm4b:s5+s3], $0xD000, $0x38;
	[tilespmem:$0x1B000] =	vst v63  }
0x14: {  	_ =	swait.ge [sflag:s14], $0xD000  }
0x15: {  	s23 =	simm.s32 $0x680;
	[sflag:s14] =	ssyncset.done $0x0  }
0x16: {  	s24 =	simm.s32 $0x690;
	s25 =	simm.s32 $0x0;
	[sflag:s14] =	ssyncadd.s32 $0xFFFF3000  }
.LBB2_2:
0x17: {  	p0 =	seq.s32 s25, $0x0;
	s26 =	simm.s32 $0x0  }
0x18: {  	s28 =	simm.s32 @!p0 $0x3;
	v1 =	vmov s26  }
0x19: {  	_ =	swait.ge @!p0 [sflag:s28], $0x800;
	v1 =	vand.u32 $0x78, v1  }
0x1a: {  	[sflag:s28] =	ssyncset.done @!p0 $0x0;
	v1 =	vbroadcast v1, $0x0  }
0x1b: {  	[sflag:s28] =	ssyncadd.s32 @!p0 $0xFFFFF800  }
0x1c: {  	v2 =	vld [tilespmem:s23+$0xFFFFF980];
	v1 =	vor.u32 v0, v1  }
0x1d: {  	s26 =	simm.s32 $0x1  }
0x1e: {  	v3 =	vmov s26  }
0x1f: {  	v3 =	vand.u32 $0x79, v3  }
0x20: {  	v3 =	vbroadcast v3, $0x0  }
0x21: {  	[tilespmem:v1+s15+$0x0] =	vst.idx.msk $0xffff, v2  }
0x22: {  	v2 =	vor.u32 v0, v3;
	v1 =	vld [tilespmem:s23+$0xFFFFFB20]  }
0x23: {  	s26 =	simm.s32 $0x2  }
0x24: {  	v3 =	vmov s26  }
0x25: {  	v3 =	vand.u32 $0x7A, v3  }
0x26: {  	v3 =	vbroadcast v3, $0x0  }
0x27: {  	[tilespmem:v2+s15+$0x0] =	vst.idx.msk $0xffff, v1  }
0x28: {  	v2 =	vor.u32 v0, v3;
	v1 =	vld [tilespmem:s23+$0xFFFFFCC0]  }
0x29: {  	s26 =	simm.s32 $0x3  }
0x2a: {  	v3 =	vmov s26  }
0x2b: {  	v3 =	vand.u32 $0x7B, v3  }
0x2c: {  	v3 =	vbroadcast v3, $0x0  }
0x2d: {  	[tilespmem:v2+s15+$0x0] =	vst.idx.msk $0xffff, v1  }
0x2e: {  	v2 =	vor.u32 v0, v3;
	v1 =	vld [tilespmem:s23+$0xFFFFFE60]  }
0x2f: {  	s26 =	simm.s32 $0x4  }
0x30: {  	v3 =	vmov s26  }
0x31: {  	v3 =	vand.u32 $0x7C, v3  }
0x32: {  	v3 =	vbroadcast v3, $0x0  }
0x33: {  	[tilespmem:v2+s15+$0x0] =	vst.idx.msk $0xffff, v1  }
0x34: {  	v2 =	vor.u32 v0, v3;
	v1 =	vld [tilespmem:s23+$0x0]  }
0x35: {  	s26 =	simm.s32 $0x5  }
0x36: {  	v3 =	vmov s26  }
0x37: {  	v3 =	vand.u32 $0x7D, v3  }
0x38: {  	v3 =	vbroadcast v3, $0x0  }
0x39: {  	[tilespmem:v2+s15+$0x0] =	vst.idx.msk $0xffff, v1  }
0x3a: {  	v2 =	vor.u32 v0, v3;
	v1 =	vld [tilespmem:s23+$0x1A0]  }
0x3b: {  	s26 =	simm.s32 $0x6  }
0x3c: {  	v3 =	vmov s26  }
0x3d: {  	v3 =	vand.u32 $0x7E, v3  }
0x3e: {  	v3 =	vbroadcast v3, $0x0  }
0x3f: {  	[tilespmem:v2+s15+$0x0] =	vst.idx.msk $0xffff, v1  }
0x40: {  	v2 =	vor.u32 v0, v3;
	v1 =	vld [tilespmem:s23+$0x340]  }
0x41: {  	s26 =	simm.s32 $0x7  }
0x42: {  	v3 =	vmov s26  }
0x43: {  	v3 =	vand.u32 $0x7F, v3  }
0x44: {  	v3 =	vbroadcast v3, $0x0  }
0x45: {  	[tilespmem:v2+s15+$0x0] =	vst.idx.msk $0xffff, v1  }
0x46: {  	s31 =	simm.s32 $0x8;
	s30 =	simm.s32 $0x17;
	v2 =	vor.u32 v0, v3;
	v1 =	vld [tilespmem:s23+$0x4E0]  }
0x47: {  	s29 =	smov.u32 s23;
	s28 =	simm.s32 $0xF;
	s26 =	sshll.u32 s25, $0x1  }
.LBB2_3:
0x48: {  	p1 =	sne.s32 s30, $0x7F;
	v3 =	vmov s31  }
0x49: {  	v3 =	vand.u32 $0x78, v3  }
0x4a: {  	v3 =	vbroadcast v3, $0x0  }
0x4b: {  	s29 =	sadd.s32 $0xD00, s29;
	[tilespmem:v2+s15+$0x0] =	vst.idx.msk $0xffff, v1  }
0x4c: {  	v1 =	vld [tilespmem:s29+$0xFFFFF980];
	v2 =	vor.u32 v0, v3  }
0x4d: {  	s31 =	sadd.s32 $0xFFFFFFFA, s28  }
0x4e: {  	v3 =	vmov s31  }
0x4f: {  	v3 =	vand.u32 $0x79, v3  }
0x50: {  	v3 =	vbroadcast v3, $0x0  }
0x51: {  	[tilespmem:v2+s15+$0x0] =	vst.idx.msk $0xffff, v1  }
0x52: {  	v2 =	vor.u32 v0, v3;
	v1 =	vld [tilespmem:s29+$0xFFFFFB20]  }
0x53: {  	s31 =	sadd.s32 $0xFFFFFFFB, s28  }
0x54: {  	v3 =	vmov s31  }
0x55: {  	v3 =	vand.u32 $0x7A, v3  }
0x56: {  	v3 =	vbroadcast v3, $0x0  }
0x57: {  	[tilespmem:v2+s15+$0x0] =	vst.idx.msk $0xffff, v1  }
0x58: {  	v2 =	vor.u32 v0, v3;
	v1 =	vld [tilespmem:s29+$0xFFFFFCC0]  }
0x59: {  	s31 =	sadd.s32 $0xFFFFFFFC, s28  }
0x5a: {  	v3 =	vmov s31  }
0x5b: {  	v3 =	vand.u32 $0x7B, v3  }
0x5c: {  	v3 =	vbroadcast v3, $0x0  }
0x5d: {  	[tilespmem:v2+s15+$0x0] =	vst.idx.msk $0xffff, v1  }
0x5e: {  	v2 =	vor.u32 v0, v3;
	v1 =	vld [tilespmem:s29+$0xFFFFFE60]  }
0x5f: {  	s31 =	sadd.s32 $0xFFFFFFFD, s28  }
0x60: {  	v3 =	vmov s31  }
0x61: {  	v3 =	vand.u32 $0x7C, v3  }
0x62: {  	v3 =	vbroadcast v3, $0x0  }
0x63: {  	[tilespmem:v2+s15+$0x0] =	vst.idx.msk $0xffff, v1  }
0x64: {  	v2 =	vor.u32 v0, v3;
	v1 =	vld [tilespmem:s29+$0x0]  }
0x65: {  	s31 =	sadd.s32 $0xFFFFFFFE, s28  }
0x66: {  	v3 =	vmov s31  }
0x67: {  	v3 =	vand.u32 $0x7D, v3  }
0x68: {  	v3 =	vbroadcast v3, $0x0  }
0x69: {  	[tilespmem:v2+s15+$0x0] =	vst.idx.msk $0xffff, v1  }
0x6a: {  	v2 =	vor.u32 v0, v3;
	v1 =	vld [tilespmem:s29+$0x1A0]  }
0x6b: {  	s31 =	sadd.s32 $0xFFFFFFFF, s28  }
0x6c: {  	v3 =	vmov s31  }
0x6d: {  	v3 =	vand.u32 $0x7E, v3  }
0x6e: {  	v3 =	vbroadcast v3, $0x0  }
0x6f: {  	[tilespmem:v2+s15+$0x0] =	vst.idx.msk $0xffff, v1  }
0x70: {  	v2 =	vor.u32 v0, v3;
	v1 =	vld [tilespmem:s29+$0x340];
	_ =	sdelay $0x1  }
0x71: {  	v3 =	vmov s28;
	s28 =	smov.u32 s30  }
.Ltmp0:
0x72: {  	v3 =	vand.u32 $0x7F, v3;
	(pc) =	sbr.rel @p1 .LBB2_3-.Ltmp0, $4  }
0x73: {  	v3 =	vbroadcast v3, $0x0  }
0x74: {  	[tilespmem:v2+s15+$0x0] =	vst.idx.msk $0xffff, v1  }
0x75: {  	v2 =	vor.u32 v0, v3;
	v1 =	vld [tilespmem:s29+$0x4E0]  }
0x76: {  	s30 =	sadd.s32 $0x8, s30;
	s31 =	sadd.s32 $0xFFFFFFF9, s28  }
0x77: {  	_ = 	snop  }
0x78: {  	v3 =	vmov s31  }
0x79: {  	v3 =	vand.u32 $0x78, v3  }
0x7a: {  	v3 =	vbroadcast v3, $0x0  }
0x7b: {  	s29 =	sadd.s32 $0xD00, s29;
	[tilespmem:v2+s15+$0x0] =	vst.idx.msk $0xffff, v1  }
0x7c: {  	v1 =	vld [tilespmem:s29+$0xFFFFF980];
	v2 =	vor.u32 v0, v3  }
0x7d: {  	s30 =	sadd.s32 $0xFFFFFFFA, s28  }
0x7e: {  	v3 =	vmov s30  }
0x7f: {  	v3 =	vand.u32 $0x79, v3  }
0x80: {  	v3 =	vbroadcast v3, $0x0  }
0x81: {  	[tilespmem:v2+s15+$0x0] =	vst.idx.msk $0xffff, v1  }
0x82: {  	v2 =	vor.u32 v0, v3;
	v1 =	vld [tilespmem:s29+$0xFFFFFB20]  }
0x83: {  	s30 =	sadd.s32 $0xFFFFFFFB, s28  }
0x84: {  	v3 =	vmov s30  }
0x85: {  	v3 =	vand.u32 $0x7A, v3  }
0x86: {  	v3 =	vbroadcast v3, $0x0  }
0x87: {  	[tilespmem:v2+s15+$0x0] =	vst.idx.msk $0xffff, v1  }
0x88: {  	v2 =	vor.u32 v0, v3;
	v1 =	vld [tilespmem:s29+$0xFFFFFCC0]  }
0x89: {  	s30 =	sadd.s32 $0xFFFFFFFC, s28  }
0x8a: {  	v3 =	vmov s30  }
0x8b: {  	v3 =	vand.u32 $0x7B, v3  }
0x8c: {  	v3 =	vbroadcast v3, $0x0  }
0x8d: {  	[tilespmem:v2+s15+$0x0] =	vst.idx.msk $0xffff, v1  }
0x8e: {  	v2 =	vor.u32 v0, v3;
	v1 =	vld [tilespmem:s29+$0xFFFFFE60]  }
0x8f: {  	s30 =	sadd.s32 $0xFFFFFFFD, s28  }
0x90: {  	v3 =	vmov s30  }
0x91: {  	v3 =	vand.u32 $0x7C, v3  }
0x92: {  	v3 =	vbroadcast v3, $0x0  }
0x93: {  	[tilespmem:v2+s15+$0x0] =	vst.idx.msk $0xffff, v1  }
0x94: {  	v2 =	vor.u32 v0, v3;
	v1 =	vld [tilespmem:s29+$0x0]  }
0x95: {  	s30 =	sadd.s32 $0xFFFFFFFE, s28  }
0x96: {  	v3 =	vmov s30  }
0x97: {  	v3 =	vand.u32 $0x7D, v3  }
0x98: {  	v3 =	vbroadcast v3, $0x0  }
0x99: {  	[tilespmem:v2+s15+$0x0] =	vst.idx.msk $0xffff, v1  }
0x9a: {  	v2 =	vor.u32 v0, v3;
	v1 =	vld [tilespmem:s29+$0x1A0]  }
0x9b: {  	s30 =	sadd.s32 $0xFFFFFFFF, s28  }
0x9c: {  	v3 =	vmov s30  }
0x9d: {  	v3 =	vand.u32 $0x7E, v3  }
0x9e: {  	v3 =	vbroadcast v3, $0x0  }
0x9f: {  	[tilespmem:v2+s15+$0x0] =	vst.idx.msk $0xffff, v1  }
0xa0: {  	v2 =	vor.u32 v0, v3;
	v1 =	vld [tilespmem:s29+$0x340];
	_ =	sdelay $0x1  }
0xa1: {  	v3 =	vmov s28  }
0xa2: {  	v3 =	vand.u32 $0x7F, v3  }
0xa3: {  	v3 =	vbroadcast v3, $0x0  }
0xa4: {  	[tilespmem:v2+s15+$0x0] =	vst.idx.msk $0xffff, v1  }
0xa5: {  	v2 =	vor.u32 v0, v3;
	v1 =	vld [tilespmem:s29+$0x4E0];
	_ =	sdelay $0x1  }
0xa6: {  	s28 =	sshll.u32 s25, $0x13  }
0xa7: {  	s28 =	sor.u32 s6, s28  }
0xa8: {  	s28 =	sshrl.u32 s28, $0x3  }
0xa9: {  	s28 =	sadd.s32 s2, s28;
	[tilespmem:v2+s15+$0x0] =	vst.idx.msk $0xffff, v1  }
0xaa: {  	[hbm4b:s28+s16] =	stream.strided.scatter [tilespmem:s15], [sflag:$0x3], $0x800, s17, s16, $0x38;
	[tilespmem:$0x1B000] =	vst v63  }
0xab: {  	s28 =	simm.s32 $0x0  }
0xac: {  	s29 =	simm.s32 @!p0 $0x4;
	v1 =	vmov s28  }
0xad: {  	_ =	swait.ge @!p0 [sflag:s29], $0x800;
	v1 =	vand.u32 $0x78, v1  }
0xae: {  	[sflag:s29] =	ssyncset.done @!p0 $0x0;
	v1 =	vbroadcast v1, $0x0  }
0xaf: {  	[sflag:s29] =	ssyncadd.s32 @!p0 $0xFFFFF800  }
0xb0: {  	v2 =	vld [tilespmem:s24+$0xFFFFF980];
	v1 =	vor.u32 v0, v1  }
0xb1: {  	s28 =	simm.s32 $0x1  }
0xb2: {  	v3 =	vmov s28  }
0xb3: {  	v3 =	vand.u32 $0x79, v3  }
0xb4: {  	v3 =	vbroadcast v3, $0x0  }
0xb5: {  	[tilespmem:v1+s18+$0x0] =	vst.idx.msk $0xffff, v2  }
0xb6: {  	v2 =	vor.u32 v0, v3;
	v1 =	vld [tilespmem:s24+$0xFFFFFB20]  }
0xb7: {  	s28 =	simm.s32 $0x2  }
0xb8: {  	v3 =	vmov s28  }
0xb9: {  	v3 =	vand.u32 $0x7A, v3  }
0xba: {  	v3 =	vbroadcast v3, $0x0  }
0xbb: {  	[tilespmem:v2+s18+$0x0] =	vst.idx.msk $0xffff, v1  }
0xbc: {  	v2 =	vor.u32 v0, v3;
	v1 =	vld [tilespmem:s24+$0xFFFFFCC0]  }
0xbd: {  	s28 =	simm.s32 $0x3  }
0xbe: {  	v3 =	vmov s28  }
0xbf: {  	v3 =	vand.u32 $0x7B, v3  }
0xc0: {  	v3 =	vbroadcast v3, $0x0  }
0xc1: {  	[tilespmem:v2+s18+$0x0] =	vst.idx.msk $0xffff, v1  }
0xc2: {  	v2 =	vor.u32 v0, v3;
	v1 =	vld [tilespmem:s24+$0xFFFFFE60]  }
0xc3: {  	s28 =	simm.s32 $0x4  }
0xc4: {  	v3 =	vmov s28  }
0xc5: {  	v3 =	vand.u32 $0x7C, v3  }
0xc6: {  	v3 =	vbroadcast v3, $0x0  }
0xc7: {  	[tilespmem:v2+s18+$0x0] =	vst.idx.msk $0xffff, v1  }
0xc8: {  	v2 =	vor.u32 v0, v3;
	v1 =	vld [tilespmem:s24+$0x0]  }
0xc9: {  	s28 =	simm.s32 $0x5  }
0xca: {  	v3 =	vmov s28  }
0xcb: {  	v3 =	vand.u32 $0x7D, v3  }
0xcc: {  	v3 =	vbroadcast v3, $0x0  }
0xcd: {  	[tilespmem:v2+s18+$0x0] =	vst.idx.msk $0xffff, v1  }
0xce: {  	v2 =	vor.u32 v0, v3;
	v1 =	vld [tilespmem:s24+$0x1A0]  }
0xcf: {  	s28 =	simm.s32 $0x6  }
0xd0: {  	v3 =	vmov s28  }
0xd1: {  	v3 =	vand.u32 $0x7E, v3  }
0xd2: {  	v3 =	vbroadcast v3, $0x0  }
0xd3: {  	[tilespmem:v2+s18+$0x0] =	vst.idx.msk $0xffff, v1  }
0xd4: {  	v2 =	vor.u32 v0, v3;
	v1 =	vld [tilespmem:s24+$0x340]  }
0xd5: {  	s28 =	simm.s32 $0x7  }
0xd6: {  	v3 =	vmov s28  }
0xd7: {  	v3 =	vand.u32 $0x7F, v3  }
0xd8: {  	v3 =	vbroadcast v3, $0x0  }
0xd9: {  	[tilespmem:v2+s18+$0x0] =	vst.idx.msk $0xffff, v1  }
0xda: {  	s26 =	sor.u32 $0x1, s26;
	s31 =	simm.s32 $0x8;
	v2 =	vor.u32 v0, v3;
	v1 =	vld [tilespmem:s24+$0x4E0]  }
0xdb: {  	s30 =	simm.s32 $0x17;
	s29 =	smov.u32 s24;
	s28 =	simm.s32 $0xF  }
.LBB2_5:
0xdc: {  	p0 =	sne.s32 s30, $0x7F;
	v3 =	vmov s31  }
0xdd: {  	v3 =	vand.u32 $0x78, v3  }
0xde: {  	v3 =	vbroadcast v3, $0x0  }
0xdf: {  	s29 =	sadd.s32 $0xD00, s29;
	[tilespmem:v2+s18+$0x0] =	vst.idx.msk $0xffff, v1  }
0xe0: {  	v1 =	vld [tilespmem:s29+$0xFFFFF980];
	v2 =	vor.u32 v0, v3  }
0xe1: {  	s31 =	sadd.s32 $0xFFFFFFFA, s28  }
0xe2: {  	v3 =	vmov s31  }
0xe3: {  	v3 =	vand.u32 $0x79, v3  }
0xe4: {  	v3 =	vbroadcast v3, $0x0  }
0xe5: {  	[tilespmem:v2+s18+$0x0] =	vst.idx.msk $0xffff, v1  }
0xe6: {  	v2 =	vor.u32 v0, v3;
	v1 =	vld [tilespmem:s29+$0xFFFFFB20]  }
0xe7: {  	s31 =	sadd.s32 $0xFFFFFFFB, s28  }
0xe8: {  	v3 =	vmov s31  }
0xe9: {  	v3 =	vand.u32 $0x7A, v3  }
0xea: {  	v3 =	vbroadcast v3, $0x0  }
0xeb: {  	[tilespmem:v2+s18+$0x0] =	vst.idx.msk $0xffff, v1  }
0xec: {  	v2 =	vor.u32 v0, v3;
	v1 =	vld [tilespmem:s29+$0xFFFFFCC0]  }
0xed: {  	s31 =	sadd.s32 $0xFFFFFFFC, s28  }
0xee: {  	v3 =	vmov s31  }
0xef: {  	v3 =	vand.u32 $0x7B, v3  }
0xf0: {  	v3 =	vbroadcast v3, $0x0  }
0xf1: {  	[tilespmem:v2+s18+$0x0] =	vst.idx.msk $0xffff, v1  }
0xf2: {  	v2 =	vor.u32 v0, v3;
	v1 =	vld [tilespmem:s29+$0xFFFFFE60]  }
0xf3: {  	s31 =	sadd.s32 $0xFFFFFFFD, s28  }
0xf4: {  	v3 =	vmov s31  }
0xf5: {  	v3 =	vand.u32 $0x7C, v3  }
0xf6: {  	v3 =	vbroadcast v3, $0x0  }
0xf7: {  	[tilespmem:v2+s18+$0x0] =	vst.idx.msk $0xffff, v1  }
0xf8: {  	v2 =	vor.u32 v0, v3;
	v1 =	vld [tilespmem:s29+$0x0]  }
0xf9: {  	s31 =	sadd.s32 $0xFFFFFFFE, s28  }
0xfa: {  	v3 =	vmov s31  }
0xfb: {  	v3 =	vand.u32 $0x7D, v3  }
0xfc: {  	v3 =	vbroadcast v3, $0x0  }
0xfd: {  	[tilespmem:v2+s18+$0x0] =	vst.idx.msk $0xffff, v1  }
0xfe: {  	v2 =	vor.u32 v0, v3;
	v1 =	vld [tilespmem:s29+$0x1A0]  }
0xff: {  	s31 =	sadd.s32 $0xFFFFFFFF, s28  }
0x100: {  	v3 =	vmov s31  }
0x101: {  	v3 =	vand.u32 $0x7E, v3  }
0x102: {  	v3 =	vbroadcast v3, $0x0  }
0x103: {  	[tilespmem:v2+s18+$0x0] =	vst.idx.msk $0xffff, v1  }
0x104: {  	v2 =	vor.u32 v0, v3;
	v1 =	vld [tilespmem:s29+$0x340];
	_ =	sdelay $0x1  }
0x105: {  	v3 =	vmov s28;
	s28 =	smov.u32 s30  }
.Ltmp1:
0x106: {  	v3 =	vand.u32 $0x7F, v3;
	(pc) =	sbr.rel @p0 .LBB2_5-.Ltmp1, $4  }
0x107: {  	v3 =	vbroadcast v3, $0x0  }
0x108: {  	[tilespmem:v2+s18+$0x0] =	vst.idx.msk $0xffff, v1  }
0x109: {  	v2 =	vor.u32 v0, v3;
	v1 =	vld [tilespmem:s29+$0x4E0]  }
0x10a: {  	s30 =	sadd.s32 $0x8, s30;
	s31 =	sadd.s32 $0xFFFFFFF9, s28  }
0x10b: {  	_ = 	snop  }
0x10c: {  	v3 =	vmov s31  }
0x10d: {  	v3 =	vand.u32 $0x78, v3  }
0x10e: {  	v3 =	vbroadcast v3, $0x0  }
0x10f: {  	s29 =	sadd.s32 $0xD00, s29;
	[tilespmem:v2+s18+$0x0] =	vst.idx.msk $0xffff, v1  }
0x110: {  	v1 =	vld [tilespmem:s29+$0xFFFFF980];
	v2 =	vor.u32 v0, v3  }
0x111: {  	s30 =	sadd.s32 $0xFFFFFFFA, s28  }
0x112: {  	v3 =	vmov s30  }
0x113: {  	v3 =	vand.u32 $0x79, v3  }
0x114: {  	v3 =	vbroadcast v3, $0x0  }
0x115: {  	[tilespmem:v2+s18+$0x0] =	vst.idx.msk $0xffff, v1  }
0x116: {  	v2 =	vor.u32 v0, v3;
	v1 =	vld [tilespmem:s29+$0xFFFFFB20]  }
0x117: {  	s31 =	sadd.s32 $0xFFFFFFFB, s28  }
0x118: {  	v3 =	vmov s31  }
0x119: {  	v3 =	vand.u32 $0x7A, v3  }
0x11a: {  	v3 =	vbroadcast v3, $0x0  }
0x11b: {  	[tilespmem:v2+s18+$0x0] =	vst.idx.msk $0xffff, v1  }
0x11c: {  	v2 =	vor.u32 v0, v3;
	v1 =	vld [tilespmem:s29+$0xFFFFFCC0]  }
0x11d: {  	s31 =	sadd.s32 $0xFFFFFFFC, s28  }
0x11e: {  	v3 =	vmov s31  }
0x11f: {  	v3 =	vand.u32 $0x7B, v3  }
0x120: {  	v3 =	vbroadcast v3, $0x0  }
0x121: {  	[tilespmem:v2+s18+$0x0] =	vst.idx.msk $0xffff, v1  }
0x122: {  	v2 =	vor.u32 v0, v3;
	v1 =	vld [tilespmem:s29+$0xFFFFFE60]  }
0x123: {  	s31 =	sadd.s32 $0xFFFFFFFD, s28  }
0x124: {  	v3 =	vmov s31  }
0x125: {  	v3 =	vand.u32 $0x7C, v3  }
0x126: {  	v3 =	vbroadcast v3, $0x0  }
0x127: {  	[tilespmem:v2+s18+$0x0] =	vst.idx.msk $0xffff, v1  }
0x128: {  	v2 =	vor.u32 v0, v3;
	v1 =	vld [tilespmem:s29+$0x0]  }
0x129: {  	s31 =	sadd.s32 $0xFFFFFFFE, s28  }
0x12a: {  	v3 =	vmov s31  }
0x12b: {  	v3 =	vand.u32 $0x7D, v3  }
0x12c: {  	v3 =	vbroadcast v3, $0x0  }
0x12d: {  	[tilespmem:v2+s18+$0x0] =	vst.idx.msk $0xffff, v1  }
0x12e: {  	v2 =	vor.u32 v0, v3;
	v1 =	vld [tilespmem:s29+$0x1A0]  }
0x12f: {  	s31 =	sadd.s32 $0xFFFFFFFF, s28  }
0x130: {  	v3 =	vmov s31  }
0x131: {  	v3 =	vand.u32 $0x7E, v3  }
0x132: {  	v3 =	vbroadcast v3, $0x0  }
0x133: {  	[tilespmem:v2+s18+$0x0] =	vst.idx.msk $0xffff, v1  }
0x134: {  	v2 =	vor.u32 v0, v3;
	v1 =	vld [tilespmem:s29+$0x340];
	_ =	sdelay $0x1  }
0x135: {  	v3 =	vmov s28  }
0x136: {  	v3 =	vand.u32 $0x7F, v3  }
0x137: {  	v3 =	vbroadcast v3, $0x0  }
0x138: {  	[tilespmem:v2+s18+$0x0] =	vst.idx.msk $0xffff, v1  }
0x139: {  	s25 =	sadd.s32 $0x1, s25;
	v2 =	vor.u32 v0, v3;
	v1 =	vld [tilespmem:s29+$0x4E0]  }
0x13a: {  	p0 =	sne.s32 s25, $0xD  }
.Ltmp2:
0x13b: {  	s26 =	sshll.u32 s26, $0x12;
	(pc) =	sbr.rel @p0 .LBB2_2-.Ltmp2, $4  }
0x13c: {  	s26 =	sor.u32 s6, s26  }
0x13d: {  	s26 =	sshrl.u32 s26, $0x3  }
0x13e: {  	s23 =	sadd.s32 $0x20, s23;
	s24 =	sadd.s32 $0x20, s24;
	s26 =	sadd.s32 s2, s26;
	[tilespmem:v2+s18+$0x0] =	vst.idx.msk $0xffff, v1  }
0x13f: {  	[hbm4b:s26+s16] =	stream.strided.scatter [tilespmem:s18], [sflag:$0x4], $0x800, s17, s16, $0x38;
	[tilespmem:$0x1B000] =	vst v63  }
0x140: {  	_ =	swait.ge [sflag:s19], $0x800  }
0x141: {  	[sflag:s19] =	ssyncset.done $0x0  }
0x142: {  	[sflag:s19] =	ssyncadd.s32 $0xFFFFF800  }
0x143: {  	_ =	swait.ge [sflag:s20], $0x800  }
0x144: {  	[sflag:s20] =	ssyncset.done $0x0  }
0x145: {  	s23 =	simm.s32 $0x0;
	[sflag:s20] =	ssyncadd.s32 $0xFFFFF800  }
0x146: {  	[tilespmem:s23], [sflag:$0x1] =	stream.linear.gather [hbm4b:s7+s23], $0xD000, $0x38;
	[tilespmem:$0x1B000] =	vst v63  }
0x147: {  	_ =	swait.ge [sflag:s21], $0xD000  }
0x148: {  	[sflag:s21] =	ssyncset.done $0x0  }
0x149: {  	s24 =	simm.s32 $0xD680;
	s25 =	simm.s32 $0xD690;
	[sflag:s21] =	ssyncadd.s32 $0xFFFF3000  }
.LBB2_8:
0x14a: {  	p0 =	seq.s32 s23, $0x0;
	s26 =	simm.s32 $0x0  }
0x14b: {  	s28 =	simm.s32 @!p0 $0x3;
	v1 =	vmov s26  }
0x14c: {  	_ =	swait.ge @!p0 [sflag:s28], $0x800;
	v1 =	vand.u32 $0x78, v1  }
0x14d: {  	[sflag:s28] =	ssyncset.done @!p0 $0x0;
	v1 =	vbroadcast v1, $0x0  }
0x14e: {  	[sflag:s28] =	ssyncadd.s32 @!p0 $0xFFFFF800  }
0x14f: {  	v2 =	vld [tilespmem:s24+$0xFFFFF980];
	v1 =	vor.u32 v0, v1  }
0x150: {  	s26 =	simm.s32 $0x1  }
0x151: {  	v3 =	vmov s26  }
0x152: {  	v3 =	vand.u32 $0x79, v3  }
0x153: {  	v3 =	vbroadcast v3, $0x0  }
0x154: {  	[tilespmem:v1+s15+$0x0] =	vst.idx.msk $0xffff, v2  }
0x155: {  	v2 =	vor.u32 v0, v3;
	v1 =	vld [tilespmem:s24+$0xFFFFFB20]  }
0x156: {  	s26 =	simm.s32 $0x2  }
0x157: {  	v3 =	vmov s26  }
0x158: {  	v3 =	vand.u32 $0x7A, v3  }
0x159: {  	v3 =	vbroadcast v3, $0x0  }
0x15a: {  	[tilespmem:v2+s15+$0x0] =	vst.idx.msk $0xffff, v1  }
0x15b: {  	v2 =	vor.u32 v0, v3;
	v1 =	vld [tilespmem:s24+$0xFFFFFCC0]  }
0x15c: {  	s26 =	simm.s32 $0x3  }
0x15d: {  	v3 =	vmov s26  }
0x15e: {  	v3 =	vand.u32 $0x7B, v3  }
0x15f: {  	v3 =	vbroadcast v3, $0x0  }
0x160: {  	[tilespmem:v2+s15+$0x0] =	vst.idx.msk $0xffff, v1  }
0x161: {  	v2 =	vor.u32 v0, v3;
	v1 =	vld [tilespmem:s24+$0xFFFFFE60]  }
0x162: {  	s26 =	simm.s32 $0x4  }
0x163: {  	v3 =	vmov s26  }
0x164: {  	v3 =	vand.u32 $0x7C, v3  }
0x165: {  	v3 =	vbroadcast v3, $0x0  }
0x166: {  	[tilespmem:v2+s15+$0x0] =	vst.idx.msk $0xffff, v1  }
0x167: {  	v2 =	vor.u32 v0, v3;
	v1 =	vld [tilespmem:s24+$0x0]  }
0x168: {  	s26 =	simm.s32 $0x5  }
0x169: {  	v3 =	vmov s26  }
0x16a: {  	v3 =	vand.u32 $0x7D, v3  }
0x16b: {  	v3 =	vbroadcast v3, $0x0  }
0x16c: {  	[tilespmem:v2+s15+$0x0] =	vst.idx.msk $0xffff, v1  }
0x16d: {  	v2 =	vor.u32 v0, v3;
	v1 =	vld [tilespmem:s24+$0x1A0]  }
0x16e: {  	s26 =	simm.s32 $0x6  }
0x16f: {  	v3 =	vmov s26  }
0x170: {  	v3 =	vand.u32 $0x7E, v3  }
0x171: {  	v3 =	vbroadcast v3, $0x0  }
0x172: {  	[tilespmem:v2+s15+$0x0] =	vst.idx.msk $0xffff, v1  }
0x173: {  	v2 =	vor.u32 v0, v3;
	v1 =	vld [tilespmem:s24+$0x340]  }
0x174: {  	s26 =	simm.s32 $0x7  }
0x175: {  	v3 =	vmov s26  }
0x176: {  	v3 =	vand.u32 $0x7F, v3  }
0x177: {  	v3 =	vbroadcast v3, $0x0  }
0x178: {  	[tilespmem:v2+s15+$0x0] =	vst.idx.msk $0xffff, v1  }
0x179: {  	s31 =	simm.s32 $0x8;
	s30 =	simm.s32 $0x17;
	v2 =	vor.u32 v0, v3;
	v1 =	vld [tilespmem:s24+$0x4E0]  }
0x17a: {  	s29 =	smov.u32 s24;
	s28 =	simm.s32 $0xF;
	s26 =	sshll.u32 s23, $0x1  }
.LBB2_9:
0x17b: {  	p1 =	sne.s32 s30, $0x7F;
	v3 =	vmov s31  }
0x17c: {  	v3 =	vand.u32 $0x78, v3  }
0x17d: {  	v3 =	vbroadcast v3, $0x0  }
0x17e: {  	s29 =	sadd.s32 $0xD00, s29;
	[tilespmem:v2+s15+$0x0] =	vst.idx.msk $0xffff, v1  }
0x17f: {  	v1 =	vld [tilespmem:s29+$0xFFFFF980];
	v2 =	vor.u32 v0, v3  }
0x180: {  	s31 =	sadd.s32 $0xFFFFFFFA, s28  }
0x181: {  	v3 =	vmov s31  }
0x182: {  	v3 =	vand.u32 $0x79, v3  }
0x183: {  	v3 =	vbroadcast v3, $0x0  }
0x184: {  	[tilespmem:v2+s15+$0x0] =	vst.idx.msk $0xffff, v1  }
0x185: {  	v2 =	vor.u32 v0, v3;
	v1 =	vld [tilespmem:s29+$0xFFFFFB20]  }
0x186: {  	s31 =	sadd.s32 $0xFFFFFFFB, s28  }
0x187: {  	v3 =	vmov s31  }
0x188: {  	v3 =	vand.u32 $0x7A, v3  }
0x189: {  	v3 =	vbroadcast v3, $0x0  }
0x18a: {  	[tilespmem:v2+s15+$0x0] =	vst.idx.msk $0xffff, v1  }
0x18b: {  	v2 =	vor.u32 v0, v3;
	v1 =	vld [tilespmem:s29+$0xFFFFFCC0]  }
0x18c: {  	s31 =	sadd.s32 $0xFFFFFFFC, s28  }
0x18d: {  	v3 =	vmov s31  }
0x18e: {  	v3 =	vand.u32 $0x7B, v3  }
0x18f: {  	v3 =	vbroadcast v3, $0x0  }
0x190: {  	[tilespmem:v2+s15+$0x0] =	vst.idx.msk $0xffff, v1  }
0x191: {  	v2 =	vor.u32 v0, v3;
	v1 =	vld [tilespmem:s29+$0xFFFFFE60]  }
0x192: {  	s31 =	sadd.s32 $0xFFFFFFFD, s28  }
0x193: {  	v3 =	vmov s31  }
0x194: {  	v3 =	vand.u32 $0x7C, v3  }
0x195: {  	v3 =	vbroadcast v3, $0x0  }
0x196: {  	[tilespmem:v2+s15+$0x0] =	vst.idx.msk $0xffff, v1  }
0x197: {  	v2 =	vor.u32 v0, v3;
	v1 =	vld [tilespmem:s29+$0x0]  }
0x198: {  	s31 =	sadd.s32 $0xFFFFFFFE, s28  }
0x199: {  	v3 =	vmov s31  }
0x19a: {  	v3 =	vand.u32 $0x7D, v3  }
0x19b: {  	v3 =	vbroadcast v3, $0x0  }
0x19c: {  	[tilespmem:v2+s15+$0x0] =	vst.idx.msk $0xffff, v1  }
0x19d: {  	v2 =	vor.u32 v0, v3;
	v1 =	vld [tilespmem:s29+$0x1A0]  }
0x19e: {  	s31 =	sadd.s32 $0xFFFFFFFF, s28  }
0x19f: {  	v3 =	vmov s31  }
0x1a0: {  	v3 =	vand.u32 $0x7E, v3  }
0x1a1: {  	v3 =	vbroadcast v3, $0x0  }
0x1a2: {  	[tilespmem:v2+s15+$0x0] =	vst.idx.msk $0xffff, v1  }
0x1a3: {  	v2 =	vor.u32 v0, v3;
	v1 =	vld [tilespmem:s29+$0x340];
	_ =	sdelay $0x1  }
0x1a4: {  	v3 =	vmov s28;
	s28 =	smov.u32 s30  }
.Ltmp3:
0x1a5: {  	v3 =	vand.u32 $0x7F, v3;
	(pc) =	sbr.rel @p1 .LBB2_9-.Ltmp3, $4  }
0x1a6: {  	v3 =	vbroadcast v3, $0x0  }
0x1a7: {  	[tilespmem:v2+s15+$0x0] =	vst.idx.msk $0xffff, v1  }
0x1a8: {  	v2 =	vor.u32 v0, v3;
	v1 =	vld [tilespmem:s29+$0x4E0]  }
0x1a9: {  	s30 =	sadd.s32 $0x8, s30;
	s31 =	sadd.s32 $0xFFFFFFF9, s28  }
0x1aa: {  	_ = 	snop  }
0x1ab: {  	v3 =	vmov s31  }
0x1ac: {  	v3 =	vand.u32 $0x78, v3  }
0x1ad: {  	v3 =	vbroadcast v3, $0x0  }
0x1ae: {  	s29 =	sadd.s32 $0xD00, s29;
	[tilespmem:v2+s15+$0x0] =	vst.idx.msk $0xffff, v1  }
0x1af: {  	v1 =	vld [tilespmem:s29+$0xFFFFF980];
	v2 =	vor.u32 v0, v3  }
0x1b0: {  	s30 =	sadd.s32 $0xFFFFFFFA, s28  }
0x1b1: {  	v3 =	vmov s30  }
0x1b2: {  	v3 =	vand.u32 $0x79, v3  }
0x1b3: {  	v3 =	vbroadcast v3, $0x0  }
0x1b4: {  	[tilespmem:v2+s15+$0x0] =	vst.idx.msk $0xffff, v1  }
0x1b5: {  	v2 =	vor.u32 v0, v3;
	v1 =	vld [tilespmem:s29+$0xFFFFFB20]  }
0x1b6: {  	s30 =	sadd.s32 $0xFFFFFFFB, s28  }
0x1b7: {  	v3 =	vmov s30  }
0x1b8: {  	v3 =	vand.u32 $0x7A, v3  }
0x1b9: {  	v3 =	vbroadcast v3, $0x0  }
0x1ba: {  	[tilespmem:v2+s15+$0x0] =	vst.idx.msk $0xffff, v1  }
0x1bb: {  	v2 =	vor.u32 v0, v3;
	v1 =	vld [tilespmem:s29+$0xFFFFFCC0]  }
0x1bc: {  	s30 =	sadd.s32 $0xFFFFFFFC, s28  }
0x1bd: {  	v3 =	vmov s30  }
0x1be: {  	v3 =	vand.u32 $0x7B, v3  }
0x1bf: {  	v3 =	vbroadcast v3, $0x0  }
0x1c0: {  	[tilespmem:v2+s15+$0x0] =	vst.idx.msk $0xffff, v1  }
0x1c1: {  	v2 =	vor.u32 v0, v3;
	v1 =	vld [tilespmem:s29+$0xFFFFFE60]  }
0x1c2: {  	s30 =	sadd.s32 $0xFFFFFFFD, s28  }
0x1c3: {  	v3 =	vmov s30  }
0x1c4: {  	v3 =	vand.u32 $0x7C, v3  }
0x1c5: {  	v3 =	vbroadcast v3, $0x0  }
0x1c6: {  	[tilespmem:v2+s15+$0x0] =	vst.idx.msk $0xffff, v1  }
0x1c7: {  	v2 =	vor.u32 v0, v3;
	v1 =	vld [tilespmem:s29+$0x0]  }
0x1c8: {  	s30 =	sadd.s32 $0xFFFFFFFE, s28  }
0x1c9: {  	v3 =	vmov s30  }
0x1ca: {  	v3 =	vand.u32 $0x7D, v3  }
0x1cb: {  	v3 =	vbroadcast v3, $0x0  }
0x1cc: {  	[tilespmem:v2+s15+$0x0] =	vst.idx.msk $0xffff, v1  }
0x1cd: {  	v2 =	vor.u32 v0, v3;
	v1 =	vld [tilespmem:s29+$0x1A0]  }
0x1ce: {  	s30 =	sadd.s32 $0xFFFFFFFF, s28  }
0x1cf: {  	v3 =	vmov s30  }
0x1d0: {  	v3 =	vand.u32 $0x7E, v3  }
0x1d1: {  	v3 =	vbroadcast v3, $0x0  }
0x1d2: {  	[tilespmem:v2+s15+$0x0] =	vst.idx.msk $0xffff, v1  }
0x1d3: {  	v2 =	vor.u32 v0, v3;
	v1 =	vld [tilespmem:s29+$0x340];
	_ =	sdelay $0x1  }
0x1d4: {  	v3 =	vmov s28  }
0x1d5: {  	v3 =	vand.u32 $0x7F, v3  }
0x1d6: {  	v3 =	vbroadcast v3, $0x0  }
0x1d7: {  	[tilespmem:v2+s15+$0x0] =	vst.idx.msk $0xffff, v1  }
0x1d8: {  	v2 =	vor.u32 v0, v3;
	v1 =	vld [tilespmem:s29+$0x4E0];
	_ =	sdelay $0x1  }
0x1d9: {  	s28 =	sshll.u32 s23, $0x13  }
0x1da: {  	s28 =	sor.u32 s8, s28  }
0x1db: {  	s28 =	sshrl.u32 s28, $0x3  }
0x1dc: {  	s28 =	sadd.s32 s2, s28;
	[tilespmem:v2+s15+$0x0] =	vst.idx.msk $0xffff, v1  }
0x1dd: {  	[hbm4b:s28+s16] =	stream.strided.scatter [tilespmem:s15], [sflag:$0x3], $0x800, s17, s16, $0x38;
	[tilespmem:$0x1B000] =	vst v63  }
0x1de: {  	s28 =	simm.s32 $0x0  }
0x1df: {  	s29 =	simm.s32 @!p0 $0x4;
	v1 =	vmov s28  }
0x1e0: {  	_ =	swait.ge @!p0 [sflag:s29], $0x800;
	v1 =	vand.u32 $0x78, v1  }
0x1e1: {  	[sflag:s29] =	ssyncset.done @!p0 $0x0;
	v1 =	vbroadcast v1, $0x0  }
0x1e2: {  	[sflag:s29] =	ssyncadd.s32 @!p0 $0xFFFFF800  }
0x1e3: {  	v2 =	vld [tilespmem:s25+$0xFFFFF980];
	v1 =	vor.u32 v0, v1  }
0x1e4: {  	s28 =	simm.s32 $0x1  }
0x1e5: {  	v3 =	vmov s28  }
0x1e6: {  	v3 =	vand.u32 $0x79, v3  }
0x1e7: {  	v3 =	vbroadcast v3, $0x0  }
0x1e8: {  	[tilespmem:v1+s18+$0x0] =	vst.idx.msk $0xffff, v2  }
0x1e9: {  	v2 =	vor.u32 v0, v3;
	v1 =	vld [tilespmem:s25+$0xFFFFFB20]  }
0x1ea: {  	s28 =	simm.s32 $0x2  }
0x1eb: {  	v3 =	vmov s28  }
0x1ec: {  	v3 =	vand.u32 $0x7A, v3  }
0x1ed: {  	v3 =	vbroadcast v3, $0x0  }
0x1ee: {  	[tilespmem:v2+s18+$0x0] =	vst.idx.msk $0xffff, v1  }
0x1ef: {  	v2 =	vor.u32 v0, v3;
	v1 =	vld [tilespmem:s25+$0xFFFFFCC0]  }
0x1f0: {  	s28 =	simm.s32 $0x3  }
0x1f1: {  	v3 =	vmov s28  }
0x1f2: {  	v3 =	vand.u32 $0x7B, v3  }
0x1f3: {  	v3 =	vbroadcast v3, $0x0  }
0x1f4: {  	[tilespmem:v2+s18+$0x0] =	vst.idx.msk $0xffff, v1  }
0x1f5: {  	v2 =	vor.u32 v0, v3;
	v1 =	vld [tilespmem:s25+$0xFFFFFE60]  }
0x1f6: {  	s28 =	simm.s32 $0x4  }
0x1f7: {  	v3 =	vmov s28  }
0x1f8: {  	v3 =	vand.u32 $0x7C, v3  }
0x1f9: {  	v3 =	vbroadcast v3, $0x0  }
0x1fa: {  	[tilespmem:v2+s18+$0x0] =	vst.idx.msk $0xffff, v1  }
0x1fb: {  	v2 =	vor.u32 v0, v3;
	v1 =	vld [tilespmem:s25+$0x0]  }
0x1fc: {  	s28 =	simm.s32 $0x5  }
0x1fd: {  	v3 =	vmov s28  }
0x1fe: {  	v3 =	vand.u32 $0x7D, v3  }
0x1ff: {  	v3 =	vbroadcast v3, $0x0  }
0x200: {  	[tilespmem:v2+s18+$0x0] =	vst.idx.msk $0xffff, v1  }
0x201: {  	v2 =	vor.u32 v0, v3;
	v1 =	vld [tilespmem:s25+$0x1A0]  }
0x202: {  	s28 =	simm.s32 $0x6  }
0x203: {  	v3 =	vmov s28  }
0x204: {  	v3 =	vand.u32 $0x7E, v3  }
0x205: {  	v3 =	vbroadcast v3, $0x0  }
0x206: {  	[tilespmem:v2+s18+$0x0] =	vst.idx.msk $0xffff, v1  }
0x207: {  	v2 =	vor.u32 v0, v3;
	v1 =	vld [tilespmem:s25+$0x340]  }
0x208: {  	s28 =	simm.s32 $0x7  }
0x209: {  	v3 =	vmov s28  }
0x20a: {  	v3 =	vand.u32 $0x7F, v3  }
0x20b: {  	v3 =	vbroadcast v3, $0x0  }
0x20c: {  	[tilespmem:v2+s18+$0x0] =	vst.idx.msk $0xffff, v1  }
0x20d: {  	s26 =	sor.u32 $0x1, s26;
	s31 =	simm.s32 $0x8;
	v2 =	vor.u32 v0, v3;
	v1 =	vld [tilespmem:s25+$0x4E0]  }
0x20e: {  	s30 =	simm.s32 $0x17;
	s29 =	smov.u32 s25;
	s28 =	simm.s32 $0xF  }
.LBB2_11:
0x20f: {  	p0 =	sne.s32 s30, $0x7F;
	v3 =	vmov s31  }
0x210: {  	v3 =	vand.u32 $0x78, v3  }
0x211: {  	v3 =	vbroadcast v3, $0x0  }
0x212: {  	s29 =	sadd.s32 $0xD00, s29;
	[tilespmem:v2+s18+$0x0] =	vst.idx.msk $0xffff, v1  }
0x213: {  	v1 =	vld [tilespmem:s29+$0xFFFFF980];
	v2 =	vor.u32 v0, v3  }
0x214: {  	s31 =	sadd.s32 $0xFFFFFFFA, s28  }
0x215: {  	v3 =	vmov s31  }
0x216: {  	v3 =	vand.u32 $0x79, v3  }
0x217: {  	v3 =	vbroadcast v3, $0x0  }
0x218: {  	[tilespmem:v2+s18+$0x0] =	vst.idx.msk $0xffff, v1  }
0x219: {  	v2 =	vor.u32 v0, v3;
	v1 =	vld [tilespmem:s29+$0xFFFFFB20]  }
0x21a: {  	s31 =	sadd.s32 $0xFFFFFFFB, s28  }
0x21b: {  	v3 =	vmov s31  }
0x21c: {  	v3 =	vand.u32 $0x7A, v3  }
0x21d: {  	v3 =	vbroadcast v3, $0x0  }
0x21e: {  	[tilespmem:v2+s18+$0x0] =	vst.idx.msk $0xffff, v1  }
0x21f: {  	v2 =	vor.u32 v0, v3;
	v1 =	vld [tilespmem:s29+$0xFFFFFCC0]  }
0x220: {  	s31 =	sadd.s32 $0xFFFFFFFC, s28  }
0x221: {  	v3 =	vmov s31  }
0x222: {  	v3 =	vand.u32 $0x7B, v3  }
0x223: {  	v3 =	vbroadcast v3, $0x0  }
0x224: {  	[tilespmem:v2+s18+$0x0] =	vst.idx.msk $0xffff, v1  }
0x225: {  	v2 =	vor.u32 v0, v3;
	v1 =	vld [tilespmem:s29+$0xFFFFFE60]  }
0x226: {  	s31 =	sadd.s32 $0xFFFFFFFD, s28  }
0x227: {  	v3 =	vmov s31  }
0x228: {  	v3 =	vand.u32 $0x7C, v3  }
0x229: {  	v3 =	vbroadcast v3, $0x0  }
0x22a: {  	[tilespmem:v2+s18+$0x0] =	vst.idx.msk $0xffff, v1  }
0x22b: {  	v2 =	vor.u32 v0, v3;
	v1 =	vld [tilespmem:s29+$0x0]  }
0x22c: {  	s31 =	sadd.s32 $0xFFFFFFFE, s28  }
0x22d: {  	v3 =	vmov s31  }
0x22e: {  	v3 =	vand.u32 $0x7D, v3  }
0x22f: {  	v3 =	vbroadcast v3, $0x0  }
0x230: {  	[tilespmem:v2+s18+$0x0] =	vst.idx.msk $0xffff, v1  }
0x231: {  	v2 =	vor.u32 v0, v3;
	v1 =	vld [tilespmem:s29+$0x1A0]  }
0x232: {  	s31 =	sadd.s32 $0xFFFFFFFF, s28  }
0x233: {  	v3 =	vmov s31  }
0x234: {  	v3 =	vand.u32 $0x7E, v3  }
0x235: {  	v3 =	vbroadcast v3, $0x0  }
0x236: {  	[tilespmem:v2+s18+$0x0] =	vst.idx.msk $0xffff, v1  }
0x237: {  	v2 =	vor.u32 v0, v3;
	v1 =	vld [tilespmem:s29+$0x340];
	_ =	sdelay $0x1  }
0x238: {  	v3 =	vmov s28;
	s28 =	smov.u32 s30  }
.Ltmp4:
0x239: {  	v3 =	vand.u32 $0x7F, v3;
	(pc) =	sbr.rel @p0 .LBB2_11-.Ltmp4, $4  }
0x23a: {  	v3 =	vbroadcast v3, $0x0  }
0x23b: {  	[tilespmem:v2+s18+$0x0] =	vst.idx.msk $0xffff, v1  }
0x23c: {  	v2 =	vor.u32 v0, v3;
	v1 =	vld [tilespmem:s29+$0x4E0]  }
0x23d: {  	s30 =	sadd.s32 $0x8, s30;
	s31 =	sadd.s32 $0xFFFFFFF9, s28  }
0x23e: {  	_ = 	snop  }
0x23f: {  	v3 =	vmov s31  }
0x240: {  	v3 =	vand.u32 $0x78, v3  }
0x241: {  	v3 =	vbroadcast v3, $0x0  }
0x242: {  	s29 =	sadd.s32 $0xD00, s29;
	[tilespmem:v2+s18+$0x0] =	vst.idx.msk $0xffff, v1  }
0x243: {  	v1 =	vld [tilespmem:s29+$0xFFFFF980];
	v2 =	vor.u32 v0, v3  }
0x244: {  	s30 =	sadd.s32 $0xFFFFFFFA, s28  }
0x245: {  	v3 =	vmov s30  }
0x246: {  	v3 =	vand.u32 $0x79, v3  }
0x247: {  	v3 =	vbroadcast v3, $0x0  }
0x248: {  	[tilespmem:v2+s18+$0x0] =	vst.idx.msk $0xffff, v1  }
0x249: {  	v2 =	vor.u32 v0, v3;
	v1 =	vld [tilespmem:s29+$0xFFFFFB20]  }
0x24a: {  	s31 =	sadd.s32 $0xFFFFFFFB, s28  }
0x24b: {  	v3 =	vmov s31  }
0x24c: {  	v3 =	vand.u32 $0x7A, v3  }
0x24d: {  	v3 =	vbroadcast v3, $0x0  }
0x24e: {  	[tilespmem:v2+s18+$0x0] =	vst.idx.msk $0xffff, v1  }
0x24f: {  	v2 =	vor.u32 v0, v3;
	v1 =	vld [tilespmem:s29+$0xFFFFFCC0]  }
0x250: {  	s31 =	sadd.s32 $0xFFFFFFFC, s28  }
0x251: {  	v3 =	vmov s31  }
0x252: {  	v3 =	vand.u32 $0x7B, v3  }
0x253: {  	v3 =	vbroadcast v3, $0x0  }
0x254: {  	[tilespmem:v2+s18+$0x0] =	vst.idx.msk $0xffff, v1  }
0x255: {  	v2 =	vor.u32 v0, v3;
	v1 =	vld [tilespmem:s29+$0xFFFFFE60]  }
0x256: {  	s31 =	sadd.s32 $0xFFFFFFFD, s28  }
0x257: {  	v3 =	vmov s31  }
0x258: {  	v3 =	vand.u32 $0x7C, v3  }
0x259: {  	v3 =	vbroadcast v3, $0x0  }
0x25a: {  	[tilespmem:v2+s18+$0x0] =	vst.idx.msk $0xffff, v1  }
0x25b: {  	v2 =	vor.u32 v0, v3;
	v1 =	vld [tilespmem:s29+$0x0]  }
0x25c: {  	s31 =	sadd.s32 $0xFFFFFFFE, s28  }
0x25d: {  	v3 =	vmov s31  }
0x25e: {  	v3 =	vand.u32 $0x7D, v3  }
0x25f: {  	v3 =	vbroadcast v3, $0x0  }
0x260: {  	[tilespmem:v2+s18+$0x0] =	vst.idx.msk $0xffff, v1  }
0x261: {  	v2 =	vor.u32 v0, v3;
	v1 =	vld [tilespmem:s29+$0x1A0]  }
0x262: {  	s31 =	sadd.s32 $0xFFFFFFFF, s28  }
0x263: {  	v3 =	vmov s31  }
0x264: {  	v3 =	vand.u32 $0x7E, v3  }
0x265: {  	v3 =	vbroadcast v3, $0x0  }
0x266: {  	[tilespmem:v2+s18+$0x0] =	vst.idx.msk $0xffff, v1  }
0x267: {  	v2 =	vor.u32 v0, v3;
	v1 =	vld [tilespmem:s29+$0x340];
	_ =	sdelay $0x1  }
0x268: {  	v3 =	vmov s28  }
0x269: {  	v3 =	vand.u32 $0x7F, v3  }
0x26a: {  	v3 =	vbroadcast v3, $0x0  }
0x26b: {  	[tilespmem:v2+s18+$0x0] =	vst.idx.msk $0xffff, v1  }
0x26c: {  	s23 =	sadd.s32 $0x1, s23;
	v2 =	vor.u32 v0, v3;
	v1 =	vld [tilespmem:s29+$0x4E0]  }
0x26d: {  	p0 =	sne.s32 s23, $0xD  }
.Ltmp5:
0x26e: {  	s26 =	sshll.u32 s26, $0x12;
	(pc) =	sbr.rel @p0 .LBB2_8-.Ltmp5, $4  }
0x26f: {  	s26 =	sor.u32 s8, s26  }
0x270: {  	s26 =	sshrl.u32 s26, $0x3  }
0x271: {  	s24 =	sadd.s32 $0x20, s24;
	s25 =	sadd.s32 $0x20, s25;
	s26 =	sadd.s32 s2, s26;
	[tilespmem:v2+s18+$0x0] =	vst.idx.msk $0xffff, v1  }
0x272: {  	[hbm4b:s26+s16] =	stream.strided.scatter [tilespmem:s18], [sflag:$0x4], $0x800, s17, s16, $0x38;
	[tilespmem:$0x1B000] =	vst v63  }
0x273: {  	_ =	swait.ge [sflag:s19], $0x800  }
0x274: {  	[sflag:s19] =	ssyncset.done $0x0  }
0x275: {  	[sflag:s19] =	ssyncadd.s32 $0xFFFFF800  }
0x276: {  	_ =	swait.ge [sflag:s20], $0x800  }
0x277: {  	[sflag:s20] =	ssyncset.done $0x0  }
0x278: {  	s23 =	simm.s32 $0x0;
	[sflag:s20] =	ssyncadd.s32 $0xFFFFF800  }
0x279: {  	[tilespmem:s13], [sflag:$0x2] =	stream.linear.gather [hbm4b:s9+s23], $0xD000, $0x38;
	[tilespmem:$0x1B000] =	vst v63  }
0x27a: {  	_ =	swait.ge [sflag:s14], $0xD000  }
0x27b: {  	[sflag:s14] =	ssyncset.done $0x0  }
0x27c: {  	s24 =	simm.s32 $0x680;
	s25 =	simm.s32 $0x690;
	[sflag:s14] =	ssyncadd.s32 $0xFFFF3000  }
.LBB2_14:
0x27d: {  	p0 =	seq.s32 s23, $0x0;
	s26 =	simm.s32 $0x0  }
0x27e: {  	s28 =	simm.s32 @!p0 $0x3;
	v1 =	vmov s26  }
0x27f: {  	_ =	swait.ge @!p0 [sflag:s28], $0x800;
	v1 =	vand.u32 $0x78, v1  }
0x280: {  	[sflag:s28] =	ssyncset.done @!p0 $0x0;
	v1 =	vbroadcast v1, $0x0  }
0x281: {  	[sflag:s28] =	ssyncadd.s32 @!p0 $0xFFFFF800  }
0x282: {  	v2 =	vld [tilespmem:s24+$0xFFFFF980];
	v1 =	vor.u32 v0, v1  }
0x283: {  	s26 =	simm.s32 $0x1  }
0x284: {  	v3 =	vmov s26  }
0x285: {  	v3 =	vand.u32 $0x79, v3  }
0x286: {  	v3 =	vbroadcast v3, $0x0  }
0x287: {  	[tilespmem:v1+s15+$0x0] =	vst.idx.msk $0xffff, v2  }
0x288: {  	v2 =	vor.u32 v0, v3;
	v1 =	vld [tilespmem:s24+$0xFFFFFB20]  }
0x289: {  	s26 =	simm.s32 $0x2  }
0x28a: {  	v3 =	vmov s26  }
0x28b: {  	v3 =	vand.u32 $0x7A, v3  }
0x28c: {  	v3 =	vbroadcast v3, $0x0  }
0x28d: {  	[tilespmem:v2+s15+$0x0] =	vst.idx.msk $0xffff, v1  }
0x28e: {  	v2 =	vor.u32 v0, v3;
	v1 =	vld [tilespmem:s24+$0xFFFFFCC0]  }
0x28f: {  	s26 =	simm.s32 $0x3  }
0x290: {  	v3 =	vmov s26  }
0x291: {  	v3 =	vand.u32 $0x7B, v3  }
0x292: {  	v3 =	vbroadcast v3, $0x0  }
0x293: {  	[tilespmem:v2+s15+$0x0] =	vst.idx.msk $0xffff, v1  }
0x294: {  	v2 =	vor.u32 v0, v3;
	v1 =	vld [tilespmem:s24+$0xFFFFFE60]  }
0x295: {  	s26 =	simm.s32 $0x4  }
0x296: {  	v3 =	vmov s26  }
0x297: {  	v3 =	vand.u32 $0x7C, v3  }
0x298: {  	v3 =	vbroadcast v3, $0x0  }
0x299: {  	[tilespmem:v2+s15+$0x0] =	vst.idx.msk $0xffff, v1  }
0x29a: {  	v2 =	vor.u32 v0, v3;
	v1 =	vld [tilespmem:s24+$0x0]  }
0x29b: {  	s26 =	simm.s32 $0x5  }
0x29c: {  	v3 =	vmov s26  }
0x29d: {  	v3 =	vand.u32 $0x7D, v3  }
0x29e: {  	v3 =	vbroadcast v3, $0x0  }
0x29f: {  	[tilespmem:v2+s15+$0x0] =	vst.idx.msk $0xffff, v1  }
0x2a0: {  	v2 =	vor.u32 v0, v3;
	v1 =	vld [tilespmem:s24+$0x1A0]  }
0x2a1: {  	s26 =	simm.s32 $0x6  }
0x2a2: {  	v3 =	vmov s26  }
0x2a3: {  	v3 =	vand.u32 $0x7E, v3  }
0x2a4: {  	v3 =	vbroadcast v3, $0x0  }
0x2a5: {  	[tilespmem:v2+s15+$0x0] =	vst.idx.msk $0xffff, v1  }
0x2a6: {  	v2 =	vor.u32 v0, v3;
	v1 =	vld [tilespmem:s24+$0x340]  }
0x2a7: {  	s26 =	simm.s32 $0x7  }
0x2a8: {  	v3 =	vmov s26  }
0x2a9: {  	v3 =	vand.u32 $0x7F, v3  }
0x2aa: {  	v3 =	vbroadcast v3, $0x0  }
0x2ab: {  	[tilespmem:v2+s15+$0x0] =	vst.idx.msk $0xffff, v1  }
0x2ac: {  	s31 =	simm.s32 $0x8;
	s30 =	simm.s32 $0x17;
	v2 =	vor.u32 v0, v3;
	v1 =	vld [tilespmem:s24+$0x4E0]  }
0x2ad: {  	s29 =	smov.u32 s24;
	s28 =	simm.s32 $0xF;
	s26 =	sshll.u32 s23, $0x1  }
.LBB2_15:
0x2ae: {  	p1 =	sne.s32 s30, $0x7F;
	v3 =	vmov s31  }
0x2af: {  	v3 =	vand.u32 $0x78, v3  }
0x2b0: {  	v3 =	vbroadcast v3, $0x0  }
0x2b1: {  	s29 =	sadd.s32 $0xD00, s29;
	[tilespmem:v2+s15+$0x0] =	vst.idx.msk $0xffff, v1  }
0x2b2: {  	v1 =	vld [tilespmem:s29+$0xFFFFF980];
	v2 =	vor.u32 v0, v3  }
0x2b3: {  	s31 =	sadd.s32 $0xFFFFFFFA, s28  }
0x2b4: {  	v3 =	vmov s31  }
0x2b5: {  	v3 =	vand.u32 $0x79, v3  }
0x2b6: {  	v3 =	vbroadcast v3, $0x0  }
0x2b7: {  	[tilespmem:v2+s15+$0x0] =	vst.idx.msk $0xffff, v1  }
0x2b8: {  	v2 =	vor.u32 v0, v3;
	v1 =	vld [tilespmem:s29+$0xFFFFFB20]  }
0x2b9: {  	s31 =	sadd.s32 $0xFFFFFFFB, s28  }
0x2ba: {  	v3 =	vmov s31  }
0x2bb: {  	v3 =	vand.u32 $0x7A, v3  }
0x2bc: {  	v3 =	vbroadcast v3, $0x0  }
0x2bd: {  	[tilespmem:v2+s15+$0x0] =	vst.idx.msk $0xffff, v1  }
0x2be: {  	v2 =	vor.u32 v0, v3;
	v1 =	vld [tilespmem:s29+$0xFFFFFCC0]  }
0x2bf: {  	s31 =	sadd.s32 $0xFFFFFFFC, s28  }
0x2c0: {  	v3 =	vmov s31  }
0x2c1: {  	v3 =	vand.u32 $0x7B, v3  }
0x2c2: {  	v3 =	vbroadcast v3, $0x0  }
0x2c3: {  	[tilespmem:v2+s15+$0x0] =	vst.idx.msk $0xffff, v1  }
0x2c4: {  	v2 =	vor.u32 v0, v3;
	v1 =	vld [tilespmem:s29+$0xFFFFFE60]  }
0x2c5: {  	s31 =	sadd.s32 $0xFFFFFFFD, s28  }
0x2c6: {  	v3 =	vmov s31  }
0x2c7: {  	v3 =	vand.u32 $0x7C, v3  }
0x2c8: {  	v3 =	vbroadcast v3, $0x0  }
0x2c9: {  	[tilespmem:v2+s15+$0x0] =	vst.idx.msk $0xffff, v1  }
0x2ca: {  	v2 =	vor.u32 v0, v3;
	v1 =	vld [tilespmem:s29+$0x0]  }
0x2cb: {  	s31 =	sadd.s32 $0xFFFFFFFE, s28  }
0x2cc: {  	v3 =	vmov s31  }
0x2cd: {  	v3 =	vand.u32 $0x7D, v3  }
0x2ce: {  	v3 =	vbroadcast v3, $0x0  }
0x2cf: {  	[tilespmem:v2+s15+$0x0] =	vst.idx.msk $0xffff, v1  }
0x2d0: {  	v2 =	vor.u32 v0, v3;
	v1 =	vld [tilespmem:s29+$0x1A0]  }
0x2d1: {  	s31 =	sadd.s32 $0xFFFFFFFF, s28  }
0x2d2: {  	v3 =	vmov s31  }
0x2d3: {  	v3 =	vand.u32 $0x7E, v3  }
0x2d4: {  	v3 =	vbroadcast v3, $0x0  }
0x2d5: {  	[tilespmem:v2+s15+$0x0] =	vst.idx.msk $0xffff, v1  }
0x2d6: {  	v2 =	vor.u32 v0, v3;
	v1 =	vld [tilespmem:s29+$0x340];
	_ =	sdelay $0x1  }
0x2d7: {  	v3 =	vmov s28;
	s28 =	smov.u32 s30  }
.Ltmp6:
0x2d8: {  	v3 =	vand.u32 $0x7F, v3;
	(pc) =	sbr.rel @p1 .LBB2_15-.Ltmp6, $4  }
0x2d9: {  	v3 =	vbroadcast v3, $0x0  }
0x2da: {  	[tilespmem:v2+s15+$0x0] =	vst.idx.msk $0xffff, v1  }
0x2db: {  	v2 =	vor.u32 v0, v3;
	v1 =	vld [tilespmem:s29+$0x4E0]  }
0x2dc: {  	s30 =	sadd.s32 $0x8, s30;
	s31 =	sadd.s32 $0xFFFFFFF9, s28  }
0x2dd: {  	_ = 	snop  }
0x2de: {  	v3 =	vmov s31  }
0x2df: {  	v3 =	vand.u32 $0x78, v3  }
0x2e0: {  	v3 =	vbroadcast v3, $0x0  }
0x2e1: {  	s29 =	sadd.s32 $0xD00, s29;
	[tilespmem:v2+s15+$0x0] =	vst.idx.msk $0xffff, v1  }
0x2e2: {  	v1 =	vld [tilespmem:s29+$0xFFFFF980];
	v2 =	vor.u32 v0, v3  }
0x2e3: {  	s30 =	sadd.s32 $0xFFFFFFFA, s28  }
0x2e4: {  	v3 =	vmov s30  }
0x2e5: {  	v3 =	vand.u32 $0x79, v3  }
0x2e6: {  	v3 =	vbroadcast v3, $0x0  }
0x2e7: {  	[tilespmem:v2+s15+$0x0] =	vst.idx.msk $0xffff, v1  }
0x2e8: {  	v2 =	vor.u32 v0, v3;
	v1 =	vld [tilespmem:s29+$0xFFFFFB20]  }
0x2e9: {  	s30 =	sadd.s32 $0xFFFFFFFB, s28  }
0x2ea: {  	v3 =	vmov s30  }
0x2eb: {  	v3 =	vand.u32 $0x7A, v3  }
0x2ec: {  	v3 =	vbroadcast v3, $0x0  }
0x2ed: {  	[tilespmem:v2+s15+$0x0] =	vst.idx.msk $0xffff, v1  }
0x2ee: {  	v2 =	vor.u32 v0, v3;
	v1 =	vld [tilespmem:s29+$0xFFFFFCC0]  }
0x2ef: {  	s30 =	sadd.s32 $0xFFFFFFFC, s28  }
0x2f0: {  	v3 =	vmov s30  }
0x2f1: {  	v3 =	vand.u32 $0x7B, v3  }
0x2f2: {  	v3 =	vbroadcast v3, $0x0  }
0x2f3: {  	[tilespmem:v2+s15+$0x0] =	vst.idx.msk $0xffff, v1  }
0x2f4: {  	v2 =	vor.u32 v0, v3;
	v1 =	vld [tilespmem:s29+$0xFFFFFE60]  }
0x2f5: {  	s30 =	sadd.s32 $0xFFFFFFFD, s28  }
0x2f6: {  	v3 =	vmov s30  }
0x2f7: {  	v3 =	vand.u32 $0x7C, v3  }
0x2f8: {  	v3 =	vbroadcast v3, $0x0  }
0x2f9: {  	[tilespmem:v2+s15+$0x0] =	vst.idx.msk $0xffff, v1  }
0x2fa: {  	v2 =	vor.u32 v0, v3;
	v1 =	vld [tilespmem:s29+$0x0]  }
0x2fb: {  	s30 =	sadd.s32 $0xFFFFFFFE, s28  }
0x2fc: {  	v3 =	vmov s30  }
0x2fd: {  	v3 =	vand.u32 $0x7D, v3  }
0x2fe: {  	v3 =	vbroadcast v3, $0x0  }
0x2ff: {  	[tilespmem:v2+s15+$0x0] =	vst.idx.msk $0xffff, v1  }
0x300: {  	v2 =	vor.u32 v0, v3;
	v1 =	vld [tilespmem:s29+$0x1A0]  }
0x301: {  	s30 =	sadd.s32 $0xFFFFFFFF, s28  }
0x302: {  	v3 =	vmov s30  }
0x303: {  	v3 =	vand.u32 $0x7E, v3  }
0x304: {  	v3 =	vbroadcast v3, $0x0  }
0x305: {  	[tilespmem:v2+s15+$0x0] =	vst.idx.msk $0xffff, v1  }
0x306: {  	v2 =	vor.u32 v0, v3;
	v1 =	vld [tilespmem:s29+$0x340];
	_ =	sdelay $0x1  }
0x307: {  	v3 =	vmov s28  }
0x308: {  	v3 =	vand.u32 $0x7F, v3  }
0x309: {  	v3 =	vbroadcast v3, $0x0  }
0x30a: {  	[tilespmem:v2+s15+$0x0] =	vst.idx.msk $0xffff, v1  }
0x30b: {  	v2 =	vor.u32 v0, v3;
	v1 =	vld [tilespmem:s29+$0x4E0];
	_ =	sdelay $0x1  }
0x30c: {  	s28 =	sshll.u32 s23, $0x13  }
0x30d: {  	s28 =	sor.u32 s10, s28  }
0x30e: {  	s28 =	sshrl.u32 s28, $0x3  }
0x30f: {  	s28 =	sadd.s32 s2, s28;
	[tilespmem:v2+s15+$0x0] =	vst.idx.msk $0xffff, v1  }
0x310: {  	[hbm4b:s28+s16] =	stream.strided.scatter [tilespmem:s15], [sflag:$0x3], $0x800, s17, s16, $0x38;
	[tilespmem:$0x1B000] =	vst v63  }
0x311: {  	s28 =	simm.s32 $0x0  }
0x312: {  	s29 =	simm.s32 @!p0 $0x4;
	v1 =	vmov s28  }
0x313: {  	_ =	swait.ge @!p0 [sflag:s29], $0x800;
	v1 =	vand.u32 $0x78, v1  }
0x314: {  	[sflag:s29] =	ssyncset.done @!p0 $0x0;
	v1 =	vbroadcast v1, $0x0  }
0x315: {  	[sflag:s29] =	ssyncadd.s32 @!p0 $0xFFFFF800  }
0x316: {  	v2 =	vld [tilespmem:s25+$0xFFFFF980];
	v1 =	vor.u32 v0, v1  }
0x317: {  	s28 =	simm.s32 $0x1  }
0x318: {  	v3 =	vmov s28  }
0x319: {  	v3 =	vand.u32 $0x79, v3  }
0x31a: {  	v3 =	vbroadcast v3, $0x0  }
0x31b: {  	[tilespmem:v1+s18+$0x0] =	vst.idx.msk $0xffff, v2  }
0x31c: {  	v2 =	vor.u32 v0, v3;
	v1 =	vld [tilespmem:s25+$0xFFFFFB20]  }
0x31d: {  	s28 =	simm.s32 $0x2  }
0x31e: {  	v3 =	vmov s28  }
0x31f: {  	v3 =	vand.u32 $0x7A, v3  }
0x320: {  	v3 =	vbroadcast v3, $0x0  }
0x321: {  	[tilespmem:v2+s18+$0x0] =	vst.idx.msk $0xffff, v1  }
0x322: {  	v2 =	vor.u32 v0, v3;
	v1 =	vld [tilespmem:s25+$0xFFFFFCC0]  }
0x323: {  	s28 =	simm.s32 $0x3  }
0x324: {  	v3 =	vmov s28  }
0x325: {  	v3 =	vand.u32 $0x7B, v3  }
0x326: {  	v3 =	vbroadcast v3, $0x0  }
0x327: {  	[tilespmem:v2+s18+$0x0] =	vst.idx.msk $0xffff, v1  }
0x328: {  	v2 =	vor.u32 v0, v3;
	v1 =	vld [tilespmem:s25+$0xFFFFFE60]  }
0x329: {  	s28 =	simm.s32 $0x4  }
0x32a: {  	v3 =	vmov s28  }
0x32b: {  	v3 =	vand.u32 $0x7C, v3  }
0x32c: {  	v3 =	vbroadcast v3, $0x0  }
0x32d: {  	[tilespmem:v2+s18+$0x0] =	vst.idx.msk $0xffff, v1  }
0x32e: {  	v2 =	vor.u32 v0, v3;
	v1 =	vld [tilespmem:s25+$0x0]  }
0x32f: {  	s28 =	simm.s32 $0x5  }
0x330: {  	v3 =	vmov s28  }
0x331: {  	v3 =	vand.u32 $0x7D, v3  }
0x332: {  	v3 =	vbroadcast v3, $0x0  }
0x333: {  	[tilespmem:v2+s18+$0x0] =	vst.idx.msk $0xffff, v1  }
0x334: {  	v2 =	vor.u32 v0, v3;
	v1 =	vld [tilespmem:s25+$0x1A0]  }
0x335: {  	s28 =	simm.s32 $0x6  }
0x336: {  	v3 =	vmov s28  }
0x337: {  	v3 =	vand.u32 $0x7E, v3  }
0x338: {  	v3 =	vbroadcast v3, $0x0  }
0x339: {  	[tilespmem:v2+s18+$0x0] =	vst.idx.msk $0xffff, v1  }
0x33a: {  	v2 =	vor.u32 v0, v3;
	v1 =	vld [tilespmem:s25+$0x340]  }
0x33b: {  	s28 =	simm.s32 $0x7  }
0x33c: {  	v3 =	vmov s28  }
0x33d: {  	v3 =	vand.u32 $0x7F, v3  }
0x33e: {  	v3 =	vbroadcast v3, $0x0  }
0x33f: {  	[tilespmem:v2+s18+$0x0] =	vst.idx.msk $0xffff, v1  }
0x340: {  	s26 =	sor.u32 $0x1, s26;
	s31 =	simm.s32 $0x8;
	v2 =	vor.u32 v0, v3;
	v1 =	vld [tilespmem:s25+$0x4E0]  }
0x341: {  	s30 =	simm.s32 $0x17;
	s29 =	smov.u32 s25;
	s28 =	simm.s32 $0xF  }
.LBB2_17:
0x342: {  	p0 =	sne.s32 s30, $0x7F;
	v3 =	vmov s31  }
0x343: {  	v3 =	vand.u32 $0x78, v3  }
0x344: {  	v3 =	vbroadcast v3, $0x0  }
0x345: {  	s29 =	sadd.s32 $0xD00, s29;
	[tilespmem:v2+s18+$0x0] =	vst.idx.msk $0xffff, v1  }
0x346: {  	v1 =	vld [tilespmem:s29+$0xFFFFF980];
	v2 =	vor.u32 v0, v3  }
0x347: {  	s31 =	sadd.s32 $0xFFFFFFFA, s28  }
0x348: {  	v3 =	vmov s31  }
0x349: {  	v3 =	vand.u32 $0x79, v3  }
0x34a: {  	v3 =	vbroadcast v3, $0x0  }
0x34b: {  	[tilespmem:v2+s18+$0x0] =	vst.idx.msk $0xffff, v1  }
0x34c: {  	v2 =	vor.u32 v0, v3;
	v1 =	vld [tilespmem:s29+$0xFFFFFB20]  }
0x34d: {  	s31 =	sadd.s32 $0xFFFFFFFB, s28  }
0x34e: {  	v3 =	vmov s31  }
0x34f: {  	v3 =	vand.u32 $0x7A, v3  }
0x350: {  	v3 =	vbroadcast v3, $0x0  }
0x351: {  	[tilespmem:v2+s18+$0x0] =	vst.idx.msk $0xffff, v1  }
0x352: {  	v2 =	vor.u32 v0, v3;
	v1 =	vld [tilespmem:s29+$0xFFFFFCC0]  }
0x353: {  	s31 =	sadd.s32 $0xFFFFFFFC, s28  }
0x354: {  	v3 =	vmov s31  }
0x355: {  	v3 =	vand.u32 $0x7B, v3  }
0x356: {  	v3 =	vbroadcast v3, $0x0  }
0x357: {  	[tilespmem:v2+s18+$0x0] =	vst.idx.msk $0xffff, v1  }
0x358: {  	v2 =	vor.u32 v0, v3;
	v1 =	vld [tilespmem:s29+$0xFFFFFE60]  }
0x359: {  	s31 =	sadd.s32 $0xFFFFFFFD, s28  }
0x35a: {  	v3 =	vmov s31  }
0x35b: {  	v3 =	vand.u32 $0x7C, v3  }
0x35c: {  	v3 =	vbroadcast v3, $0x0  }
0x35d: {  	[tilespmem:v2+s18+$0x0] =	vst.idx.msk $0xffff, v1  }
0x35e: {  	v2 =	vor.u32 v0, v3;
	v1 =	vld [tilespmem:s29+$0x0]  }
0x35f: {  	s31 =	sadd.s32 $0xFFFFFFFE, s28  }
0x360: {  	v3 =	vmov s31  }
0x361: {  	v3 =	vand.u32 $0x7D, v3  }
0x362: {  	v3 =	vbroadcast v3, $0x0  }
0x363: {  	[tilespmem:v2+s18+$0x0] =	vst.idx.msk $0xffff, v1  }
0x364: {  	v2 =	vor.u32 v0, v3;
	v1 =	vld [tilespmem:s29+$0x1A0]  }
0x365: {  	s31 =	sadd.s32 $0xFFFFFFFF, s28  }
0x366: {  	v3 =	vmov s31  }
0x367: {  	v3 =	vand.u32 $0x7E, v3  }
0x368: {  	v3 =	vbroadcast v3, $0x0  }
0x369: {  	[tilespmem:v2+s18+$0x0] =	vst.idx.msk $0xffff, v1  }
0x36a: {  	v2 =	vor.u32 v0, v3;
	v1 =	vld [tilespmem:s29+$0x340];
	_ =	sdelay $0x1  }
0x36b: {  	v3 =	vmov s28;
	s28 =	smov.u32 s30  }
.Ltmp7:
0x36c: {  	v3 =	vand.u32 $0x7F, v3;
	(pc) =	sbr.rel @p0 .LBB2_17-.Ltmp7, $4  }
0x36d: {  	v3 =	vbroadcast v3, $0x0  }
0x36e: {  	[tilespmem:v2+s18+$0x0] =	vst.idx.msk $0xffff, v1  }
0x36f: {  	v2 =	vor.u32 v0, v3;
	v1 =	vld [tilespmem:s29+$0x4E0]  }
0x370: {  	s30 =	sadd.s32 $0x8, s30;
	s31 =	sadd.s32 $0xFFFFFFF9, s28  }
0x371: {  	_ = 	snop  }
0x372: {  	v3 =	vmov s31  }
0x373: {  	v3 =	vand.u32 $0x78, v3  }
0x374: {  	v3 =	vbroadcast v3, $0x0  }
0x375: {  	s29 =	sadd.s32 $0xD00, s29;
	[tilespmem:v2+s18+$0x0] =	vst.idx.msk $0xffff, v1  }
0x376: {  	v1 =	vld [tilespmem:s29+$0xFFFFF980];
	v2 =	vor.u32 v0, v3  }
0x377: {  	s30 =	sadd.s32 $0xFFFFFFFA, s28  }
0x378: {  	v3 =	vmov s30  }
0x379: {  	v3 =	vand.u32 $0x79, v3  }
0x37a: {  	v3 =	vbroadcast v3, $0x0  }
0x37b: {  	[tilespmem:v2+s18+$0x0] =	vst.idx.msk $0xffff, v1  }
0x37c: {  	v2 =	vor.u32 v0, v3;
	v1 =	vld [tilespmem:s29+$0xFFFFFB20]  }
0x37d: {  	s31 =	sadd.s32 $0xFFFFFFFB, s28  }
0x37e: {  	v3 =	vmov s31  }
0x37f: {  	v3 =	vand.u32 $0x7A, v3  }
0x380: {  	v3 =	vbroadcast v3, $0x0  }
0x381: {  	[tilespmem:v2+s18+$0x0] =	vst.idx.msk $0xffff, v1  }
0x382: {  	v2 =	vor.u32 v0, v3;
	v1 =	vld [tilespmem:s29+$0xFFFFFCC0]  }
0x383: {  	s31 =	sadd.s32 $0xFFFFFFFC, s28  }
0x384: {  	v3 =	vmov s31  }
0x385: {  	v3 =	vand.u32 $0x7B, v3  }
0x386: {  	v3 =	vbroadcast v3, $0x0  }
0x387: {  	[tilespmem:v2+s18+$0x0] =	vst.idx.msk $0xffff, v1  }
0x388: {  	v2 =	vor.u32 v0, v3;
	v1 =	vld [tilespmem:s29+$0xFFFFFE60]  }
0x389: {  	s31 =	sadd.s32 $0xFFFFFFFD, s28  }
0x38a: {  	v3 =	vmov s31  }
0x38b: {  	v3 =	vand.u32 $0x7C, v3  }
0x38c: {  	v3 =	vbroadcast v3, $0x0  }
0x38d: {  	[tilespmem:v2+s18+$0x0] =	vst.idx.msk $0xffff, v1  }
0x38e: {  	v2 =	vor.u32 v0, v3;
	v1 =	vld [tilespmem:s29+$0x0]  }
0x38f: {  	s31 =	sadd.s32 $0xFFFFFFFE, s28  }
0x390: {  	v3 =	vmov s31  }
0x391: {  	v3 =	vand.u32 $0x7D, v3  }
0x392: {  	v3 =	vbroadcast v3, $0x0  }
0x393: {  	[tilespmem:v2+s18+$0x0] =	vst.idx.msk $0xffff, v1  }
0x394: {  	v2 =	vor.u32 v0, v3;
	v1 =	vld [tilespmem:s29+$0x1A0]  }
0x395: {  	s31 =	sadd.s32 $0xFFFFFFFF, s28  }
0x396: {  	v3 =	vmov s31  }
0x397: {  	v3 =	vand.u32 $0x7E, v3  }
0x398: {  	v3 =	vbroadcast v3, $0x0  }
0x399: {  	[tilespmem:v2+s18+$0x0] =	vst.idx.msk $0xffff, v1  }
0x39a: {  	v2 =	vor.u32 v0, v3;
	v1 =	vld [tilespmem:s29+$0x340];
	_ =	sdelay $0x1  }
0x39b: {  	v3 =	vmov s28  }
0x39c: {  	v3 =	vand.u32 $0x7F, v3  }
0x39d: {  	v3 =	vbroadcast v3, $0x0  }
0x39e: {  	[tilespmem:v2+s18+$0x0] =	vst.idx.msk $0xffff, v1  }
0x39f: {  	s23 =	sadd.s32 $0x1, s23;
	v2 =	vor.u32 v0, v3;
	v1 =	vld [tilespmem:s29+$0x4E0]  }
0x3a0: {  	p0 =	sne.s32 s23, $0xD  }
.Ltmp8:
0x3a1: {  	s26 =	sshll.u32 s26, $0x12;
	(pc) =	sbr.rel @p0 .LBB2_14-.Ltmp8, $4  }
0x3a2: {  	s26 =	sor.u32 s10, s26  }
0x3a3: {  	s26 =	sshrl.u32 s26, $0x3  }
0x3a4: {  	s24 =	sadd.s32 $0x20, s24;
	s25 =	sadd.s32 $0x20, s25;
	s26 =	sadd.s32 s2, s26;
	[tilespmem:v2+s18+$0x0] =	vst.idx.msk $0xffff, v1  }
0x3a5: {  	[hbm4b:s26+s16] =	stream.strided.scatter [tilespmem:s18], [sflag:$0x4], $0x800, s17, s16, $0x38;
	[tilespmem:$0x1B000] =	vst v63  }
0x3a6: {  	_ =	swait.ge [sflag:s19], $0x800  }
0x3a7: {  	[sflag:s19] =	ssyncset.done $0x0  }
0x3a8: {  	[sflag:s19] =	ssyncadd.s32 $0xFFFFF800  }
0x3a9: {  	_ =	swait.ge [sflag:s20], $0x800  }
0x3aa: {  	[sflag:s20] =	ssyncset.done $0x0  }
0x3ab: {  	[sflag:s20] =	ssyncadd.s32 $0xFFFFF800  }
0x3ac: {  	_ =	swait.ge [sflag:s21], $0xD000  }
0x3ad: {  	s23 =	simm.s32 $0x0;
	[sflag:s21] =	ssyncset.done $0x0  }
0x3ae: {  	s24 =	simm.s32 $0xD680;
	s25 =	simm.s32 $0xD690;
	[sflag:s21] =	ssyncadd.s32 $0xFFFF3000  }
.LBB2_20:
0x3af: {  	p0 =	seq.s32 s23, $0x0;
	s26 =	simm.s32 $0x0  }
0x3b0: {  	s28 =	simm.s32 @!p0 $0x3;
	v1 =	vmov s26  }
0x3b1: {  	_ =	swait.ge @!p0 [sflag:s28], $0x800;
	v1 =	vand.u32 $0x78, v1  }
0x3b2: {  	[sflag:s28] =	ssyncset.done @!p0 $0x0;
	v1 =	vbroadcast v1, $0x0  }
0x3b3: {  	[sflag:s28] =	ssyncadd.s32 @!p0 $0xFFFFF800  }
0x3b4: {  	v2 =	vld [tilespmem:s24+$0xFFFFF980];
	v1 =	vor.u32 v0, v1  }
0x3b5: {  	s26 =	simm.s32 $0x1  }
0x3b6: {  	v3 =	vmov s26  }
0x3b7: {  	v3 =	vand.u32 $0x79, v3  }
0x3b8: {  	v3 =	vbroadcast v3, $0x0  }
0x3b9: {  	[tilespmem:v1+s15+$0x0] =	vst.idx.msk $0xffff, v2  }
0x3ba: {  	v2 =	vor.u32 v0, v3;
	v1 =	vld [tilespmem:s24+$0xFFFFFB20]  }
0x3bb: {  	s26 =	simm.s32 $0x2  }
0x3bc: {  	v3 =	vmov s26  }
0x3bd: {  	v3 =	vand.u32 $0x7A, v3  }
0x3be: {  	v3 =	vbroadcast v3, $0x0  }
0x3bf: {  	[tilespmem:v2+s15+$0x0] =	vst.idx.msk $0xffff, v1  }
0x3c0: {  	v2 =	vor.u32 v0, v3;
	v1 =	vld [tilespmem:s24+$0xFFFFFCC0]  }
0x3c1: {  	s26 =	simm.s32 $0x3  }
0x3c2: {  	v3 =	vmov s26  }
0x3c3: {  	v3 =	vand.u32 $0x7B, v3  }
0x3c4: {  	v3 =	vbroadcast v3, $0x0  }
0x3c5: {  	[tilespmem:v2+s15+$0x0] =	vst.idx.msk $0xffff, v1  }
0x3c6: {  	v2 =	vor.u32 v0, v3;
	v1 =	vld [tilespmem:s24+$0xFFFFFE60]  }
0x3c7: {  	s26 =	simm.s32 $0x4  }
0x3c8: {  	v3 =	vmov s26  }
0x3c9: {  	v3 =	vand.u32 $0x7C, v3  }
0x3ca: {  	v3 =	vbroadcast v3, $0x0  }
0x3cb: {  	[tilespmem:v2+s15+$0x0] =	vst.idx.msk $0xffff, v1  }
0x3cc: {  	v2 =	vor.u32 v0, v3;
	v1 =	vld [tilespmem:s24+$0x0]  }
0x3cd: {  	s26 =	simm.s32 $0x5  }
0x3ce: {  	v3 =	vmov s26  }
0x3cf: {  	v3 =	vand.u32 $0x7D, v3  }
0x3d0: {  	v3 =	vbroadcast v3, $0x0  }
0x3d1: {  	[tilespmem:v2+s15+$0x0] =	vst.idx.msk $0xffff, v1  }
0x3d2: {  	v2 =	vor.u32 v0, v3;
	v1 =	vld [tilespmem:s24+$0x1A0]  }
0x3d3: {  	s26 =	simm.s32 $0x6  }
0x3d4: {  	v3 =	vmov s26  }
0x3d5: {  	v3 =	vand.u32 $0x7E, v3  }
0x3d6: {  	v3 =	vbroadcast v3, $0x0  }
0x3d7: {  	[tilespmem:v2+s15+$0x0] =	vst.idx.msk $0xffff, v1  }
0x3d8: {  	v2 =	vor.u32 v0, v3;
	v1 =	vld [tilespmem:s24+$0x340]  }
0x3d9: {  	s26 =	simm.s32 $0x7  }
0x3da: {  	v3 =	vmov s26  }
0x3db: {  	v3 =	vand.u32 $0x7F, v3  }
0x3dc: {  	v3 =	vbroadcast v3, $0x0  }
0x3dd: {  	[tilespmem:v2+s15+$0x0] =	vst.idx.msk $0xffff, v1  }
0x3de: {  	s31 =	simm.s32 $0x8;
	s30 =	simm.s32 $0x17;
	v2 =	vor.u32 v0, v3;
	v1 =	vld [tilespmem:s24+$0x4E0]  }
0x3df: {  	s29 =	smov.u32 s24;
	s28 =	simm.s32 $0xF;
	s26 =	sshll.u32 s23, $0x1  }
.LBB2_21:
0x3e0: {  	p1 =	sne.s32 s30, $0x7F;
	v3 =	vmov s31  }
0x3e1: {  	v3 =	vand.u32 $0x78, v3  }
0x3e2: {  	v3 =	vbroadcast v3, $0x0  }
0x3e3: {  	s29 =	sadd.s32 $0xD00, s29;
	[tilespmem:v2+s15+$0x0] =	vst.idx.msk $0xffff, v1  }
0x3e4: {  	v1 =	vld [tilespmem:s29+$0xFFFFF980];
	v2 =	vor.u32 v0, v3  }
0x3e5: {  	s31 =	sadd.s32 $0xFFFFFFFA, s28  }
0x3e6: {  	v3 =	vmov s31  }
0x3e7: {  	v3 =	vand.u32 $0x79, v3  }
0x3e8: {  	v3 =	vbroadcast v3, $0x0  }
0x3e9: {  	[tilespmem:v2+s15+$0x0] =	vst.idx.msk $0xffff, v1  }
0x3ea: {  	v2 =	vor.u32 v0, v3;
	v1 =	vld [tilespmem:s29+$0xFFFFFB20]  }
0x3eb: {  	s31 =	sadd.s32 $0xFFFFFFFB, s28  }
0x3ec: {  	v3 =	vmov s31  }
0x3ed: {  	v3 =	vand.u32 $0x7A, v3  }
0x3ee: {  	v3 =	vbroadcast v3, $0x0  }
0x3ef: {  	[tilespmem:v2+s15+$0x0] =	vst.idx.msk $0xffff, v1  }
0x3f0: {  	v2 =	vor.u32 v0, v3;
	v1 =	vld [tilespmem:s29+$0xFFFFFCC0]  }
0x3f1: {  	s31 =	sadd.s32 $0xFFFFFFFC, s28  }
0x3f2: {  	v3 =	vmov s31  }
0x3f3: {  	v3 =	vand.u32 $0x7B, v3  }
0x3f4: {  	v3 =	vbroadcast v3, $0x0  }
0x3f5: {  	[tilespmem:v2+s15+$0x0] =	vst.idx.msk $0xffff, v1  }
0x3f6: {  	v2 =	vor.u32 v0, v3;
	v1 =	vld [tilespmem:s29+$0xFFFFFE60]  }
0x3f7: {  	s31 =	sadd.s32 $0xFFFFFFFD, s28  }
0x3f8: {  	v3 =	vmov s31  }
0x3f9: {  	v3 =	vand.u32 $0x7C, v3  }
0x3fa: {  	v3 =	vbroadcast v3, $0x0  }
0x3fb: {  	[tilespmem:v2+s15+$0x0] =	vst.idx.msk $0xffff, v1  }
0x3fc: {  	v2 =	vor.u32 v0, v3;
	v1 =	vld [tilespmem:s29+$0x0]  }
0x3fd: {  	s31 =	sadd.s32 $0xFFFFFFFE, s28  }
0x3fe: {  	v3 =	vmov s31  }
0x3ff: {  	v3 =	vand.u32 $0x7D, v3  }
0x400: {  	v3 =	vbroadcast v3, $0x0  }
0x401: {  	[tilespmem:v2+s15+$0x0] =	vst.idx.msk $0xffff, v1  }
0x402: {  	v2 =	vor.u32 v0, v3;
	v1 =	vld [tilespmem:s29+$0x1A0]  }
0x403: {  	s31 =	sadd.s32 $0xFFFFFFFF, s28  }
0x404: {  	v3 =	vmov s31  }
0x405: {  	v3 =	vand.u32 $0x7E, v3  }
0x406: {  	v3 =	vbroadcast v3, $0x0  }
0x407: {  	[tilespmem:v2+s15+$0x0] =	vst.idx.msk $0xffff, v1  }
0x408: {  	v2 =	vor.u32 v0, v3;
	v1 =	vld [tilespmem:s29+$0x340];
	_ =	sdelay $0x1  }
0x409: {  	v3 =	vmov s28;
	s28 =	smov.u32 s30  }
.Ltmp9:
0x40a: {  	v3 =	vand.u32 $0x7F, v3;
	(pc) =	sbr.rel @p1 .LBB2_21-.Ltmp9, $4  }
0x40b: {  	v3 =	vbroadcast v3, $0x0  }
0x40c: {  	[tilespmem:v2+s15+$0x0] =	vst.idx.msk $0xffff, v1  }
0x40d: {  	v2 =	vor.u32 v0, v3;
	v1 =	vld [tilespmem:s29+$0x4E0]  }
0x40e: {  	s30 =	sadd.s32 $0x8, s30;
	s31 =	sadd.s32 $0xFFFFFFF9, s28  }
0x40f: {  	_ = 	snop  }
0x410: {  	v3 =	vmov s31  }
0x411: {  	v3 =	vand.u32 $0x78, v3  }
0x412: {  	v3 =	vbroadcast v3, $0x0  }
0x413: {  	s29 =	sadd.s32 $0xD00, s29;
	[tilespmem:v2+s15+$0x0] =	vst.idx.msk $0xffff, v1  }
0x414: {  	v1 =	vld [tilespmem:s29+$0xFFFFF980];
	v2 =	vor.u32 v0, v3  }
0x415: {  	s30 =	sadd.s32 $0xFFFFFFFA, s28  }
0x416: {  	v3 =	vmov s30  }
0x417: {  	v3 =	vand.u32 $0x79, v3  }
0x418: {  	v3 =	vbroadcast v3, $0x0  }
0x419: {  	[tilespmem:v2+s15+$0x0] =	vst.idx.msk $0xffff, v1  }
0x41a: {  	v2 =	vor.u32 v0, v3;
	v1 =	vld [tilespmem:s29+$0xFFFFFB20]  }
0x41b: {  	s30 =	sadd.s32 $0xFFFFFFFB, s28  }
0x41c: {  	v3 =	vmov s30  }
0x41d: {  	v3 =	vand.u32 $0x7A, v3  }
0x41e: {  	v3 =	vbroadcast v3, $0x0  }
0x41f: {  	[tilespmem:v2+s15+$0x0] =	vst.idx.msk $0xffff, v1  }
0x420: {  	v2 =	vor.u32 v0, v3;
	v1 =	vld [tilespmem:s29+$0xFFFFFCC0]  }
0x421: {  	s30 =	sadd.s32 $0xFFFFFFFC, s28  }
0x422: {  	v3 =	vmov s30  }
0x423: {  	v3 =	vand.u32 $0x7B, v3  }
0x424: {  	v3 =	vbroadcast v3, $0x0  }
0x425: {  	[tilespmem:v2+s15+$0x0] =	vst.idx.msk $0xffff, v1  }
0x426: {  	v2 =	vor.u32 v0, v3;
	v1 =	vld [tilespmem:s29+$0xFFFFFE60]  }
0x427: {  	s30 =	sadd.s32 $0xFFFFFFFD, s28  }
0x428: {  	v3 =	vmov s30  }
0x429: {  	v3 =	vand.u32 $0x7C, v3  }
0x42a: {  	v3 =	vbroadcast v3, $0x0  }
0x42b: {  	[tilespmem:v2+s15+$0x0] =	vst.idx.msk $0xffff, v1  }
0x42c: {  	v2 =	vor.u32 v0, v3;
	v1 =	vld [tilespmem:s29+$0x0]  }
0x42d: {  	s30 =	sadd.s32 $0xFFFFFFFE, s28  }
0x42e: {  	v3 =	vmov s30  }
0x42f: {  	v3 =	vand.u32 $0x7D, v3  }
0x430: {  	v3 =	vbroadcast v3, $0x0  }
0x431: {  	[tilespmem:v2+s15+$0x0] =	vst.idx.msk $0xffff, v1  }
0x432: {  	v2 =	vor.u32 v0, v3;
	v1 =	vld [tilespmem:s29+$0x1A0]  }
0x433: {  	s30 =	sadd.s32 $0xFFFFFFFF, s28  }
0x434: {  	v3 =	vmov s30  }
0x435: {  	v3 =	vand.u32 $0x7E, v3  }
0x436: {  	v3 =	vbroadcast v3, $0x0  }
0x437: {  	[tilespmem:v2+s15+$0x0] =	vst.idx.msk $0xffff, v1  }
0x438: {  	v2 =	vor.u32 v0, v3;
	v1 =	vld [tilespmem:s29+$0x340];
	_ =	sdelay $0x1  }
0x439: {  	v3 =	vmov s28  }
0x43a: {  	v3 =	vand.u32 $0x7F, v3  }
0x43b: {  	v3 =	vbroadcast v3, $0x0  }
0x43c: {  	[tilespmem:v2+s15+$0x0] =	vst.idx.msk $0xffff, v1  }
0x43d: {  	v2 =	vor.u32 v0, v3;
	v1 =	vld [tilespmem:s29+$0x4E0];
	_ =	sdelay $0x1  }
0x43e: {  	s28 =	sshll.u32 s23, $0x13  }
0x43f: {  	s28 =	sor.u32 s11, s28  }
0x440: {  	s28 =	sshrl.u32 s28, $0x3  }
0x441: {  	s28 =	sadd.s32 s2, s28;
	[tilespmem:v2+s15+$0x0] =	vst.idx.msk $0xffff, v1  }
0x442: {  	[hbm4b:s28+s16] =	stream.strided.scatter [tilespmem:s15], [sflag:$0x3], $0x800, s17, s16, $0x38;
	[tilespmem:$0x1B000] =	vst v63  }
0x443: {  	s28 =	simm.s32 $0x0  }
0x444: {  	s29 =	simm.s32 @!p0 $0x4;
	v1 =	vmov s28  }
0x445: {  	_ =	swait.ge @!p0 [sflag:s29], $0x800;
	v1 =	vand.u32 $0x78, v1  }
0x446: {  	[sflag:s29] =	ssyncset.done @!p0 $0x0;
	v1 =	vbroadcast v1, $0x0  }
0x447: {  	[sflag:s29] =	ssyncadd.s32 @!p0 $0xFFFFF800  }
0x448: {  	v2 =	vld [tilespmem:s25+$0xFFFFF980];
	v1 =	vor.u32 v0, v1  }
0x449: {  	s28 =	simm.s32 $0x1  }
0x44a: {  	v3 =	vmov s28  }
0x44b: {  	v3 =	vand.u32 $0x79, v3  }
0x44c: {  	v3 =	vbroadcast v3, $0x0  }
0x44d: {  	[tilespmem:v1+s18+$0x0] =	vst.idx.msk $0xffff, v2  }
0x44e: {  	v2 =	vor.u32 v0, v3;
	v1 =	vld [tilespmem:s25+$0xFFFFFB20]  }
0x44f: {  	s28 =	simm.s32 $0x2  }
0x450: {  	v3 =	vmov s28  }
0x451: {  	v3 =	vand.u32 $0x7A, v3  }
0x452: {  	v3 =	vbroadcast v3, $0x0  }
0x453: {  	[tilespmem:v2+s18+$0x0] =	vst.idx.msk $0xffff, v1  }
0x454: {  	v2 =	vor.u32 v0, v3;
	v1 =	vld [tilespmem:s25+$0xFFFFFCC0]  }
0x455: {  	s28 =	simm.s32 $0x3  }
0x456: {  	v3 =	vmov s28  }
0x457: {  	v3 =	vand.u32 $0x7B, v3  }
0x458: {  	v3 =	vbroadcast v3, $0x0  }
0x459: {  	[tilespmem:v2+s18+$0x0] =	vst.idx.msk $0xffff, v1  }
0x45a: {  	v2 =	vor.u32 v0, v3;
	v1 =	vld [tilespmem:s25+$0xFFFFFE60]  }
0x45b: {  	s28 =	simm.s32 $0x4  }
0x45c: {  	v3 =	vmov s28  }
0x45d: {  	v3 =	vand.u32 $0x7C, v3  }
0x45e: {  	v3 =	vbroadcast v3, $0x0  }
0x45f: {  	[tilespmem:v2+s18+$0x0] =	vst.idx.msk $0xffff, v1  }
0x460: {  	v2 =	vor.u32 v0, v3;
	v1 =	vld [tilespmem:s25+$0x0]  }
0x461: {  	s28 =	simm.s32 $0x5  }
0x462: {  	v3 =	vmov s28  }
0x463: {  	v3 =	vand.u32 $0x7D, v3  }
0x464: {  	v3 =	vbroadcast v3, $0x0  }
0x465: {  	[tilespmem:v2+s18+$0x0] =	vst.idx.msk $0xffff, v1  }
0x466: {  	v2 =	vor.u32 v0, v3;
	v1 =	vld [tilespmem:s25+$0x1A0]  }
0x467: {  	s28 =	simm.s32 $0x6  }
0x468: {  	v3 =	vmov s28  }
0x469: {  	v3 =	vand.u32 $0x7E, v3  }
0x46a: {  	v3 =	vbroadcast v3, $0x0  }
0x46b: {  	[tilespmem:v2+s18+$0x0] =	vst.idx.msk $0xffff, v1  }
0x46c: {  	v2 =	vor.u32 v0, v3;
	v1 =	vld [tilespmem:s25+$0x340]  }
0x46d: {  	s28 =	simm.s32 $0x7  }
0x46e: {  	v3 =	vmov s28  }
0x46f: {  	v3 =	vand.u32 $0x7F, v3  }
0x470: {  	v3 =	vbroadcast v3, $0x0  }
0x471: {  	[tilespmem:v2+s18+$0x0] =	vst.idx.msk $0xffff, v1  }
0x472: {  	s26 =	sor.u32 $0x1, s26;
	s31 =	simm.s32 $0x8;
	v2 =	vor.u32 v0, v3;
	v1 =	vld [tilespmem:s25+$0x4E0]  }
0x473: {  	s30 =	simm.s32 $0x17;
	s29 =	smov.u32 s25;
	s28 =	simm.s32 $0xF  }
.LBB2_23:
0x474: {  	p0 =	sne.s32 s30, $0x7F;
	v3 =	vmov s31  }
0x475: {  	v3 =	vand.u32 $0x78, v3  }
0x476: {  	v3 =	vbroadcast v3, $0x0  }
0x477: {  	s29 =	sadd.s32 $0xD00, s29;
	[tilespmem:v2+s18+$0x0] =	vst.idx.msk $0xffff, v1  }
0x478: {  	v1 =	vld [tilespmem:s29+$0xFFFFF980];
	v2 =	vor.u32 v0, v3  }
0x479: {  	s31 =	sadd.s32 $0xFFFFFFFA, s28  }
0x47a: {  	v3 =	vmov s31  }
0x47b: {  	v3 =	vand.u32 $0x79, v3  }
0x47c: {  	v3 =	vbroadcast v3, $0x0  }
0x47d: {  	[tilespmem:v2+s18+$0x0] =	vst.idx.msk $0xffff, v1  }
0x47e: {  	v2 =	vor.u32 v0, v3;
	v1 =	vld [tilespmem:s29+$0xFFFFFB20]  }
0x47f: {  	s31 =	sadd.s32 $0xFFFFFFFB, s28  }
0x480: {  	v3 =	vmov s31  }
0x481: {  	v3 =	vand.u32 $0x7A, v3  }
0x482: {  	v3 =	vbroadcast v3, $0x0  }
0x483: {  	[tilespmem:v2+s18+$0x0] =	vst.idx.msk $0xffff, v1  }
0x484: {  	v2 =	vor.u32 v0, v3;
	v1 =	vld [tilespmem:s29+$0xFFFFFCC0]  }
0x485: {  	s31 =	sadd.s32 $0xFFFFFFFC, s28  }
0x486: {  	v3 =	vmov s31  }
0x487: {  	v3 =	vand.u32 $0x7B, v3  }
0x488: {  	v3 =	vbroadcast v3, $0x0  }
0x489: {  	[tilespmem:v2+s18+$0x0] =	vst.idx.msk $0xffff, v1  }
0x48a: {  	v2 =	vor.u32 v0, v3;
	v1 =	vld [tilespmem:s29+$0xFFFFFE60]  }
0x48b: {  	s31 =	sadd.s32 $0xFFFFFFFD, s28  }
0x48c: {  	v3 =	vmov s31  }
0x48d: {  	v3 =	vand.u32 $0x7C, v3  }
0x48e: {  	v3 =	vbroadcast v3, $0x0  }
0x48f: {  	[tilespmem:v2+s18+$0x0] =	vst.idx.msk $0xffff, v1  }
0x490: {  	v2 =	vor.u32 v0, v3;
	v1 =	vld [tilespmem:s29+$0x0]  }
0x491: {  	s31 =	sadd.s32 $0xFFFFFFFE, s28  }
0x492: {  	v3 =	vmov s31  }
0x493: {  	v3 =	vand.u32 $0x7D, v3  }
0x494: {  	v3 =	vbroadcast v3, $0x0  }
0x495: {  	[tilespmem:v2+s18+$0x0] =	vst.idx.msk $0xffff, v1  }
0x496: {  	v2 =	vor.u32 v0, v3;
	v1 =	vld [tilespmem:s29+$0x1A0]  }
0x497: {  	s31 =	sadd.s32 $0xFFFFFFFF, s28  }
0x498: {  	v3 =	vmov s31  }
0x499: {  	v3 =	vand.u32 $0x7E, v3  }
0x49a: {  	v3 =	vbroadcast v3, $0x0  }
0x49b: {  	[tilespmem:v2+s18+$0x0] =	vst.idx.msk $0xffff, v1  }
0x49c: {  	v2 =	vor.u32 v0, v3;
	v1 =	vld [tilespmem:s29+$0x340];
	_ =	sdelay $0x1  }
0x49d: {  	v3 =	vmov s28;
	s28 =	smov.u32 s30  }
.Ltmp10:
0x49e: {  	v3 =	vand.u32 $0x7F, v3;
	(pc) =	sbr.rel @p0 .LBB2_23-.Ltmp10, $4  }
0x49f: {  	v3 =	vbroadcast v3, $0x0  }
0x4a0: {  	[tilespmem:v2+s18+$0x0] =	vst.idx.msk $0xffff, v1  }
0x4a1: {  	v2 =	vor.u32 v0, v3;
	v1 =	vld [tilespmem:s29+$0x4E0]  }
0x4a2: {  	s30 =	sadd.s32 $0x8, s30;
	s31 =	sadd.s32 $0xFFFFFFF9, s28  }
0x4a3: {  	_ = 	snop  }
0x4a4: {  	v3 =	vmov s31  }
0x4a5: {  	v3 =	vand.u32 $0x78, v3  }
0x4a6: {  	v3 =	vbroadcast v3, $0x0  }
0x4a7: {  	s29 =	sadd.s32 $0xD00, s29;
	[tilespmem:v2+s18+$0x0] =	vst.idx.msk $0xffff, v1  }
0x4a8: {  	v1 =	vld [tilespmem:s29+$0xFFFFF980];
	v2 =	vor.u32 v0, v3  }
0x4a9: {  	s30 =	sadd.s32 $0xFFFFFFFA, s28  }
0x4aa: {  	v3 =	vmov s30  }
0x4ab: {  	v3 =	vand.u32 $0x79, v3  }
0x4ac: {  	v3 =	vbroadcast v3, $0x0  }
0x4ad: {  	[tilespmem:v2+s18+$0x0] =	vst.idx.msk $0xffff, v1  }
0x4ae: {  	v2 =	vor.u32 v0, v3;
	v1 =	vld [tilespmem:s29+$0xFFFFFB20]  }
0x4af: {  	s31 =	sadd.s32 $0xFFFFFFFB, s28  }
0x4b0: {  	v3 =	vmov s31  }
0x4b1: {  	v3 =	vand.u32 $0x7A, v3  }
0x4b2: {  	v3 =	vbroadcast v3, $0x0  }
0x4b3: {  	[tilespmem:v2+s18+$0x0] =	vst.idx.msk $0xffff, v1  }
0x4b4: {  	v2 =	vor.u32 v0, v3;
	v1 =	vld [tilespmem:s29+$0xFFFFFCC0]  }
0x4b5: {  	s31 =	sadd.s32 $0xFFFFFFFC, s28  }
0x4b6: {  	v3 =	vmov s31  }
0x4b7: {  	v3 =	vand.u32 $0x7B, v3  }
0x4b8: {  	v3 =	vbroadcast v3, $0x0  }
0x4b9: {  	[tilespmem:v2+s18+$0x0] =	vst.idx.msk $0xffff, v1  }
0x4ba: {  	v2 =	vor.u32 v0, v3;
	v1 =	vld [tilespmem:s29+$0xFFFFFE60]  }
0x4bb: {  	s31 =	sadd.s32 $0xFFFFFFFD, s28  }
0x4bc: {  	v3 =	vmov s31  }
0x4bd: {  	v3 =	vand.u32 $0x7C, v3  }
0x4be: {  	v3 =	vbroadcast v3, $0x0  }
0x4bf: {  	[tilespmem:v2+s18+$0x0] =	vst.idx.msk $0xffff, v1  }
0x4c0: {  	v2 =	vor.u32 v0, v3;
	v1 =	vld [tilespmem:s29+$0x0]  }
0x4c1: {  	s31 =	sadd.s32 $0xFFFFFFFE, s28  }
0x4c2: {  	v3 =	vmov s31  }
0x4c3: {  	v3 =	vand.u32 $0x7D, v3  }
0x4c4: {  	v3 =	vbroadcast v3, $0x0  }
0x4c5: {  	[tilespmem:v2+s18+$0x0] =	vst.idx.msk $0xffff, v1  }
0x4c6: {  	v2 =	vor.u32 v0, v3;
	v1 =	vld [tilespmem:s29+$0x1A0]  }
0x4c7: {  	s31 =	sadd.s32 $0xFFFFFFFF, s28  }
0x4c8: {  	v3 =	vmov s31  }
0x4c9: {  	v3 =	vand.u32 $0x7E, v3  }
0x4ca: {  	v3 =	vbroadcast v3, $0x0  }
0x4cb: {  	[tilespmem:v2+s18+$0x0] =	vst.idx.msk $0xffff, v1  }
0x4cc: {  	v2 =	vor.u32 v0, v3;
	v1 =	vld [tilespmem:s29+$0x340];
	_ =	sdelay $0x1  }
0x4cd: {  	v3 =	vmov s28  }
0x4ce: {  	v3 =	vand.u32 $0x7F, v3  }
0x4cf: {  	v3 =	vbroadcast v3, $0x0  }
0x4d0: {  	[tilespmem:v2+s18+$0x0] =	vst.idx.msk $0xffff, v1  }
0x4d1: {  	s23 =	sadd.s32 $0x1, s23;
	v2 =	vor.u32 v0, v3;
	v1 =	vld [tilespmem:s29+$0x4E0]  }
0x4d2: {  	p0 =	sne.s32 s23, $0xD  }
.Ltmp11:
0x4d3: {  	s26 =	sshll.u32 s26, $0x12;
	(pc) =	sbr.rel @p0 .LBB2_20-.Ltmp11, $4  }
0x4d4: {  	s26 =	sor.u32 s11, s26  }
0x4d5: {  	s26 =	sshrl.u32 s26, $0x3  }
0x4d6: {  	s24 =	sadd.s32 $0x20, s24;
	s25 =	sadd.s32 $0x20, s25;
	s26 =	sadd.s32 s2, s26;
	[tilespmem:v2+s18+$0x0] =	vst.idx.msk $0xffff, v1  }
0x4d7: {  	[hbm4b:s26+s16] =	stream.strided.scatter [tilespmem:s18], [sflag:$0x4], $0x800, s17, s16, $0x38;
	[tilespmem:$0x1B000] =	vst v63  }
0x4d8: {  	s22 =	sadd.s32 $0x1, s22  }
0x4d9: {  	_ =	swait.ge [sflag:s19], $0x800;
	p0 =	sne.s32 s22, s12  }
.Ltmp12:
0x4da: {  	[sflag:s19] =	ssyncset.done $0x0;
	(pc) =	sbr.rel @p0 .LBB2_1-.Ltmp12, $4  }
0x4db: {  	[sflag:s19] =	ssyncadd.s32 $0xFFFFF800  }
0x4dc: {  	_ =	swait.ge [sflag:s20], $0x800  }
0x4dd: {  	[sflag:s20] =	ssyncset.done $0x0  }
0x4de: {  	[sflag:s20] =	ssyncadd.s32 $0xFFFFF800  }
0x4df: {  	_ =	sfence.sel $0x180000  }
0x4e0: {  	[bflag:$0x0] =	sbarrier.arrive $0xFFFF  }
0x4e1: {  	p0 =	sne.s32 s1, $0x0;
	_ =	strace $0x9000004D  }
0x4e2: {  	s0 =	sadd.s32 @!p0 $0x100000, s0;
	[bflag:$0x2] =	sbarrier.arrive $0xFFFF  }
0x4e3: {  	[sflag:s0] =	ssyncadd.tile.s32 @!p0 $0x1;
	_ =	shalt  }
.Lfunc_end2:
_tile_overlayer_lowered:
.L_overlay_start_2:
0x4e4: {  	(tag) =	ssettag $0x2  }
0x4e5: {  	s0 =	rddreg [dreg:$0x0];
	s2 =	stileid.u32  }
0x4e6: {  	s1 =	rddreg [dreg:$0x1];
	p0 =	sne.s32 s2, $0x0  }
0x4e7: {  	s3 =	rddreg [dreg:$0x2];
	[bflag:$0x3] =	sbarrier.arrive $0xFFFF;
	s2 =	simm.s32 @!p0 $0x1C05  }
0x4e8: {  	[timem:s3], [sflag:s2] =	dma.local @!p0 [hbm:s0], s1  }
0x4e9: {  	s0 =	simm.s32 @!p0 $0x5  }
0x4ea: {  	_ =	swait.ge @!p0 [sflag:s0], s1  }
0x4eb: {  	s1 =	ssub.s32 @!p0 $0x0, s1;
	[sflag:s0] =	ssyncset.done @!p0 $0x0  }
0x4ec: {  	[sflag:s0] =	ssyncadd.s32 @!p0 s1  }
0x4ed: {  	[bflag:$0x3] =	sbarrier.arrive $0xFFFF  }
0x4ee: {  	_ =	shalt  }

// kernel: kernel.5.cloned.1.call-start
scs
__scs_entry_jumppad:
0x0: {  	(pc) =	sbr.rel $0x88, $3  }
0x1: {  	(tag) =	ssettag $0x0;
	lr =	simm.s32 $0x1  }
0x2: {  	[smem:$0x3F9F] =	sst lr;
	_ =	strace $0xD0000000  }
0x3: {  	_ = 	snop  }
0x4: {  	_ = 	snop  }
0x5: {  	_ = 	snop  }
0x6: {  	_ = 	snop  }
0x7: {  	_ = 	snop  }
__scs_overlays_trampoline_lowered:
0x8: {  	[smem:$0x3FAE] =	sst s0  }
0x9: {  	[smem:$0x3FAF] =	sst s1  }
0xa: {  	[smem:$0x3FB0] =	sst s2  }
0xb: {  	[smem:$0x3FB1] =	sst s3  }
0xc: {  	[smem:$0x3FB2] =	sst s4  }
0xd: {  	[smem:$0x3FB3] =	sst s5  }
0xe: {  	[smem:$0x3FB4] =	sst s6  }
0xf: {  	[smem:$0x3FB5] =	sst s7  }
0x10: {  	[smem:$0x3FB6] =	sst s8  }
0x11: {  	[smem:$0x3FB7] =	sst s9;
	s0 =	simm.s32 @!p0 $0x0  }
0x12: {  	s1 =	sld [smem:$0x3F9D];
	s0 =	simm.s32 @p0 $0x1  }
0x13: {  	[smem:$0x3FB8] =	sst s0;
	s0 =	simm.s32 @!p1 $0x0  }
0x14: {  	s2 =	sld [smem:$0x3F9C];
	s0 =	simm.s32 @p1 $0x1  }
0x15: {  	[smem:$0x3FB9] =	sst s0;
	s0 =	simm.s32 @!p2 $0x0  }
0x16: {  	s3 =	sld [smem:$0x3FDB];
	s0 =	simm.s32 @p2 $0x1  }
0x17: {  	s4 =	simm.s32 $0x1BF5;
	[smem:$0x3FBB] =	sst s0  }
0x18: {  	s0 =	sld [smem:$0x3F9E];
	_ =	swait.ge [sflag:s4], $0x0  }
0x19: {  	s7 =	sld [smem:$0x3F9F]  }
0x1a: {  	s8 =	sadd.s32 $0xFFFFE003, lr  }
0x1b: {  	s9 =	sadd.s32 $0xFFFFFEF7, lr;
	s5 =	simm.s32 $0xFFFFFFFF;
	p2 =	slt.u32 s8, $0xFFFFF086  }
0x1c: {  	p1 =	slt.u32 s9, $0xF7A;
	s5 =	simm.s32 @!p2 $0x0  }
0x1d: {  	s5 =	simm.s32 @p1 $0x1;
	p0 =	seq.s32 s7, s2  }
0x1e: {  	s7 =	smul.u32 @!p0 $0xF7A, s2;
	p2 =	seq.s32 @!p0 s5, $0x0  }
0x1f: {  	s9 =	smul.u32 $0xF7A, s1;
	s8 =	simm.s32 @!p0 $0x1BF5;
	p2 =	por !p2, p0  }
0x20: {  	[sflag:s8] =	ssyncset.s32 @!p0 $0xFFFFF086;
	s6 =	sadd.s32 @!p0 s3, s7;
	s7 =	simm.s32 @!p0 $0x108  }
0x21: {  	s3 =	sadd.s32 s3, s9;
	s6 =	sadd.s32 @!p0 $0x88, s6;
	s7 =	simm.s32 @p2 $0x1082  }
0x22: {  	[simem:s7], [sflag:s8] =	dma.local @!p0 [hbm:s6], $0xF7A  }
0x23: {  	s9 =	sor.u32 $0xD0000000, s2;
	s6 =	simm.s32 $0x108;
	_ =	swait.ge @!p0 [sflag:s8], $0x0  }
0x24: {  	s3 =	sadd.s32 $0x88, s3;
	s6 =	simm.s32 @!p1 $0x1082;
	[sflag:s4] =	ssyncset.s32 $0xFFFFF086  }
0x25: {  	[simem:s6], [sflag:s4] =	dma.local [hbm:s3], $0xF7A  }
0x26: {  	[smem:$0x3F9F] =	sst s1;
	(tag) =	ssettag s2;
	_ =	strace s9  }
0x27: {  	s1 =	sld [smem:$0x3FAF]  }
0x28: {  	s2 =	sld [smem:$0x3FB0]  }
0x29: {  	s4 =	sld [smem:$0x3FB2]  }
0x2a: {  	p0 =	seq.s32 s5, $0x0;
	s5 =	sld [smem:$0x3FB3]  }
0x2b: {  	s6 =	sld [smem:$0x3FB4]  }
0x2c: {  	s7 =	sld [smem:$0x3FB5]  }
0x2d: {  	s3 =	simm.s32 $0x108;
	s8 =	sld [smem:$0x3FB6]  }
0x2e: {  	s3 =	simm.s32 @!p0 $0x1082;
	s9 =	sld [smem:$0x3FB7]  }
0x2f: {  	lr =	sadd.s32 s0, s3;
	s0 =	sld [smem:$0x3FAE]  }
0x30: {  	s3 =	sld [smem:$0x3FB1]  }
0x31: {  	[smem:$0x3FBA] =	sst s10  }
0x32: {  	s10 =	sld [smem:$0x3FB8];
	_ =	sdelay $0x3  }
0x33: {  	p0 =	seq.s32 s10, $0x1;
	s10 =	sld [smem:$0x3FBA];
	_ =	sdelay $0x3  }
0x34: {  	[smem:$0x3FBA] =	sst s10  }
0x35: {  	s10 =	sld [smem:$0x3FB9];
	_ =	sdelay $0x3  }
0x36: {  	p1 =	seq.s32 s10, $0x1;
	s10 =	sld [smem:$0x3FBA];
	_ =	sdelay $0x3  }
0x37: {  	[smem:$0x3FBA] =	sst s10  }
0x38: {  	s10 =	sld [smem:$0x3FBB]  }
0x39: {  	_ = 	snop;
	(pc) =	sbr.ind lr, $3  }
0x3a: {  	_ = 	snop  }
0x3b: {  	_ = 	snop  }
0x3c: {  	p2 =	seq.s32 s10, $0x1;
	s10 =	sld [smem:$0x3FBA]  }
0x3d: {  	_ =	shalt  }
0x3e: {  	_ =	shalt  }
0x3f: {  	_ =	shalt  }
0x40: {  	_ =	shalt  }
0x41: {  	_ =	shalt  }
0x42: {  	_ =	shalt  }
0x43: {  	_ =	shalt  }
0x44: {  	_ =	shalt  }
0x45: {  	_ =	shalt  }
0x46: {  	_ =	shalt  }
0x47: {  	_ =	shalt  }
0x48: {  	_ =	shalt  }
0x49: {  	_ =	shalt  }
0x4a: {  	_ =	shalt  }
0x4b: {  	_ =	shalt  }
0x4c: {  	_ =	shalt  }
0x4d: {  	_ =	shalt  }
0x4e: {  	_ =	shalt  }
0x4f: {  	_ =	shalt  }
0x50: {  	_ =	shalt  }
0x51: {  	_ =	shalt  }
0x52: {  	_ =	shalt  }
0x53: {  	_ =	shalt  }
0x54: {  	_ =	shalt  }
0x55: {  	_ =	shalt  }
0x56: {  	_ =	shalt  }
0x57: {  	_ =	shalt  }
0x58: {  	_ =	shalt  }
0x59: {  	_ =	shalt  }
0x5a: {  	_ =	shalt  }
0x5b: {  	_ =	shalt  }
0x5c: {  	_ =	shalt  }
0x5d: {  	_ =	shalt  }
0x5e: {  	_ =	shalt  }
0x5f: {  	_ =	shalt  }
0x60: {  	_ =	shalt  }
0x61: {  	_ =	shalt  }
0x62: {  	_ =	shalt  }
0x63: {  	_ =	shalt  }
0x64: {  	_ =	shalt  }
0x65: {  	_ =	shalt  }
0x66: {  	_ =	shalt  }
0x67: {  	_ =	shalt  }
0x68: {  	_ =	shalt  }
0x69: {  	_ =	shalt  }
0x6a: {  	_ =	shalt  }
0x6b: {  	_ =	shalt  }
0x6c: {  	_ =	shalt  }
0x6d: {  	_ =	shalt  }
0x6e: {  	_ =	shalt  }
0x6f: {  	_ =	shalt  }
0x70: {  	_ =	shalt  }
0x71: {  	_ =	shalt  }
0x72: {  	_ =	shalt  }
0x73: {  	_ =	shalt  }
0x74: {  	_ =	shalt  }
0x75: {  	_ =	shalt  }
0x76: {  	_ =	shalt  }
0x77: {  	_ =	shalt  }
0x78: {  	_ =	shalt  }
0x79: {  	_ =	shalt  }
0x7a: {  	_ =	shalt  }
0x7b: {  	_ =	shalt  }
0x7c: {  	_ =	shalt  }
0x7d: {  	_ =	shalt  }
0x7e: {  	_ =	shalt  }
0x7f: {  	_ =	shalt  }
0x80: {  	_ =	shalt  }
0x81: {  	_ =	shalt  }
0x82: {  	_ =	shalt  }
0x83: {  	_ =	shalt  }
0x84: {  	_ =	shalt  }
0x85: {  	_ =	shalt  }
0x86: {  	_ =	shalt  }
0x87: {  	_ =	shalt  }
.Lfunc_end0:
.L_simem_size_0:
called_computation_lowered:
.L_overlay_start_0:
0x88: {  	s2 =	sld [smem:$0x3FD9]  }
0x89: {  	s3 =	sld [smem:$0x3FFE];
	_ =	sdelay $0x1  }
0x8a: {  	s1 =	srdreg.scid  }
0x8b: {  	s0 =	sand.u32 $0x1, s1  }
0x8c: {  	s17 =	sshll.u32 s0, $0xA;
	s2 =	sadd.s32 s3, s2  }
0x8d: {  	s2 =	sadd.s32 s2, s17  }
0x8e: {  	[smem:$0x3FC6] =	sst s2  }
0x8f: {  	_ = 	snop  }
0x90: {  	s2 =	sld [smem:$0x3FC8];
	(tm) =	ssettm $0x1  }
0x91: {  	s18 =	sld [smem:$0x3FFB];
	_ =	sdelay $0x3  }
0x92: {  	_ =	strace s18  }
0x93: {  	s3 =	sld [smem:$0x3FFC];
	_ =	sdelay $0x3  }
0x94: {  	_ =	strace s3  }
0x95: {  	s3 =	sld [smem:$0x3FFD];
	_ =	sdelay $0x3  }
0x96: {  	_ =	strace s3  }
0x97: {  	_ =	strace $0x8FFFFFFF  }
0x98: {  	s19 =	sld [smem:$0x3FDB];
	_ =	sdelay $0x1  }
0x99: {  	s4 =	simm.s32 $_scs_section_size  }
0x9a: {  	s5 =	simm.s32 $_size__tile_overlayer_lowered;
	s6 =	simm.s32 $_tile_overlayer_lowered  }
0x9b: {  	s22 =	simm.s32 $0x1BFF;
	s21 =	sshll.u32 s6, $0x1;
	s3 =	sadd.s32 s4, s19  }
0x9c: {  	s7 =	simm.s32 $0x0;
	s20 =	sshll.u32 s5, $0x1;
	s5 =	sadd.s32 s21, s3  }
0x9d: {  	[timem:s7], [sflag:s22] =	dma.local [hbm:s5], s20  }
0x9e: {  	_ =	swait.ge [sflag:s22], s20  }
0x9f: {  	s4 =	ssub.s32 $0x0, s20;
	[sflag:s22] =	ssyncset.done $0x0  }
0xa0: {  	[sflag:s22] =	ssyncadd.s32 s4;
	_ =	sdelay $0x1  }
0xa1: {  	s23 =	simm.s32 $0x1B8B  }
0xa2: {  	_ =	swait.ge [sflag:s23], $0x1  }
0xa3: {  	[sflag:s23] =	ssyncset.done $0x0  }
0xa4: {  	s25 =	simm.s32 $0x1B8E;
	s24 =	sld [smem:$0x3FFE];
	[sflag:s23] =	ssyncadd.s32 $0xFFFFFFFF  }
0xa5: {  	s26 =	simm.s32 $execute0_lowered;
	[smem:$0x3FD2] =	sst s25  }
0xa6: {  	s5 =	sshll.u32 s26, $0x1;
	_ =	strace $0x80000046;
	[dreg:$0x1] =	wrdreg $0xFFFFFFFF  }
0xa7: {  	s28 =	simm.s32 $_size_execute0_lowered;
	s3 =	sadd.s32 s3, s5;
	[dreg:$0x0] =	wrdreg $0x0  }
0xa8: {  	s5 =	sshll.u32 s28, $0x1;
	[dreg:$0x2] =	wrdreg s3  }
0xa9: {  	[dreg:$0x3] =	wrdreg s5  }
0xaa: {  	[dreg:$0x4] =	wrdreg $0xC0  }
0xab: {  	_ =	task [dreg:s7], $0x5FFFF  }
0xac: {  	[dreg:$0x1] =	wrdreg $0xFFFFFFFF  }
0xad: {  	[dreg:$0x0] =	wrdreg $0x60  }
0xae: {  	[dreg:$0x2] =	wrdreg s2  }
0xaf: {  	[dreg:$0x3] =	wrdreg s24  }
0xb0: {  	[dreg:$0x4] =	wrdreg $0x9  }
0xb1: {  	_ =	task.clear_ibuf [dreg:s7], $0x5FFFF;
	_ =	strace $0x90000046  }
0xb2: {  	s29 =	simm.s32 $0x9;
	_ =	strace $0x80000048  }
0xb3: {  	_ =	swait.ge [sflag:s29], $0x1  }
0xb4: {  	[sflag:s29] =	ssyncadd.s32 $0xFFFFFFFF  }
0xb5: {  	_ =	strace $0x90000048  }
0xb6: {  	_ =	sfence  }
0xb7: {  	s30 =	sld [smem:$0x0];
	_ =	sdelay $0x2  }
0xb8: {  	s31 =	sshll.u32 s1, $0xD;
	s1 =	sshrl.u32 s1, $0x2  }
0xb9: {  	s3 =	sand.u32 $0x4000, s31;
	s1 =	sadd.s32 s1, s30  }
0xba: {  	s0 =	sor.u32 s3, s0;
	s1 =	sshll.u32 s1, $0x11  }
0xbb: {  	s0 =	sor.u32 s1, s0  }
0xbc: {  	s0 =	sadd.s32 $0x8F2B, s0  }
0xbd: {  	[sflag:s0] =	ssyncadd.remote.s32 $0x1  }
0xbe: {  	_ =	sfence.sel $0xFFFF  }
0xbf: {  	[dreg:$0x0] =	wrdreg $0xFFFFFFFF;
	(pc) =	sbr.abs _section_cstart, $3  }
0xc0: {  	[dreg:$0x1] =	wrdreg $0xFFFFFFFF  }
0xc1: {  	_ =	task.clear_ibuf [dreg:s7], $0x2FFFF;
	_ =	strace $0x9FFFFFFF  }
0xc2: {  	(tm) =	ssettm $0x7FFFFFFF  }
0xc3: {  	_ =	shalt  }
tec
execute0_lowered:
.L_overlay_start_1:
0x0: {  	(tag) =	ssettag $0x1  }
0x1: {  	s1 =	rddreg [dreg:$0x0]  }
0x2: {  	s11 =	rddreg [dreg:$0x1]  }
0x3: {  	v0 =	vlaneseq.u32;
	s0 =	rddreg [dreg:$0x2]  }
0x4: {  	s2 =	simm.s32 $0x0;
	s5 =	srdreg.scid;
	s3 =	stileid.u32;
	v1 =	vand.u32 $0x7, v0;
	v0 =	vmul.u32 $0x10, v0  }
0x5: {  	s13 =	simm.s32 $0x2000;
	s14 =	simm.s32 $0x1;
	s15 =	simm.s32 $0x8000  }
0x6: {  	s16 =	simm.s32 $0xC000;
	s17 =	simm.s32 $0x3;
	s18 =	simm.s32 $0x0;
	v23 =	vmul.u32 $0x10, v1;
	v2 =	vor.u32 $0x8, v0;
	v3 =	vor.u32 $0x1, v0  }
0x7: {  	[smem:$0x7FF] =	sst s2;
	s4 =	sadd.s32 $0x1000, s11;
	s6 =	sand.u32 $0x1, s5;
	v4 =	vor.u32 $0x9, v0;
	v5 =	vor.u32 $0x2, v0;
	v6 =	vor.u32 $0xA, v0  }
0x8: {  	s7 =	sshll.u32 s3, $0x1;
	s5 =	sadd.s32 $0x1200, s11;
	s11 =	sadd.s32 $0x4F6A00, s11;
	v7 =	vor.u32 $0x3, v0;
	v8 =	vor.u32 $0xB, v0;
	v9 =	vor.u32 $0x4, v0  }
.Ltmp0:
0x9: {  	_ =	strace $0x80000047;
	s8 =	ssub.s32 $0x2, s6;
	v10 =	vor.u32 $0xC, v0;
	v11 =	vor.u32 $0x5, v0;
	v12 =	vor.u32 $0xD, v0;
	(pc) =	sbr.rel .LBB2_1-.Ltmp0, $4  }
0xa: {  	s6 =	sor.u32 s6, s7;
	s7 =	sadd.s32 $0x27AC80, s1;
	s9 =	sshrl.u32 s8, $0x1;
	v13 =	vor.u32 $0x6, v0;
	v14 =	vor.u32 $0xE, v0;
	v15 =	vor.u32 $0x7, v0  }
0xb: {  	s10 =	sshll.u32 s6, $0xA;
	v16 =	vor.u32 $0xF, v0;
	p0 =	sgt.u32 s6, $0xA;
	v1 =	vor.u32 $0xFFFFF880, v23;
	s12 =	ssub.s32 s8, s9;
	v17 =	vor.u32 $0xFFFFF980, v23  }
0xc: {  	s8 =	sadd.s32 s1, s10;
	s9 =	sadd.s32 s10, s7;
	v18 =	vor.u32 $0xFFFFFA80, v23;
	v19 =	vor.u32 $0xFFFFFB80, v23;
	v20 =	vor.u32 $0xFFFFFC80, v23;
	p1 =	sne.s32 @!p0 s6, $0x0  }
0xd: {  	s10 =	sor.u32 $0x40, s6;
	v21 =	vor.u32 $0xFFFFFD80, v23;
	v22 =	vor.u32 $0xFFFFFE80, v23;
	v23 =	vor.u32 $0xFFFFFF80, v23;
	s12 =	smax.u32 s12, $0x1;
	p1 =	por p1, p0  }
.LBB2_9:
0xe: {  	_ =	swait.ge [sflag:s17], $0x4000  }
0xf: {  	[sflag:s17] =	ssyncset.done $0x0  }
0x10: {  	s19 =	simm.s32 @!p0 $0x4;
	[sflag:s17] =	ssyncadd.s32 $0xFFFFC000  }
0x11: {  	_ =	swait.ge @!p0 [sflag:s19], $0x4000  }
0x12: {  	s20 =	simm.s32 @!p1 $0xC000;
	[sflag:s19] =	ssyncset.done @!p0 $0x0  }
0x13: {  	s21 =	simm.s32 @!p1 $0x5;
	[sflag:s19] =	ssyncadd.s32 @!p0 $0xFFFFC000;
	s19 =	simm.s32 @!p1 $0x0  }
0x14: {  	[tilespmem:s20], [sflag:$0x5] =	stream.linear.gather @!p1 [hbm4b:s4+s19], $0x400, $0x38;
	[tilespmem:$0x10000] =	vst v63  }
0x15: {  	s18 =	sadd.s32 $0x1, s18;
	_ =	swait.ge @!p1 [sflag:s21], $0x400  }
0x16: {  	p2 =	sne.s32 s18, s12;
	[sflag:s21] =	ssyncset.done @!p1 $0x0  }
.Ltmp1:
0x17: {  	[sflag:s21] =	ssyncadd.s32 @!p1 $0xFFFFFC00;
	(pc) =	sbr.rel @!p2 .LBB2_10-.Ltmp1, $4  }
0x18: {  	[hbm4b:s11+s19] =	stream.linear.scatter @!p1 [tilespmem:s20], [sflag:$0x5], $0x400, $0x38;
	[tilespmem:$0x10000] =	vst v63  }
0x19: {  	_ =	swait.ge @!p1 [sflag:s21], $0x400  }
0x1a: {  	[sflag:s21] =	ssyncset.done @!p1 $0x0  }
0x1b: {  	[sflag:s21] =	ssyncadd.s32 @!p1 $0xFFFFFC00  }
.LBB2_1:
.Ltmp2:
0x1c: {  	(pc) =	sbr.rel .LBB2_2-.Ltmp2, $4  }
0x1d: {  	_ = 	snop  }
0x1e: {  	[tilespmem:s2], [sflag:$0x1] =	stream.linear.gather [hbm4b:s8+s2], $0x2000, $0x38;
	[tilespmem:$0x10000] =	vst v63  }
0x1f: {  	s19 =	simm.s32 $0x0  }
0x20: {  	[tilespmem:s13], [sflag:$0x1] =	stream.linear.gather [hbm4b:s9+s2], $0x2000, $0x38;
	[tilespmem:$0x10000] =	vst v63  }
.LBB2_8:
0x21: {  	s19 =	sadd.s32 $0x1, s19  }
0x22: {  	p2 =	sne.s32 s19, $0x28  }
.Ltmp3:
0x23: {  	_ = 	snop;
	(pc) =	sbr.rel @!p2 .LBB2_9-.Ltmp3, $1  }
0x24: {  	_ =	sdelay $0x3  }
.LBB2_2:
0x25: {  	s21 =	sshll.u32 s19, $0x6  }
0x26: {  	s22 =	sor.u32 s6, s21  }
0x27: {  	s20 =	sor.u32 $0x20, s22  }
0x28: {  	p2 =	sgt.u32 s20, $0x9EA  }
0x29: {  	s23 =	sshll.u32 @!p2 s20, $0xA  }
0x2a: {  	s25 =	simm.s32 @!p2 $0x0;
	s26 =	simm.s32 @!p2 $0x4000;
	s24 =	sadd.s32 @!p2 s1, s23  }
0x2b: {  	[tilespmem:s26], [sflag:$0x2] =	stream.linear.gather @!p2 [hbm4b:s24+s25], $0x2000, $0x38;
	[tilespmem:$0x10000] =	vst v63  }
0x2c: {  	s23 =	sadd.s32 @!p2 s23, s7;
	s24 =	simm.s32 @!p2 $0x6000  }
0x2d: {  	[tilespmem:s24], [sflag:$0x2] =	stream.linear.gather @!p2 [hbm4b:s23+s25], $0x2000, $0x38;
	[tilespmem:$0x10000] =	vst v63  }
0x2e: {  	_ =	swait.ge [sflag:s14], $0x2000  }
0x2f: {  	[sflag:s14] =	ssyncset.done $0x0  }
0x30: {  	[sflag:s14] =	ssyncadd.s32 $0xFFFFE000  }
0x31: {  	_ =	swait.ge [sflag:s14], $0x2000  }
0x32: {  	p3 =	seq.s32 s19, $0x0;
	[sflag:s14] =	ssyncset.done $0x0  }
0x33: {  	s23 =	simm.s32 @!p3 $0x3;
	[sflag:s14] =	ssyncadd.s32 $0xFFFFE000  }
0x34: {  	_ =	swait.ge @!p3 [sflag:s23], $0x4000  }
0x35: {  	s24 =	simm.s32 $0x200;
	[sflag:s23] =	ssyncset.done @!p3 $0x0  }
0x36: {  	s25 =	simm.s32 $0x2200;
	[sflag:s23] =	ssyncadd.s32 @!p3 $0xFFFFC000;
	s23 =	simm.s32 $0x700  }
.LBB2_3:
0x37: {  	s26 =	sadd.s32 $0xFFFFF900, s23  }
0x38: {  	v24 =	vor.u32 s26, v0  }
0x39: {  	v25 =	vld [tilespmem:s24+$0xFFFFFE00];
	v24 =	vand.u32 v1, v24;
	_ =	sdelay $0x4  }
0x3a: {  	[tilespmem:v24+s15+$0x0] =	vst.idx.msk $0xffff, v25  }
0x3b: {  	v45 =	vor.u32 s26, v2;
	v24 =	vld [tilespmem:s25+$0xFFFFFE00];
	_ =	sdelay $0x4  }
0x3c: {  	[tilespmem:v45+s15+$0x0] =	vst.idx.msk $0xffff, v24  }
0x3d: {  	v46 =	vor.u32 s26, v3;
	v24 =	vld [tilespmem:s24+$0xFFFFFE80];
	_ =	sdelay $0x4  }
0x3e: {  	[tilespmem:v46+s15+$0x0] =	vst.idx.msk $0xffff, v24  }
0x3f: {  	v47 =	vor.u32 s26, v4;
	v24 =	vld [tilespmem:s25+$0xFFFFFE80];
	_ =	sdelay $0x4  }
0x40: {  	[tilespmem:v47+s15+$0x0] =	vst.idx.msk $0xffff, v24  }
0x41: {  	v48 =	vor.u32 s26, v5;
	v24 =	vld [tilespmem:s24+$0xFFFFFF00];
	_ =	sdelay $0x4  }
0x42: {  	[tilespmem:v48+s15+$0x0] =	vst.idx.msk $0xffff, v24  }
0x43: {  	v49 =	vor.u32 s26, v6;
	v24 =	vld [tilespmem:s25+$0xFFFFFF00];
	_ =	sdelay $0x4  }
0x44: {  	[tilespmem:v49+s15+$0x0] =	vst.idx.msk $0xffff, v24  }
0x45: {  	v50 =	vor.u32 s26, v7;
	v24 =	vld [tilespmem:s24+$0xFFFFFF80];
	_ =	sdelay $0x4  }
0x46: {  	[tilespmem:v50+s15+$0x0] =	vst.idx.msk $0xffff, v24  }
0x47: {  	v51 =	vor.u32 s26, v8;
	v24 =	vld [tilespmem:s25+$0xFFFFFF80];
	_ =	sdelay $0x4  }
0x48: {  	[tilespmem:v51+s15+$0x0] =	vst.idx.msk $0xffff, v24  }
0x49: {  	v52 =	vor.u32 s26, v9;
	v24 =	vld [tilespmem:s24+$0x0];
	_ =	sdelay $0x4  }
0x4a: {  	[tilespmem:v52+s15+$0x0] =	vst.idx.msk $0xffff, v24  }
0x4b: {  	v53 =	vor.u32 s26, v10;
	v24 =	vld [tilespmem:s25+$0x0];
	_ =	sdelay $0x4  }
0x4c: {  	[tilespmem:v53+s15+$0x0] =	vst.idx.msk $0xffff, v24  }
0x4d: {  	v54 =	vor.u32 s26, v11;
	v24 =	vld [tilespmem:s24+$0x80];
	_ =	sdelay $0x4  }
0x4e: {  	[tilespmem:v54+s15+$0x0] =	vst.idx.msk $0xffff, v24  }
0x4f: {  	v55 =	vor.u32 s26, v12;
	v24 =	vld [tilespmem:s25+$0x80];
	_ =	sdelay $0x4  }
0x50: {  	[tilespmem:v55+s15+$0x0] =	vst.idx.msk $0xffff, v24  }
0x51: {  	v56 =	vor.u32 s26, v13;
	v24 =	vld [tilespmem:s24+$0x100];
	_ =	sdelay $0x4  }
0x52: {  	[tilespmem:v56+s15+$0x0] =	vst.idx.msk $0xffff, v24  }
0x53: {  	v57 =	vor.u32 s26, v14;
	v24 =	vld [tilespmem:s25+$0x100];
	_ =	sdelay $0x4  }
0x54: {  	[tilespmem:v57+s15+$0x0] =	vst.idx.msk $0xffff, v24  }
0x55: {  	v58 =	vor.u32 s26, v15;
	v24 =	vld [tilespmem:s24+$0x180];
	_ =	sdelay $0x4  }
0x56: {  	[tilespmem:v58+s15+$0x0] =	vst.idx.msk $0xffff, v24  }
0x57: {  	v59 =	vor.u32 s26, v16;
	v24 =	vld [tilespmem:s25+$0x180];
	_ =	sdelay $0x3  }
0x58: {  	s30 =	sadd.s32 $0xFFFFFA00, s23  }
0x59: {  	v60 =	vor.u32 s30, v0;
	[tilespmem:v59+s15+$0x0] =	vst.idx.msk $0xffff, v24  }
0x5a: {  	v24 =	vand.u32 v17, v60;
	v25 =	vld [tilespmem:s24+$0xFFFFFE10];
	_ =	sdelay $0x4  }
0x5b: {  	[tilespmem:v24+s15+$0x0] =	vst.idx.msk $0xffff, v25  }
0x5c: {  	v61 =	vor.u32 s30, v2;
	v24 =	vld [tilespmem:s25+$0xFFFFFE10];
	_ =	sdelay $0x4  }
0x5d: {  	[tilespmem:v61+s15+$0x0] =	vst.idx.msk $0xffff, v24  }
0x5e: {  	v62 =	vor.u32 s30, v3;
	v24 =	vld [tilespmem:s24+$0xFFFFFE90];
	_ =	sdelay $0x4  }
0x5f: {  	[tilespmem:v62+s15+$0x0] =	vst.idx.msk $0xffff, v24  }
0x60: {  	v63 =	vor.u32 s30, v4;
	v24 =	vld [tilespmem:s25+$0xFFFFFE90];
	_ =	sdelay $0x4  }
0x61: {  	[tilespmem:v63+s15+$0x0] =	vst.idx.msk $0xffff, v24  }
0x62: {  	v28 =	vor.u32 s30, v5;
	v24 =	vld [tilespmem:s24+$0xFFFFFF10];
	_ =	sdelay $0x4  }
0x63: {  	[tilespmem:v28+s15+$0x0] =	vst.idx.msk $0xffff, v24  }
0x64: {  	v29 =	vor.u32 s30, v6;
	v24 =	vld [tilespmem:s25+$0xFFFFFF10];
	_ =	sdelay $0x4  }
0x65: {  	[tilespmem:v29+s15+$0x0] =	vst.idx.msk $0xffff, v24  }
0x66: {  	v30 =	vor.u32 s30, v7;
	v24 =	vld [tilespmem:s24+$0xFFFFFF90];
	_ =	sdelay $0x4  }
0x67: {  	[tilespmem:v30+s15+$0x0] =	vst.idx.msk $0xffff, v24  }
0x68: {  	v31 =	vor.u32 s30, v8;
	v24 =	vld [tilespmem:s25+$0xFFFFFF90];
	_ =	sdelay $0x4  }
0x69: {  	[tilespmem:v31+s15+$0x0] =	vst.idx.msk $0xffff, v24  }
0x6a: {  	v32 =	vor.u32 s30, v9;
	v24 =	vld [tilespmem:s24+$0x10];
	_ =	sdelay $0x4  }
0x6b: {  	[tilespmem:v32+s15+$0x0] =	vst.idx.msk $0xffff, v24  }
0x6c: {  	v33 =	vor.u32 s30, v10;
	v24 =	vld [tilespmem:s25+$0x10];
	_ =	sdelay $0x4  }
0x6d: {  	[tilespmem:v33+s15+$0x0] =	vst.idx.msk $0xffff, v24  }
0x6e: {  	v34 =	vor.u32 s30, v11;
	v24 =	vld [tilespmem:s24+$0x90];
	_ =	sdelay $0x4  }
0x6f: {  	[tilespmem:v34+s15+$0x0] =	vst.idx.msk $0xffff, v24  }
0x70: {  	v35 =	vor.u32 s30, v12;
	v24 =	vld [tilespmem:s25+$0x90];
	_ =	sdelay $0x4  }
0x71: {  	[tilespmem:v35+s15+$0x0] =	vst.idx.msk $0xffff, v24  }
0x72: {  	v36 =	vor.u32 s30, v13;
	v24 =	vld [tilespmem:s24+$0x110];
	_ =	sdelay $0x4  }
0x73: {  	[tilespmem:v36+s15+$0x0] =	vst.idx.msk $0xffff, v24  }
0x74: {  	v37 =	vor.u32 s30, v14;
	v24 =	vld [tilespmem:s25+$0x110];
	_ =	sdelay $0x4  }
0x75: {  	[tilespmem:v37+s15+$0x0] =	vst.idx.msk $0xffff, v24  }
0x76: {  	v38 =	vor.u32 s30, v15;
	v24 =	vld [tilespmem:s24+$0x190];
	_ =	sdelay $0x4  }
0x77: {  	[tilespmem:v38+s15+$0x0] =	vst.idx.msk $0xffff, v24  }
0x78: {  	v39 =	vor.u32 s30, v16;
	v24 =	vld [tilespmem:s25+$0x190];
	_ =	sdelay $0x3  }
0x79: {  	s31 =	sadd.s32 $0xFFFFFB00, s23  }
0x7a: {  	v40 =	vor.u32 s31, v0;
	[tilespmem:v39+s15+$0x0] =	vst.idx.msk $0xffff, v24  }
0x7b: {  	v24 =	vand.u32 v18, v40;
	v25 =	vld [tilespmem:s24+$0xFFFFFE20];
	_ =	sdelay $0x4  }
0x7c: {  	[tilespmem:v24+s15+$0x0] =	vst.idx.msk $0xffff, v25  }
0x7d: {  	v41 =	vor.u32 s31, v2;
	v24 =	vld [tilespmem:s25+$0xFFFFFE20];
	_ =	sdelay $0x4  }
0x7e: {  	[tilespmem:v41+s15+$0x0] =	vst.idx.msk $0xffff, v24  }
0x7f: {  	v42 =	vor.u32 s31, v3;
	v24 =	vld [tilespmem:s24+$0xFFFFFEA0];
	_ =	sdelay $0x4  }
0x80: {  	[tilespmem:v42+s15+$0x0] =	vst.idx.msk $0xffff, v24  }
0x81: {  	v43 =	vor.u32 s31, v4;
	v24 =	vld [tilespmem:s25+$0xFFFFFEA0];
	_ =	sdelay $0x4  }
0x82: {  	[tilespmem:v43+s15+$0x0] =	vst.idx.msk $0xffff, v24  }
0x83: {  	v44 =	vor.u32 s31, v5;
	v24 =	vld [tilespmem:s24+$0xFFFFFF20];
	_ =	sdelay $0x4  }
0x84: {  	[tilespmem:v44+s15+$0x0] =	vst.idx.msk $0xffff, v24  }
0x85: {  	v45 =	vor.u32 s31, v6;
	v24 =	vld [tilespmem:s25+$0xFFFFFF20];
	_ =	sdelay $0x4  }
0x86: {  	[tilespmem:v45+s15+$0x0] =	vst.idx.msk $0xffff, v24  }
0x87: {  	v46 =	vor.u32 s31, v7;
	v24 =	vld [tilespmem:s24+$0xFFFFFFA0];
	_ =	sdelay $0x4  }
0x88: {  	[tilespmem:v46+s15+$0x0] =	vst.idx.msk $0xffff, v24  }
0x89: {  	v47 =	vor.u32 s31, v8;
	v24 =	vld [tilespmem:s25+$0xFFFFFFA0];
	_ =	sdelay $0x4  }
0x8a: {  	[tilespmem:v47+s15+$0x0] =	vst.idx.msk $0xffff, v24  }
0x8b: {  	v48 =	vor.u32 s31, v9;
	v24 =	vld [tilespmem:s24+$0x20];
	_ =	sdelay $0x4  }
0x8c: {  	[tilespmem:v48+s15+$0x0] =	vst.idx.msk $0xffff, v24  }
0x8d: {  	v49 =	vor.u32 s31, v10;
	v24 =	vld [tilespmem:s25+$0x20];
	_ =	sdelay $0x4  }
0x8e: {  	[tilespmem:v49+s15+$0x0] =	vst.idx.msk $0xffff, v24  }
0x8f: {  	v50 =	vor.u32 s31, v11;
	v24 =	vld [tilespmem:s24+$0xA0];
	_ =	sdelay $0x4  }
0x90: {  	[tilespmem:v50+s15+$0x0] =	vst.idx.msk $0xffff, v24  }
0x91: {  	v51 =	vor.u32 s31, v12;
	v24 =	vld [tilespmem:s25+$0xA0];
	_ =	sdelay $0x4  }
0x92: {  	[tilespmem:v51+s15+$0x0] =	vst.idx.msk $0xffff, v24  }
0x93: {  	v52 =	vor.u32 s31, v13;
	v24 =	vld [tilespmem:s24+$0x120];
	_ =	sdelay $0x4  }
0x94: {  	[tilespmem:v52+s15+$0x0] =	vst.idx.msk $0xffff, v24  }
0x95: {  	v53 =	vor.u32 s31, v14;
	v24 =	vld [tilespmem:s25+$0x120];
	_ =	sdelay $0x4  }
0x96: {  	[tilespmem:v53+s15+$0x0] =	vst.idx.msk $0xffff, v24  }
0x97: {  	v54 =	vor.u32 s31, v15;
	v24 =	vld [tilespmem:s24+$0x1A0];
	_ =	sdelay $0x4  }
0x98: {  	[tilespmem:v54+s15+$0x0] =	vst.idx.msk $0xffff, v24  }
0x99: {  	v55 =	vor.u32 s31, v16;
	v24 =	vld [tilespmem:s25+$0x1A0];
	_ =	sdelay $0x3  }
0x9a: {  	s28 =	sadd.s32 $0xFFFFFC00, s23  }
0x9b: {  	v56 =	vor.u32 s28, v0;
	[tilespmem:v55+s15+$0x0] =	vst.idx.msk $0xffff, v24  }
0x9c: {  	v24 =	vand.u32 v19, v56;
	v25 =	vld [tilespmem:s24+$0xFFFFFE30];
	_ =	sdelay $0x4  }
0x9d: {  	[tilespmem:v24+s15+$0x0] =	vst.idx.msk $0xffff, v25  }
0x9e: {  	v57 =	vor.u32 s28, v2;
	v24 =	vld [tilespmem:s25+$0xFFFFFE30];
	_ =	sdelay $0x4  }
0x9f: {  	[tilespmem:v57+s15+$0x0] =	vst.idx.msk $0xffff, v24  }
0xa0: {  	v58 =	vor.u32 s28, v3;
	v24 =	vld [tilespmem:s24+$0xFFFFFEB0];
	_ =	sdelay $0x4  }
0xa1: {  	[tilespmem:v58+s15+$0x0] =	vst.idx.msk $0xffff, v24  }
0xa2: {  	v59 =	vor.u32 s28, v4;
	v24 =	vld [tilespmem:s25+$0xFFFFFEB0];
	_ =	sdelay $0x4  }
0xa3: {  	[tilespmem:v59+s15+$0x0] =	vst.idx.msk $0xffff, v24  }
0xa4: {  	v60 =	vor.u32 s28, v5;
	v24 =	vld [tilespmem:s24+$0xFFFFFF30];
	_ =	sdelay $0x4  }
0xa5: {  	[tilespmem:v60+s15+$0x0] =	vst.idx.msk $0xffff, v24  }
0xa6: {  	v61 =	vor.u32 s28, v6;
	v24 =	vld [tilespmem:s25+$0xFFFFFF30];
	_ =	sdelay $0x4  }
0xa7: {  	[tilespmem:v61+s15+$0x0] =	vst.idx.msk $0xffff, v24  }
0xa8: {  	v62 =	vor.u32 s28, v7;
	v24 =	vld [tilespmem:s24+$0xFFFFFFB0];
	_ =	sdelay $0x4  }
0xa9: {  	[tilespmem:v62+s15+$0x0] =	vst.idx.msk $0xffff, v24  }
0xaa: {  	v63 =	vor.u32 s28, v8;
	v24 =	vld [tilespmem:s25+$0xFFFFFFB0];
	_ =	sdelay $0x4  }
0xab: {  	[tilespmem:v63+s15+$0x0] =	vst.idx.msk $0xffff, v24  }
0xac: {  	v28 =	vor.u32 s28, v9;
	v24 =	vld [tilespmem:s24+$0x30];
	_ =	sdelay $0x4  }
0xad: {  	[tilespmem:v28+s15+$0x0] =	vst.idx.msk $0xffff, v24  }
0xae: {  	v29 =	vor.u32 s28, v10;
	v24 =	vld [tilespmem:s25+$0x30];
	_ =	sdelay $0x4  }
0xaf: {  	[tilespmem:v29+s15+$0x0] =	vst.idx.msk $0xffff, v24  }
0xb0: {  	v30 =	vor.u32 s28, v11;
	v24 =	vld [tilespmem:s24+$0xB0];
	_ =	sdelay $0x4  }
0xb1: {  	[tilespmem:v30+s15+$0x0] =	vst.idx.msk $0xffff, v24  }
0xb2: {  	v31 =	vor.u32 s28, v12;
	v24 =	vld [tilespmem:s25+$0xB0];
	_ =	sdelay $0x4  }
0xb3: {  	[tilespmem:v31+s15+$0x0] =	vst.idx.msk $0xffff, v24  }
0xb4: {  	v32 =	vor.u32 s28, v13;
	v24 =	vld [tilespmem:s24+$0x130];
	_ =	sdelay $0x4  }
0xb5: {  	[tilespmem:v32+s15+$0x0] =	vst.idx.msk $0xffff, v24  }
0xb6: {  	v33 =	vor.u32 s28, v14;
	v24 =	vld [tilespmem:s25+$0x130];
	_ =	sdelay $0x4  }
0xb7: {  	[tilespmem:v33+s15+$0x0] =	vst.idx.msk $0xffff, v24  }
0xb8: {  	v34 =	vor.u32 s28, v15;
	v24 =	vld [tilespmem:s24+$0x1B0];
	_ =	sdelay $0x4  }
0xb9: {  	[tilespmem:v34+s15+$0x0] =	vst.idx.msk $0xffff, v24  }
0xba: {  	v35 =	vor.u32 s28, v16;
	v24 =	vld [tilespmem:s25+$0x1B0];
	_ =	sdelay $0x3  }
0xbb: {  	s29 =	sadd.s32 $0xFFFFFD00, s23  }
0xbc: {  	v36 =	vor.u32 s29, v0;
	[tilespmem:v35+s15+$0x0] =	vst.idx.msk $0xffff, v24  }
0xbd: {  	v24 =	vand.u32 v20, v36;
	v25 =	vld [tilespmem:s24+$0xFFFFFE40];
	_ =	sdelay $0x4  }
0xbe: {  	[tilespmem:v24+s15+$0x0] =	vst.idx.msk $0xffff, v25  }
0xbf: {  	v37 =	vor.u32 s29, v2;
	v24 =	vld [tilespmem:s25+$0xFFFFFE40];
	_ =	sdelay $0x4  }
0xc0: {  	[tilespmem:v37+s15+$0x0] =	vst.idx.msk $0xffff, v24  }
0xc1: {  	v38 =	vor.u32 s29, v3;
	v24 =	vld [tilespmem:s24+$0xFFFFFEC0];
	_ =	sdelay $0x4  }
0xc2: {  	[tilespmem:v38+s15+$0x0] =	vst.idx.msk $0xffff, v24  }
0xc3: {  	v39 =	vor.u32 s29, v4;
	v24 =	vld [tilespmem:s25+$0xFFFFFEC0];
	_ =	sdelay $0x4  }
0xc4: {  	[tilespmem:v39+s15+$0x0] =	vst.idx.msk $0xffff, v24  }
0xc5: {  	v40 =	vor.u32 s29, v5;
	v24 =	vld [tilespmem:s24+$0xFFFFFF40];
	_ =	sdelay $0x4  }
0xc6: {  	[tilespmem:v40+s15+$0x0] =	vst.idx.msk $0xffff, v24  }
0xc7: {  	v41 =	vor.u32 s29, v6;
	v24 =	vld [tilespmem:s25+$0xFFFFFF40];
	_ =	sdelay $0x4  }
0xc8: {  	[tilespmem:v41+s15+$0x0] =	vst.idx.msk $0xffff, v24  }
0xc9: {  	v42 =	vor.u32 s29, v7;
	v24 =	vld [tilespmem:s24+$0xFFFFFFC0];
	_ =	sdelay $0x4  }
0xca: {  	[tilespmem:v42+s15+$0x0] =	vst.idx.msk $0xffff, v24  }
0xcb: {  	v43 =	vor.u32 s29, v8;
	v24 =	vld [tilespmem:s25+$0xFFFFFFC0];
	_ =	sdelay $0x4  }
0xcc: {  	[tilespmem:v43+s15+$0x0] =	vst.idx.msk $0xffff, v24  }
0xcd: {  	v44 =	vor.u32 s29, v9;
	v24 =	vld [tilespmem:s24+$0x40];
	_ =	sdelay $0x4  }
0xce: {  	[tilespmem:v44+s15+$0x0] =	vst.idx.msk $0xffff, v24  }
0xcf: {  	v45 =	vor.u32 s29, v10;
	v24 =	vld [tilespmem:s25+$0x40];
	_ =	sdelay $0x4  }
0xd0: {  	[tilespmem:v45+s15+$0x0] =	vst.idx.msk $0xffff, v24  }
0xd1: {  	v46 =	vor.u32 s29, v11;
	v24 =	vld [tilespmem:s24+$0xC0];
	_ =	sdelay $0x4  }
0xd2: {  	[tilespmem:v46+s15+$0x0] =	vst.idx.msk $0xffff, v24  }
0xd3: {  	v47 =	vor.u32 s29, v12;
	v24 =	vld [tilespmem:s25+$0xC0];
	_ =	sdelay $0x4  }
0xd4: {  	[tilespmem:v47+s15+$0x0] =	vst.idx.msk $0xffff, v24  }
0xd5: {  	v48 =	vor.u32 s29, v13;
	v24 =	vld [tilespmem:s24+$0x140];
	_ =	sdelay $0x4  }
0xd6: {  	[tilespmem:v48+s15+$0x0] =	vst.idx.msk $0xffff, v24  }
0xd7: {  	v49 =	vor.u32 s29, v14;
	v24 =	vld [tilespmem:s25+$0x140];
	_ =	sdelay $0x4  }
0xd8: {  	[tilespmem:v49+s15+$0x0] =	vst.idx.msk $0xffff, v24  }
0xd9: {  	v50 =	vor.u32 s29, v15;
	v24 =	vld [tilespmem:s24+$0x1C0];
	_ =	sdelay $0x4  }
0xda: {  	[tilespmem:v50+s15+$0x0] =	vst.idx.msk $0xffff, v24  }
0xdb: {  	v51 =	vor.u32 s29, v16;
	v24 =	vld [tilespmem:s25+$0x1C0];
	_ =	sdelay $0x3  }
0xdc: {  	s30 =	sadd.s32 $0xFFFFFE00, s23  }
0xdd: {  	v52 =	vor.u32 s30, v0;
	[tilespmem:v51+s15+$0x0] =	vst.idx.msk $0xffff, v24  }
0xde: {  	v24 =	vand.u32 v21, v52;
	v25 =	vld [tilespmem:s24+$0xFFFFFE50];
	_ =	sdelay $0x4  }
0xdf: {  	[tilespmem:v24+s15+$0x0] =	vst.idx.msk $0xffff, v25  }
0xe0: {  	v53 =	vor.u32 s30, v2;
	v24 =	vld [tilespmem:s25+$0xFFFFFE50];
	_ =	sdelay $0x4  }
0xe1: {  	[tilespmem:v53+s15+$0x0] =	vst.idx.msk $0xffff, v24  }
0xe2: {  	v54 =	vor.u32 s30, v3;
	v24 =	vld [tilespmem:s24+$0xFFFFFED0];
	_ =	sdelay $0x4  }
0xe3: {  	[tilespmem:v54+s15+$0x0] =	vst.idx.msk $0xffff, v24  }
0xe4: {  	v55 =	vor.u32 s30, v4;
	v24 =	vld [tilespmem:s25+$0xFFFFFED0];
	_ =	sdelay $0x4  }
0xe5: {  	[tilespmem:v55+s15+$0x0] =	vst.idx.msk $0xffff, v24  }
0xe6: {  	v56 =	vor.u32 s30, v5;
	v24 =	vld [tilespmem:s24+$0xFFFFFF50];
	_ =	sdelay $0x4  }
0xe7: {  	[tilespmem:v56+s15+$0x0] =	vst.idx.msk $0xffff, v24  }
0xe8: {  	v57 =	vor.u32 s30, v6;
	v24 =	vld [tilespmem:s25+$0xFFFFFF50];
	_ =	sdelay $0x4  }
0xe9: {  	[tilespmem:v57+s15+$0x0] =	vst.idx.msk $0xffff, v24  }
0xea: {  	v58 =	vor.u32 s30, v7;
	v24 =	vld [tilespmem:s24+$0xFFFFFFD0];
	_ =	sdelay $0x4  }
0xeb: {  	[tilespmem:v58+s15+$0x0] =	vst.idx.msk $0xffff, v24  }
0xec: {  	v59 =	vor.u32 s30, v8;
	v24 =	vld [tilespmem:s25+$0xFFFFFFD0];
	_ =	sdelay $0x4  }
0xed: {  	[tilespmem:v59+s15+$0x0] =	vst.idx.msk $0xffff, v24  }
0xee: {  	v60 =	vor.u32 s30, v9;
	v24 =	vld [tilespmem:s24+$0x50];
	_ =	sdelay $0x4  }
0xef: {  	[tilespmem:v60+s15+$0x0] =	vst.idx.msk $0xffff, v24  }
0xf0: {  	v61 =	vor.u32 s30, v10;
	v24 =	vld [tilespmem:s25+$0x50];
	_ =	sdelay $0x4  }
0xf1: {  	[tilespmem:v61+s15+$0x0] =	vst.idx.msk $0xffff, v24  }
0xf2: {  	v62 =	vor.u32 s30, v11;
	v24 =	vld [tilespmem:s24+$0xD0];
	_ =	sdelay $0x4  }
0xf3: {  	[tilespmem:v62+s15+$0x0] =	vst.idx.msk $0xffff, v24  }
0xf4: {  	v63 =	vor.u32 s30, v12;
	v24 =	vld [tilespmem:s25+$0xD0];
	_ =	sdelay $0x4  }
0xf5: {  	[tilespmem:v63+s15+$0x0] =	vst.idx.msk $0xffff, v24  }
0xf6: {  	v28 =	vor.u32 s30, v13;
	v24 =	vld [tilespmem:s24+$0x150];
	_ =	sdelay $0x4  }
0xf7: {  	[tilespmem:v28+s15+$0x0] =	vst.idx.msk $0xffff, v24  }
0xf8: {  	v29 =	vor.u32 s30, v14;
	v24 =	vld [tilespmem:s25+$0x150];
	_ =	sdelay $0x4  }
0xf9: {  	[tilespmem:v29+s15+$0x0] =	vst.idx.msk $0xffff, v24  }
0xfa: {  	v30 =	vor.u32 s30, v15;
	v24 =	vld [tilespmem:s24+$0x1D0];
	_ =	sdelay $0x4  }
0xfb: {  	[tilespmem:v30+s15+$0x0] =	vst.idx.msk $0xffff, v24  }
0xfc: {  	v31 =	vor.u32 s30, v16;
	v24 =	vld [tilespmem:s25+$0x1D0];
	_ =	sdelay $0x3  }
0xfd: {  	s31 =	sadd.s32 $0xFFFFFF00, s23  }
0xfe: {  	v32 =	vor.u32 s31, v0;
	[tilespmem:v31+s15+$0x0] =	vst.idx.msk $0xffff, v24  }
0xff: {  	v24 =	vand.u32 v22, v32;
	v25 =	vld [tilespmem:s24+$0xFFFFFE60];
	_ =	sdelay $0x4  }
0x100: {  	[tilespmem:v24+s15+$0x0] =	vst.idx.msk $0xffff, v25  }
0x101: {  	v33 =	vor.u32 s31, v2;
	v24 =	vld [tilespmem:s25+$0xFFFFFE60];
	_ =	sdelay $0x4  }
0x102: {  	[tilespmem:v33+s15+$0x0] =	vst.idx.msk $0xffff, v24  }
0x103: {  	v34 =	vor.u32 s31, v3;
	v24 =	vld [tilespmem:s24+$0xFFFFFEE0];
	_ =	sdelay $0x4  }
0x104: {  	[tilespmem:v34+s15+$0x0] =	vst.idx.msk $0xffff, v24  }
0x105: {  	v35 =	vor.u32 s31, v4;
	v24 =	vld [tilespmem:s25+$0xFFFFFEE0];
	_ =	sdelay $0x4  }
0x106: {  	[tilespmem:v35+s15+$0x0] =	vst.idx.msk $0xffff, v24  }
0x107: {  	v36 =	vor.u32 s31, v5;
	v24 =	vld [tilespmem:s24+$0xFFFFFF60];
	_ =	sdelay $0x4  }
0x108: {  	[tilespmem:v36+s15+$0x0] =	vst.idx.msk $0xffff, v24  }
0x109: {  	v37 =	vor.u32 s31, v6;
	v24 =	vld [tilespmem:s25+$0xFFFFFF60];
	_ =	sdelay $0x4  }
0x10a: {  	[tilespmem:v37+s15+$0x0] =	vst.idx.msk $0xffff, v24  }
0x10b: {  	v38 =	vor.u32 s31, v7;
	v24 =	vld [tilespmem:s24+$0xFFFFFFE0];
	_ =	sdelay $0x4  }
0x10c: {  	[tilespmem:v38+s15+$0x0] =	vst.idx.msk $0xffff, v24  }
0x10d: {  	v39 =	vor.u32 s31, v8;
	v24 =	vld [tilespmem:s25+$0xFFFFFFE0];
	_ =	sdelay $0x4  }
0x10e: {  	[tilespmem:v39+s15+$0x0] =	vst.idx.msk $0xffff, v24  }
0x10f: {  	v40 =	vor.u32 s31, v9;
	v24 =	vld [tilespmem:s24+$0x60];
	_ =	sdelay $0x4  }
0x110: {  	[tilespmem:v40+s15+$0x0] =	vst.idx.msk $0xffff, v24  }
0x111: {  	v41 =	vor.u32 s31, v10;
	v24 =	vld [tilespmem:s25+$0x60];
	_ =	sdelay $0x4  }
0x112: {  	[tilespmem:v41+s15+$0x0] =	vst.idx.msk $0xffff, v24  }
0x113: {  	v42 =	vor.u32 s31, v11;
	v24 =	vld [tilespmem:s24+$0xE0];
	_ =	sdelay $0x4  }
0x114: {  	[tilespmem:v42+s15+$0x0] =	vst.idx.msk $0xffff, v24  }
0x115: {  	v43 =	vor.u32 s31, v12;
	v24 =	vld [tilespmem:s25+$0xE0];
	_ =	sdelay $0x4  }
0x116: {  	[tilespmem:v43+s15+$0x0] =	vst.idx.msk $0xffff, v24  }
0x117: {  	v44 =	vor.u32 s31, v13;
	v24 =	vld [tilespmem:s24+$0x160];
	_ =	sdelay $0x4  }
0x118: {  	[tilespmem:v44+s15+$0x0] =	vst.idx.msk $0xffff, v24  }
0x119: {  	v45 =	vor.u32 s31, v14;
	v24 =	vld [tilespmem:s25+$0x160];
	_ =	sdelay $0x4  }
0x11a: {  	[tilespmem:v45+s15+$0x0] =	vst.idx.msk $0xffff, v24  }
0x11b: {  	v46 =	vor.u32 s31, v15;
	v24 =	vld [tilespmem:s24+$0x1E0];
	_ =	sdelay $0x4  }
0x11c: {  	[tilespmem:v46+s15+$0x0] =	vst.idx.msk $0xffff, v24  }
0x11d: {  	v47 =	vor.u32 s31, v16;
	v24 =	vld [tilespmem:s25+$0x1E0];
	_ =	sdelay $0x4  }
0x11e: {  	v48 =	vor.u32 s23, v0;
	[tilespmem:v47+s15+$0x0] =	vst.idx.msk $0xffff, v24  }
0x11f: {  	v24 =	vand.u32 v23, v48;
	v25 =	vld [tilespmem:s24+$0xFFFFFE70];
	_ =	sdelay $0x4  }
0x120: {  	[tilespmem:v24+s15+$0x0] =	vst.idx.msk $0xffff, v25  }
0x121: {  	v49 =	vor.u32 s23, v2;
	v24 =	vld [tilespmem:s25+$0xFFFFFE70];
	_ =	sdelay $0x4  }
0x122: {  	[tilespmem:v49+s15+$0x0] =	vst.idx.msk $0xffff, v24  }
0x123: {  	v50 =	vor.u32 s23, v3;
	v24 =	vld [tilespmem:s24+$0xFFFFFEF0];
	_ =	sdelay $0x4  }
0x124: {  	[tilespmem:v50+s15+$0x0] =	vst.idx.msk $0xffff, v24  }
0x125: {  	v51 =	vor.u32 s23, v4;
	v24 =	vld [tilespmem:s25+$0xFFFFFEF0];
	_ =	sdelay $0x4  }
0x126: {  	[tilespmem:v51+s15+$0x0] =	vst.idx.msk $0xffff, v24  }
0x127: {  	v52 =	vor.u32 s23, v5;
	v24 =	vld [tilespmem:s24+$0xFFFFFF70];
	_ =	sdelay $0x4  }
0x128: {  	[tilespmem:v52+s15+$0x0] =	vst.idx.msk $0xffff, v24  }
0x129: {  	v53 =	vor.u32 s23, v6;
	v24 =	vld [tilespmem:s25+$0xFFFFFF70];
	_ =	sdelay $0x4  }
0x12a: {  	[tilespmem:v53+s15+$0x0] =	vst.idx.msk $0xffff, v24  }
0x12b: {  	v54 =	vor.u32 s23, v7;
	v24 =	vld [tilespmem:s24+$0xFFFFFFF0];
	_ =	sdelay $0x4  }
0x12c: {  	[tilespmem:v54+s15+$0x0] =	vst.idx.msk $0xffff, v24  }
0x12d: {  	v55 =	vor.u32 s23, v8;
	v24 =	vld [tilespmem:s25+$0xFFFFFFF0];
	_ =	sdelay $0x4  }
0x12e: {  	[tilespmem:v55+s15+$0x0] =	vst.idx.msk $0xffff, v24  }
0x12f: {  	v56 =	vor.u32 s23, v9;
	v24 =	vld [tilespmem:s24+$0x70];
	_ =	sdelay $0x4  }
0x130: {  	[tilespmem:v56+s15+$0x0] =	vst.idx.msk $0xffff, v24  }
0x131: {  	v57 =	vor.u32 s23, v10;
	v24 =	vld [tilespmem:s25+$0x70];
	_ =	sdelay $0x4  }
0x132: {  	[tilespmem:v57+s15+$0x0] =	vst.idx.msk $0xffff, v24  }
0x133: {  	v58 =	vor.u32 s23, v11;
	v24 =	vld [tilespmem:s24+$0xF0];
	_ =	sdelay $0x4  }
0x134: {  	[tilespmem:v58+s15+$0x0] =	vst.idx.msk $0xffff, v24  }
0x135: {  	v59 =	vor.u32 s23, v12;
	v24 =	vld [tilespmem:s25+$0xF0];
	_ =	sdelay $0x4  }
0x136: {  	[tilespmem:v59+s15+$0x0] =	vst.idx.msk $0xffff, v24  }
0x137: {  	v60 =	vor.u32 s23, v13;
	v24 =	vld [tilespmem:s24+$0x170];
	_ =	sdelay $0x4  }
0x138: {  	[tilespmem:v60+s15+$0x0] =	vst.idx.msk $0xffff, v24  }
0x139: {  	v61 =	vor.u32 s23, v14;
	v24 =	vld [tilespmem:s25+$0x170];
	_ =	sdelay $0x4  }
0x13a: {  	[tilespmem:v61+s15+$0x0] =	vst.idx.msk $0xffff, v24  }
0x13b: {  	v62 =	vor.u32 s23, v15;
	v24 =	vld [tilespmem:s24+$0x1F0];
	_ =	sdelay $0x4  }
0x13c: {  	[tilespmem:v62+s15+$0x0] =	vst.idx.msk $0xffff, v24  }
0x13d: {  	p4 =	sne.s32 s23, $0x3F00;
	v63 =	vor.u32 s23, v16;
	v24 =	vld [tilespmem:s25+$0x1F0]  }
.Ltmp4:
0x13e: {  	_ = 	snop;
	(pc) =	sbr.rel @p4 .LBB2_3-.Ltmp4, $2  }
0x13f: {  	_ =	sdelay $0x2  }
0x140: {  	s23 =	sadd.s32 $0x800, s23;
	s24 =	sadd.s32 $0x400, s24;
	s25 =	sadd.s32 $0x400, s25;
	[tilespmem:v63+s15+$0x0] =	vst.idx.msk $0xffff, v24  }
0x141: {  	s22 =	sshll.u32 s22, $0xB;
	s21 =	sadd.s32 s10, s21  }
0x142: {  	s22 =	sadd.s32 s5, s22;
	p4 =	sgt.u32 s21, $0x9EA  }
0x143: {  	[hbm4b:s22+s2] =	stream.linear.scatter [tilespmem:s15], [sflag:$0x3], $0x4000, $0x38;
	[tilespmem:$0x10000] =	vst v63  }
0x144: {  	s21 =	sshll.u32 @!p4 s21, $0xA  }
0x145: {  	s23 =	simm.s32 @!p4 $0x0;
	s22 =	sadd.s32 @!p4 s1, s21  }
0x146: {  	[tilespmem:s23], [sflag:$0x1] =	stream.linear.gather @!p4 [hbm4b:s22+s23], $0x2000, $0x38;
	[tilespmem:$0x10000] =	vst v63  }
0x147: {  	s21 =	sadd.s32 @!p4 s21, s7;
	s22 =	simm.s32 @!p4 $0x2000  }
0x148: {  	[tilespmem:s22], [sflag:$0x1] =	stream.linear.gather @!p4 [hbm4b:s21+s23], $0x2000, $0x38;
	[tilespmem:$0x10000] =	vst v63  }
0x149: {  	s21 =	simm.s32 @!p2 $0x2  }
0x14a: {  	_ =	swait.ge @!p2 [sflag:s21], $0x2000  }
0x14b: {  	[sflag:s21] =	ssyncset.done @!p2 $0x0  }
0x14c: {  	[sflag:s21] =	ssyncadd.s32 @!p2 $0xFFFFE000  }
0x14d: {  	_ =	swait.ge @!p2 [sflag:s21], $0x2000  }
.Ltmp5:
0x14e: {  	[sflag:s21] =	ssyncset.done @!p2 $0x0;
	(pc) =	sbr.rel @p2 .LBB2_8-.Ltmp5, $4  }
0x14f: {  	[sflag:s21] =	ssyncadd.s32 @!p2 $0xFFFFE000;
	s21 =	simm.s32 @!p3 $0x4  }
0x150: {  	_ =	swait.ge @!p3 [sflag:s21], $0x4000  }
0x151: {  	[sflag:s21] =	ssyncset.done @!p3 $0x0  }
0x152: {  	[sflag:s21] =	ssyncadd.s32 @!p3 $0xFFFFC000  }
0x153: {  	s21 =	simm.s32 $0x700;
	s22 =	simm.s32 $0x4200;
	s23 =	simm.s32 $0x6200  }
.LBB2_6:
0x154: {  	s24 =	sadd.s32 $0xFFFFF900, s21  }
0x155: {  	v24 =	vor.u32 s24, v0  }
0x156: {  	v25 =	vld [tilespmem:s22+$0xFFFFFE00];
	v24 =	vand.u32 v1, v24;
	_ =	sdelay $0x4  }
0x157: {  	[tilespmem:v24+s16+$0x0] =	vst.idx.msk $0xffff, v25  }
0x158: {  	v45 =	vor.u32 s24, v2;
	v24 =	vld [tilespmem:s23+$0xFFFFFE00];
	_ =	sdelay $0x4  }
0x159: {  	[tilespmem:v45+s16+$0x0] =	vst.idx.msk $0xffff, v24  }
0x15a: {  	v46 =	vor.u32 s24, v3;
	v24 =	vld [tilespmem:s22+$0xFFFFFE80];
	_ =	sdelay $0x4  }
0x15b: {  	[tilespmem:v46+s16+$0x0] =	vst.idx.msk $0xffff, v24  }
0x15c: {  	v47 =	vor.u32 s24, v4;
	v24 =	vld [tilespmem:s23+$0xFFFFFE80];
	_ =	sdelay $0x4  }
0x15d: {  	[tilespmem:v47+s16+$0x0] =	vst.idx.msk $0xffff, v24  }
0x15e: {  	v48 =	vor.u32 s24, v5;
	v24 =	vld [tilespmem:s22+$0xFFFFFF00];
	_ =	sdelay $0x4  }
0x15f: {  	[tilespmem:v48+s16+$0x0] =	vst.idx.msk $0xffff, v24  }
0x160: {  	v49 =	vor.u32 s24, v6;
	v24 =	vld [tilespmem:s23+$0xFFFFFF00];
	_ =	sdelay $0x4  }
0x161: {  	[tilespmem:v49+s16+$0x0] =	vst.idx.msk $0xffff, v24  }
0x162: {  	v50 =	vor.u32 s24, v7;
	v24 =	vld [tilespmem:s22+$0xFFFFFF80];
	_ =	sdelay $0x4  }
0x163: {  	[tilespmem:v50+s16+$0x0] =	vst.idx.msk $0xffff, v24  }
0x164: {  	v51 =	vor.u32 s24, v8;
	v24 =	vld [tilespmem:s23+$0xFFFFFF80];
	_ =	sdelay $0x4  }
0x165: {  	[tilespmem:v51+s16+$0x0] =	vst.idx.msk $0xffff, v24  }
0x166: {  	v52 =	vor.u32 s24, v9;
	v24 =	vld [tilespmem:s22+$0x0];
	_ =	sdelay $0x4  }
0x167: {  	[tilespmem:v52+s16+$0x0] =	vst.idx.msk $0xffff, v24  }
0x168: {  	v53 =	vor.u32 s24, v10;
	v24 =	vld [tilespmem:s23+$0x0];
	_ =	sdelay $0x4  }
0x169: {  	[tilespmem:v53+s16+$0x0] =	vst.idx.msk $0xffff, v24  }
0x16a: {  	v54 =	vor.u32 s24, v11;
	v24 =	vld [tilespmem:s22+$0x80];
	_ =	sdelay $0x4  }
0x16b: {  	[tilespmem:v54+s16+$0x0] =	vst.idx.msk $0xffff, v24  }
0x16c: {  	v55 =	vor.u32 s24, v12;
	v24 =	vld [tilespmem:s23+$0x80];
	_ =	sdelay $0x4  }
0x16d: {  	[tilespmem:v55+s16+$0x0] =	vst.idx.msk $0xffff, v24  }
0x16e: {  	v56 =	vor.u32 s24, v13;
	v24 =	vld [tilespmem:s22+$0x100];
	_ =	sdelay $0x4  }
0x16f: {  	[tilespmem:v56+s16+$0x0] =	vst.idx.msk $0xffff, v24  }
0x170: {  	v57 =	vor.u32 s24, v14;
	v24 =	vld [tilespmem:s23+$0x100];
	_ =	sdelay $0x4  }
0x171: {  	[tilespmem:v57+s16+$0x0] =	vst.idx.msk $0xffff, v24  }
0x172: {  	v58 =	vor.u32 s24, v15;
	v24 =	vld [tilespmem:s22+$0x180];
	_ =	sdelay $0x4  }
0x173: {  	[tilespmem:v58+s16+$0x0] =	vst.idx.msk $0xffff, v24  }
0x174: {  	v59 =	vor.u32 s24, v16;
	v24 =	vld [tilespmem:s23+$0x180];
	_ =	sdelay $0x3  }
0x175: {  	s25 =	sadd.s32 $0xFFFFFA00, s21  }
0x176: {  	v60 =	vor.u32 s25, v0;
	[tilespmem:v59+s16+$0x0] =	vst.idx.msk $0xffff, v24  }
0x177: {  	v24 =	vand.u32 v17, v60;
	v25 =	vld [tilespmem:s22+$0xFFFFFE10];
	_ =	sdelay $0x4  }
0x178: {  	[tilespmem:v24+s16+$0x0] =	vst.idx.msk $0xffff, v25  }
0x179: {  	v61 =	vor.u32 s25, v2;
	v24 =	vld [tilespmem:s23+$0xFFFFFE10];
	_ =	sdelay $0x4  }
0x17a: {  	[tilespmem:v61+s16+$0x0] =	vst.idx.msk $0xffff, v24  }
0x17b: {  	v62 =	vor.u32 s25, v3;
	v24 =	vld [tilespmem:s22+$0xFFFFFE90];
	_ =	sdelay $0x4  }
0x17c: {  	[tilespmem:v62+s16+$0x0] =	vst.idx.msk $0xffff, v24  }
0x17d: {  	v63 =	vor.u32 s25, v4;
	v24 =	vld [tilespmem:s23+$0xFFFFFE90];
	_ =	sdelay $0x4  }
0x17e: {  	[tilespmem:v63+s16+$0x0] =	vst.idx.msk $0xffff, v24  }
0x17f: {  	v28 =	vor.u32 s25, v5;
	v24 =	vld [tilespmem:s22+$0xFFFFFF10];
	_ =	sdelay $0x4  }
0x180: {  	[tilespmem:v28+s16+$0x0] =	vst.idx.msk $0xffff, v24  }
0x181: {  	v29 =	vor.u32 s25, v6;
	v24 =	vld [tilespmem:s23+$0xFFFFFF10];
	_ =	sdelay $0x4  }
0x182: {  	[tilespmem:v29+s16+$0x0] =	vst.idx.msk $0xffff, v24  }
0x183: {  	v30 =	vor.u32 s25, v7;
	v24 =	vld [tilespmem:s22+$0xFFFFFF90];
	_ =	sdelay $0x4  }
0x184: {  	[tilespmem:v30+s16+$0x0] =	vst.idx.msk $0xffff, v24  }
0x185: {  	v31 =	vor.u32 s25, v8;
	v24 =	vld [tilespmem:s23+$0xFFFFFF90];
	_ =	sdelay $0x4  }
0x186: {  	[tilespmem:v31+s16+$0x0] =	vst.idx.msk $0xffff, v24  }
0x187: {  	v32 =	vor.u32 s25, v9;
	v24 =	vld [tilespmem:s22+$0x10];
	_ =	sdelay $0x4  }
0x188: {  	[tilespmem:v32+s16+$0x0] =	vst.idx.msk $0xffff, v24  }
0x189: {  	v33 =	vor.u32 s25, v10;
	v24 =	vld [tilespmem:s23+$0x10];
	_ =	sdelay $0x4  }
0x18a: {  	[tilespmem:v33+s16+$0x0] =	vst.idx.msk $0xffff, v24  }
0x18b: {  	v34 =	vor.u32 s25, v11;
	v24 =	vld [tilespmem:s22+$0x90];
	_ =	sdelay $0x4  }
0x18c: {  	[tilespmem:v34+s16+$0x0] =	vst.idx.msk $0xffff, v24  }
0x18d: {  	v35 =	vor.u32 s25, v12;
	v24 =	vld [tilespmem:s23+$0x90];
	_ =	sdelay $0x4  }
0x18e: {  	[tilespmem:v35+s16+$0x0] =	vst.idx.msk $0xffff, v24  }
0x18f: {  	v36 =	vor.u32 s25, v13;
	v24 =	vld [tilespmem:s22+$0x110];
	_ =	sdelay $0x4  }
0x190: {  	[tilespmem:v36+s16+$0x0] =	vst.idx.msk $0xffff, v24  }
0x191: {  	v37 =	vor.u32 s25, v14;
	v24 =	vld [tilespmem:s23+$0x110];
	_ =	sdelay $0x4  }
0x192: {  	[tilespmem:v37+s16+$0x0] =	vst.idx.msk $0xffff, v24  }
0x193: {  	v38 =	vor.u32 s25, v15;
	v24 =	vld [tilespmem:s22+$0x190];
	_ =	sdelay $0x4  }
0x194: {  	[tilespmem:v38+s16+$0x0] =	vst.idx.msk $0xffff, v24  }
0x195: {  	v39 =	vor.u32 s25, v16;
	v24 =	vld [tilespmem:s23+$0x190];
	_ =	sdelay $0x3  }
0x196: {  	s26 =	sadd.s32 $0xFFFFFB00, s21  }
0x197: {  	v40 =	vor.u32 s26, v0;
	[tilespmem:v39+s16+$0x0] =	vst.idx.msk $0xffff, v24  }
0x198: {  	v24 =	vand.u32 v18, v40;
	v25 =	vld [tilespmem:s22+$0xFFFFFE20];
	_ =	sdelay $0x4  }
0x199: {  	[tilespmem:v24+s16+$0x0] =	vst.idx.msk $0xffff, v25  }
0x19a: {  	v41 =	vor.u32 s26, v2;
	v24 =	vld [tilespmem:s23+$0xFFFFFE20];
	_ =	sdelay $0x4  }
0x19b: {  	[tilespmem:v41+s16+$0x0] =	vst.idx.msk $0xffff, v24  }
0x19c: {  	v42 =	vor.u32 s26, v3;
	v24 =	vld [tilespmem:s22+$0xFFFFFEA0];
	_ =	sdelay $0x4  }
0x19d: {  	[tilespmem:v42+s16+$0x0] =	vst.idx.msk $0xffff, v24  }
0x19e: {  	v43 =	vor.u32 s26, v4;
	v24 =	vld [tilespmem:s23+$0xFFFFFEA0];
	_ =	sdelay $0x4  }
0x19f: {  	[tilespmem:v43+s16+$0x0] =	vst.idx.msk $0xffff, v24  }
0x1a0: {  	v44 =	vor.u32 s26, v5;
	v24 =	vld [tilespmem:s22+$0xFFFFFF20];
	_ =	sdelay $0x4  }
0x1a1: {  	[tilespmem:v44+s16+$0x0] =	vst.idx.msk $0xffff, v24  }
0x1a2: {  	v45 =	vor.u32 s26, v6;
	v24 =	vld [tilespmem:s23+$0xFFFFFF20];
	_ =	sdelay $0x4  }
0x1a3: {  	[tilespmem:v45+s16+$0x0] =	vst.idx.msk $0xffff, v24  }
0x1a4: {  	v46 =	vor.u32 s26, v7;
	v24 =	vld [tilespmem:s22+$0xFFFFFFA0];
	_ =	sdelay $0x4  }
0x1a5: {  	[tilespmem:v46+s16+$0x0] =	vst.idx.msk $0xffff, v24  }
0x1a6: {  	v47 =	vor.u32 s26, v8;
	v24 =	vld [tilespmem:s23+$0xFFFFFFA0];
	_ =	sdelay $0x4  }
0x1a7: {  	[tilespmem:v47+s16+$0x0] =	vst.idx.msk $0xffff, v24  }
0x1a8: {  	v48 =	vor.u32 s26, v9;
	v24 =	vld [tilespmem:s22+$0x20];
	_ =	sdelay $0x4  }
0x1a9: {  	[tilespmem:v48+s16+$0x0] =	vst.idx.msk $0xffff, v24  }
0x1aa: {  	v49 =	vor.u32 s26, v10;
	v24 =	vld [tilespmem:s23+$0x20];
	_ =	sdelay $0x4  }
0x1ab: {  	[tilespmem:v49+s16+$0x0] =	vst.idx.msk $0xffff, v24  }
0x1ac: {  	v50 =	vor.u32 s26, v11;
	v24 =	vld [tilespmem:s22+$0xA0];
	_ =	sdelay $0x4  }
0x1ad: {  	[tilespmem:v50+s16+$0x0] =	vst.idx.msk $0xffff, v24  }
0x1ae: {  	v51 =	vor.u32 s26, v12;
	v24 =	vld [tilespmem:s23+$0xA0];
	_ =	sdelay $0x4  }
0x1af: {  	[tilespmem:v51+s16+$0x0] =	vst.idx.msk $0xffff, v24  }
0x1b0: {  	v52 =	vor.u32 s26, v13;
	v24 =	vld [tilespmem:s22+$0x120];
	_ =	sdelay $0x4  }
0x1b1: {  	[tilespmem:v52+s16+$0x0] =	vst.idx.msk $0xffff, v24  }
0x1b2: {  	v53 =	vor.u32 s26, v14;
	v24 =	vld [tilespmem:s23+$0x120];
	_ =	sdelay $0x4  }
0x1b3: {  	[tilespmem:v53+s16+$0x0] =	vst.idx.msk $0xffff, v24  }
0x1b4: {  	v54 =	vor.u32 s26, v15;
	v24 =	vld [tilespmem:s22+$0x1A0];
	_ =	sdelay $0x4  }
0x1b5: {  	[tilespmem:v54+s16+$0x0] =	vst.idx.msk $0xffff, v24  }
0x1b6: {  	v55 =	vor.u32 s26, v16;
	v24 =	vld [tilespmem:s23+$0x1A0];
	_ =	sdelay $0x3  }
0x1b7: {  	s28 =	sadd.s32 $0xFFFFFC00, s21  }
0x1b8: {  	v56 =	vor.u32 s28, v0;
	[tilespmem:v55+s16+$0x0] =	vst.idx.msk $0xffff, v24  }
0x1b9: {  	v24 =	vand.u32 v19, v56;
	v25 =	vld [tilespmem:s22+$0xFFFFFE30];
	_ =	sdelay $0x4  }
0x1ba: {  	[tilespmem:v24+s16+$0x0] =	vst.idx.msk $0xffff, v25  }
0x1bb: {  	v57 =	vor.u32 s28, v2;
	v24 =	vld [tilespmem:s23+$0xFFFFFE30];
	_ =	sdelay $0x4  }
0x1bc: {  	[tilespmem:v57+s16+$0x0] =	vst.idx.msk $0xffff, v24  }
0x1bd: {  	v58 =	vor.u32 s28, v3;
	v24 =	vld [tilespmem:s22+$0xFFFFFEB0];
	_ =	sdelay $0x4  }
0x1be: {  	[tilespmem:v58+s16+$0x0] =	vst.idx.msk $0xffff, v24  }
0x1bf: {  	v59 =	vor.u32 s28, v4;
	v24 =	vld [tilespmem:s23+$0xFFFFFEB0];
	_ =	sdelay $0x4  }
0x1c0: {  	[tilespmem:v59+s16+$0x0] =	vst.idx.msk $0xffff, v24  }
0x1c1: {  	v60 =	vor.u32 s28, v5;
	v24 =	vld [tilespmem:s22+$0xFFFFFF30];
	_ =	sdelay $0x4  }
0x1c2: {  	[tilespmem:v60+s16+$0x0] =	vst.idx.msk $0xffff, v24  }
0x1c3: {  	v61 =	vor.u32 s28, v6;
	v24 =	vld [tilespmem:s23+$0xFFFFFF30];
	_ =	sdelay $0x4  }
0x1c4: {  	[tilespmem:v61+s16+$0x0] =	vst.idx.msk $0xffff, v24  }
0x1c5: {  	v62 =	vor.u32 s28, v7;
	v24 =	vld [tilespmem:s22+$0xFFFFFFB0];
	_ =	sdelay $0x4  }
0x1c6: {  	[tilespmem:v62+s16+$0x0] =	vst.idx.msk $0xffff, v24  }
0x1c7: {  	v63 =	vor.u32 s28, v8;
	v24 =	vld [tilespmem:s23+$0xFFFFFFB0];
	_ =	sdelay $0x4  }
0x1c8: {  	[tilespmem:v63+s16+$0x0] =	vst.idx.msk $0xffff, v24  }
0x1c9: {  	v28 =	vor.u32 s28, v9;
	v24 =	vld [tilespmem:s22+$0x30];
	_ =	sdelay $0x4  }
0x1ca: {  	[tilespmem:v28+s16+$0x0] =	vst.idx.msk $0xffff, v24  }
0x1cb: {  	v29 =	vor.u32 s28, v10;
	v24 =	vld [tilespmem:s23+$0x30];
	_ =	sdelay $0x4  }
0x1cc: {  	[tilespmem:v29+s16+$0x0] =	vst.idx.msk $0xffff, v24  }
0x1cd: {  	v30 =	vor.u32 s28, v11;
	v24 =	vld [tilespmem:s22+$0xB0];
	_ =	sdelay $0x4  }
0x1ce: {  	[tilespmem:v30+s16+$0x0] =	vst.idx.msk $0xffff, v24  }
0x1cf: {  	v31 =	vor.u32 s28, v12;
	v24 =	vld [tilespmem:s23+$0xB0];
	_ =	sdelay $0x4  }
0x1d0: {  	[tilespmem:v31+s16+$0x0] =	vst.idx.msk $0xffff, v24  }
0x1d1: {  	v32 =	vor.u32 s28, v13;
	v24 =	vld [tilespmem:s22+$0x130];
	_ =	sdelay $0x4  }
0x1d2: {  	[tilespmem:v32+s16+$0x0] =	vst.idx.msk $0xffff, v24  }
0x1d3: {  	v33 =	vor.u32 s28, v14;
	v24 =	vld [tilespmem:s23+$0x130];
	_ =	sdelay $0x4  }
0x1d4: {  	[tilespmem:v33+s16+$0x0] =	vst.idx.msk $0xffff, v24  }
0x1d5: {  	v34 =	vor.u32 s28, v15;
	v24 =	vld [tilespmem:s22+$0x1B0];
	_ =	sdelay $0x4  }
0x1d6: {  	[tilespmem:v34+s16+$0x0] =	vst.idx.msk $0xffff, v24  }
0x1d7: {  	v35 =	vor.u32 s28, v16;
	v24 =	vld [tilespmem:s23+$0x1B0];
	_ =	sdelay $0x3  }
0x1d8: {  	s29 =	sadd.s32 $0xFFFFFD00, s21  }
0x1d9: {  	v36 =	vor.u32 s29, v0;
	[tilespmem:v35+s16+$0x0] =	vst.idx.msk $0xffff, v24  }
0x1da: {  	v24 =	vand.u32 v20, v36;
	v25 =	vld [tilespmem:s22+$0xFFFFFE40];
	_ =	sdelay $0x4  }
0x1db: {  	[tilespmem:v24+s16+$0x0] =	vst.idx.msk $0xffff, v25  }
0x1dc: {  	v37 =	vor.u32 s29, v2;
	v24 =	vld [tilespmem:s23+$0xFFFFFE40];
	_ =	sdelay $0x4  }
0x1dd: {  	[tilespmem:v37+s16+$0x0] =	vst.idx.msk $0xffff, v24  }
0x1de: {  	v38 =	vor.u32 s29, v3;
	v24 =	vld [tilespmem:s22+$0xFFFFFEC0];
	_ =	sdelay $0x4  }
0x1df: {  	[tilespmem:v38+s16+$0x0] =	vst.idx.msk $0xffff, v24  }
0x1e0: {  	v39 =	vor.u32 s29, v4;
	v24 =	vld [tilespmem:s23+$0xFFFFFEC0];
	_ =	sdelay $0x4  }
0x1e1: {  	[tilespmem:v39+s16+$0x0] =	vst.idx.msk $0xffff, v24  }
0x1e2: {  	v40 =	vor.u32 s29, v5;
	v24 =	vld [tilespmem:s22+$0xFFFFFF40];
	_ =	sdelay $0x4  }
0x1e3: {  	[tilespmem:v40+s16+$0x0] =	vst.idx.msk $0xffff, v24  }
0x1e4: {  	v41 =	vor.u32 s29, v6;
	v24 =	vld [tilespmem:s23+$0xFFFFFF40];
	_ =	sdelay $0x4  }
0x1e5: {  	[tilespmem:v41+s16+$0x0] =	vst.idx.msk $0xffff, v24  }
0x1e6: {  	v42 =	vor.u32 s29, v7;
	v24 =	vld [tilespmem:s22+$0xFFFFFFC0];
	_ =	sdelay $0x4  }
0x1e7: {  	[tilespmem:v42+s16+$0x0] =	vst.idx.msk $0xffff, v24  }
0x1e8: {  	v43 =	vor.u32 s29, v8;
	v24 =	vld [tilespmem:s23+$0xFFFFFFC0];
	_ =	sdelay $0x4  }
0x1e9: {  	[tilespmem:v43+s16+$0x0] =	vst.idx.msk $0xffff, v24  }
0x1ea: {  	v44 =	vor.u32 s29, v9;
	v24 =	vld [tilespmem:s22+$0x40];
	_ =	sdelay $0x4  }
0x1eb: {  	[tilespmem:v44+s16+$0x0] =	vst.idx.msk $0xffff, v24  }
0x1ec: {  	v45 =	vor.u32 s29, v10;
	v24 =	vld [tilespmem:s23+$0x40];
	_ =	sdelay $0x4  }
0x1ed: {  	[tilespmem:v45+s16+$0x0] =	vst.idx.msk $0xffff, v24  }
0x1ee: {  	v46 =	vor.u32 s29, v11;
	v24 =	vld [tilespmem:s22+$0xC0];
	_ =	sdelay $0x4  }
0x1ef: {  	[tilespmem:v46+s16+$0x0] =	vst.idx.msk $0xffff, v24  }
0x1f0: {  	v47 =	vor.u32 s29, v12;
	v24 =	vld [tilespmem:s23+$0xC0];
	_ =	sdelay $0x4  }
0x1f1: {  	[tilespmem:v47+s16+$0x0] =	vst.idx.msk $0xffff, v24  }
0x1f2: {  	v48 =	vor.u32 s29, v13;
	v24 =	vld [tilespmem:s22+$0x140];
	_ =	sdelay $0x4  }
0x1f3: {  	[tilespmem:v48+s16+$0x0] =	vst.idx.msk $0xffff, v24  }
0x1f4: {  	v49 =	vor.u32 s29, v14;
	v24 =	vld [tilespmem:s23+$0x140];
	_ =	sdelay $0x4  }
0x1f5: {  	[tilespmem:v49+s16+$0x0] =	vst.idx.msk $0xffff, v24  }
0x1f6: {  	v50 =	vor.u32 s29, v15;
	v24 =	vld [tilespmem:s22+$0x1C0];
	_ =	sdelay $0x4  }
0x1f7: {  	[tilespmem:v50+s16+$0x0] =	vst.idx.msk $0xffff, v24  }
0x1f8: {  	v51 =	vor.u32 s29, v16;
	v24 =	vld [tilespmem:s23+$0x1C0];
	_ =	sdelay $0x3  }
0x1f9: {  	s30 =	sadd.s32 $0xFFFFFE00, s21  }
0x1fa: {  	v52 =	vor.u32 s30, v0;
	[tilespmem:v51+s16+$0x0] =	vst.idx.msk $0xffff, v24  }
0x1fb: {  	v24 =	vand.u32 v21, v52;
	v25 =	vld [tilespmem:s22+$0xFFFFFE50];
	_ =	sdelay $0x4  }
0x1fc: {  	[tilespmem:v24+s16+$0x0] =	vst.idx.msk $0xffff, v25  }
0x1fd: {  	v53 =	vor.u32 s30, v2;
	v24 =	vld [tilespmem:s23+$0xFFFFFE50];
	_ =	sdelay $0x4  }
0x1fe: {  	[tilespmem:v53+s16+$0x0] =	vst.idx.msk $0xffff, v24  }
0x1ff: {  	v54 =	vor.u32 s30, v3;
	v24 =	vld [tilespmem:s22+$0xFFFFFED0];
	_ =	sdelay $0x4  }
0x200: {  	[tilespmem:v54+s16+$0x0] =	vst.idx.msk $0xffff, v24  }
0x201: {  	v55 =	vor.u32 s30, v4;
	v24 =	vld [tilespmem:s23+$0xFFFFFED0];
	_ =	sdelay $0x4  }
0x202: {  	[tilespmem:v55+s16+$0x0] =	vst.idx.msk $0xffff, v24  }
0x203: {  	v56 =	vor.u32 s30, v5;
	v24 =	vld [tilespmem:s22+$0xFFFFFF50];
	_ =	sdelay $0x4  }
0x204: {  	[tilespmem:v56+s16+$0x0] =	vst.idx.msk $0xffff, v24  }
0x205: {  	v57 =	vor.u32 s30, v6;
	v24 =	vld [tilespmem:s23+$0xFFFFFF50];
	_ =	sdelay $0x4  }
0x206: {  	[tilespmem:v57+s16+$0x0] =	vst.idx.msk $0xffff, v24  }
0x207: {  	v58 =	vor.u32 s30, v7;
	v24 =	vld [tilespmem:s22+$0xFFFFFFD0];
	_ =	sdelay $0x4  }
0x208: {  	[tilespmem:v58+s16+$0x0] =	vst.idx.msk $0xffff, v24  }
0x209: {  	v59 =	vor.u32 s30, v8;
	v24 =	vld [tilespmem:s23+$0xFFFFFFD0];
	_ =	sdelay $0x4  }
0x20a: {  	[tilespmem:v59+s16+$0x0] =	vst.idx.msk $0xffff, v24  }
0x20b: {  	v60 =	vor.u32 s30, v9;
	v24 =	vld [tilespmem:s22+$0x50];
	_ =	sdelay $0x4  }
0x20c: {  	[tilespmem:v60+s16+$0x0] =	vst.idx.msk $0xffff, v24  }
0x20d: {  	v61 =	vor.u32 s30, v10;
	v24 =	vld [tilespmem:s23+$0x50];
	_ =	sdelay $0x4  }
0x20e: {  	[tilespmem:v61+s16+$0x0] =	vst.idx.msk $0xffff, v24  }
0x20f: {  	v62 =	vor.u32 s30, v11;
	v24 =	vld [tilespmem:s22+$0xD0];
	_ =	sdelay $0x4  }
0x210: {  	[tilespmem:v62+s16+$0x0] =	vst.idx.msk $0xffff, v24  }
0x211: {  	v63 =	vor.u32 s30, v12;
	v24 =	vld [tilespmem:s23+$0xD0];
	_ =	sdelay $0x4  }
0x212: {  	[tilespmem:v63+s16+$0x0] =	vst.idx.msk $0xffff, v24  }
0x213: {  	v28 =	vor.u32 s30, v13;
	v24 =	vld [tilespmem:s22+$0x150];
	_ =	sdelay $0x4  }
0x214: {  	[tilespmem:v28+s16+$0x0] =	vst.idx.msk $0xffff, v24  }
0x215: {  	v29 =	vor.u32 s30, v14;
	v24 =	vld [tilespmem:s23+$0x150];
	_ =	sdelay $0x4  }
0x216: {  	[tilespmem:v29+s16+$0x0] =	vst.idx.msk $0xffff, v24  }
0x217: {  	v30 =	vor.u32 s30, v15;
	v24 =	vld [tilespmem:s22+$0x1D0];
	_ =	sdelay $0x4  }
0x218: {  	[tilespmem:v30+s16+$0x0] =	vst.idx.msk $0xffff, v24  }
0x219: {  	v31 =	vor.u32 s30, v16;
	v24 =	vld [tilespmem:s23+$0x1D0];
	_ =	sdelay $0x3  }
0x21a: {  	s31 =	sadd.s32 $0xFFFFFF00, s21  }
0x21b: {  	v32 =	vor.u32 s31, v0;
	[tilespmem:v31+s16+$0x0] =	vst.idx.msk $0xffff, v24  }
0x21c: {  	v24 =	vand.u32 v22, v32;
	v25 =	vld [tilespmem:s22+$0xFFFFFE60];
	_ =	sdelay $0x4  }
0x21d: {  	[tilespmem:v24+s16+$0x0] =	vst.idx.msk $0xffff, v25  }
0x21e: {  	v33 =	vor.u32 s31, v2;
	v24 =	vld [tilespmem:s23+$0xFFFFFE60];
	_ =	sdelay $0x4  }
0x21f: {  	[tilespmem:v33+s16+$0x0] =	vst.idx.msk $0xffff, v24  }
0x220: {  	v34 =	vor.u32 s31, v3;
	v24 =	vld [tilespmem:s22+$0xFFFFFEE0];
	_ =	sdelay $0x4  }
0x221: {  	[tilespmem:v34+s16+$0x0] =	vst.idx.msk $0xffff, v24  }
0x222: {  	v35 =	vor.u32 s31, v4;
	v24 =	vld [tilespmem:s23+$0xFFFFFEE0];
	_ =	sdelay $0x4  }
0x223: {  	[tilespmem:v35+s16+$0x0] =	vst.idx.msk $0xffff, v24  }
0x224: {  	v36 =	vor.u32 s31, v5;
	v24 =	vld [tilespmem:s22+$0xFFFFFF60];
	_ =	sdelay $0x4  }
0x225: {  	[tilespmem:v36+s16+$0x0] =	vst.idx.msk $0xffff, v24  }
0x226: {  	v37 =	vor.u32 s31, v6;
	v24 =	vld [tilespmem:s23+$0xFFFFFF60];
	_ =	sdelay $0x4  }
0x227: {  	[tilespmem:v37+s16+$0x0] =	vst.idx.msk $0xffff, v24  }
0x228: {  	v38 =	vor.u32 s31, v7;
	v24 =	vld [tilespmem:s22+$0xFFFFFFE0];
	_ =	sdelay $0x4  }
0x229: {  	[tilespmem:v38+s16+$0x0] =	vst.idx.msk $0xffff, v24  }
0x22a: {  	v39 =	vor.u32 s31, v8;
	v24 =	vld [tilespmem:s23+$0xFFFFFFE0];
	_ =	sdelay $0x4  }
0x22b: {  	[tilespmem:v39+s16+$0x0] =	vst.idx.msk $0xffff, v24  }
0x22c: {  	v40 =	vor.u32 s31, v9;
	v24 =	vld [tilespmem:s22+$0x60];
	_ =	sdelay $0x4  }
0x22d: {  	[tilespmem:v40+s16+$0x0] =	vst.idx.msk $0xffff, v24  }
0x22e: {  	v41 =	vor.u32 s31, v10;
	v24 =	vld [tilespmem:s23+$0x60];
	_ =	sdelay $0x4  }
0x22f: {  	[tilespmem:v41+s16+$0x0] =	vst.idx.msk $0xffff, v24  }
0x230: {  	v42 =	vor.u32 s31, v11;
	v24 =	vld [tilespmem:s22+$0xE0];
	_ =	sdelay $0x4  }
0x231: {  	[tilespmem:v42+s16+$0x0] =	vst.idx.msk $0xffff, v24  }
0x232: {  	v43 =	vor.u32 s31, v12;
	v24 =	vld [tilespmem:s23+$0xE0];
	_ =	sdelay $0x4  }
0x233: {  	[tilespmem:v43+s16+$0x0] =	vst.idx.msk $0xffff, v24  }
0x234: {  	v44 =	vor.u32 s31, v13;
	v24 =	vld [tilespmem:s22+$0x160];
	_ =	sdelay $0x4  }
0x235: {  	[tilespmem:v44+s16+$0x0] =	vst.idx.msk $0xffff, v24  }
0x236: {  	v45 =	vor.u32 s31, v14;
	v24 =	vld [tilespmem:s23+$0x160];
	_ =	sdelay $0x4  }
0x237: {  	[tilespmem:v45+s16+$0x0] =	vst.idx.msk $0xffff, v24  }
0x238: {  	v46 =	vor.u32 s31, v15;
	v24 =	vld [tilespmem:s22+$0x1E0];
	_ =	sdelay $0x4  }
0x239: {  	[tilespmem:v46+s16+$0x0] =	vst.idx.msk $0xffff, v24  }
0x23a: {  	v47 =	vor.u32 s31, v16;
	v24 =	vld [tilespmem:s23+$0x1E0];
	_ =	sdelay $0x4  }
0x23b: {  	v48 =	vor.u32 s21, v0;
	[tilespmem:v47+s16+$0x0] =	vst.idx.msk $0xffff, v24  }
0x23c: {  	v24 =	vand.u32 v23, v48;
	v25 =	vld [tilespmem:s22+$0xFFFFFE70];
	_ =	sdelay $0x4  }
0x23d: {  	[tilespmem:v24+s16+$0x0] =	vst.idx.msk $0xffff, v25  }
0x23e: {  	v49 =	vor.u32 s21, v2;
	v24 =	vld [tilespmem:s23+$0xFFFFFE70];
	_ =	sdelay $0x4  }
0x23f: {  	[tilespmem:v49+s16+$0x0] =	vst.idx.msk $0xffff, v24  }
0x240: {  	v50 =	vor.u32 s21, v3;
	v24 =	vld [tilespmem:s22+$0xFFFFFEF0];
	_ =	sdelay $0x4  }
0x241: {  	[tilespmem:v50+s16+$0x0] =	vst.idx.msk $0xffff, v24  }
0x242: {  	v51 =	vor.u32 s21, v4;
	v24 =	vld [tilespmem:s23+$0xFFFFFEF0];
	_ =	sdelay $0x4  }
0x243: {  	[tilespmem:v51+s16+$0x0] =	vst.idx.msk $0xffff, v24  }
0x244: {  	v52 =	vor.u32 s21, v5;
	v24 =	vld [tilespmem:s22+$0xFFFFFF70];
	_ =	sdelay $0x4  }
0x245: {  	[tilespmem:v52+s16+$0x0] =	vst.idx.msk $0xffff, v24  }
0x246: {  	v53 =	vor.u32 s21, v6;
	v24 =	vld [tilespmem:s23+$0xFFFFFF70];
	_ =	sdelay $0x4  }
0x247: {  	[tilespmem:v53+s16+$0x0] =	vst.idx.msk $0xffff, v24  }
0x248: {  	v54 =	vor.u32 s21, v7;
	v24 =	vld [tilespmem:s22+$0xFFFFFFF0];
	_ =	sdelay $0x4  }
0x249: {  	[tilespmem:v54+s16+$0x0] =	vst.idx.msk $0xffff, v24  }
0x24a: {  	v55 =	vor.u32 s21, v8;
	v24 =	vld [tilespmem:s23+$0xFFFFFFF0];
	_ =	sdelay $0x4  }
0x24b: {  	[tilespmem:v55+s16+$0x0] =	vst.idx.msk $0xffff, v24  }
0x24c: {  	v56 =	vor.u32 s21, v9;
	v24 =	vld [tilespmem:s22+$0x70];
	_ =	sdelay $0x4  }
0x24d: {  	[tilespmem:v56+s16+$0x0] =	vst.idx.msk $0xffff, v24  }
0x24e: {  	v57 =	vor.u32 s21, v10;
	v24 =	vld [tilespmem:s23+$0x70];
	_ =	sdelay $0x4  }
0x24f: {  	[tilespmem:v57+s16+$0x0] =	vst.idx.msk $0xffff, v24  }
0x250: {  	v58 =	vor.u32 s21, v11;
	v24 =	vld [tilespmem:s22+$0xF0];
	_ =	sdelay $0x4  }
0x251: {  	[tilespmem:v58+s16+$0x0] =	vst.idx.msk $0xffff, v24  }
0x252: {  	v59 =	vor.u32 s21, v12;
	v24 =	vld [tilespmem:s23+$0xF0];
	_ =	sdelay $0x4  }
0x253: {  	[tilespmem:v59+s16+$0x0] =	vst.idx.msk $0xffff, v24  }
0x254: {  	v60 =	vor.u32 s21, v13;
	v24 =	vld [tilespmem:s22+$0x170];
	_ =	sdelay $0x4  }
0x255: {  	[tilespmem:v60+s16+$0x0] =	vst.idx.msk $0xffff, v24  }
0x256: {  	v61 =	vor.u32 s21, v14;
	v24 =	vld [tilespmem:s23+$0x170];
	_ =	sdelay $0x4  }
0x257: {  	[tilespmem:v61+s16+$0x0] =	vst.idx.msk $0xffff, v24  }
0x258: {  	v62 =	vor.u32 s21, v15;
	v24 =	vld [tilespmem:s22+$0x1F0];
	_ =	sdelay $0x4  }
0x259: {  	[tilespmem:v62+s16+$0x0] =	vst.idx.msk $0xffff, v24  }
0x25a: {  	p2 =	sne.s32 s21, $0x3F00;
	v63 =	vor.u32 s21, v16;
	v24 =	vld [tilespmem:s23+$0x1F0]  }
.Ltmp6:
0x25b: {  	_ = 	snop;
	(pc) =	sbr.rel @p2 .LBB2_6-.Ltmp6, $2  }
0x25c: {  	_ =	sdelay $0x2  }
0x25d: {  	s21 =	sadd.s32 $0x800, s21;
	s22 =	sadd.s32 $0x400, s22;
	s23 =	sadd.s32 $0x400, s23;
	[tilespmem:v63+s16+$0x0] =	vst.idx.msk $0xffff, v24  }
.Ltmp7:
0x25e: {  	(pc) =	sbr.rel .LBB2_8-.Ltmp7, $4  }
0x25f: {  	_ = 	snop  }
0x260: {  	s20 =	sshll.u32 s20, $0xB  }
0x261: {  	s20 =	sadd.s32 s5, s20  }
0x262: {  	[hbm4b:s20+s2] =	stream.linear.scatter [tilespmem:s16], [sflag:$0x4], $0x4000, $0x38;
	[tilespmem:$0x10000] =	vst v63  }
.LBB2_10:
0x263: {  	_ =	sfence.sel $0x180000  }
0x264: {  	[bflag:$0x0] =	sbarrier.arrive $0xFFFF  }
0x265: {  	p0 =	sne.s32 s3, $0x0;
	_ =	strace $0x90000047  }
0x266: {  	s0 =	sadd.s32 @!p0 $0x100000, s0;
	[bflag:$0x2] =	sbarrier.arrive $0xFFFF  }
0x267: {  	[sflag:s0] =	ssyncadd.tile.s32 @!p0 $0x1;
	_ =	shalt  }
.Lfunc_end2:
_tile_overlayer_lowered:
.L_overlay_start_2:
0x268: {  	(tag) =	ssettag $0x2  }
0x269: {  	s0 =	rddreg [dreg:$0x0];
	s2 =	stileid.u32  }
0x26a: {  	s1 =	rddreg [dreg:$0x1];
	p0 =	sne.s32 s2, $0x0  }
0x26b: {  	s3 =	rddreg [dreg:$0x2];
	[bflag:$0x3] =	sbarrier.arrive $0xFFFF;
	s2 =	simm.s32 @!p0 $0x1C05  }
0x26c: {  	[timem:s3], [sflag:s2] =	dma.local @!p0 [hbm:s0], s1  }
0x26d: {  	s0 =	simm.s32 @!p0 $0x5  }
0x26e: {  	_ =	swait.ge @!p0 [sflag:s0], s1  }
0x26f: {  	s1 =	ssub.s32 @!p0 $0x0, s1;
	[sflag:s0] =	ssyncset.done @!p0 $0x0  }
0x270: {  	[sflag:s0] =	ssyncadd.s32 @!p0 s1  }
0x271: {  	[bflag:$0x3] =	sbarrier.arrive $0xFFFF  }
0x272: {  	_ =	shalt  }

// kernel: kernel.8.cloned.1.call-start
scs
__scs_entry_jumppad:
0x0: {  	(pc) =	sbr.rel $0x88, $3  }
0x1: {  	(tag) =	ssettag $0x0;
	lr =	simm.s32 $0x1  }
0x2: {  	[smem:$0x3F9F] =	sst lr;
	_ =	strace $0xD0000000  }
0x3: {  	_ = 	snop  }
0x4: {  	_ = 	snop  }
0x5: {  	_ = 	snop  }
0x6: {  	_ = 	snop  }
0x7: {  	_ = 	snop  }
__scs_overlays_trampoline_lowered:
0x8: {  	[smem:$0x3FAE] =	sst s0  }
0x9: {  	[smem:$0x3FAF] =	sst s1  }
0xa: {  	[smem:$0x3FB0] =	sst s2  }
0xb: {  	[smem:$0x3FB1] =	sst s3  }
0xc: {  	[smem:$0x3FB2] =	sst s4  }
0xd: {  	[smem:$0x3FB3] =	sst s5  }
0xe: {  	[smem:$0x3FB4] =	sst s6  }
0xf: {  	[smem:$0x3FB5] =	sst s7  }
0x10: {  	[smem:$0x3FB6] =	sst s8  }
0x11: {  	[smem:$0x3FB7] =	sst s9;
	s0 =	simm.s32 @!p0 $0x0  }
0x12: {  	s1 =	sld [smem:$0x3F9D];
	s0 =	simm.s32 @p0 $0x1  }
0x13: {  	[smem:$0x3FB8] =	sst s0;
	s0 =	simm.s32 @!p1 $0x0  }
0x14: {  	s2 =	sld [smem:$0x3F9C];
	s0 =	simm.s32 @p1 $0x1  }
0x15: {  	[smem:$0x3FB9] =	sst s0;
	s0 =	simm.s32 @!p2 $0x0  }
0x16: {  	s3 =	sld [smem:$0x3FDB];
	s0 =	simm.s32 @p2 $0x1  }
0x17: {  	s4 =	simm.s32 $0x1BF5;
	[smem:$0x3FBB] =	sst s0  }
0x18: {  	s0 =	sld [smem:$0x3F9E];
	_ =	swait.ge [sflag:s4], $0x0  }
0x19: {  	s7 =	sld [smem:$0x3F9F]  }
0x1a: {  	s8 =	sadd.s32 $0xFFFFE003, lr  }
0x1b: {  	s9 =	sadd.s32 $0xFFFFFEF7, lr;
	s5 =	simm.s32 $0xFFFFFFFF;
	p2 =	slt.u32 s8, $0xFFFFF086  }
0x1c: {  	p1 =	slt.u32 s9, $0xF7A;
	s5 =	simm.s32 @!p2 $0x0  }
0x1d: {  	s5 =	simm.s32 @p1 $0x1;
	p0 =	seq.s32 s7, s2  }
0x1e: {  	s7 =	smul.u32 @!p0 $0xF7A, s2;
	p2 =	seq.s32 @!p0 s5, $0x0  }
0x1f: {  	s9 =	smul.u32 $0xF7A, s1;
	s8 =	simm.s32 @!p0 $0x1BF5;
	p2 =	por !p2, p0  }
0x20: {  	[sflag:s8] =	ssyncset.s32 @!p0 $0xFFFFF086;
	s6 =	sadd.s32 @!p0 s3, s7;
	s7 =	simm.s32 @!p0 $0x108  }
0x21: {  	s3 =	sadd.s32 s3, s9;
	s6 =	sadd.s32 @!p0 $0x88, s6;
	s7 =	simm.s32 @p2 $0x1082  }
0x22: {  	[simem:s7], [sflag:s8] =	dma.local @!p0 [hbm:s6], $0xF7A  }
0x23: {  	s9 =	sor.u32 $0xD0000000, s2;
	s6 =	simm.s32 $0x108;
	_ =	swait.ge @!p0 [sflag:s8], $0x0  }
0x24: {  	s3 =	sadd.s32 $0x88, s3;
	s6 =	simm.s32 @!p1 $0x1082;
	[sflag:s4] =	ssyncset.s32 $0xFFFFF086  }
0x25: {  	[simem:s6], [sflag:s4] =	dma.local [hbm:s3], $0xF7A  }
0x26: {  	[smem:$0x3F9F] =	sst s1;
	(tag) =	ssettag s2;
	_ =	strace s9  }
0x27: {  	s1 =	sld [smem:$0x3FAF]  }
0x28: {  	s2 =	sld [smem:$0x3FB0]  }
0x29: {  	s4 =	sld [smem:$0x3FB2]  }
0x2a: {  	p0 =	seq.s32 s5, $0x0;
	s5 =	sld [smem:$0x3FB3]  }
0x2b: {  	s6 =	sld [smem:$0x3FB4]  }
0x2c: {  	s7 =	sld [smem:$0x3FB5]  }
0x2d: {  	s3 =	simm.s32 $0x108;
	s8 =	sld [smem:$0x3FB6]  }
0x2e: {  	s3 =	simm.s32 @!p0 $0x1082;
	s9 =	sld [smem:$0x3FB7]  }
0x2f: {  	lr =	sadd.s32 s0, s3;
	s0 =	sld [smem:$0x3FAE]  }
0x30: {  	s3 =	sld [smem:$0x3FB1]  }
0x31: {  	[smem:$0x3FBA] =	sst s10  }
0x32: {  	s10 =	sld [smem:$0x3FB8];
	_ =	sdelay $0x3  }
0x33: {  	p0 =	seq.s32 s10, $0x1;
	s10 =	sld [smem:$0x3FBA];
	_ =	sdelay $0x3  }
0x34: {  	[smem:$0x3FBA] =	sst s10  }
0x35: {  	s10 =	sld [smem:$0x3FB9];
	_ =	sdelay $0x3  }
0x36: {  	p1 =	seq.s32 s10, $0x1;
	s10 =	sld [smem:$0x3FBA];
	_ =	sdelay $0x3  }
0x37: {  	[smem:$0x3FBA] =	sst s10  }
0x38: {  	s10 =	sld [smem:$0x3FBB]  }
0x39: {  	_ = 	snop;
	(pc) =	sbr.ind lr, $3  }
0x3a: {  	_ = 	snop  }
0x3b: {  	_ = 	snop  }
0x3c: {  	p2 =	seq.s32 s10, $0x1;
	s10 =	sld [smem:$0x3FBA]  }
0x3d: {  	_ =	shalt  }
0x3e: {  	_ =	shalt  }
0x3f: {  	_ =	shalt  }
0x40: {  	_ =	shalt  }
0x41: {  	_ =	shalt  }
0x42: {  	_ =	shalt  }
0x43: {  	_ =	shalt  }
0x44: {  	_ =	shalt  }
0x45: {  	_ =	shalt  }
0x46: {  	_ =	shalt  }
0x47: {  	_ =	shalt  }
0x48: {  	_ =	shalt  }
0x49: {  	_ =	shalt  }
0x4a: {  	_ =	shalt  }
0x4b: {  	_ =	shalt  }
0x4c: {  	_ =	shalt  }
0x4d: {  	_ =	shalt  }
0x4e: {  	_ =	shalt  }
0x4f: {  	_ =	shalt  }
0x50: {  	_ =	shalt  }
0x51: {  	_ =	shalt  }
0x52: {  	_ =	shalt  }
0x53: {  	_ =	shalt  }
0x54: {  	_ =	shalt  }
0x55: {  	_ =	shalt  }
0x56: {  	_ =	shalt  }
0x57: {  	_ =	shalt  }
0x58: {  	_ =	shalt  }
0x59: {  	_ =	shalt  }
0x5a: {  	_ =	shalt  }
0x5b: {  	_ =	shalt  }
0x5c: {  	_ =	shalt  }
0x5d: {  	_ =	shalt  }
0x5e: {  	_ =	shalt  }
0x5f: {  	_ =	shalt  }
0x60: {  	_ =	shalt  }
0x61: {  	_ =	shalt  }
0x62: {  	_ =	shalt  }
0x63: {  	_ =	shalt  }
0x64: {  	_ =	shalt  }
0x65: {  	_ =	shalt  }
0x66: {  	_ =	shalt  }
0x67: {  	_ =	shalt  }
0x68: {  	_ =	shalt  }
0x69: {  	_ =	shalt  }
0x6a: {  	_ =	shalt  }
0x6b: {  	_ =	shalt  }
0x6c: {  	_ =	shalt  }
0x6d: {  	_ =	shalt  }
0x6e: {  	_ =	shalt  }
0x6f: {  	_ =	shalt  }
0x70: {  	_ =	shalt  }
0x71: {  	_ =	shalt  }
0x72: {  	_ =	shalt  }
0x73: {  	_ =	shalt  }
0x74: {  	_ =	shalt  }
0x75: {  	_ =	shalt  }
0x76: {  	_ =	shalt  }
0x77: {  	_ =	shalt  }
0x78: {  	_ =	shalt  }
0x79: {  	_ =	shalt  }
0x7a: {  	_ =	shalt  }
0x7b: {  	_ =	shalt  }
0x7c: {  	_ =	shalt  }
0x7d: {  	_ =	shalt  }
0x7e: {  	_ =	shalt  }
0x7f: {  	_ =	shalt  }
0x80: {  	_ =	shalt  }
0x81: {  	_ =	shalt  }
0x82: {  	_ =	shalt  }
0x83: {  	_ =	shalt  }
0x84: {  	_ =	shalt  }
0x85: {  	_ =	shalt  }
0x86: {  	_ =	shalt  }
0x87: {  	_ =	shalt  }
.Lfunc_end0:
.L_simem_size_0:
called_computation.1_lowered:
.L_overlay_start_0:
0x88: {  	s2 =	sld [smem:$0x3FD9]  }
0x89: {  	s3 =	sld [smem:$0x3FFE];
	_ =	sdelay $0x1  }
0x8a: {  	s1 =	srdreg.scid  }
0x8b: {  	s0 =	sand.u32 $0x1, s1  }
0x8c: {  	s17 =	sshll.u32 s0, $0xA;
	s2 =	sadd.s32 s3, s2  }
0x8d: {  	s2 =	sadd.s32 s2, s17  }
0x8e: {  	[smem:$0x3FC6] =	sst s2  }
0x8f: {  	_ = 	snop  }
0x90: {  	s2 =	sld [smem:$0x3FD0];
	(tm) =	ssettm $0x1  }
0x91: {  	s18 =	sld [smem:$0x3FFB];
	_ =	sdelay $0x3  }
0x92: {  	_ =	strace s18  }
0x93: {  	s3 =	sld [smem:$0x3FFC];
	_ =	sdelay $0x3  }
0x94: {  	_ =	strace s3  }
0x95: {  	s3 =	sld [smem:$0x3FFD];
	_ =	sdelay $0x3  }
0x96: {  	_ =	strace s3  }
0x97: {  	_ =	strace $0x8FFFFFFF  }
0x98: {  	s19 =	sld [smem:$0x3FDB];
	_ =	sdelay $0x1  }
0x99: {  	s4 =	simm.s32 $_scs_section_size  }
0x9a: {  	s5 =	simm.s32 $_size__tile_overlayer_lowered;
	s6 =	simm.s32 $_tile_overlayer_lowered  }
0x9b: {  	s22 =	simm.s32 $0x1BFF;
	s21 =	sshll.u32 s6, $0x1;
	s3 =	sadd.s32 s4, s19  }
0x9c: {  	s7 =	simm.s32 $0x0;
	s20 =	sshll.u32 s5, $0x1;
	s5 =	sadd.s32 s21, s3  }
0x9d: {  	[timem:s7], [sflag:s22] =	dma.local [hbm:s5], s20  }
0x9e: {  	_ =	swait.ge [sflag:s22], s20  }
0x9f: {  	s4 =	ssub.s32 $0x0, s20;
	[sflag:s22] =	ssyncset.done $0x0  }
0xa0: {  	[sflag:s22] =	ssyncadd.s32 s4;
	_ =	sdelay $0x1  }
0xa1: {  	s23 =	simm.s32 $0x1B8B  }
0xa2: {  	_ =	swait.ge [sflag:s23], $0x1  }
0xa3: {  	[sflag:s23] =	ssyncset.done $0x0  }
0xa4: {  	s25 =	simm.s32 $0x1B8E;
	s24 =	sld [smem:$0x3FFE];
	[sflag:s23] =	ssyncadd.s32 $0xFFFFFFFF  }
0xa5: {  	s26 =	simm.s32 $execute0_lowered;
	[smem:$0x3FD2] =	sst s25  }
0xa6: {  	s5 =	sshll.u32 s26, $0x1;
	_ =	strace $0x80000049;
	[dreg:$0x1] =	wrdreg $0xFFFFFFFF  }
0xa7: {  	s28 =	simm.s32 $_size_execute0_lowered;
	s3 =	sadd.s32 s3, s5;
	[dreg:$0x0] =	wrdreg $0x0  }
0xa8: {  	s5 =	sshll.u32 s28, $0x1;
	[dreg:$0x2] =	wrdreg s3  }
0xa9: {  	[dreg:$0x3] =	wrdreg s5  }
0xaa: {  	[dreg:$0x4] =	wrdreg $0xC0  }
0xab: {  	_ =	task [dreg:s7], $0x5FFFF  }
0xac: {  	[dreg:$0x1] =	wrdreg $0xFFFFFFFF  }
0xad: {  	[dreg:$0x0] =	wrdreg $0x60  }
0xae: {  	[dreg:$0x2] =	wrdreg s2  }
0xaf: {  	[dreg:$0x3] =	wrdreg s24  }
0xb0: {  	[dreg:$0x4] =	wrdreg $0x9  }
0xb1: {  	_ =	task.clear_ibuf [dreg:s7], $0x5FFFF;
	_ =	strace $0x90000049  }
0xb2: {  	s29 =	simm.s32 $0x9;
	_ =	strace $0x8000004B  }
0xb3: {  	_ =	swait.ge [sflag:s29], $0x1  }
0xb4: {  	[sflag:s29] =	ssyncadd.s32 $0xFFFFFFFF  }
0xb5: {  	_ =	strace $0x9000004B  }
0xb6: {  	_ =	sfence  }
0xb7: {  	s30 =	sld [smem:$0x0];
	_ =	sdelay $0x2  }
0xb8: {  	s31 =	sshll.u32 s1, $0xD;
	s1 =	sshrl.u32 s1, $0x2  }
0xb9: {  	s3 =	sand.u32 $0x4000, s31;
	s1 =	sadd.s32 s1, s30  }
0xba: {  	s0 =	sor.u32 s3, s0;
	s1 =	sshll.u32 s1, $0x11  }
0xbb: {  	s0 =	sor.u32 s1, s0  }
0xbc: {  	s0 =	sadd.s32 $0x8F2B, s0  }
0xbd: {  	[sflag:s0] =	ssyncadd.remote.s32 $0x1  }
0xbe: {  	_ =	sfence.sel $0xFFFF  }
0xbf: {  	[dreg:$0x0] =	wrdreg $0xFFFFFFFF;
	(pc) =	sbr.abs _section_cstart, $3  }
0xc0: {  	[dreg:$0x1] =	wrdreg $0xFFFFFFFF  }
0xc1: {  	_ =	task.clear_ibuf [dreg:s7], $0x2FFFF;
	_ =	strace $0x9FFFFFFF  }
0xc2: {  	(tm) =	ssettm $0x7FFFFFFF  }
0xc3: {  	_ =	shalt  }
tec
execute0_lowered:
.L_overlay_start_1:
0x0: {  	(tag) =	ssettag $0x1  }
0x1: {  	s10 =	rddreg [dreg:$0x0]  }
0x2: {  	s5 =	rddreg [dreg:$0x1]  }
0x3: {  	s0 =	rddreg [dreg:$0x2]  }
0x4: {  	s2 =	simm.s32 $0x0;
	s3 =	srdreg.scid;
	s1 =	stileid.u32  }
0x5: {  	s16 =	simm.s32 $0x2700;
	s17 =	simm.s32 $0x1A00;
	s18 =	simm.s32 $0xF700  }
0x6: {  	s19 =	simm.s32 $0x1;
	s20 =	simm.s32 $0x3;
	s21 =	simm.s32 $0x2  }
0x7: {  	s22 =	simm.s32 $0x4;
	s23 =	simm.s32 $0x0;
	[smem:$0x7FF] =	sst s2  }
0x8: {  	s3 =	sand.u32 $0x1, s3;
	s4 =	sshll.u32 s1, $0x1;
	s12 =	sadd.s32 $0x4F6E00, s5  }
0x9: {  	_ =	strace $0x8000004A;
	s6 =	ssub.s32 $0x2, s3;
	s7 =	sor.u32 s3, s4  }
0xa: {  	s3 =	sadd.s32 $0x4F6C00, s5;
	s8 =	sshrl.u32 s6, $0x1;
	s9 =	smul.u32 $0x3400, s7  }
0xb: {  	s4 =	sadd.s32 $0x1200, s5;
	s7 =	smul.u32 $0x6800, s7;
	s13 =	ssub.s32 s6, s8  }
0xc: {  	s26 =	sshrl.u32 s9, $0x3;
	s11 =	sadd.s32 $0xD00, s9;
	s14 =	sadd.s32 $0x1A00, s9  }
0xd: {  	s7 =	sadd.s32 s12, s7;
	s15 =	sadd.s32 $0x2700, s9;
	s13 =	smax.u32 s13, $0x1  }
0xe: {  	s5 =	sadd.s32 s10, s26;
	s28 =	sshrl.u32 s11, $0x3;
	s29 =	sshrl.u32 s14, $0x3  }
0xf: {  	s11 =	sshll.u32 s11, $0x1;
	s30 =	sshrl.u32 s15, $0x3;
	s14 =	sshll.u32 s14, $0x1  }
0x10: {  	s31 =	sshll.u32 s15, $0x1;
	s15 =	simm.s32 $0xD00;
	s6 =	sadd.s32 s10, s28  }
0x11: {  	s8 =	sadd.s32 s10, s29;
	s9 =	sadd.s32 s12, s11;
	s10 =	sadd.s32 s10, s30  }
0x12: {  	s11 =	sadd.s32 s12, s14;
	s12 =	sadd.s32 s12, s31;
	s14 =	simm.s32 $0x5  }
.LBB2_1:
0x13: {  	[tilespmem:s2], [sflag:$0x5] =	stream.linear.gather [hbm4b:s3+s2], $0xD00, $0x38;
	[tilespmem:$0x1C700] =	vst v63  }
0x14: {  	_ =	swait.ge [sflag:s14], $0xD00  }
0x15: {  	[sflag:s14] =	ssyncset.done $0x0  }
0x16: {  	[sflag:s14] =	ssyncadd.s32 $0xFFFFF300  }
0x17: {  	[tilespmem:s15], [sflag:$0x5] =	stream.linear.gather [hbm4b:s5+s2], $0xD00, $0x38;
	[tilespmem:$0x1C700] =	vst v63  }
0x18: {  	_ =	swait.ge [sflag:s14], $0xD00  }
0x19: {  	[sflag:s14] =	ssyncset.done $0x0  }
0x1a: {  	s24 =	simm.s32 $0x0;
	[sflag:s14] =	ssyncadd.s32 $0xFFFFF300  }
0x1b: {  	s25 =	simm.s32 $0x40;
	v0 =	vld [tilespmem:s24+$0x0]  }
.LBB2_2:
0x1c: {  	p0 =	sne.s32 s25, $0x33C0;
	v1 =	vld [tilespmem:s24+$0xD00];
	_ =	sdelay $0x1  }
.Ltmp0:
0x1d: {  	(pc) =	sbr.rel @p0 .LBB2_2-.Ltmp0, $3  }
0x1e: {  	_ =	sdelay $0x1  }
0x1f: {  	s26 =	sshra.s32 s25, $0x2;
	v1 =	vadd.s32 v1, v0  }
0x20: {  	s25 =	sadd.s32 $0x40, s25;
	v0 =	vld [tilespmem:s26+$0x0];
	[tilespmem:s24+$0xD00] =	vst v1;
	s24 =	smov.u32 s26  }
0x21: {  	v1 =	vld [tilespmem:s24+$0xD00];
	_ =	sdelay $0x4  }
0x22: {  	v0 =	vadd.s32 v1, v0  }
0x23: {  	[tilespmem:s24+$0xD00] =	vst v0  }
0x24: {  	[tilespmem:s16], [sflag:$0x1] =	stream.indirect.gather [hbm4b:s4+s15], $0x10, s15, s15, $0xb8;
	[tilespmem:$0x1C700] =	vst v63  }
0x25: {  	s31 =	simm.s32 $0x0  }
0x26: {  	[tilespmem:s17], [sflag:$0x5] =	stream.linear.gather [hbm4b:s6+s31], $0xD00, $0x38;
	[tilespmem:$0x1C700] =	vst v63  }
0x27: {  	_ =	swait.ge [sflag:s14], $0xD00  }
0x28: {  	[sflag:s14] =	ssyncset.done $0x0  }
0x29: {  	s24 =	simm.s32 $0x0;
	[sflag:s14] =	ssyncadd.s32 $0xFFFFF300  }
0x2a: {  	s25 =	simm.s32 $0x40;
	v0 =	vld [tilespmem:s24+$0x0]  }
.LBB2_4:
0x2b: {  	p0 =	sne.s32 s25, $0x33C0;
	v1 =	vld [tilespmem:s24+$0x1A00];
	_ =	sdelay $0x1  }
.Ltmp1:
0x2c: {  	(pc) =	sbr.rel @p0 .LBB2_4-.Ltmp1, $3  }
0x2d: {  	_ =	sdelay $0x1  }
0x2e: {  	s26 =	sshra.s32 s25, $0x2;
	v1 =	vadd.s32 v1, v0  }
0x2f: {  	s25 =	sadd.s32 $0x40, s25;
	v0 =	vld [tilespmem:s26+$0x0];
	[tilespmem:s24+$0x1A00] =	vst v1;
	s24 =	smov.u32 s26  }
0x30: {  	v1 =	vld [tilespmem:s24+$0x1A00];
	_ =	sdelay $0x4  }
0x31: {  	v0 =	vadd.s32 v1, v0  }
0x32: {  	[tilespmem:s24+$0x1A00] =	vst v0  }
0x33: {  	[tilespmem:s18], [sflag:$0x2] =	stream.indirect.gather [hbm4b:s4+s15], $0x10, s17, s15, $0xb8;
	[tilespmem:$0x1C700] =	vst v63  }
0x34: {  	_ =	swait.ge [sflag:s19], $0xD000  }
0x35: {  	[sflag:s19] =	ssyncset.done $0x0  }
0x36: {  	s31 =	simm.s32 $0x0;
	[sflag:s19] =	ssyncadd.s32 $0xFFFF3000  }
0x37: {  	[hbm4b:s7+s31] =	stream.linear.scatter [tilespmem:s16], [sflag:$0x3], $0xD000, $0x38;
	[tilespmem:$0x1C700] =	vst v63  }
0x38: {  	_ =	swait.ge [sflag:s20], $0xD000  }
0x39: {  	[sflag:s20] =	ssyncset.done $0x0  }
0x3a: {  	[sflag:s20] =	ssyncadd.s32 $0xFFFF3000  }
0x3b: {  	[tilespmem:s15], [sflag:$0x5] =	stream.linear.gather [hbm4b:s8+s31], $0xD00, $0x38;
	[tilespmem:$0x1C700] =	vst v63  }
0x3c: {  	_ =	swait.ge [sflag:s14], $0xD00  }
0x3d: {  	[sflag:s14] =	ssyncset.done $0x0  }
0x3e: {  	s24 =	simm.s32 $0x0;
	[sflag:s14] =	ssyncadd.s32 $0xFFFFF300  }
0x3f: {  	s25 =	simm.s32 $0x40;
	v0 =	vld [tilespmem:s24+$0x0]  }
.LBB2_6:
0x40: {  	p0 =	sne.s32 s25, $0x33C0;
	v1 =	vld [tilespmem:s24+$0xD00];
	_ =	sdelay $0x1  }
.Ltmp2:
0x41: {  	(pc) =	sbr.rel @p0 .LBB2_6-.Ltmp2, $3  }
0x42: {  	_ =	sdelay $0x1  }
0x43: {  	s26 =	sshra.s32 s25, $0x2;
	v1 =	vadd.s32 v1, v0  }
0x44: {  	s25 =	sadd.s32 $0x40, s25;
	v0 =	vld [tilespmem:s26+$0x0];
	[tilespmem:s24+$0xD00] =	vst v1;
	s24 =	smov.u32 s26  }
0x45: {  	v1 =	vld [tilespmem:s24+$0xD00];
	_ =	sdelay $0x4  }
0x46: {  	v0 =	vadd.s32 v1, v0  }
0x47: {  	[tilespmem:s24+$0xD00] =	vst v0  }
0x48: {  	[tilespmem:s16], [sflag:$0x1] =	stream.indirect.gather [hbm4b:s4+s15], $0x10, s15, s15, $0xb8;
	[tilespmem:$0x1C700] =	vst v63  }
0x49: {  	_ =	swait.ge [sflag:s21], $0xD000  }
0x4a: {  	[sflag:s21] =	ssyncset.done $0x0  }
0x4b: {  	s31 =	simm.s32 $0x0;
	[sflag:s21] =	ssyncadd.s32 $0xFFFF3000  }
0x4c: {  	[hbm4b:s9+s31] =	stream.linear.scatter [tilespmem:s18], [sflag:$0x4], $0xD000, $0x38;
	[tilespmem:$0x1C700] =	vst v63  }
0x4d: {  	_ =	swait.ge [sflag:s22], $0xD000  }
0x4e: {  	[sflag:s22] =	ssyncset.done $0x0  }
0x4f: {  	[sflag:s22] =	ssyncadd.s32 $0xFFFF3000  }
0x50: {  	[tilespmem:s17], [sflag:$0x5] =	stream.linear.gather [hbm4b:s10+s31], $0xD00, $0x38;
	[tilespmem:$0x1C700] =	vst v63  }
0x51: {  	_ =	swait.ge [sflag:s14], $0xD00  }
0x52: {  	[sflag:s14] =	ssyncset.done $0x0  }
0x53: {  	s24 =	simm.s32 $0x0;
	[sflag:s14] =	ssyncadd.s32 $0xFFFFF300  }
0x54: {  	s25 =	simm.s32 $0x40;
	v0 =	vld [tilespmem:s24+$0x0]  }
.LBB2_8:
0x55: {  	p0 =	sne.s32 s25, $0x33C0;
	v1 =	vld [tilespmem:s24+$0x1A00];
	_ =	sdelay $0x1  }
.Ltmp3:
0x56: {  	(pc) =	sbr.rel @p0 .LBB2_8-.Ltmp3, $3  }
0x57: {  	_ =	sdelay $0x1  }
0x58: {  	s26 =	sshra.s32 s25, $0x2;
	v1 =	vadd.s32 v1, v0  }
0x59: {  	s25 =	sadd.s32 $0x40, s25;
	v0 =	vld [tilespmem:s26+$0x0];
	[tilespmem:s24+$0x1A00] =	vst v1;
	s24 =	smov.u32 s26  }
0x5a: {  	v1 =	vld [tilespmem:s24+$0x1A00];
	_ =	sdelay $0x4  }
0x5b: {  	v0 =	vadd.s32 v1, v0  }
0x5c: {  	[tilespmem:s24+$0x1A00] =	vst v0  }
0x5d: {  	[tilespmem:s18], [sflag:$0x2] =	stream.indirect.gather [hbm4b:s4+s15], $0x10, s17, s15, $0xb8;
	[tilespmem:$0x1C700] =	vst v63  }
0x5e: {  	_ =	swait.ge [sflag:s19], $0xD000  }
0x5f: {  	[sflag:s19] =	ssyncset.done $0x0  }
0x60: {  	[sflag:s19] =	ssyncadd.s32 $0xFFFF3000  }
0x61: {  	[hbm4b:s11+s2] =	stream.linear.scatter [tilespmem:s16], [sflag:$0x3], $0xD000, $0x38;
	[tilespmem:$0x1C700] =	vst v63  }
0x62: {  	_ =	swait.ge [sflag:s21], $0xD000  }
0x63: {  	[sflag:s21] =	ssyncset.done $0x0  }
0x64: {  	s23 =	sadd.s32 $0x1, s23;
	[sflag:s21] =	ssyncadd.s32 $0xFFFF3000  }
0x65: {  	[hbm4b:s12+s2] =	stream.linear.scatter [tilespmem:s18], [sflag:$0x4], $0xD000, $0x38;
	[tilespmem:$0x1C700] =	vst v63  }
0x66: {  	p0 =	sne.s32 s23, s13;
	_ =	swait.ge [sflag:s20], $0xD000  }
.Ltmp4:
0x67: {  	[sflag:s20] =	ssyncset.done $0x0;
	(pc) =	sbr.rel @p0 .LBB2_1-.Ltmp4, $4  }
0x68: {  	[sflag:s20] =	ssyncadd.s32 $0xFFFF3000  }
0x69: {  	_ =	swait.ge [sflag:s22], $0xD000  }
0x6a: {  	[sflag:s22] =	ssyncset.done $0x0  }
0x6b: {  	[sflag:s22] =	ssyncadd.s32 $0xFFFF3000  }
0x6c: {  	_ =	sfence.sel $0x180000  }
0x6d: {  	[bflag:$0x0] =	sbarrier.arrive $0xFFFF  }
0x6e: {  	p0 =	sne.s32 s1, $0x0;
	_ =	strace $0x9000004A  }
0x6f: {  	s0 =	sadd.s32 @!p0 $0x100000, s0;
	[bflag:$0x2] =	sbarrier.arrive $0xFFFF  }
0x70: {  	[sflag:s0] =	ssyncadd.tile.s32 @!p0 $0x1;
	_ =	shalt  }
.Lfunc_end2:
_tile_overlayer_lowered:
.L_overlay_start_2:
0x71: {  	(tag) =	ssettag $0x2  }
0x72: {  	s0 =	rddreg [dreg:$0x0];
	s2 =	stileid.u32  }
0x73: {  	s1 =	rddreg [dreg:$0x1];
	p0 =	sne.s32 s2, $0x0  }
0x74: {  	s3 =	rddreg [dreg:$0x2];
	[bflag:$0x3] =	sbarrier.arrive $0xFFFF;
	s2 =	simm.s32 @!p0 $0x1C05  }
0x75: {  	[timem:s3], [sflag:s2] =	dma.local @!p0 [hbm:s0], s1  }
0x76: {  	s0 =	simm.s32 @!p0 $0x5  }
0x77: {  	_ =	swait.ge @!p0 [sflag:s0], s1  }
0x78: {  	s1 =	ssub.s32 @!p0 $0x0, s1;
	[sflag:s0] =	ssyncset.done @!p0 $0x0  }
0x79: {  	[sflag:s0] =	ssyncadd.s32 @!p0 s1  }
0x7a: {  	[bflag:$0x3] =	sbarrier.arrive $0xFFFF  }
0x7b: {  	_ =	shalt  }

</sc_bundles>
